<compile_context>
chip_gen: v7x
topology: tpu7x:2x2x1
jax: 0.10.2.dev20260603
libtpu: 0.0.44.dev20260713+nightly
codegen_flags: <defaults>
</compile_context>

<pallas_src>
import functools

import jax
import jax.numpy as jnp
from jax import lax
from jax.experimental import pallas as pl
from jax.experimental.pallas import tpu as pltpu
from jax.experimental.pallas import tpu_sc as plsc

N = 10000
E = 320000
D = 128
HALF = 64
HOP = 10

NS = 16
NC = 2
C = 128
CHUNKS = 160
EPT = CHUNKS * C
NPT = N // NS


def _mlp1_body(x_ref, w1t_ref, b1_ref, w2t_ref, b2_ref, a2_ref, x2s_ref, rs_ref):
    h = jnp.dot(x_ref[...], w1t_ref[...], preferred_element_type=jnp.float32)
    h = jnp.maximum(h + b1_ref[...], 0.0)
    x2 = jnp.dot(h, w2t_ref[...], preferred_element_type=jnp.float32) + b2_ref[...]
    r = a2_ref[...] * x2
    x2s_ref[0] = x2[:, :HALF]
    x2s_ref[1] = x2[:, HALF:]
    rs_ref[0] = r[:, :HALF]
    rs_ref[1] = r[:, HALF:]


def _mlp2_body(hs_ref, w3t_ref, b3_ref, out_ref):
    h = jnp.concatenate([hs_ref[0], hs_ref[1]], axis=-1)
    h = jnp.maximum(h, 0.0)
    out_ref[...] = jnp.dot(h, w3t_ref[...], preferred_element_type=jnp.float32) + b3_ref[...]


def _sc_body(x2_hbm, r_hbm, e3_hbm, out_hbm, buf_a, buf_b,
             eb0, eb1, eb2, eb3, rows0, rows1, rows2, rows3,
             sidx0, sidx1, sidx2, sidx3,
             esem0, esem1, esem2, esem3,
             gsem0, gsem1, gsem2, gsem3, ssem0, ssem1, ssem2, ssem3):
    cid = lax.axis_index("c")
    sid = lax.axis_index("s")
    node_lo = sid * NPT
    ebs = [eb0, eb1, eb2, eb3]
    esems = [esem0, esem1, esem2, esem3]
    rows = [rows0, rows1, rows2, rows3]
    sidx = [sidx0, sidx1, sidx2, sidx3]
    gsems = [gsem0, gsem1, gsem2, gsem3]
    ssems = [ssem0, ssem1, ssem2, ssem3]

    pltpu.sync_copy(x2_hbm.at[cid, pl.ds(node_lo, NPT)],
                    buf_a.at[pl.ds(node_lo, NPT)])

    def scale(eb, rows_v, sidx_v):
        for g in range(C // 16):
            sidx_v[pl.ds(g * 16, 16)] = eb[1, pl.ds(g * 16, 16)]

        @pl.loop(0, C, unroll=4)
        def _edge(e):
            wi = plsc.load_gather(
                eb, [jnp.full((16,), 2, jnp.int32), jnp.full((16,), e, jnp.int32)])
            wv = plsc.bitcast(wi, jnp.float32)
            for d in range(HALF // 16):
                sl = pl.ds(d * 16, 16)
                rows_v[e, sl] = rows_v[e, sl] * wv

    def hop(src, dst):
        pltpu.sync_copy(r_hbm.at[cid, pl.ds(node_lo, NPT)],
                        dst.at[pl.ds(node_lo, NPT)])
        plsc.subcore_barrier()

        for p in range(3):
            pltpu.async_copy(e3_hbm.at[sid, p], ebs[p], esems[p])
        pltpu.make_async_copy(e3_hbm.at[sid, 0], ebs[0], esems[0]).wait()
        pltpu.async_copy(src.at[ebs[0].at[0]], rows[0], gsems[0])

        @pl.loop(0, CHUNKS // 4)
        def _quad(jj):
            base = 4 * jj
            for p in range(4):
                q = base + p
                pn = (p + 1) % 4
                pf = (p + 3) % 4

                @pl.when(q + 1 < CHUNKS)
                def _():
                    pltpu.make_async_copy(
                        e3_hbm.at[sid, 0], ebs[pn], esems[pn]).wait()

                    @pl.when(q >= 3)
                    def _():
                        pltpu.make_async_copy(
                            rows[pn], dst.at[sidx[pn]], ssems[pn]).wait()

                    pltpu.async_copy(src.at[ebs[pn].at[0]], rows[pn], gsems[pn])

                    @pl.when(q + 3 < CHUNKS)
                    def _():
                        pltpu.async_copy(
                            e3_hbm.at[sid, q + 3], ebs[pf], esems[pf])

                pltpu.make_async_copy(
                    src.at[ebs[p].at[0]], rows[p], gsems[p]).wait()
                scale(ebs[p], rows[p], sidx[p])
                pltpu.async_copy(rows[p], dst.at[sidx[p]], ssems[p],
                                 add=True)

        for i in (0, 1, 2, 3):
            pltpu.make_async_copy(rows[i], dst.at[sidx[i]], ssems[i]).wait()
        plsc.subcore_barrier()

    @pl.loop(0, HOP // 2)
    def _hop_pair(_):
        hop(buf_a, buf_b)
        hop(buf_b, buf_a)

    pltpu.sync_copy(buf_a.at[pl.ds(node_lo, NPT)],
                    out_hbm.at[cid, pl.ds(node_lo, NPT)])


@jax.jit
def kernel(x, edge_weight, A2, W1, b1, W2, b2, W3, b3, edge_index):
    row = edge_index[0]
    col = edge_index[1]
    pad = NS * EPT - E
    row_p = jnp.concatenate([row, jnp.zeros((pad,), jnp.int32)]).reshape(NS, CHUNKS, 1, C)
    col_p = jnp.concatenate([col, jnp.zeros((pad,), jnp.int32)]).reshape(NS, CHUNKS, 1, C)
    w_p = jax.lax.bitcast_convert_type(
        jnp.concatenate([edge_weight, jnp.zeros((pad,), jnp.float32)]), jnp.int32
    ).reshape(NS, CHUNKS, 1, C)
    e3 = jnp.concatenate([col_p, row_p, w_p], axis=2)

    x2s, rs = pl.pallas_call(
        _mlp1_body,
        out_shape=(
            jax.ShapeDtypeStruct((NC, N, HALF), jnp.float32),
            jax.ShapeDtypeStruct((NC, N, HALF), jnp.float32),
        ),
    )(x, W1.T, b1.reshape(1, D), W2.T, b2.reshape(1, D), A2)

    sc_fn = pl.kernel(
        _sc_body,
        out_type=jax.ShapeDtypeStruct((NC, N, HALF), jnp.float32),
        mesh=plsc.VectorSubcoreMesh(core_axis_name="c", subcore_axis_name="s"),
        compiler_params=pltpu.CompilerParams(
            use_tc_tiling_on_sc=False, needs_layout_passes=False),
        scratch_types=[
            pltpu.VMEM_SHARED((N, HALF), jnp.float32),
            pltpu.VMEM_SHARED((N, HALF), jnp.float32),
            pltpu.VMEM((3, C), jnp.int32),
            pltpu.VMEM((3, C), jnp.int32),
            pltpu.VMEM((3, C), jnp.int32),
            pltpu.VMEM((3, C), jnp.int32),
            pltpu.VMEM((C, HALF), jnp.float32),
            pltpu.VMEM((C, HALF), jnp.float32),
            pltpu.VMEM((C, HALF), jnp.float32),
            pltpu.VMEM((C, HALF), jnp.float32),
            pltpu.VMEM((C,), jnp.int32),
            pltpu.VMEM((C,), jnp.int32),
            pltpu.VMEM((C,), jnp.int32),
            pltpu.VMEM((C,), jnp.int32),
            pltpu.SemaphoreType.DMA,
            pltpu.SemaphoreType.DMA,
            pltpu.SemaphoreType.DMA,
            pltpu.SemaphoreType.DMA,
            pltpu.SemaphoreType.DMA,
            pltpu.SemaphoreType.DMA,
            pltpu.SemaphoreType.DMA,
            pltpu.SemaphoreType.DMA,
            pltpu.SemaphoreType.DMA,
            pltpu.SemaphoreType.DMA,
            pltpu.SemaphoreType.DMA,
            pltpu.SemaphoreType.DMA,
        ],
    )
    hs = sc_fn(x2s, rs, e3)

    out = pl.pallas_call(
        _mlp2_body,
        out_shape=jax.ShapeDtypeStruct((N, D), jnp.float32),
    )(hs, W3.T, b3.reshape(1, D))
    return out

# --- scband reference (transcript-rebuilt; emitter-appended) ---
"""Pipeline reference for scband-gtcn-14491219657205 (READ-ONLY COPY).

The authoritative reference and input builder live on the scoring server;
editing this copy changes nothing except your own understanding.
"""

import jax, jax.numpy as jnp
import numpy as np

N = 10000
E = 320000
D_IN = 128
D_HID = 128
D_OUT = 128
HOP = 10


def setup_inputs(seed: int = 0) -> dict:
    key = jax.random.key(seed)
    ks = jax.random.split(key, 12)
    x = jax.random.normal(ks[0], (N, D_IN), dtype=jnp.float32)
    edge_index = jax.random.randint(ks[1], (2, E), 0, N, dtype=jnp.int32)
    # scale edge weights ~1/avg_degree to keep the 10-hop propagation numerically stable
    edge_weight = jax.random.uniform(ks[2], (E,), dtype=jnp.float32) * (1.0 / 32.0)
    A2 = jax.random.uniform(ks[3], (N, 1), dtype=jnp.float32)
    # learned parameters (torch nn.Linear convention: y = x @ W.T + b)
    W1 = jax.random.normal(ks[4], (D_HID, D_IN), dtype=jnp.float32) * (1.0 / np.sqrt(D_IN))
    b1 = jnp.zeros((D_HID,), dtype=jnp.float32)
    W2 = jax.random.normal(ks[5], (D_HID, D_HID), dtype=jnp.float32) * (1.0 / np.sqrt(D_HID))
    b2 = jnp.zeros((D_HID,), dtype=jnp.float32)
    W3 = jax.random.normal(ks[6], (D_OUT, D_HID), dtype=jnp.float32) * (1.0 / np.sqrt(D_HID))
    b3 = jnp.zeros((D_OUT,), dtype=jnp.float32)
    return {"x": x, "edge_weight": edge_weight, "A2": A2,
            "W1": W1, "b1": b1, "W2": W2, "b2": b2, "W3": W3, "b3": b3,
            "edge_index": edge_index}


def reference(x, edge_weight, A2, W1, b1, W2, b2, W3, b3, edge_index):
    # Faithful GTCN forward (dropout prob = 0.0 => identity)
    row = edge_index[0]
    col = edge_index[1]
    h = x @ W1.T + b1
    h = jnp.maximum(h, 0.0)
    x2 = h @ W2.T + b2
    h = x2
    for _ in range(HOP):
        # torch.sparse.mm(A1, h): out[row] += w * h[col]
        msg = edge_weight[:, None] * h[col]
        agg = jax.ops.segment_sum(msg, row, num_segments=N)
        h = agg + A2 * x2
    h = jnp.maximum(h, 0.0)
    out = h @ W3.T + b3
    return out

if __name__ == "__main__":
    import jax
    _d = setup_inputs()
    print(jax.jit(kernel)(*tuple(_d.values())))

</pallas_src>

<mosaic_0001>
#map = affine_map<(d0, d1) -> (0, 0, 0)>
#map1 = affine_map<(d0, d1) -> (0, 0, 0, 0)>
module attributes {stable_mosaic.version = 14 : i64} {
  func.func @_sc_body(%arg0: i32, %arg1: i32, %arg2: memref<2x10000x64xf32, #tpu.memory_space<hbm>>, %arg3: memref<2x10000x64xf32, #tpu.memory_space<hbm>>, %arg4: memref<16x160x3x128xi32, #tpu.memory_space<hbm>>, %arg5: memref<2x10000x64xf32, #tpu.memory_space<hbm>>, %arg6: memref<10000x64xf32, #tpu.memory_space<vmem_shared>>, %arg7: memref<10000x64xf32, #tpu.memory_space<vmem_shared>>, %arg8: memref<3x128xi32, #tpu.memory_space<vmem>>, %arg9: memref<3x128xi32, #tpu.memory_space<vmem>>, %arg10: memref<3x128xi32, #tpu.memory_space<vmem>>, %arg11: memref<3x128xi32, #tpu.memory_space<vmem>>, %arg12: memref<128x64xf32, #tpu.memory_space<vmem>>, %arg13: memref<128x64xf32, #tpu.memory_space<vmem>>, %arg14: memref<128x64xf32, #tpu.memory_space<vmem>>, %arg15: memref<128x64xf32, #tpu.memory_space<vmem>>, %arg16: memref<128xi32, #tpu.memory_space<vmem>>, %arg17: memref<128xi32, #tpu.memory_space<vmem>>, %arg18: memref<128xi32, #tpu.memory_space<vmem>>, %arg19: memref<128xi32, #tpu.memory_space<vmem>>, %arg20: memref<!tpu.dma_semaphore, #tpu.memory_space<semaphore_mem>>, %arg21: memref<!tpu.dma_semaphore, #tpu.memory_space<semaphore_mem>>, %arg22: memref<!tpu.dma_semaphore, #tpu.memory_space<semaphore_mem>>, %arg23: memref<!tpu.dma_semaphore, #tpu.memory_space<semaphore_mem>>, %arg24: memref<!tpu.dma_semaphore, #tpu.memory_space<semaphore_mem>>, %arg25: memref<!tpu.dma_semaphore, #tpu.memory_space<semaphore_mem>>, %arg26: memref<!tpu.dma_semaphore, #tpu.memory_space<semaphore_mem>>, %arg27: memref<!tpu.dma_semaphore, #tpu.memory_space<semaphore_mem>>, %arg28: memref<!tpu.dma_semaphore, #tpu.memory_space<semaphore_mem>>, %arg29: memref<!tpu.dma_semaphore, #tpu.memory_space<semaphore_mem>>, %arg30: memref<!tpu.dma_semaphore, #tpu.memory_space<semaphore_mem>>, %arg31: memref<!tpu.dma_semaphore, #tpu.memory_space<semaphore_mem>>) attributes {dimension_semantics = [#tpu.dimension_semantics<core_parallel>, #tpu.dimension_semantics<subcore_parallel>], iteration_bounds = array<i64: 2, 16>, scalar_prefetch = 0 : i64, scratch_operands = 26 : i64, tpu.core_type = #tpu.core_type<sc_vector_subcore>, window_params = [{transform_indices = #map}, {transform_indices = #map}, {transform_indices = #map1}, {transform_indices = #map}]} {
    %mul3A = arith.constant 625 : i32
    %mul3A_0 = arith.muli %arg1, %mul3A : i32
    "tpu.region"() ({
      %run_scoped3A = tpu.sem_alloc : memref<!tpu.dma_semaphore, #tpu.memory_space<semaphore_mem>>
      %dma_start3A = arith.constant 0 : i32
      %dma_start3A_5 = tpu.memref_slice %arg6[%mul3A_0, %dma_start3A] : memref<10000x64xf32, #tpu.memory_space<vmem_shared>> -> memref<625x64xf32, #tpu.memory_space<vmem_shared>>
      %dma_start3A_6 = arith.constant 0 : i32
      %dma_start3A_7 = tpu.memref_slice %arg2[%arg0, %mul3A_0, %dma_start3A_6] : memref<2x10000x64xf32, #tpu.memory_space<hbm>> -> memref<1x625x64xf32, #tpu.memory_space<hbm>>
      %dma_start3A_8 = tpu.memref_squeeze %dma_start3A_7 : memref<1x625x64xf32, #tpu.memory_space<hbm>> -> memref<625x64xf32, #tpu.memory_space<hbm>>
      tpu.enqueue_dma source(%dma_start3A_8 : memref<625x64xf32, #tpu.memory_space<hbm>>) target(%dma_start3A_5 : memref<625x64xf32, #tpu.memory_space<vmem_shared>>) target_semaphore(%run_scoped3A : memref<!tpu.dma_semaphore, #tpu.memory_space<semaphore_mem>>)
      %dma_wait3A = arith.constant 0 : i32
      %dma_wait3A_9 = tpu.memref_slice %arg6[%mul3A_0, %dma_wait3A] : memref<10000x64xf32, #tpu.memory_space<vmem_shared>> -> memref<625x64xf32, #tpu.memory_space<vmem_shared>>
      %dma_wait3A_10 = arith.constant 0 : i32
      %dma_wait3A_11 = tpu.memref_slice %arg2[%arg0, %mul3A_0, %dma_wait3A_10] : memref<2x10000x64xf32, #tpu.memory_space<hbm>> -> memref<1x625x64xf32, #tpu.memory_space<hbm>>
      %dma_wait3A_12 = tpu.memref_squeeze %dma_wait3A_11 : memref<1x625x64xf32, #tpu.memory_space<hbm>> -> memref<625x64xf32, #tpu.memory_space<hbm>>
      tpu.wait_dma2 semaphore(%run_scoped3A : memref<!tpu.dma_semaphore, #tpu.memory_space<semaphore_mem>>) src(%dma_wait3A_12 : memref<625x64xf32, #tpu.memory_space<hbm>>) dst(%dma_wait3A_9 : memref<625x64xf32, #tpu.memory_space<vmem_shared>>)
      tpu.yield
    }) : () -> ()
    %scan3A = arith.constant 0 : i32
    %scan3A_1 = arith.constant 5 : i32
    %scan3A_2 = arith.addi %scan3A, %scan3A_1 : i32
    %scan3A_3 = arith.constant 1 : i32
    scf.for %scan3A_5 = %scan3A to %scan3A_2 step %scan3A_3  : i32 {
      %mul3A_6 = arith.constant 1 : i32
      %mul3A_7 = arith.muli %scan3A_5, %mul3A_6 : i32
      %add3A = arith.constant 0 : i32
      %add3A_8 = arith.addi %add3A, %mul3A_7 : i32
      "tpu.region"() ({
        %run_scoped3A = tpu.sem_alloc : memref<!tpu.dma_semaphore, #tpu.memory_space<semaphore_mem>>
        %dma_start3A_130 = arith.constant 0 : i32
        %dma_start3A_131 = tpu.memref_slice %arg7[%mul3A_0, %dma_start3A_130] : memref<10000x64xf32, #tpu.memory_space<vmem_shared>> -> memref<625x64xf32, #tpu.memory_space<vmem_shared>>
        %dma_start3A_132 = arith.constant 0 : i32
        %dma_start3A_133 = tpu.memref_slice %arg3[%arg0, %mul3A_0, %dma_start3A_132] : memref<2x10000x64xf32, #tpu.memory_space<hbm>> -> memref<1x625x64xf32, #tpu.memory_space<hbm>>
        %dma_start3A_134 = tpu.memref_squeeze %dma_start3A_133 : memref<1x625x64xf32, #tpu.memory_space<hbm>> -> memref<625x64xf32, #tpu.memory_space<hbm>>
        tpu.enqueue_dma source(%dma_start3A_134 : memref<625x64xf32, #tpu.memory_space<hbm>>) target(%dma_start3A_131 : memref<625x64xf32, #tpu.memory_space<vmem_shared>>) target_semaphore(%run_scoped3A : memref<!tpu.dma_semaphore, #tpu.memory_space<semaphore_mem>>)
        %dma_wait3A_135 = arith.constant 0 : i32
        %dma_wait3A_136 = tpu.memref_slice %arg7[%mul3A_0, %dma_wait3A_135] : memref<10000x64xf32, #tpu.memory_space<vmem_shared>> -> memref<625x64xf32, #tpu.memory_space<vmem_shared>>
        %dma_wait3A_137 = arith.constant 0 : i32
        %dma_wait3A_138 = tpu.memref_slice %arg3[%arg0, %mul3A_0, %dma_wait3A_137] : memref<2x10000x64xf32, #tpu.memory_space<hbm>> -> memref<1x625x64xf32, #tpu.memory_space<hbm>>
        %dma_wait3A_139 = tpu.memref_squeeze %dma_wait3A_138 : memref<1x625x64xf32, #tpu.memory_space<hbm>> -> memref<625x64xf32, #tpu.memory_space<hbm>>
        tpu.wait_dma2 semaphore(%run_scoped3A : memref<!tpu.dma_semaphore, #tpu.memory_space<semaphore_mem>>) src(%dma_wait3A_139 : memref<625x64xf32, #tpu.memory_space<hbm>>) dst(%dma_wait3A_136 : memref<625x64xf32, #tpu.memory_space<vmem_shared>>)
        tpu.yield
      }) : () -> ()
      %barrier3A = arith.constant 0 : index
      tpu.barrier barrier_id(%barrier3A)
      %dma_start3A = arith.constant 0 : i32
      %dma_start3A_9 = arith.constant 0 : i32
      %dma_start3A_10 = arith.constant 0 : i32
      %dma_start3A_11 = tpu.memref_slice %arg4[%arg1, %dma_start3A, %dma_start3A_9, %dma_start3A_10] : memref<16x160x3x128xi32, #tpu.memory_space<hbm>> -> memref<1x1x3x128xi32, #tpu.memory_space<hbm>>
      %dma_start3A_12 = tpu.memref_squeeze %dma_start3A_11 : memref<1x1x3x128xi32, #tpu.memory_space<hbm>> -> memref<3x128xi32, #tpu.memory_space<hbm>>
      %dma_start3A_13 = arith.constant 0 : i32
      %dma_start3A_14 = arith.constant 0 : i32
      %dma_start3A_15 = tpu.memref_slice %arg4[%arg1, %dma_start3A, %dma_start3A_13, %dma_start3A_14] : memref<16x160x3x128xi32, #tpu.memory_space<hbm>> -> memref<1x1x3x128xi32, #tpu.memory_space<hbm>>
      %dma_start3A_16 = tpu.memref_squeeze %dma_start3A_15 : memref<1x1x3x128xi32, #tpu.memory_space<hbm>> -> memref<3x128xi32, #tpu.memory_space<hbm>>
      tpu.enqueue_dma source(%dma_start3A_16 : memref<3x128xi32, #tpu.memory_space<hbm>>) target(%arg8 : memref<3x128xi32, #tpu.memory_space<vmem>>) target_semaphore(%arg20 : memref<!tpu.dma_semaphore, #tpu.memory_space<semaphore_mem>>)
      %dma_start3A_17 = arith.constant 1 : i32
      %dma_start3A_18 = arith.constant 0 : i32
      %dma_start3A_19 = arith.constant 0 : i32
      %dma_start3A_20 = tpu.memref_slice %arg4[%arg1, %dma_start3A_17, %dma_start3A_18, %dma_start3A_19] : memref<16x160x3x128xi32, #tpu.memory_space<hbm>> -> memref<1x1x3x128xi32, #tpu.memory_space<hbm>>
      %dma_start3A_21 = tpu.memref_squeeze %dma_start3A_20 : memref<1x1x3x128xi32, #tpu.memory_space<hbm>> -> memref<3x128xi32, #tpu.memory_space<hbm>>
      %dma_start3A_22 = arith.constant 0 : i32
      %dma_start3A_23 = arith.constant 0 : i32
      %dma_start3A_24 = tpu.memref_slice %arg4[%arg1, %dma_start3A_17, %dma_start3A_22, %dma_start3A_23] : memref<16x160x3x128xi32, #tpu.memory_space<hbm>> -> memref<1x1x3x128xi32, #tpu.memory_space<hbm>>
      %dma_start3A_25 = tpu.memref_squeeze %dma_start3A_24 : memref<1x1x3x128xi32, #tpu.memory_space<hbm>> -> memref<3x128xi32, #tpu.memory_space<hbm>>
      tpu.enqueue_dma source(%dma_start3A_25 : memref<3x128xi32, #tpu.memory_space<hbm>>) target(%arg9 : memref<3x128xi32, #tpu.memory_space<vmem>>) target_semaphore(%arg21 : memref<!tpu.dma_semaphore, #tpu.memory_space<semaphore_mem>>)
      %dma_start3A_26 = arith.constant 2 : i32
      %dma_start3A_27 = arith.constant 0 : i32
      %dma_start3A_28 = arith.constant 0 : i32
      %dma_start3A_29 = tpu.memref_slice %arg4[%arg1, %dma_start3A_26, %dma_start3A_27, %dma_start3A_28] : memref<16x160x3x128xi32, #tpu.memory_space<hbm>> -> memref<1x1x3x128xi32, #tpu.memory_space<hbm>>
      %dma_start3A_30 = tpu.memref_squeeze %dma_start3A_29 : memref<1x1x3x128xi32, #tpu.memory_space<hbm>> -> memref<3x128xi32, #tpu.memory_space<hbm>>
      %dma_start3A_31 = arith.constant 0 : i32
      %dma_start3A_32 = arith.constant 0 : i32
      %dma_start3A_33 = tpu.memref_slice %arg4[%arg1, %dma_start3A_26, %dma_start3A_31, %dma_start3A_32] : memref<16x160x3x128xi32, #tpu.memory_space<hbm>> -> memref<1x1x3x128xi32, #tpu.memory_space<hbm>>
      %dma_start3A_34 = tpu.memref_squeeze %dma_start3A_33 : memref<1x1x3x128xi32, #tpu.memory_space<hbm>> -> memref<3x128xi32, #tpu.memory_space<hbm>>
      tpu.enqueue_dma source(%dma_start3A_34 : memref<3x128xi32, #tpu.memory_space<hbm>>) target(%arg10 : memref<3x128xi32, #tpu.memory_space<vmem>>) target_semaphore(%arg22 : memref<!tpu.dma_semaphore, #tpu.memory_space<semaphore_mem>>)
      %dma_wait3A = arith.constant 0 : i32
      %dma_wait3A_35 = arith.constant 0 : i32
      %dma_wait3A_36 = arith.constant 0 : i32
      %dma_wait3A_37 = tpu.memref_slice %arg4[%arg1, %dma_wait3A, %dma_wait3A_35, %dma_wait3A_36] : memref<16x160x3x128xi32, #tpu.memory_space<hbm>> -> memref<1x1x3x128xi32, #tpu.memory_space<hbm>>
      %dma_wait3A_38 = tpu.memref_squeeze %dma_wait3A_37 : memref<1x1x3x128xi32, #tpu.memory_space<hbm>> -> memref<3x128xi32, #tpu.memory_space<hbm>>
      %dma_wait3A_39 = arith.constant 0 : i32
      %dma_wait3A_40 = arith.constant 0 : i32
      %dma_wait3A_41 = tpu.memref_slice %arg4[%arg1, %dma_wait3A, %dma_wait3A_39, %dma_wait3A_40] : memref<16x160x3x128xi32, #tpu.memory_space<hbm>> -> memref<1x1x3x128xi32, #tpu.memory_space<hbm>>
      %dma_wait3A_42 = tpu.memref_squeeze %dma_wait3A_41 : memref<1x1x3x128xi32, #tpu.memory_space<hbm>> -> memref<3x128xi32, #tpu.memory_space<hbm>>
      tpu.wait_dma2 semaphore(%arg20 : memref<!tpu.dma_semaphore, #tpu.memory_space<semaphore_mem>>) src(%dma_wait3A_42 : memref<3x128xi32, #tpu.memory_space<hbm>>) dst(%arg8 : memref<3x128xi32, #tpu.memory_space<vmem>>)
      %dma_start3A_43 = arith.constant 0 : i32
      %dma_start3A_44 = arith.constant 0 : i32
      %dma_start3A_45 = tpu.memref_slice %arg8[%dma_start3A_43, %dma_start3A_44] : memref<3x128xi32, #tpu.memory_space<vmem>> -> memref<1x128xi32, #tpu.memory_space<vmem>>
      %dma_start3A_46 = tpu.memref_squeeze %dma_start3A_45 : memref<1x128xi32, #tpu.memory_space<vmem>> -> memref<128xi32, #tpu.memory_space<vmem>>
      %dma_start3A_47 = arith.constant 0 : i32
      %dma_start3A_48 = arith.constant 0 : i32
      %dma_start3A_49 = tpu.memref_slice %arg6[%dma_start3A_47, %dma_start3A_48] : memref<10000x64xf32, #tpu.memory_space<vmem_shared>> -> memref<10000x64xf32, #tpu.memory_space<vmem_shared>>
      tpu.enqueue_indirect_dma source(%dma_start3A_49 : memref<10000x64xf32, #tpu.memory_space<vmem_shared>>) target(%arg12 : memref<128x64xf32, #tpu.memory_space<vmem>>) offsets(%dma_start3A_46 : memref<128xi32, #tpu.memory_space<vmem>>) semaphore(%arg24 : memref<!tpu.dma_semaphore, #tpu.memory_space<semaphore_mem>>)
      %scan3A_50 = arith.constant 0 : i32
      %scan3A_51 = arith.constant 40 : i32
      %scan3A_52 = arith.addi %scan3A_50, %scan3A_51 : i32
      %scan3A_53 = arith.constant 1 : i32
      scf.for %scan3A_130 = %scan3A_50 to %scan3A_52 step %scan3A_53  : i32 {
        %mul3A_131 = arith.constant 1 : i32
        %mul3A_132 = arith.muli %scan3A_130, %mul3A_131 : i32
        %add3A_133 = arith.constant 0 : i32
        %add3A_134 = arith.addi %add3A_133, %mul3A_132 : i32
        %mul3A_135 = arith.constant 4 : i32
        %mul3A_136 = arith.muli %mul3A_135, %add3A_134 : i32
        %add3A_137 = arith.constant 0 : i32
        %add3A_138 = arith.addi %mul3A_136, %add3A_137 : i32
        %add3A_139 = arith.constant 1 : i32
        %add3A_140 = arith.addi %add3A_138, %add3A_139 : i32
        %lt3A = arith.constant 160 : i32
        %lt3A_141 = arith.cmpi slt, %add3A_140, %lt3A : i32
        %convert_element_type3A = arith.extui %lt3A_141 : i1 to i32
        %cond3A = arith.constant 0 : i32
        %cond3A_142 = arith.cmpi ne, %convert_element_type3A, %cond3A : i32
        scf.if %cond3A_142 {
          %dma_wait3A_420 = arith.constant 0 : i32
          %dma_wait3A_421 = arith.constant 0 : i32
          %dma_wait3A_422 = arith.constant 0 : i32
          %dma_wait3A_423 = tpu.memref_slice %arg4[%arg1, %dma_wait3A_420, %dma_wait3A_421, %dma_wait3A_422] : memref<16x160x3x128xi32, #tpu.memory_space<hbm>> -> memref<1x1x3x128xi32, #tpu.memory_space<hbm>>
          %dma_wait3A_424 = tpu.memref_squeeze %dma_wait3A_423 : memref<1x1x3x128xi32, #tpu.memory_space<hbm>> -> memref<3x128xi32, #tpu.memory_space<hbm>>
          %dma_wait3A_425 = arith.constant 0 : i32
          %dma_wait3A_426 = arith.constant 0 : i32
          %dma_wait3A_427 = tpu.memref_slice %arg4[%arg1, %dma_wait3A_420, %dma_wait3A_425, %dma_wait3A_426] : memref<16x160x3x128xi32, #tpu.memory_space<hbm>> -> memref<1x1x3x128xi32, #tpu.memory_space<hbm>>
          %dma_wait3A_428 = tpu.memref_squeeze %dma_wait3A_427 : memref<1x1x3x128xi32, #tpu.memory_space<hbm>> -> memref<3x128xi32, #tpu.memory_space<hbm>>
          tpu.wait_dma2 semaphore(%arg21 : memref<!tpu.dma_semaphore, #tpu.memory_space<semaphore_mem>>) src(%dma_wait3A_428 : memref<3x128xi32, #tpu.memory_space<hbm>>) dst(%arg9 : memref<3x128xi32, #tpu.memory_space<vmem>>)
          %ge3A = arith.constant 3 : i32
          %ge3A_429 = arith.cmpi sge, %add3A_138, %ge3A : i32
          %convert_element_type3A_430 = arith.extui %ge3A_429 : i1 to i32
          %cond3A_431 = arith.constant 0 : i32
          %cond3A_432 = arith.cmpi ne, %convert_element_type3A_430, %cond3A_431 : i32
          scf.if %cond3A_432 {
            %dma_wait3A_447 = arith.constant 0 : i32
            %dma_wait3A_448 = arith.constant 0 : i32
            %dma_wait3A_449 = tpu.memref_slice %arg7[%dma_wait3A_447, %dma_wait3A_448] : memref<10000x64xf32, #tpu.memory_space<vmem_shared>> -> memref<10000x64xf32, #tpu.memory_space<vmem_shared>>
            tpu.wait_indirect_dma semaphore(%arg29 : memref<!tpu.dma_semaphore, #tpu.memory_space<semaphore_mem>>) src(%arg13 : memref<128x64xf32, #tpu.memory_space<vmem>>) dst(%dma_wait3A_449 : memref<10000x64xf32, #tpu.memory_space<vmem_shared>>)
          } else {
          }
          %dma_start3A_433 = arith.constant 0 : i32
          %dma_start3A_434 = arith.constant 0 : i32
          %dma_start3A_435 = tpu.memref_slice %arg9[%dma_start3A_433, %dma_start3A_434] : memref<3x128xi32, #tpu.memory_space<vmem>> -> memref<1x128xi32, #tpu.memory_space<vmem>>
          %dma_start3A_436 = tpu.memref_squeeze %dma_start3A_435 : memref<1x128xi32, #tpu.memory_space<vmem>> -> memref<128xi32, #tpu.memory_space<vmem>>
          %dma_start3A_437 = arith.constant 0 : i32
          %dma_start3A_438 = arith.constant 0 : i32
          %dma_start3A_439 = tpu.memref_slice %arg6[%dma_start3A_437, %dma_start3A_438] : memref<10000x64xf32, #tpu.memory_space<vmem_shared>> -> memref<10000x64xf32, #tpu.memory_space<vmem_shared>>
          tpu.enqueue_indirect_dma source(%dma_start3A_439 : memref<10000x64xf32, #tpu.memory_space<vmem_shared>>) target(%arg13 : memref<128x64xf32, #tpu.memory_space<vmem>>) offsets(%dma_start3A_436 : memref<128xi32, #tpu.memory_space<vmem>>) semaphore(%arg25 : memref<!tpu.dma_semaphore, #tpu.memory_space<semaphore_mem>>)
          %add3A_440 = arith.constant 3 : i32
          %add3A_441 = arith.addi %add3A_138, %add3A_440 : i32
          %lt3A_442 = arith.constant 160 : i32
          %lt3A_443 = arith.cmpi slt, %add3A_441, %lt3A_442 : i32
          %convert_element_type3A_444 = arith.extui %lt3A_443 : i1 to i32
          %cond3A_445 = arith.constant 0 : i32
          %cond3A_446 = arith.cmpi ne, %convert_element_type3A_444, %cond3A_445 : i32
          scf.if %cond3A_446 {
            %add3A_447 = arith.constant 3 : i32
            %add3A_448 = arith.addi %add3A_138, %add3A_447 : i32
            %dma_start3A_449 = arith.constant 0 : i32
            %dma_start3A_450 = arith.constant 0 : i32
            %dma_start3A_451 = tpu.memref_slice %arg4[%arg1, %add3A_448, %dma_start3A_449, %dma_start3A_450] : memref<16x160x3x128xi32, #tpu.memory_space<hbm>> -> memref<1x1x3x128xi32, #tpu.memory_space<hbm>>
            %dma_start3A_452 = tpu.memref_squeeze %dma_start3A_451 : memref<1x1x3x128xi32, #tpu.memory_space<hbm>> -> memref<3x128xi32, #tpu.memory_space<hbm>>
            %dma_start3A_453 = arith.constant 0 : i32
            %dma_start3A_454 = arith.constant 0 : i32
            %dma_start3A_455 = tpu.memref_slice %arg4[%arg1, %add3A_448, %dma_start3A_453, %dma_start3A_454] : memref<16x160x3x128xi32, #tpu.memory_space<hbm>> -> memref<1x1x3x128xi32, #tpu.memory_space<hbm>>
            %dma_start3A_456 = tpu.memref_squeeze %dma_start3A_455 : memref<1x1x3x128xi32, #tpu.memory_space<hbm>> -> memref<3x128xi32, #tpu.memory_space<hbm>>
            tpu.enqueue_dma source(%dma_start3A_456 : memref<3x128xi32, #tpu.memory_space<hbm>>) target(%arg11 : memref<3x128xi32, #tpu.memory_space<vmem>>) target_semaphore(%arg23 : memref<!tpu.dma_semaphore, #tpu.memory_space<semaphore_mem>>)
          } else {
          }
        } else {
        }
        %dma_wait3A_143 = arith.constant 0 : i32
        %dma_wait3A_144 = arith.constant 0 : i32
        %dma_wait3A_145 = tpu.memref_slice %arg8[%dma_wait3A_143, %dma_wait3A_144] : memref<3x128xi32, #tpu.memory_space<vmem>> -> memref<1x128xi32, #tpu.memory_space<vmem>>
        %dma_wait3A_146 = tpu.memref_squeeze %dma_wait3A_145 : memref<1x128xi32, #tpu.memory_space<vmem>> -> memref<128xi32, #tpu.memory_space<vmem>>
        %dma_wait3A_147 = arith.constant 0 : i32
        %dma_wait3A_148 = arith.constant 0 : i32
        %dma_wait3A_149 = tpu.memref_slice %arg6[%dma_wait3A_147, %dma_wait3A_148] : memref<10000x64xf32, #tpu.memory_space<vmem_shared>> -> memref<10000x64xf32, #tpu.memory_space<vmem_shared>>
        tpu.wait_indirect_dma semaphore(%arg24 : memref<!tpu.dma_semaphore, #tpu.memory_space<semaphore_mem>>) src(%dma_wait3A_149 : memref<10000x64xf32, #tpu.memory_space<vmem_shared>>) dst(%arg12 : memref<128x64xf32, #tpu.memory_space<vmem>>)
        %get3A = arith.constant 1 : i32
        %get3A_150 = arith.index_cast %get3A : i32 to index
        %get3A_151 = arith.constant 0 : index
        %get3A_152 = tpu.vector_load %arg8[%get3A_150, %get3A_151] {strides = array<i32>} : memref<3x128xi32, #tpu.memory_space<vmem>>, vector<16xi32>,
        %swap3A = arith.constant 0 : index
        %swap3A_153 = tpu.vector_load %arg16[%swap3A] {strides = array<i32>} : memref<128xi32, #tpu.memory_space<vmem>>, vector<16xi32>,
        tpu.vector_store %arg16[%swap3A], %get3A_152 {strides = array<i32>} : memref<128xi32, #tpu.memory_space<vmem>>, vector<16xi32>,
        %get3A_154 = arith.constant 1 : i32
        %get3A_155 = arith.index_cast %get3A_154 : i32 to index
        %get3A_156 = arith.constant 16 : index
        %get3A_157 = tpu.vector_load %arg8[%get3A_155, %get3A_156] {strides = array<i32>} : memref<3x128xi32, #tpu.memory_space<vmem>>, vector<16xi32>,
        %swap3A_158 = arith.constant 16 : index
        %swap3A_159 = tpu.vector_load %arg16[%swap3A_158] {strides = array<i32>} : memref<128xi32, #tpu.memory_space<vmem>>, vector<16xi32>,
        tpu.vector_store %arg16[%swap3A_158], %get3A_157 {strides = array<i32>} : memref<128xi32, #tpu.memory_space<vmem>>, vector<16xi32>,
        %get3A_160 = arith.constant 1 : i32
        %get3A_161 = arith.index_cast %get3A_160 : i32 to index
        %get3A_162 = arith.constant 32 : index
        %get3A_163 = tpu.vector_load %arg8[%get3A_161, %get3A_162] {strides = array<i32>} : memref<3x128xi32, #tpu.memory_space<vmem>>, vector<16xi32>,
        %swap3A_164 = arith.constant 32 : index
        %swap3A_165 = tpu.vector_load %arg16[%swap3A_164] {strides = array<i32>} : memref<128xi32, #tpu.memory_space<vmem>>, vector<16xi32>,
        tpu.vector_store %arg16[%swap3A_164], %get3A_163 {strides = array<i32>} : memref<128xi32, #tpu.memory_space<vmem>>, vector<16xi32>,
        %get3A_166 = arith.constant 1 : i32
        %get3A_167 = arith.index_cast %get3A_166 : i32 to index
        %get3A_168 = arith.constant 48 : index
        %get3A_169 = tpu.vector_load %arg8[%get3A_167, %get3A_168] {strides = array<i32>} : memref<3x128xi32, #tpu.memory_space<vmem>>, vector<16xi32>,
        %swap3A_170 = arith.constant 48 : index
        %swap3A_171 = tpu.vector_load %arg16[%swap3A_170] {strides = array<i32>} : memref<128xi32, #tpu.memory_space<vmem>>, vector<16xi32>,
        tpu.vector_store %arg16[%swap3A_170], %get3A_169 {strides = array<i32>} : memref<128xi32, #tpu.memory_space<vmem>>, vector<16xi32>,
        %get3A_172 = arith.constant 1 : i32
        %get3A_173 = arith.index_cast %get3A_172 : i32 to index
        %get3A_174 = arith.constant 64 : index
        %get3A_175 = tpu.vector_load %arg8[%get3A_173, %get3A_174] {strides = array<i32>} : memref<3x128xi32, #tpu.memory_space<vmem>>, vector<16xi32>,
        %swap3A_176 = arith.constant 64 : index
        %swap3A_177 = tpu.vector_load %arg16[%swap3A_176] {strides = array<i32>} : memref<128xi32, #tpu.memory_space<vmem>>, vector<16xi32>,
        tpu.vector_store %arg16[%swap3A_176], %get3A_175 {strides = array<i32>} : memref<128xi32, #tpu.memory_space<vmem>>, vector<16xi32>,
        %get3A_178 = arith.constant 1 : i32
        %get3A_179 = arith.index_cast %get3A_178 : i32 to index
        %get3A_180 = arith.constant 80 : index
        %get3A_181 = tpu.vector_load %arg8[%get3A_179, %get3A_180] {strides = array<i32>} : memref<3x128xi32, #tpu.memory_space<vmem>>, vector<16xi32>,
        %swap3A_182 = arith.constant 80 : index
        %swap3A_183 = tpu.vector_load %arg16[%swap3A_182] {strides = array<i32>} : memref<128xi32, #tpu.memory_space<vmem>>, vector<16xi32>,
        tpu.vector_store %arg16[%swap3A_182], %get3A_181 {strides = array<i32>} : memref<128xi32, #tpu.memory_space<vmem>>, vector<16xi32>,
        %get3A_184 = arith.constant 1 : i32
        %get3A_185 = arith.index_cast %get3A_184 : i32 to index
        %get3A_186 = arith.constant 96 : index
        %get3A_187 = tpu.vector_load %arg8[%get3A_185, %get3A_186] {strides = array<i32>} : memref<3x128xi32, #tpu.memory_space<vmem>>, vector<16xi32>,
        %swap3A_188 = arith.constant 96 : index
        %swap3A_189 = tpu.vector_load %arg16[%swap3A_188] {strides = array<i32>} : memref<128xi32, #tpu.memory_space<vmem>>, vector<16xi32>,
        tpu.vector_store %arg16[%swap3A_188], %get3A_187 {strides = array<i32>} : memref<128xi32, #tpu.memory_space<vmem>>, vector<16xi32>,
        %get3A_190 = arith.constant 1 : i32
        %get3A_191 = arith.index_cast %get3A_190 : i32 to index
        %get3A_192 = arith.constant 112 : index
        %get3A_193 = tpu.vector_load %arg8[%get3A_191, %get3A_192] {strides = array<i32>} : memref<3x128xi32, #tpu.memory_space<vmem>>, vector<16xi32>,
        %swap3A_194 = arith.constant 112 : index
        %swap3A_195 = tpu.vector_load %arg16[%swap3A_194] {strides = array<i32>} : memref<128xi32, #tpu.memory_space<vmem>>, vector<16xi32>,
        tpu.vector_store %arg16[%swap3A_194], %get3A_193 {strides = array<i32>} : memref<128xi32, #tpu.memory_space<vmem>>, vector<16xi32>,
        %scan3A_196 = arith.constant 0 : i32
        %scan3A_197 = arith.constant 128 : i32
        %scan3A_198 = arith.addi %scan3A_196, %scan3A_197 : i32
        %scan3A_199 = arith.constant 4 : i32
        scf.for %scan3A_420 = %scan3A_196 to %scan3A_198 step %scan3A_199  : i32 {
          %mul3A_421 = arith.constant 1 : i32
          %mul3A_422 = arith.muli %scan3A_420, %mul3A_421 : i32
          %add3A_423 = arith.constant 0 : i32
          %add3A_424 = arith.addi %add3A_423, %mul3A_422 : i32
          %broadcast_in_dim3A = arith.constant 2 : i32
          %broadcast_in_dim3A_425 = vector.broadcast %broadcast_in_dim3A : i32 to vector<16xi32>
          %broadcast_in_dim3A_426 = vector.broadcast %add3A_424 : i32 to vector<16xi32>
          %gather3A = tpu.vector_load_idx %arg8[%broadcast_in_dim3A_425, %broadcast_in_dim3A_426] : memref<3x128xi32, #tpu.memory_space<vmem>>[vector<16xi32>, vector<16xi32>], vector<16xi32>,
          %bitcast3A = vector.bitcast %gather3A : vector<16xi32> to vector<16xf32>
          %get3A_427 = arith.index_cast %add3A_424 : i32 to index
          %get3A_428 = arith.constant 0 : index
          %get3A_429 = tpu.vector_load %arg12[%get3A_427, %get3A_428] {strides = array<i32>} : memref<128x64xf32, #tpu.memory_space<vmem>>, vector<16xf32>,
          %mul3A_430 = arith.mulf %get3A_429, %bitcast3A : vector<16xf32>
          %swap3A_431 = arith.index_cast %add3A_424 : i32 to index
          %swap3A_432 = arith.constant 0 : index
          %swap3A_433 = tpu.vector_load %arg12[%swap3A_431, %swap3A_432] {strides = array<i32>} : memref<128x64xf32, #tpu.memory_space<vmem>>, vector<16xf32>,
          tpu.vector_store %arg12[%swap3A_431, %swap3A_432], %mul3A_430 {strides = array<i32>} : memref<128x64xf32, #tpu.memory_space<vmem>>, vector<16xf32>,
          %get3A_434 = arith.index_cast %add3A_424 : i32 to index
          %get3A_435 = arith.constant 16 : index
          %get3A_436 = tpu.vector_load %arg12[%get3A_434, %get3A_435] {strides = array<i32>} : memref<128x64xf32, #tpu.memory_space<vmem>>, vector<16xf32>,
          %mul3A_437 = arith.mulf %get3A_436, %bitcast3A : vector<16xf32>
          %swap3A_438 = arith.index_cast %add3A_424 : i32 to index
          %swap3A_439 = arith.constant 16 : index
          %swap3A_440 = tpu.vector_load %arg12[%swap3A_438, %swap3A_439] {strides = array<i32>} : memref<128x64xf32, #tpu.memory_space<vmem>>, vector<16xf32>,
          tpu.vector_store %arg12[%swap3A_438, %swap3A_439], %mul3A_437 {strides = array<i32>} : memref<128x64xf32, #tpu.memory_space<vmem>>, vector<16xf32>,
          %get3A_441 = arith.index_cast %add3A_424 : i32 to index
          %get3A_442 = arith.constant 32 : index
          %get3A_443 = tpu.vector_load %arg12[%get3A_441, %get3A_442] {strides = array<i32>} : memref<128x64xf32, #tpu.memory_space<vmem>>, vector<16xf32>,
          %mul3A_444 = arith.mulf %get3A_443, %bitcast3A : vector<16xf32>
          %swap3A_445 = arith.index_cast %add3A_424 : i32 to index
          %swap3A_446 = arith.constant 32 : index
          %swap3A_447 = tpu.vector_load %arg12[%swap3A_445, %swap3A_446] {strides = array<i32>} : memref<128x64xf32, #tpu.memory_space<vmem>>, vector<16xf32>,
          tpu.vector_store %arg12[%swap3A_445, %swap3A_446], %mul3A_444 {strides = array<i32>} : memref<128x64xf32, #tpu.memory_space<vmem>>, vector<16xf32>,
          %get3A_448 = arith.index_cast %add3A_424 : i32 to index
          %get3A_449 = arith.constant 48 : index
          %get3A_450 = tpu.vector_load %arg12[%get3A_448, %get3A_449] {strides = array<i32>} : memref<128x64xf32, #tpu.memory_space<vmem>>, vector<16xf32>,
          %mul3A_451 = arith.mulf %get3A_450, %bitcast3A : vector<16xf32>
          %swap3A_452 = arith.index_cast %add3A_424 : i32 to index
          %swap3A_453 = arith.constant 48 : index
          %swap3A_454 = tpu.vector_load %arg12[%swap3A_452, %swap3A_453] {strides = array<i32>} : memref<128x64xf32, #tpu.memory_space<vmem>>, vector<16xf32>,
          tpu.vector_store %arg12[%swap3A_452, %swap3A_453], %mul3A_451 {strides = array<i32>} : memref<128x64xf32, #tpu.memory_space<vmem>>, vector<16xf32>,
          %scan3A_455 = arith.constant 1 : i32
          %scan3A_456 = arith.addi %scan3A_420, %scan3A_455 : i32
          %mul3A_457 = arith.constant 1 : i32
          %mul3A_458 = arith.muli %scan3A_456, %mul3A_457 : i32
          %add3A_459 = arith.constant 0 : i32
          %add3A_460 = arith.addi %add3A_459, %mul3A_458 : i32
          %broadcast_in_dim3A_461 = arith.constant 2 : i32
          %broadcast_in_dim3A_462 = vector.broadcast %broadcast_in_dim3A_461 : i32 to vector<16xi32>
          %broadcast_in_dim3A_463 = vector.broadcast %add3A_460 : i32 to vector<16xi32>
          %gather3A_464 = tpu.vector_load_idx %arg8[%broadcast_in_dim3A_462, %broadcast_in_dim3A_463] : memref<3x128xi32, #tpu.memory_space<vmem>>[vector<16xi32>, vector<16xi32>], vector<16xi32>,
          %bitcast3A_465 = vector.bitcast %gather3A_464 : vector<16xi32> to vector<16xf32>
          %get3A_466 = arith.index_cast %add3A_460 : i32 to index
          %get3A_467 = arith.constant 0 : index
          %get3A_468 = tpu.vector_load %arg12[%get3A_466, %get3A_467] {strides = array<i32>} : memref<128x64xf32, #tpu.memory_space<vmem>>, vector<16xf32>,
          %mul3A_469 = arith.mulf %get3A_468, %bitcast3A_465 : vector<16xf32>
          %swap3A_470 = arith.index_cast %add3A_460 : i32 to index
          %swap3A_471 = arith.constant 0 : index
          %swap3A_472 = tpu.vector_load %arg12[%swap3A_470, %swap3A_471] {strides = array<i32>} : memref<128x64xf32, #tpu.memory_space<vmem>>, vector<16xf32>,
          tpu.vector_store %arg12[%swap3A_470, %swap3A_471], %mul3A_469 {strides = array<i32>} : memref<128x64xf32, #tpu.memory_space<vmem>>, vector<16xf32>,
          %get3A_473 = arith.index_cast %add3A_460 : i32 to index
          %get3A_474 = arith.constant 16 : index
          %get3A_475 = tpu.vector_load %arg12[%get3A_473, %get3A_474] {strides = array<i32>} : memref<128x64xf32, #tpu.memory_space<vmem>>, vector<16xf32>,
          %mul3A_476 = arith.mulf %get3A_475, %bitcast3A_465 : vector<16xf32>
          %swap3A_477 = arith.index_cast %add3A_460 : i32 to index
          %swap3A_478 = arith.constant 16 : index
          %swap3A_479 = tpu.vector_load %arg12[%swap3A_477, %swap3A_478] {strides = array<i32>} : memref<128x64xf32, #tpu.memory_space<vmem>>, vector<16xf32>,
          tpu.vector_store %arg12[%swap3A_477, %swap3A_478], %mul3A_476 {strides = array<i32>} : memref<128x64xf32, #tpu.memory_space<vmem>>, vector<16xf32>,
          %get3A_480 = arith.index_cast %add3A_460 : i32 to index
          %get3A_481 = arith.constant 32 : index
          %get3A_482 = tpu.vector_load %arg12[%get3A_480, %get3A_481] {strides = array<i32>} : memref<128x64xf32, #tpu.memory_space<vmem>>, vector<16xf32>,
          %mul3A_483 = arith.mulf %get3A_482, %bitcast3A_465 : vector<16xf32>
          %swap3A_484 = arith.index_cast %add3A_460 : i32 to index
          %swap3A_485 = arith.constant 32 : index
          %swap3A_486 = tpu.vector_load %arg12[%swap3A_484, %swap3A_485] {strides = array<i32>} : memref<128x64xf32, #tpu.memory_space<vmem>>, vector<16xf32>,
          tpu.vector_store %arg12[%swap3A_484, %swap3A_485], %mul3A_483 {strides = array<i32>} : memref<128x64xf32, #tpu.memory_space<vmem>>, vector<16xf32>,
          %get3A_487 = arith.index_cast %add3A_460 : i32 to index
          %get3A_488 = arith.constant 48 : index
          %get3A_489 = tpu.vector_load %arg12[%get3A_487, %get3A_488] {strides = array<i32>} : memref<128x64xf32, #tpu.memory_space<vmem>>, vector<16xf32>,
          %mul3A_490 = arith.mulf %get3A_489, %bitcast3A_465 : vector<16xf32>
          %swap3A_491 = arith.index_cast %add3A_460 : i32 to index
          %swap3A_492 = arith.constant 48 : index
          %swap3A_493 = tpu.vector_load %arg12[%swap3A_491, %swap3A_492] {strides = array<i32>} : memref<128x64xf32, #tpu.memory_space<vmem>>, vector<16xf32>,
          tpu.vector_store %arg12[%swap3A_491, %swap3A_492], %mul3A_490 {strides = array<i32>} : memref<128x64xf32, #tpu.memory_space<vmem>>, vector<16xf32>,
          %scan3A_494 = arith.constant 2 : i32
          %scan3A_495 = arith.addi %scan3A_420, %scan3A_494 : i32
          %mul3A_496 = arith.constant 1 : i32
          %mul3A_497 = arith.muli %scan3A_495, %mul3A_496 : i32
          %add3A_498 = arith.constant 0 : i32
          %add3A_499 = arith.addi %add3A_498, %mul3A_497 : i32
          %broadcast_in_dim3A_500 = arith.constant 2 : i32
          %broadcast_in_dim3A_501 = vector.broadcast %broadcast_in_dim3A_500 : i32 to vector<16xi32>
          %broadcast_in_dim3A_502 = vector.broadcast %add3A_499 : i32 to vector<16xi32>
          %gather3A_503 = tpu.vector_load_idx %arg8[%broadcast_in_dim3A_501, %broadcast_in_dim3A_502] : memref<3x128xi32, #tpu.memory_space<vmem>>[vector<16xi32>, vector<16xi32>], vector<16xi32>,
          %bitcast3A_504 = vector.bitcast %gather3A_503 : vector<16xi32> to vector<16xf32>
          %get3A_505 = arith.index_cast %add3A_499 : i32 to index
          %get3A_506 = arith.constant 0 : index
          %get3A_507 = tpu.vector_load %arg12[%get3A_505, %get3A_506] {strides = array<i32>} : memref<128x64xf32, #tpu.memory_space<vmem>>, vector<16xf32>,
          %mul3A_508 = arith.mulf %get3A_507, %bitcast3A_504 : vector<16xf32>
          %swap3A_509 = arith.index_cast %add3A_499 : i32 to index
          %swap3A_510 = arith.constant 0 : index
          %swap3A_511 = tpu.vector_load %arg12[%swap3A_509, %swap3A_510] {strides = array<i32>} : memref<128x64xf32, #tpu.memory_space<vmem>>, vector<16xf32>,
          tpu.vector_store %arg12[%swap3A_509, %swap3A_510], %mul3A_508 {strides = array<i32>} : memref<128x64xf32, #tpu.memory_space<vmem>>, vector<16xf32>,
          %get3A_512 = arith.index_cast %add3A_499 : i32 to index
          %get3A_513 = arith.constant 16 : index
          %get3A_514 = tpu.vector_load %arg12[%get3A_512, %get3A_513] {strides = array<i32>} : memref<128x64xf32, #tpu.memory_space<vmem>>, vector<16xf32>,
          %mul3A_515 = arith.mulf %get3A_514, %bitcast3A_504 : vector<16xf32>
          %swap3A_516 = arith.index_cast %add3A_499 : i32 to index
          %swap3A_517 = arith.constant 16 : index
          %swap3A_518 = tpu.vector_load %arg12[%swap3A_516, %swap3A_517] {strides = array<i32>} : memref<128x64xf32, #tpu.memory_space<vmem>>, vector<16xf32>,
          tpu.vector_store %arg12[%swap3A_516, %swap3A_517], %mul3A_515 {strides = array<i32>} : memref<128x64xf32, #tpu.memory_space<vmem>>, vector<16xf32>,
          %get3A_519 = arith.index_cast %add3A_499 : i32 to index
          %get3A_520 = arith.constant 32 : index
          %get3A_521 = tpu.vector_load %arg12[%get3A_519, %get3A_520] {strides = array<i32>} : memref<128x64xf32, #tpu.memory_space<vmem>>, vector<16xf32>,
          %mul3A_522 = arith.mulf %get3A_521, %bitcast3A_504 : vector<16xf32>
          %swap3A_523 = arith.index_cast %add3A_499 : i32 to index
          %swap3A_524 = arith.constant 32 : index
          %swap3A_525 = tpu.vector_load %arg12[%swap3A_523, %swap3A_524] {strides = array<i32>} : memref<128x64xf32, #tpu.memory_space<vmem>>, vector<16xf32>,
          tpu.vector_store %arg12[%swap3A_523, %swap3A_524], %mul3A_522 {strides = array<i32>} : memref<128x64xf32, #tpu.memory_space<vmem>>, vector<16xf32>,
          %get3A_526 = arith.index_cast %add3A_499 : i32 to index
          %get3A_527 = arith.constant 48 : index
          %get3A_528 = tpu.vector_load %arg12[%get3A_526, %get3A_527] {strides = array<i32>} : memref<128x64xf32, #tpu.memory_space<vmem>>, vector<16xf32>,
          %mul3A_529 = arith.mulf %get3A_528, %bitcast3A_504 : vector<16xf32>
          %swap3A_530 = arith.index_cast %add3A_499 : i32 to index
          %swap3A_531 = arith.constant 48 : index
          %swap3A_532 = tpu.vector_load %arg12[%swap3A_530, %swap3A_531] {strides = array<i32>} : memref<128x64xf32, #tpu.memory_space<vmem>>, vector<16xf32>,
          tpu.vector_store %arg12[%swap3A_530, %swap3A_531], %mul3A_529 {strides = array<i32>} : memref<128x64xf32, #tpu.memory_space<vmem>>, vector<16xf32>,
          %scan3A_533 = arith.constant 3 : i32
          %scan3A_534 = arith.addi %scan3A_420, %scan3A_533 : i32
          %mul3A_535 = arith.constant 1 : i32
          %mul3A_536 = arith.muli %scan3A_534, %mul3A_535 : i32
          %add3A_537 = arith.constant 0 : i32
          %add3A_538 = arith.addi %add3A_537, %mul3A_536 : i32
          %broadcast_in_dim3A_539 = arith.constant 2 : i32
          %broadcast_in_dim3A_540 = vector.broadcast %broadcast_in_dim3A_539 : i32 to vector<16xi32>
          %broadcast_in_dim3A_541 = vector.broadcast %add3A_538 : i32 to vector<16xi32>
          %gather3A_542 = tpu.vector_load_idx %arg8[%broadcast_in_dim3A_540, %broadcast_in_dim3A_541] : memref<3x128xi32, #tpu.memory_space<vmem>>[vector<16xi32>, vector<16xi32>], vector<16xi32>,
          %bitcast3A_543 = vector.bitcast %gather3A_542 : vector<16xi32> to vector<16xf32>
          %get3A_544 = arith.index_cast %add3A_538 : i32 to index
          %get3A_545 = arith.constant 0 : index
          %get3A_546 = tpu.vector_load %arg12[%get3A_544, %get3A_545] {strides = array<i32>} : memref<128x64xf32, #tpu.memory_space<vmem>>, vector<16xf32>,
          %mul3A_547 = arith.mulf %get3A_546, %bitcast3A_543 : vector<16xf32>
          %swap3A_548 = arith.index_cast %add3A_538 : i32 to index
          %swap3A_549 = arith.constant 0 : index
          %swap3A_550 = tpu.vector_load %arg12[%swap3A_548, %swap3A_549] {strides = array<i32>} : memref<128x64xf32, #tpu.memory_space<vmem>>, vector<16xf32>,
          tpu.vector_store %arg12[%swap3A_548, %swap3A_549], %mul3A_547 {strides = array<i32>} : memref<128x64xf32, #tpu.memory_space<vmem>>, vector<16xf32>,
          %get3A_551 = arith.index_cast %add3A_538 : i32 to index
          %get3A_552 = arith.constant 16 : index
          %get3A_553 = tpu.vector_load %arg12[%get3A_551, %get3A_552] {strides = array<i32>} : memref<128x64xf32, #tpu.memory_space<vmem>>, vector<16xf32>,
          %mul3A_554 = arith.mulf %get3A_553, %bitcast3A_543 : vector<16xf32>
          %swap3A_555 = arith.index_cast %add3A_538 : i32 to index
          %swap3A_556 = arith.constant 16 : index
          %swap3A_557 = tpu.vector_load %arg12[%swap3A_555, %swap3A_556] {strides = array<i32>} : memref<128x64xf32, #tpu.memory_space<vmem>>, vector<16xf32>,
          tpu.vector_store %arg12[%swap3A_555, %swap3A_556], %mul3A_554 {strides = array<i32>} : memref<128x64xf32, #tpu.memory_space<vmem>>, vector<16xf32>,
          %get3A_558 = arith.index_cast %add3A_538 : i32 to index
          %get3A_559 = arith.constant 32 : index
          %get3A_560 = tpu.vector_load %arg12[%get3A_558, %get3A_559] {strides = array<i32>} : memref<128x64xf32, #tpu.memory_space<vmem>>, vector<16xf32>,
          %mul3A_561 = arith.mulf %get3A_560, %bitcast3A_543 : vector<16xf32>
          %swap3A_562 = arith.index_cast %add3A_538 : i32 to index
          %swap3A_563 = arith.constant 32 : index
          %swap3A_564 = tpu.vector_load %arg12[%swap3A_562, %swap3A_563] {strides = array<i32>} : memref<128x64xf32, #tpu.memory_space<vmem>>, vector<16xf32>,
          tpu.vector_store %arg12[%swap3A_562, %swap3A_563], %mul3A_561 {strides = array<i32>} : memref<128x64xf32, #tpu.memory_space<vmem>>, vector<16xf32>,
          %get3A_565 = arith.index_cast %add3A_538 : i32 to index
          %get3A_566 = arith.constant 48 : index
          %get3A_567 = tpu.vector_load %arg12[%get3A_565, %get3A_566] {strides = array<i32>} : memref<128x64xf32, #tpu.memory_space<vmem>>, vector<16xf32>,
          %mul3A_568 = arith.mulf %get3A_567, %bitcast3A_543 : vector<16xf32>
          %swap3A_569 = arith.index_cast %add3A_538 : i32 to index
          %swap3A_570 = arith.constant 48 : index
          %swap3A_571 = tpu.vector_load %arg12[%swap3A_569, %swap3A_570] {strides = array<i32>} : memref<128x64xf32, #tpu.memory_space<vmem>>, vector<16xf32>,
          tpu.vector_store %arg12[%swap3A_569, %swap3A_570], %mul3A_568 {strides = array<i32>} : memref<128x64xf32, #tpu.memory_space<vmem>>, vector<16xf32>,
        }
        %scan3A_200 = arith.constant 128 : i32
        %dma_start3A_201 = arith.constant 0 : i32
        %dma_start3A_202 = arith.constant 0 : i32
        %dma_start3A_203 = tpu.memref_slice %arg7[%dma_start3A_201, %dma_start3A_202] : memref<10000x64xf32, #tpu.memory_space<vmem_shared>> -> memref<10000x64xf32, #tpu.memory_space<vmem_shared>>
        tpu.enqueue_indirect_dma source(%arg12 : memref<128x64xf32, #tpu.memory_space<vmem>>) target(%dma_start3A_203 : memref<10000x64xf32, #tpu.memory_space<vmem_shared>>) offsets(%arg16 : memref<128xi32, #tpu.memory_space<vmem>>) semaphore(%arg28 : memref<!tpu.dma_semaphore, #tpu.memory_space<semaphore_mem>>) {add = true}
        %add3A_204 = arith.constant 1 : i32
        %add3A_205 = arith.addi %mul3A_136, %add3A_204 : i32
        %add3A_206 = arith.constant 1 : i32
        %add3A_207 = arith.addi %add3A_205, %add3A_206 : i32
        %lt3A_208 = arith.constant 160 : i32
        %lt3A_209 = arith.cmpi slt, %add3A_207, %lt3A_208 : i32
        %convert_element_type3A_210 = arith.extui %lt3A_209 : i1 to i32
        %cond3A_211 = arith.constant 0 : i32
        %cond3A_212 = arith.cmpi ne, %convert_element_type3A_210, %cond3A_211 : i32
        scf.if %cond3A_212 {
          %dma_wait3A_420 = arith.constant 0 : i32
          %dma_wait3A_421 = arith.constant 0 : i32
          %dma_wait3A_422 = arith.constant 0 : i32
          %dma_wait3A_423 = tpu.memref_slice %arg4[%arg1, %dma_wait3A_420, %dma_wait3A_421, %dma_wait3A_422] : memref<16x160x3x128xi32, #tpu.memory_space<hbm>> -> memref<1x1x3x128xi32, #tpu.memory_space<hbm>>
          %dma_wait3A_424 = tpu.memref_squeeze %dma_wait3A_423 : memref<1x1x3x128xi32, #tpu.memory_space<hbm>> -> memref<3x128xi32, #tpu.memory_space<hbm>>
          %dma_wait3A_425 = arith.constant 0 : i32
          %dma_wait3A_426 = arith.constant 0 : i32
          %dma_wait3A_427 = tpu.memref_slice %arg4[%arg1, %dma_wait3A_420, %dma_wait3A_425, %dma_wait3A_426] : memref<16x160x3x128xi32, #tpu.memory_space<hbm>> -> memref<1x1x3x128xi32, #tpu.memory_space<hbm>>
          %dma_wait3A_428 = tpu.memref_squeeze %dma_wait3A_427 : memref<1x1x3x128xi32, #tpu.memory_space<hbm>> -> memref<3x128xi32, #tpu.memory_space<hbm>>
          tpu.wait_dma2 semaphore(%arg22 : memref<!tpu.dma_semaphore, #tpu.memory_space<semaphore_mem>>) src(%dma_wait3A_428 : memref<3x128xi32, #tpu.memory_space<hbm>>) dst(%arg10 : memref<3x128xi32, #tpu.memory_space<vmem>>)
          %ge3A = arith.constant 3 : i32
          %ge3A_429 = arith.cmpi sge, %add3A_205, %ge3A : i32
          %convert_element_type3A_430 = arith.extui %ge3A_429 : i1 to i32
          %cond3A_431 = arith.constant 0 : i32
          %cond3A_432 = arith.cmpi ne, %convert_element_type3A_430, %cond3A_431 : i32
          scf.if %cond3A_432 {
            %dma_wait3A_447 = arith.constant 0 : i32
            %dma_wait3A_448 = arith.constant 0 : i32
            %dma_wait3A_449 = tpu.memref_slice %arg7[%dma_wait3A_447, %dma_wait3A_448] : memref<10000x64xf32, #tpu.memory_space<vmem_shared>> -> memref<10000x64xf32, #tpu.memory_space<vmem_shared>>
            tpu.wait_indirect_dma semaphore(%arg30 : memref<!tpu.dma_semaphore, #tpu.memory_space<semaphore_mem>>) src(%arg14 : memref<128x64xf32, #tpu.memory_space<vmem>>) dst(%dma_wait3A_449 : memref<10000x64xf32, #tpu.memory_space<vmem_shared>>)
          } else {
          }
          %dma_start3A_433 = arith.constant 0 : i32
          %dma_start3A_434 = arith.constant 0 : i32
          %dma_start3A_435 = tpu.memref_slice %arg10[%dma_start3A_433, %dma_start3A_434] : memref<3x128xi32, #tpu.memory_space<vmem>> -> memref<1x128xi32, #tpu.memory_space<vmem>>
          %dma_start3A_436 = tpu.memref_squeeze %dma_start3A_435 : memref<1x128xi32, #tpu.memory_space<vmem>> -> memref<128xi32, #tpu.memory_space<vmem>>
          %dma_start3A_437 = arith.constant 0 : i32
          %dma_start3A_438 = arith.constant 0 : i32
          %dma_start3A_439 = tpu.memref_slice %arg6[%dma_start3A_437, %dma_start3A_438] : memref<10000x64xf32, #tpu.memory_space<vmem_shared>> -> memref<10000x64xf32, #tpu.memory_space<vmem_shared>>
          tpu.enqueue_indirect_dma source(%dma_start3A_439 : memref<10000x64xf32, #tpu.memory_space<vmem_shared>>) target(%arg14 : memref<128x64xf32, #tpu.memory_space<vmem>>) offsets(%dma_start3A_436 : memref<128xi32, #tpu.memory_space<vmem>>) semaphore(%arg26 : memref<!tpu.dma_semaphore, #tpu.memory_space<semaphore_mem>>)
          %add3A_440 = arith.constant 3 : i32
          %add3A_441 = arith.addi %add3A_205, %add3A_440 : i32
          %lt3A_442 = arith.constant 160 : i32
          %lt3A_443 = arith.cmpi slt, %add3A_441, %lt3A_442 : i32
          %convert_element_type3A_444 = arith.extui %lt3A_443 : i1 to i32
          %cond3A_445 = arith.constant 0 : i32
          %cond3A_446 = arith.cmpi ne, %convert_element_type3A_444, %cond3A_445 : i32
          scf.if %cond3A_446 {
            %add3A_447 = arith.constant 3 : i32
            %add3A_448 = arith.addi %add3A_205, %add3A_447 : i32
            %dma_start3A_449 = arith.constant 0 : i32
            %dma_start3A_450 = arith.constant 0 : i32
            %dma_start3A_451 = tpu.memref_slice %arg4[%arg1, %add3A_448, %dma_start3A_449, %dma_start3A_450] : memref<16x160x3x128xi32, #tpu.memory_space<hbm>> -> memref<1x1x3x128xi32, #tpu.memory_space<hbm>>
            %dma_start3A_452 = tpu.memref_squeeze %dma_start3A_451 : memref<1x1x3x128xi32, #tpu.memory_space<hbm>> -> memref<3x128xi32, #tpu.memory_space<hbm>>
            %dma_start3A_453 = arith.constant 0 : i32
            %dma_start3A_454 = arith.constant 0 : i32
            %dma_start3A_455 = tpu.memref_slice %arg4[%arg1, %add3A_448, %dma_start3A_453, %dma_start3A_454] : memref<16x160x3x128xi32, #tpu.memory_space<hbm>> -> memref<1x1x3x128xi32, #tpu.memory_space<hbm>>
            %dma_start3A_456 = tpu.memref_squeeze %dma_start3A_455 : memref<1x1x3x128xi32, #tpu.memory_space<hbm>> -> memref<3x128xi32, #tpu.memory_space<hbm>>
            tpu.enqueue_dma source(%dma_start3A_456 : memref<3x128xi32, #tpu.memory_space<hbm>>) target(%arg8 : memref<3x128xi32, #tpu.memory_space<vmem>>) target_semaphore(%arg20 : memref<!tpu.dma_semaphore, #tpu.memory_space<semaphore_mem>>)
          } else {
          }
        } else {
        }
        %dma_wait3A_213 = arith.constant 0 : i32
        %dma_wait3A_214 = arith.constant 0 : i32
        %dma_wait3A_215 = tpu.memref_slice %arg9[%dma_wait3A_213, %dma_wait3A_214] : memref<3x128xi32, #tpu.memory_space<vmem>> -> memref<1x128xi32, #tpu.memory_space<vmem>>
        %dma_wait3A_216 = tpu.memref_squeeze %dma_wait3A_215 : memref<1x128xi32, #tpu.memory_space<vmem>> -> memref<128xi32, #tpu.memory_space<vmem>>
        %dma_wait3A_217 = arith.constant 0 : i32
        %dma_wait3A_218 = arith.constant 0 : i32
        %dma_wait3A_219 = tpu.memref_slice %arg6[%dma_wait3A_217, %dma_wait3A_218] : memref<10000x64xf32, #tpu.memory_space<vmem_shared>> -> memref<10000x64xf32, #tpu.memory_space<vmem_shared>>
        tpu.wait_indirect_dma semaphore(%arg25 : memref<!tpu.dma_semaphore, #tpu.memory_space<semaphore_mem>>) src(%dma_wait3A_219 : memref<10000x64xf32, #tpu.memory_space<vmem_shared>>) dst(%arg13 : memref<128x64xf32, #tpu.memory_space<vmem>>)
        %get3A_220 = arith.constant 1 : i32
        %get3A_221 = arith.index_cast %get3A_220 : i32 to index
        %get3A_222 = arith.constant 0 : index
        %get3A_223 = tpu.vector_load %arg9[%get3A_221, %get3A_222] {strides = array<i32>} : memref<3x128xi32, #tpu.memory_space<vmem>>, vector<16xi32>,
        %swap3A_224 = arith.constant 0 : index
        %swap3A_225 = tpu.vector_load %arg17[%swap3A_224] {strides = array<i32>} : memref<128xi32, #tpu.memory_space<vmem>>, vector<16xi32>,
        tpu.vector_store %arg17[%swap3A_224], %get3A_223 {strides = array<i32>} : memref<128xi32, #tpu.memory_space<vmem>>, vector<16xi32>,
        %get3A_226 = arith.constant 1 : i32
        %get3A_227 = arith.index_cast %get3A_226 : i32 to index
        %get3A_228 = arith.constant 16 : index
        %get3A_229 = tpu.vector_load %arg9[%get3A_227, %get3A_228] {strides = array<i32>} : memref<3x128xi32, #tpu.memory_space<vmem>>, vector<16xi32>,
        %swap3A_230 = arith.constant 16 : index
        %swap3A_231 = tpu.vector_load %arg17[%swap3A_230] {strides = array<i32>} : memref<128xi32, #tpu.memory_space<vmem>>, vector<16xi32>,
        tpu.vector_store %arg17[%swap3A_230], %get3A_229 {strides = array<i32>} : memref<128xi32, #tpu.memory_space<vmem>>, vector<16xi32>,
        %get3A_232 = arith.constant 1 : i32
        %get3A_233 = arith.index_cast %get3A_232 : i32 to index
        %get3A_234 = arith.constant 32 : index
        %get3A_235 = tpu.vector_load %arg9[%get3A_233, %get3A_234] {strides = array<i32>} : memref<3x128xi32, #tpu.memory_space<vmem>>, vector<16xi32>,
        %swap3A_236 = arith.constant 32 : index
        %swap3A_237 = tpu.vector_load %arg17[%swap3A_236] {strides = array<i32>} : memref<128xi32, #tpu.memory_space<vmem>>, vector<16xi32>,
        tpu.vector_store %arg17[%swap3A_236], %get3A_235 {strides = array<i32>} : memref<128xi32, #tpu.memory_space<vmem>>, vector<16xi32>,
        %get3A_238 = arith.constant 1 : i32
        %get3A_239 = arith.index_cast %get3A_238 : i32 to index
        %get3A_240 = arith.constant 48 : index
        %get3A_241 = tpu.vector_load %arg9[%get3A_239, %get3A_240] {strides = array<i32>} : memref<3x128xi32, #tpu.memory_space<vmem>>, vector<16xi32>,
        %swap3A_242 = arith.constant 48 : index
        %swap3A_243 = tpu.vector_load %arg17[%swap3A_242] {strides = array<i32>} : memref<128xi32, #tpu.memory_space<vmem>>, vector<16xi32>,
        tpu.vector_store %arg17[%swap3A_242], %get3A_241 {strides = array<i32>} : memref<128xi32, #tpu.memory_space<vmem>>, vector<16xi32>,
        %get3A_244 = arith.constant 1 : i32
        %get3A_245 = arith.index_cast %get3A_244 : i32 to index
        %get3A_246 = arith.constant 64 : index
        %get3A_247 = tpu.vector_load %arg9[%get3A_245, %get3A_246] {strides = array<i32>} : memref<3x128xi32, #tpu.memory_space<vmem>>, vector<16xi32>,
        %swap3A_248 = arith.constant 64 : index
        %swap3A_249 = tpu.vector_load %arg17[%swap3A_248] {strides = array<i32>} : memref<128xi32, #tpu.memory_space<vmem>>, vector<16xi32>,
        tpu.vector_store %arg17[%swap3A_248], %get3A_247 {strides = array<i32>} : memref<128xi32, #tpu.memory_space<vmem>>, vector<16xi32>,
        %get3A_250 = arith.constant 1 : i32
        %get3A_251 = arith.index_cast %get3A_250 : i32 to index
        %get3A_252 = arith.constant 80 : index
        %get3A_253 = tpu.vector_load %arg9[%get3A_251, %get3A_252] {strides = array<i32>} : memref<3x128xi32, #tpu.memory_space<vmem>>, vector<16xi32>,
        %swap3A_254 = arith.constant 80 : index
        %swap3A_255 = tpu.vector_load %arg17[%swap3A_254] {strides = array<i32>} : memref<128xi32, #tpu.memory_space<vmem>>, vector<16xi32>,
        tpu.vector_store %arg17[%swap3A_254], %get3A_253 {strides = array<i32>} : memref<128xi32, #tpu.memory_space<vmem>>, vector<16xi32>,
        %get3A_256 = arith.constant 1 : i32
        %get3A_257 = arith.index_cast %get3A_256 : i32 to index
        %get3A_258 = arith.constant 96 : index
        %get3A_259 = tpu.vector_load %arg9[%get3A_257, %get3A_258] {strides = array<i32>} : memref<3x128xi32, #tpu.memory_space<vmem>>, vector<16xi32>,
        %swap3A_260 = arith.constant 96 : index
        %swap3A_261 = tpu.vector_load %arg17[%swap3A_260] {strides = array<i32>} : memref<128xi32, #tpu.memory_space<vmem>>, vector<16xi32>,
        tpu.vector_store %arg17[%swap3A_260], %get3A_259 {strides = array<i32>} : memref<128xi32, #tpu.memory_space<vmem>>, vector<16xi32>,
        %get3A_262 = arith.constant 1 : i32
        %get3A_263 = arith.index_cast %get3A_262 : i32 to index
        %get3A_264 = arith.constant 112 : index
        %get3A_265 = tpu.vector_load %arg9[%get3A_263, %get3A_264] {strides = array<i32>} : memref<3x128xi32, #tpu.memory_space<vmem>>, vector<16xi32>,
        %swap3A_266 = arith.constant 112 : index
        %swap3A_267 = tpu.vector_load %arg17[%swap3A_266] {strides = array<i32>} : memref<128xi32, #tpu.memory_space<vmem>>, vector<16xi32>,
        tpu.vector_store %arg17[%swap3A_266], %get3A_265 {strides = array<i32>} : memref<128xi32, #tpu.memory_space<vmem>>, vector<16xi32>,
        %scan3A_268 = arith.constant 0 : i32
        %scan3A_269 = arith.constant 128 : i32
        %scan3A_270 = arith.addi %scan3A_268, %scan3A_269 : i32
        %scan3A_271 = arith.constant 4 : i32
        scf.for %scan3A_420 = %scan3A_268 to %scan3A_270 step %scan3A_271  : i32 {
          %mul3A_421 = arith.constant 1 : i32
          %mul3A_422 = arith.muli %scan3A_420, %mul3A_421 : i32
          %add3A_423 = arith.constant 0 : i32
          %add3A_424 = arith.addi %add3A_423, %mul3A_422 : i32
          %broadcast_in_dim3A = arith.constant 2 : i32
          %broadcast_in_dim3A_425 = vector.broadcast %broadcast_in_dim3A : i32 to vector<16xi32>
          %broadcast_in_dim3A_426 = vector.broadcast %add3A_424 : i32 to vector<16xi32>
          %gather3A = tpu.vector_load_idx %arg9[%broadcast_in_dim3A_425, %broadcast_in_dim3A_426] : memref<3x128xi32, #tpu.memory_space<vmem>>[vector<16xi32>, vector<16xi32>], vector<16xi32>,
          %bitcast3A = vector.bitcast %gather3A : vector<16xi32> to vector<16xf32>
          %get3A_427 = arith.index_cast %add3A_424 : i32 to index
          %get3A_428 = arith.constant 0 : index
          %get3A_429 = tpu.vector_load %arg13[%get3A_427, %get3A_428] {strides = array<i32>} : memref<128x64xf32, #tpu.memory_space<vmem>>, vector<16xf32>,
          %mul3A_430 = arith.mulf %get3A_429, %bitcast3A : vector<16xf32>
          %swap3A_431 = arith.index_cast %add3A_424 : i32 to index
          %swap3A_432 = arith.constant 0 : index
          %swap3A_433 = tpu.vector_load %arg13[%swap3A_431, %swap3A_432] {strides = array<i32>} : memref<128x64xf32, #tpu.memory_space<vmem>>, vector<16xf32>,
          tpu.vector_store %arg13[%swap3A_431, %swap3A_432], %mul3A_430 {strides = array<i32>} : memref<128x64xf32, #tpu.memory_space<vmem>>, vector<16xf32>,
          %get3A_434 = arith.index_cast %add3A_424 : i32 to index
          %get3A_435 = arith.constant 16 : index
          %get3A_436 = tpu.vector_load %arg13[%get3A_434, %get3A_435] {strides = array<i32>} : memref<128x64xf32, #tpu.memory_space<vmem>>, vector<16xf32>,
          %mul3A_437 = arith.mulf %get3A_436, %bitcast3A : vector<16xf32>
          %swap3A_438 = arith.index_cast %add3A_424 : i32 to index
          %swap3A_439 = arith.constant 16 : index
          %swap3A_440 = tpu.vector_load %arg13[%swap3A_438, %swap3A_439] {strides = array<i32>} : memref<128x64xf32, #tpu.memory_space<vmem>>, vector<16xf32>,
          tpu.vector_store %arg13[%swap3A_438, %swap3A_439], %mul3A_437 {strides = array<i32>} : memref<128x64xf32, #tpu.memory_space<vmem>>, vector<16xf32>,
          %get3A_441 = arith.index_cast %add3A_424 : i32 to index
          %get3A_442 = arith.constant 32 : index
          %get3A_443 = tpu.vector_load %arg13[%get3A_441, %get3A_442] {strides = array<i32>} : memref<128x64xf32, #tpu.memory_space<vmem>>, vector<16xf32>,
          %mul3A_444 = arith.mulf %get3A_443, %bitcast3A : vector<16xf32>
          %swap3A_445 = arith.index_cast %add3A_424 : i32 to index
          %swap3A_446 = arith.constant 32 : index
          %swap3A_447 = tpu.vector_load %arg13[%swap3A_445, %swap3A_446] {strides = array<i32>} : memref<128x64xf32, #tpu.memory_space<vmem>>, vector<16xf32>,
          tpu.vector_store %arg13[%swap3A_445, %swap3A_446], %mul3A_444 {strides = array<i32>} : memref<128x64xf32, #tpu.memory_space<vmem>>, vector<16xf32>,
          %get3A_448 = arith.index_cast %add3A_424 : i32 to index
          %get3A_449 = arith.constant 48 : index
          %get3A_450 = tpu.vector_load %arg13[%get3A_448, %get3A_449] {strides = array<i32>} : memref<128x64xf32, #tpu.memory_space<vmem>>, vector<16xf32>,
          %mul3A_451 = arith.mulf %get3A_450, %bitcast3A : vector<16xf32>
          %swap3A_452 = arith.index_cast %add3A_424 : i32 to index
          %swap3A_453 = arith.constant 48 : index
          %swap3A_454 = tpu.vector_load %arg13[%swap3A_452, %swap3A_453] {strides = array<i32>} : memref<128x64xf32, #tpu.memory_space<vmem>>, vector<16xf32>,
          tpu.vector_store %arg13[%swap3A_452, %swap3A_453], %mul3A_451 {strides = array<i32>} : memref<128x64xf32, #tpu.memory_space<vmem>>, vector<16xf32>,
          %scan3A_455 = arith.constant 1 : i32
          %scan3A_456 = arith.addi %scan3A_420, %scan3A_455 : i32
          %mul3A_457 = arith.constant 1 : i32
          %mul3A_458 = arith.muli %scan3A_456, %mul3A_457 : i32
          %add3A_459 = arith.constant 0 : i32
          %add3A_460 = arith.addi %add3A_459, %mul3A_458 : i32
          %broadcast_in_dim3A_461 = arith.constant 2 : i32
          %broadcast_in_dim3A_462 = vector.broadcast %broadcast_in_dim3A_461 : i32 to vector<16xi32>
          %broadcast_in_dim3A_463 = vector.broadcast %add3A_460 : i32 to vector<16xi32>
          %gather3A_464 = tpu.vector_load_idx %arg9[%broadcast_in_dim3A_462, %broadcast_in_dim3A_463] : memref<3x128xi32, #tpu.memory_space<vmem>>[vector<16xi32>, vector<16xi32>], vector<16xi32>,
          %bitcast3A_465 = vector.bitcast %gather3A_464 : vector<16xi32> to vector<16xf32>
          %get3A_466 = arith.index_cast %add3A_460 : i32 to index
          %get3A_467 = arith.constant 0 : index
          %get3A_468 = tpu.vector_load %arg13[%get3A_466, %get3A_467] {strides = array<i32>} : memref<128x64xf32, #tpu.memory_space<vmem>>, vector<16xf32>,
          %mul3A_469 = arith.mulf %get3A_468, %bitcast3A_465 : vector<16xf32>
          %swap3A_470 = arith.index_cast %add3A_460 : i32 to index
          %swap3A_471 = arith.constant 0 : index
          %swap3A_472 = tpu.vector_load %arg13[%swap3A_470, %swap3A_471] {strides = array<i32>} : memref<128x64xf32, #tpu.memory_space<vmem>>, vector<16xf32>,
          tpu.vector_store %arg13[%swap3A_470, %swap3A_471], %mul3A_469 {strides = array<i32>} : memref<128x64xf32, #tpu.memory_space<vmem>>, vector<16xf32>,
          %get3A_473 = arith.index_cast %add3A_460 : i32 to index
          %get3A_474 = arith.constant 16 : index
          %get3A_475 = tpu.vector_load %arg13[%get3A_473, %get3A_474] {strides = array<i32>} : memref<128x64xf32, #tpu.memory_space<vmem>>, vector<16xf32>,
          %mul3A_476 = arith.mulf %get3A_475, %bitcast3A_465 : vector<16xf32>
          %swap3A_477 = arith.index_cast %add3A_460 : i32 to index
          %swap3A_478 = arith.constant 16 : index
          %swap3A_479 = tpu.vector_load %arg13[%swap3A_477, %swap3A_478] {strides = array<i32>} : memref<128x64xf32, #tpu.memory_space<vmem>>, vector<16xf32>,
          tpu.vector_store %arg13[%swap3A_477, %swap3A_478], %mul3A_476 {strides = array<i32>} : memref<128x64xf32, #tpu.memory_space<vmem>>, vector<16xf32>,
          %get3A_480 = arith.index_cast %add3A_460 : i32 to index
          %get3A_481 = arith.constant 32 : index
          %get3A_482 = tpu.vector_load %arg13[%get3A_480, %get3A_481] {strides = array<i32>} : memref<128x64xf32, #tpu.memory_space<vmem>>, vector<16xf32>,
          %mul3A_483 = arith.mulf %get3A_482, %bitcast3A_465 : vector<16xf32>
          %swap3A_484 = arith.index_cast %add3A_460 : i32 to index
          %swap3A_485 = arith.constant 32 : index
          %swap3A_486 = tpu.vector_load %arg13[%swap3A_484, %swap3A_485] {strides = array<i32>} : memref<128x64xf32, #tpu.memory_space<vmem>>, vector<16xf32>,
          tpu.vector_store %arg13[%swap3A_484, %swap3A_485], %mul3A_483 {strides = array<i32>} : memref<128x64xf32, #tpu.memory_space<vmem>>, vector<16xf32>,
          %get3A_487 = arith.index_cast %add3A_460 : i32 to index
          %get3A_488 = arith.constant 48 : index
          %get3A_489 = tpu.vector_load %arg13[%get3A_487, %get3A_488] {strides = array<i32>} : memref<128x64xf32, #tpu.memory_space<vmem>>, vector<16xf32>,
          %mul3A_490 = arith.mulf %get3A_489, %bitcast3A_465 : vector<16xf32>
          %swap3A_491 = arith.index_cast %add3A_460 : i32 to index
          %swap3A_492 = arith.constant 48 : index
          %swap3A_493 = tpu.vector_load %arg13[%swap3A_491, %swap3A_492] {strides = array<i32>} : memref<128x64xf32, #tpu.memory_space<vmem>>, vector<16xf32>,
          tpu.vector_store %arg13[%swap3A_491, %swap3A_492], %mul3A_490 {strides = array<i32>} : memref<128x64xf32, #tpu.memory_space<vmem>>, vector<16xf32>,
          %scan3A_494 = arith.constant 2 : i32
          %scan3A_495 = arith.addi %scan3A_420, %scan3A_494 : i32
          %mul3A_496 = arith.constant 1 : i32
          %mul3A_497 = arith.muli %scan3A_495, %mul3A_496 : i32
          %add3A_498 = arith.constant 0 : i32
          %add3A_499 = arith.addi %add3A_498, %mul3A_497 : i32
          %broadcast_in_dim3A_500 = arith.constant 2 : i32
          %broadcast_in_dim3A_501 = vector.broadcast %broadcast_in_dim3A_500 : i32 to vector<16xi32>
          %broadcast_in_dim3A_502 = vector.broadcast %add3A_499 : i32 to vector<16xi32>
          %gather3A_503 = tpu.vector_load_idx %arg9[%broadcast_in_dim3A_501, %broadcast_in_dim3A_502] : memref<3x128xi32, #tpu.memory_space<vmem>>[vector<16xi32>, vector<16xi32>], vector<16xi32>,
          %bitcast3A_504 = vector.bitcast %gather3A_503 : vector<16xi32> to vector<16xf32>
          %get3A_505 = arith.index_cast %add3A_499 : i32 to index
          %get3A_506 = arith.constant 0 : index
          %get3A_507 = tpu.vector_load %arg13[%get3A_505, %get3A_506] {strides = array<i32>} : memref<128x64xf32, #tpu.memory_space<vmem>>, vector<16xf32>,
          %mul3A_508 = arith.mulf %get3A_507, %bitcast3A_504 : vector<16xf32>
          %swap3A_509 = arith.index_cast %add3A_499 : i32 to index
          %swap3A_510 = arith.constant 0 : index
          %swap3A_511 = tpu.vector_load %arg13[%swap3A_509, %swap3A_510] {strides = array<i32>} : memref<128x64xf32, #tpu.memory_space<vmem>>, vector<16xf32>,
          tpu.vector_store %arg13[%swap3A_509, %swap3A_510], %mul3A_508 {strides = array<i32>} : memref<128x64xf32, #tpu.memory_space<vmem>>, vector<16xf32>,
          %get3A_512 = arith.index_cast %add3A_499 : i32 to index
          %get3A_513 = arith.constant 16 : index
          %get3A_514 = tpu.vector_load %arg13[%get3A_512, %get3A_513] {strides = array<i32>} : memref<128x64xf32, #tpu.memory_space<vmem>>, vector<16xf32>,
          %mul3A_515 = arith.mulf %get3A_514, %bitcast3A_504 : vector<16xf32>
          %swap3A_516 = arith.index_cast %add3A_499 : i32 to index
          %swap3A_517 = arith.constant 16 : index
          %swap3A_518 = tpu.vector_load %arg13[%swap3A_516, %swap3A_517] {strides = array<i32>} : memref<128x64xf32, #tpu.memory_space<vmem>>, vector<16xf32>,
          tpu.vector_store %arg13[%swap3A_516, %swap3A_517], %mul3A_515 {strides = array<i32>} : memref<128x64xf32, #tpu.memory_space<vmem>>, vector<16xf32>,
          %get3A_519 = arith.index_cast %add3A_499 : i32 to index
          %get3A_520 = arith.constant 32 : index
          %get3A_521 = tpu.vector_load %arg13[%get3A_519, %get3A_520] {strides = array<i32>} : memref<128x64xf32, #tpu.memory_space<vmem>>, vector<16xf32>,
          %mul3A_522 = arith.mulf %get3A_521, %bitcast3A_504 : vector<16xf32>
          %swap3A_523 = arith.index_cast %add3A_499 : i32 to index
          %swap3A_524 = arith.constant 32 : index
          %swap3A_525 = tpu.vector_load %arg13[%swap3A_523, %swap3A_524] {strides = array<i32>} : memref<128x64xf32, #tpu.memory_space<vmem>>, vector<16xf32>,
          tpu.vector_store %arg13[%swap3A_523, %swap3A_524], %mul3A_522 {strides = array<i32>} : memref<128x64xf32, #tpu.memory_space<vmem>>, vector<16xf32>,
          %get3A_526 = arith.index_cast %add3A_499 : i32 to index
          %get3A_527 = arith.constant 48 : index
          %get3A_528 = tpu.vector_load %arg13[%get3A_526, %get3A_527] {strides = array<i32>} : memref<128x64xf32, #tpu.memory_space<vmem>>, vector<16xf32>,
          %mul3A_529 = arith.mulf %get3A_528, %bitcast3A_504 : vector<16xf32>
          %swap3A_530 = arith.index_cast %add3A_499 : i32 to index
          %swap3A_531 = arith.constant 48 : index
          %swap3A_532 = tpu.vector_load %arg13[%swap3A_530, %swap3A_531] {strides = array<i32>} : memref<128x64xf32, #tpu.memory_space<vmem>>, vector<16xf32>,
          tpu.vector_store %arg13[%swap3A_530, %swap3A_531], %mul3A_529 {strides = array<i32>} : memref<128x64xf32, #tpu.memory_space<vmem>>, vector<16xf32>,
          %scan3A_533 = arith.constant 3 : i32
          %scan3A_534 = arith.addi %scan3A_420, %scan3A_533 : i32
          %mul3A_535 = arith.constant 1 : i32
          %mul3A_536 = arith.muli %scan3A_534, %mul3A_535 : i32
          %add3A_537 = arith.constant 0 : i32
          %add3A_538 = arith.addi %add3A_537, %mul3A_536 : i32
          %broadcast_in_dim3A_539 = arith.constant 2 : i32
          %broadcast_in_dim3A_540 = vector.broadcast %broadcast_in_dim3A_539 : i32 to vector<16xi32>
          %broadcast_in_dim3A_541 = vector.broadcast %add3A_538 : i32 to vector<16xi32>
          %gather3A_542 = tpu.vector_load_idx %arg9[%broadcast_in_dim3A_540, %broadcast_in_dim3A_541] : memref<3x128xi32, #tpu.memory_space<vmem>>[vector<16xi32>, vector<16xi32>], vector<16xi32>,
          %bitcast3A_543 = vector.bitcast %gather3A_542 : vector<16xi32> to vector<16xf32>
          %get3A_544 = arith.index_cast %add3A_538 : i32 to index
          %get3A_545 = arith.constant 0 : index
          %get3A_546 = tpu.vector_load %arg13[%get3A_544, %get3A_545] {strides = array<i32>} : memref<128x64xf32, #tpu.memory_space<vmem>>, vector<16xf32>,
          %mul3A_547 = arith.mulf %get3A_546, %bitcast3A_543 : vector<16xf32>
          %swap3A_548 = arith.index_cast %add3A_538 : i32 to index
          %swap3A_549 = arith.constant 0 : index
          %swap3A_550 = tpu.vector_load %arg13[%swap3A_548, %swap3A_549] {strides = array<i32>} : memref<128x64xf32, #tpu.memory_space<vmem>>, vector<16xf32>,
          tpu.vector_store %arg13[%swap3A_548, %swap3A_549], %mul3A_547 {strides = array<i32>} : memref<128x64xf32, #tpu.memory_space<vmem>>, vector<16xf32>,
          %get3A_551 = arith.index_cast %add3A_538 : i32 to index
          %get3A_552 = arith.constant 16 : index
          %get3A_553 = tpu.vector_load %arg13[%get3A_551, %get3A_552] {strides = array<i32>} : memref<128x64xf32, #tpu.memory_space<vmem>>, vector<16xf32>,
          %mul3A_554 = arith.mulf %get3A_553, %bitcast3A_543 : vector<16xf32>
          %swap3A_555 = arith.index_cast %add3A_538 : i32 to index
          %swap3A_556 = arith.constant 16 : index
          %swap3A_557 = tpu.vector_load %arg13[%swap3A_555, %swap3A_556] {strides = array<i32>} : memref<128x64xf32, #tpu.memory_space<vmem>>, vector<16xf32>,
          tpu.vector_store %arg13[%swap3A_555, %swap3A_556], %mul3A_554 {strides = array<i32>} : memref<128x64xf32, #tpu.memory_space<vmem>>, vector<16xf32>,
          %get3A_558 = arith.index_cast %add3A_538 : i32 to index
          %get3A_559 = arith.constant 32 : index
          %get3A_560 = tpu.vector_load %arg13[%get3A_558, %get3A_559] {strides = array<i32>} : memref<128x64xf32, #tpu.memory_space<vmem>>, vector<16xf32>,
          %mul3A_561 = arith.mulf %get3A_560, %bitcast3A_543 : vector<16xf32>
          %swap3A_562 = arith.index_cast %add3A_538 : i32 to index
          %swap3A_563 = arith.constant 32 : index
          %swap3A_564 = tpu.vector_load %arg13[%swap3A_562, %swap3A_563] {strides = array<i32>} : memref<128x64xf32, #tpu.memory_space<vmem>>, vector<16xf32>,
          tpu.vector_store %arg13[%swap3A_562, %swap3A_563], %mul3A_561 {strides = array<i32>} : memref<128x64xf32, #tpu.memory_space<vmem>>, vector<16xf32>,
          %get3A_565 = arith.index_cast %add3A_538 : i32 to index
          %get3A_566 = arith.constant 48 : index
          %get3A_567 = tpu.vector_load %arg13[%get3A_565, %get3A_566] {strides = array<i32>} : memref<128x64xf32, #tpu.memory_space<vmem>>, vector<16xf32>,
          %mul3A_568 = arith.mulf %get3A_567, %bitcast3A_543 : vector<16xf32>
          %swap3A_569 = arith.index_cast %add3A_538 : i32 to index
          %swap3A_570 = arith.constant 48 : index
          %swap3A_571 = tpu.vector_load %arg13[%swap3A_569, %swap3A_570] {strides = array<i32>} : memref<128x64xf32, #tpu.memory_space<vmem>>, vector<16xf32>,
          tpu.vector_store %arg13[%swap3A_569, %swap3A_570], %mul3A_568 {strides = array<i32>} : memref<128x64xf32, #tpu.memory_space<vmem>>, vector<16xf32>,
        }
        %scan3A_272 = arith.constant 128 : i32
        %dma_start3A_273 = arith.constant 0 : i32
        %dma_start3A_274 = arith.constant 0 : i32
        %dma_start3A_275 = tpu.memref_slice %arg7[%dma_start3A_273, %dma_start3A_274] : memref<10000x64xf32, #tpu.memory_space<vmem_shared>> -> memref<10000x64xf32, #tpu.memory_space<vmem_shared>>
        tpu.enqueue_indirect_dma source(%arg13 : memref<128x64xf32, #tpu.memory_space<vmem>>) target(%dma_start3A_275 : memref<10000x64xf32, #tpu.memory_space<vmem_shared>>) offsets(%arg17 : memref<128xi32, #tpu.memory_space<vmem>>) semaphore(%arg29 : memref<!tpu.dma_semaphore, #tpu.memory_space<semaphore_mem>>) {add = true}
        %add3A_276 = arith.constant 2 : i32
        %add3A_277 = arith.addi %mul3A_136, %add3A_276 : i32
        %add3A_278 = arith.constant 1 : i32
        %add3A_279 = arith.addi %add3A_277, %add3A_278 : i32
        %lt3A_280 = arith.constant 160 : i32
        %lt3A_281 = arith.cmpi slt, %add3A_279, %lt3A_280 : i32
        %convert_element_type3A_282 = arith.extui %lt3A_281 : i1 to i32
        %cond3A_283 = arith.constant 0 : i32
        %cond3A_284 = arith.cmpi ne, %convert_element_type3A_282, %cond3A_283 : i32
        scf.if %cond3A_284 {
          %dma_wait3A_420 = arith.constant 0 : i32
          %dma_wait3A_421 = arith.constant 0 : i32
          %dma_wait3A_422 = arith.constant 0 : i32
          %dma_wait3A_423 = tpu.memref_slice %arg4[%arg1, %dma_wait3A_420, %dma_wait3A_421, %dma_wait3A_422] : memref<16x160x3x128xi32, #tpu.memory_space<hbm>> -> memref<1x1x3x128xi32, #tpu.memory_space<hbm>>
          %dma_wait3A_424 = tpu.memref_squeeze %dma_wait3A_423 : memref<1x1x3x128xi32, #tpu.memory_space<hbm>> -> memref<3x128xi32, #tpu.memory_space<hbm>>
          %dma_wait3A_425 = arith.constant 0 : i32
          %dma_wait3A_426 = arith.constant 0 : i32
          %dma_wait3A_427 = tpu.memref_slice %arg4[%arg1, %dma_wait3A_420, %dma_wait3A_425, %dma_wait3A_426] : memref<16x160x3x128xi32, #tpu.memory_space<hbm>> -> memref<1x1x3x128xi32, #tpu.memory_space<hbm>>
          %dma_wait3A_428 = tpu.memref_squeeze %dma_wait3A_427 : memref<1x1x3x128xi32, #tpu.memory_space<hbm>> -> memref<3x128xi32, #tpu.memory_space<hbm>>
          tpu.wait_dma2 semaphore(%arg23 : memref<!tpu.dma_semaphore, #tpu.memory_space<semaphore_mem>>) src(%dma_wait3A_428 : memref<3x128xi32, #tpu.memory_space<hbm>>) dst(%arg11 : memref<3x128xi32, #tpu.memory_space<vmem>>)
          %ge3A = arith.constant 3 : i32
          %ge3A_429 = arith.cmpi sge, %add3A_277, %ge3A : i32
          %convert_element_type3A_430 = arith.extui %ge3A_429 : i1 to i32
          %cond3A_431 = arith.constant 0 : i32
          %cond3A_432 = arith.cmpi ne, %convert_element_type3A_430, %cond3A_431 : i32
          scf.if %cond3A_432 {
            %dma_wait3A_447 = arith.constant 0 : i32
            %dma_wait3A_448 = arith.constant 0 : i32
            %dma_wait3A_449 = tpu.memref_slice %arg7[%dma_wait3A_447, %dma_wait3A_448] : memref<10000x64xf32, #tpu.memory_space<vmem_shared>> -> memref<10000x64xf32, #tpu.memory_space<vmem_shared>>
            tpu.wait_indirect_dma semaphore(%arg31 : memref<!tpu.dma_semaphore, #tpu.memory_space<semaphore_mem>>) src(%arg15 : memref<128x64xf32, #tpu.memory_space<vmem>>) dst(%dma_wait3A_449 : memref<10000x64xf32, #tpu.memory_space<vmem_shared>>)
          } else {
          }
          %dma_start3A_433 = arith.constant 0 : i32
          %dma_start3A_434 = arith.constant 0 : i32
          %dma_start3A_435 = tpu.memref_slice %arg11[%dma_start3A_433, %dma_start3A_434] : memref<3x128xi32, #tpu.memory_space<vmem>> -> memref<1x128xi32, #tpu.memory_space<vmem>>
          %dma_start3A_436 = tpu.memref_squeeze %dma_start3A_435 : memref<1x128xi32, #tpu.memory_space<vmem>> -> memref<128xi32, #tpu.memory_space<vmem>>
          %dma_start3A_437 = arith.constant 0 : i32
          %dma_start3A_438 = arith.constant 0 : i32
          %dma_start3A_439 = tpu.memref_slice %arg6[%dma_start3A_437, %dma_start3A_438] : memref<10000x64xf32, #tpu.memory_space<vmem_shared>> -> memref<10000x64xf32, #tpu.memory_space<vmem_shared>>
          tpu.enqueue_indirect_dma source(%dma_start3A_439 : memref<10000x64xf32, #tpu.memory_space<vmem_shared>>) target(%arg15 : memref<128x64xf32, #tpu.memory_space<vmem>>) offsets(%dma_start3A_436 : memref<128xi32, #tpu.memory_space<vmem>>) semaphore(%arg27 : memref<!tpu.dma_semaphore, #tpu.memory_space<semaphore_mem>>)
          %add3A_440 = arith.constant 3 : i32
          %add3A_441 = arith.addi %add3A_277, %add3A_440 : i32
          %lt3A_442 = arith.constant 160 : i32
          %lt3A_443 = arith.cmpi slt, %add3A_441, %lt3A_442 : i32
          %convert_element_type3A_444 = arith.extui %lt3A_443 : i1 to i32
          %cond3A_445 = arith.constant 0 : i32
          %cond3A_446 = arith.cmpi ne, %convert_element_type3A_444, %cond3A_445 : i32
          scf.if %cond3A_446 {
            %add3A_447 = arith.constant 3 : i32
            %add3A_448 = arith.addi %add3A_277, %add3A_447 : i32
            %dma_start3A_449 = arith.constant 0 : i32
            %dma_start3A_450 = arith.constant 0 : i32
            %dma_start3A_451 = tpu.memref_slice %arg4[%arg1, %add3A_448, %dma_start3A_449, %dma_start3A_450] : memref<16x160x3x128xi32, #tpu.memory_space<hbm>> -> memref<1x1x3x128xi32, #tpu.memory_space<hbm>>
            %dma_start3A_452 = tpu.memref_squeeze %dma_start3A_451 : memref<1x1x3x128xi32, #tpu.memory_space<hbm>> -> memref<3x128xi32, #tpu.memory_space<hbm>>
            %dma_start3A_453 = arith.constant 0 : i32
            %dma_start3A_454 = arith.constant 0 : i32
            %dma_start3A_455 = tpu.memref_slice %arg4[%arg1, %add3A_448, %dma_start3A_453, %dma_start3A_454] : memref<16x160x3x128xi32, #tpu.memory_space<hbm>> -> memref<1x1x3x128xi32, #tpu.memory_space<hbm>>
            %dma_start3A_456 = tpu.memref_squeeze %dma_start3A_455 : memref<1x1x3x128xi32, #tpu.memory_space<hbm>> -> memref<3x128xi32, #tpu.memory_space<hbm>>
            tpu.enqueue_dma source(%dma_start3A_456 : memref<3x128xi32, #tpu.memory_space<hbm>>) target(%arg9 : memref<3x128xi32, #tpu.memory_space<vmem>>) target_semaphore(%arg21 : memref<!tpu.dma_semaphore, #tpu.memory_space<semaphore_mem>>)
          } else {
          }
        } else {
        }
        %dma_wait3A_285 = arith.constant 0 : i32
        %dma_wait3A_286 = arith.constant 0 : i32
        %dma_wait3A_287 = tpu.memref_slice %arg10[%dma_wait3A_285, %dma_wait3A_286] : memref<3x128xi32, #tpu.memory_space<vmem>> -> memref<1x128xi32, #tpu.memory_space<vmem>>
        %dma_wait3A_288 = tpu.memref_squeeze %dma_wait3A_287 : memref<1x128xi32, #tpu.memory_space<vmem>> -> memref<128xi32, #tpu.memory_space<vmem>>
        %dma_wait3A_289 = arith.constant 0 : i32
        %dma_wait3A_290 = arith.constant 0 : i32
        %dma_wait3A_291 = tpu.memref_slice %arg6[%dma_wait3A_289, %dma_wait3A_290] : memref<10000x64xf32, #tpu.memory_space<vmem_shared>> -> memref<10000x64xf32, #tpu.memory_space<vmem_shared>>
        tpu.wait_indirect_dma semaphore(%arg26 : memref<!tpu.dma_semaphore, #tpu.memory_space<semaphore_mem>>) src(%dma_wait3A_291 : memref<10000x64xf32, #tpu.memory_space<vmem_shared>>) dst(%arg14 : memref<128x64xf32, #tpu.memory_space<vmem>>)
        %get3A_292 = arith.constant 1 : i32
        %get3A_293 = arith.index_cast %get3A_292 : i32 to index
        %get3A_294 = arith.constant 0 : index
        %get3A_295 = tpu.vector_load %arg10[%get3A_293, %get3A_294] {strides = array<i32>} : memref<3x128xi32, #tpu.memory_space<vmem>>, vector<16xi32>,
        %swap3A_296 = arith.constant 0 : index
        %swap3A_297 = tpu.vector_load %arg18[%swap3A_296] {strides = array<i32>} : memref<128xi32, #tpu.memory_space<vmem>>, vector<16xi32>,
        tpu.vector_store %arg18[%swap3A_296], %get3A_295 {strides = array<i32>} : memref<128xi32, #tpu.memory_space<vmem>>, vector<16xi32>,
        %get3A_298 = arith.constant 1 : i32
        %get3A_299 = arith.index_cast %get3A_298 : i32 to index
        %get3A_300 = arith.constant 16 : index
        %get3A_301 = tpu.vector_load %arg10[%get3A_299, %get3A_300] {strides = array<i32>} : memref<3x128xi32, #tpu.memory_space<vmem>>, vector<16xi32>,
        %swap3A_302 = arith.constant 16 : index
        %swap3A_303 = tpu.vector_load %arg18[%swap3A_302] {strides = array<i32>} : memref<128xi32, #tpu.memory_space<vmem>>, vector<16xi32>,
        tpu.vector_store %arg18[%swap3A_302], %get3A_301 {strides = array<i32>} : memref<128xi32, #tpu.memory_space<vmem>>, vector<16xi32>,
        %get3A_304 = arith.constant 1 : i32
        %get3A_305 = arith.index_cast %get3A_304 : i32 to index
        %get3A_306 = arith.constant 32 : index
        %get3A_307 = tpu.vector_load %arg10[%get3A_305, %get3A_306] {strides = array<i32>} : memref<3x128xi32, #tpu.memory_space<vmem>>, vector<16xi32>,
        %swap3A_308 = arith.constant 32 : index
        %swap3A_309 = tpu.vector_load %arg18[%swap3A_308] {strides = array<i32>} : memref<128xi32, #tpu.memory_space<vmem>>, vector<16xi32>,
        tpu.vector_store %arg18[%swap3A_308], %get3A_307 {strides = array<i32>} : memref<128xi32, #tpu.memory_space<vmem>>, vector<16xi32>,
        %get3A_310 = arith.constant 1 : i32
        %get3A_311 = arith.index_cast %get3A_310 : i32 to index
        %get3A_312 = arith.constant 48 : index
        %get3A_313 = tpu.vector_load %arg10[%get3A_311, %get3A_312] {strides = array<i32>} : memref<3x128xi32, #tpu.memory_space<vmem>>, vector<16xi32>,
        %swap3A_314 = arith.constant 48 : index
        %swap3A_315 = tpu.vector_load %arg18[%swap3A_314] {strides = array<i32>} : memref<128xi32, #tpu.memory_space<vmem>>, vector<16xi32>,
        tpu.vector_store %arg18[%swap3A_314], %get3A_313 {strides = array<i32>} : memref<128xi32, #tpu.memory_space<vmem>>, vector<16xi32>,
        %get3A_316 = arith.constant 1 : i32
        %get3A_317 = arith.index_cast %get3A_316 : i32 to index
        %get3A_318 = arith.constant 64 : index
        %get3A_319 = tpu.vector_load %arg10[%get3A_317, %get3A_318] {strides = array<i32>} : memref<3x128xi32, #tpu.memory_space<vmem>>, vector<16xi32>,
        %swap3A_320 = arith.constant 64 : index
        %swap3A_321 = tpu.vector_load %arg18[%swap3A_320] {strides = array<i32>} : memref<128xi32, #tpu.memory_space<vmem>>, vector<16xi32>,
        tpu.vector_store %arg18[%swap3A_320], %get3A_319 {strides = array<i32>} : memref<128xi32, #tpu.memory_space<vmem>>, vector<16xi32>,
        %get3A_322 = arith.constant 1 : i32
        %get3A_323 = arith.index_cast %get3A_322 : i32 to index
        %get3A_324 = arith.constant 80 : index
        %get3A_325 = tpu.vector_load %arg10[%get3A_323, %get3A_324] {strides = array<i32>} : memref<3x128xi32, #tpu.memory_space<vmem>>, vector<16xi32>,
        %swap3A_326 = arith.constant 80 : index
        %swap3A_327 = tpu.vector_load %arg18[%swap3A_326] {strides = array<i32>} : memref<128xi32, #tpu.memory_space<vmem>>, vector<16xi32>,
        tpu.vector_store %arg18[%swap3A_326], %get3A_325 {strides = array<i32>} : memref<128xi32, #tpu.memory_space<vmem>>, vector<16xi32>,
        %get3A_328 = arith.constant 1 : i32
        %get3A_329 = arith.index_cast %get3A_328 : i32 to index
        %get3A_330 = arith.constant 96 : index
        %get3A_331 = tpu.vector_load %arg10[%get3A_329, %get3A_330] {strides = array<i32>} : memref<3x128xi32, #tpu.memory_space<vmem>>, vector<16xi32>,
        %swap3A_332 = arith.constant 96 : index
        %swap3A_333 = tpu.vector_load %arg18[%swap3A_332] {strides = array<i32>} : memref<128xi32, #tpu.memory_space<vmem>>, vector<16xi32>,
        tpu.vector_store %arg18[%swap3A_332], %get3A_331 {strides = array<i32>} : memref<128xi32, #tpu.memory_space<vmem>>, vector<16xi32>,
        %get3A_334 = arith.constant 1 : i32
        %get3A_335 = arith.index_cast %get3A_334 : i32 to index
        %get3A_336 = arith.constant 112 : index
        %get3A_337 = tpu.vector_load %arg10[%get3A_335, %get3A_336] {strides = array<i32>} : memref<3x128xi32, #tpu.memory_space<vmem>>, vector<16xi32>,
        %swap3A_338 = arith.constant 112 : index
        %swap3A_339 = tpu.vector_load %arg18[%swap3A_338] {strides = array<i32>} : memref<128xi32, #tpu.memory_space<vmem>>, vector<16xi32>,
        tpu.vector_store %arg18[%swap3A_338], %get3A_337 {strides = array<i32>} : memref<128xi32, #tpu.memory_space<vmem>>, vector<16xi32>,
        %scan3A_340 = arith.constant 0 : i32
        %scan3A_341 = arith.constant 128 : i32
        %scan3A_342 = arith.addi %scan3A_340, %scan3A_341 : i32
        %scan3A_343 = arith.constant 4 : i32
        scf.for %scan3A_420 = %scan3A_340 to %scan3A_342 step %scan3A_343  : i32 {
          %mul3A_421 = arith.constant 1 : i32
          %mul3A_422 = arith.muli %scan3A_420, %mul3A_421 : i32
          %add3A_423 = arith.constant 0 : i32
          %add3A_424 = arith.addi %add3A_423, %mul3A_422 : i32
          %broadcast_in_dim3A = arith.constant 2 : i32
          %broadcast_in_dim3A_425 = vector.broadcast %broadcast_in_dim3A : i32 to vector<16xi32>
          %broadcast_in_dim3A_426 = vector.broadcast %add3A_424 : i32 to vector<16xi32>
          %gather3A = tpu.vector_load_idx %arg10[%broadcast_in_dim3A_425, %broadcast_in_dim3A_426] : memref<3x128xi32, #tpu.memory_space<vmem>>[vector<16xi32>, vector<16xi32>], vector<16xi32>,
          %bitcast3A = vector.bitcast %gather3A : vector<16xi32> to vector<16xf32>
          %get3A_427 = arith.index_cast %add3A_424 : i32 to index
          %get3A_428 = arith.constant 0 : index
          %get3A_429 = tpu.vector_load %arg14[%get3A_427, %get3A_428] {strides = array<i32>} : memref<128x64xf32, #tpu.memory_space<vmem>>, vector<16xf32>,
          %mul3A_430 = arith.mulf %get3A_429, %bitcast3A : vector<16xf32>
          %swap3A_431 = arith.index_cast %add3A_424 : i32 to index
          %swap3A_432 = arith.constant 0 : index
          %swap3A_433 = tpu.vector_load %arg14[%swap3A_431, %swap3A_432] {strides = array<i32>} : memref<128x64xf32, #tpu.memory_space<vmem>>, vector<16xf32>,
          tpu.vector_store %arg14[%swap3A_431, %swap3A_432], %mul3A_430 {strides = array<i32>} : memref<128x64xf32, #tpu.memory_space<vmem>>, vector<16xf32>,
          %get3A_434 = arith.index_cast %add3A_424 : i32 to index
          %get3A_435 = arith.constant 16 : index
          %get3A_436 = tpu.vector_load %arg14[%get3A_434, %get3A_435] {strides = array<i32>} : memref<128x64xf32, #tpu.memory_space<vmem>>, vector<16xf32>,
          %mul3A_437 = arith.mulf %get3A_436, %bitcast3A : vector<16xf32>
          %swap3A_438 = arith.index_cast %add3A_424 : i32 to index
          %swap3A_439 = arith.constant 16 : index
          %swap3A_440 = tpu.vector_load %arg14[%swap3A_438, %swap3A_439] {strides = array<i32>} : memref<128x64xf32, #tpu.memory_space<vmem>>, vector<16xf32>,
          tpu.vector_store %arg14[%swap3A_438, %swap3A_439], %mul3A_437 {strides = array<i32>} : memref<128x64xf32, #tpu.memory_space<vmem>>, vector<16xf32>,
          %get3A_441 = arith.index_cast %add3A_424 : i32 to index
          %get3A_442 = arith.constant 32 : index
          %get3A_443 = tpu.vector_load %arg14[%get3A_441, %get3A_442] {strides = array<i32>} : memref<128x64xf32, #tpu.memory_space<vmem>>, vector<16xf32>,
          %mul3A_444 = arith.mulf %get3A_443, %bitcast3A : vector<16xf32>
          %swap3A_445 = arith.index_cast %add3A_424 : i32 to index
          %swap3A_446 = arith.constant 32 : index
          %swap3A_447 = tpu.vector_load %arg14[%swap3A_445, %swap3A_446] {strides = array<i32>} : memref<128x64xf32, #tpu.memory_space<vmem>>, vector<16xf32>,
          tpu.vector_store %arg14[%swap3A_445, %swap3A_446], %mul3A_444 {strides = array<i32>} : memref<128x64xf32, #tpu.memory_space<vmem>>, vector<16xf32>,
          %get3A_448 = arith.index_cast %add3A_424 : i32 to index
          %get3A_449 = arith.constant 48 : index
          %get3A_450 = tpu.vector_load %arg14[%get3A_448, %get3A_449] {strides = array<i32>} : memref<128x64xf32, #tpu.memory_space<vmem>>, vector<16xf32>,
          %mul3A_451 = arith.mulf %get3A_450, %bitcast3A : vector<16xf32>
          %swap3A_452 = arith.index_cast %add3A_424 : i32 to index
          %swap3A_453 = arith.constant 48 : index
          %swap3A_454 = tpu.vector_load %arg14[%swap3A_452, %swap3A_453] {strides = array<i32>} : memref<128x64xf32, #tpu.memory_space<vmem>>, vector<16xf32>,
          tpu.vector_store %arg14[%swap3A_452, %swap3A_453], %mul3A_451 {strides = array<i32>} : memref<128x64xf32, #tpu.memory_space<vmem>>, vector<16xf32>,
          %scan3A_455 = arith.constant 1 : i32
          %scan3A_456 = arith.addi %scan3A_420, %scan3A_455 : i32
          %mul3A_457 = arith.constant 1 : i32
          %mul3A_458 = arith.muli %scan3A_456, %mul3A_457 : i32
          %add3A_459 = arith.constant 0 : i32
          %add3A_460 = arith.addi %add3A_459, %mul3A_458 : i32
          %broadcast_in_dim3A_461 = arith.constant 2 : i32
          %broadcast_in_dim3A_462 = vector.broadcast %broadcast_in_dim3A_461 : i32 to vector<16xi32>
          %broadcast_in_dim3A_463 = vector.broadcast %add3A_460 : i32 to vector<16xi32>
          %gather3A_464 = tpu.vector_load_idx %arg10[%broadcast_in_dim3A_462, %broadcast_in_dim3A_463] : memref<3x128xi32, #tpu.memory_space<vmem>>[vector<16xi32>, vector<16xi32>], vector<16xi32>,
          %bitcast3A_465 = vector.bitcast %gather3A_464 : vector<16xi32> to vector<16xf32>
          %get3A_466 = arith.index_cast %add3A_460 : i32 to index
          %get3A_467 = arith.constant 0 : index
          %get3A_468 = tpu.vector_load %arg14[%get3A_466, %get3A_467] {strides = array<i32>} : memref<128x64xf32, #tpu.memory_space<vmem>>, vector<16xf32>,
          %mul3A_469 = arith.mulf %get3A_468, %bitcast3A_465 : vector<16xf32>
          %swap3A_470 = arith.index_cast %add3A_460 : i32 to index
          %swap3A_471 = arith.constant 0 : index
          %swap3A_472 = tpu.vector_load %arg14[%swap3A_470, %swap3A_471] {strides = array<i32>} : memref<128x64xf32, #tpu.memory_space<vmem>>, vector<16xf32>,
          tpu.vector_store %arg14[%swap3A_470, %swap3A_471], %mul3A_469 {strides = array<i32>} : memref<128x64xf32, #tpu.memory_space<vmem>>, vector<16xf32>,
          %get3A_473 = arith.index_cast %add3A_460 : i32 to index
          %get3A_474 = arith.constant 16 : index
          %get3A_475 = tpu.vector_load %arg14[%get3A_473, %get3A_474] {strides = array<i32>} : memref<128x64xf32, #tpu.memory_space<vmem>>, vector<16xf32>,
          %mul3A_476 = arith.mulf %get3A_475, %bitcast3A_465 : vector<16xf32>
          %swap3A_477 = arith.index_cast %add3A_460 : i32 to index
          %swap3A_478 = arith.constant 16 : index
          %swap3A_479 = tpu.vector_load %arg14[%swap3A_477, %swap3A_478] {strides = array<i32>} : memref<128x64xf32, #tpu.memory_space<vmem>>, vector<16xf32>,
          tpu.vector_store %arg14[%swap3A_477, %swap3A_478], %mul3A_476 {strides = array<i32>} : memref<128x64xf32, #tpu.memory_space<vmem>>, vector<16xf32>,
          %get3A_480 = arith.index_cast %add3A_460 : i32 to index
          %get3A_481 = arith.constant 32 : index
          %get3A_482 = tpu.vector_load %arg14[%get3A_480, %get3A_481] {strides = array<i32>} : memref<128x64xf32, #tpu.memory_space<vmem>>, vector<16xf32>,
          %mul3A_483 = arith.mulf %get3A_482, %bitcast3A_465 : vector<16xf32>
          %swap3A_484 = arith.index_cast %add3A_460 : i32 to index
          %swap3A_485 = arith.constant 32 : index
          %swap3A_486 = tpu.vector_load %arg14[%swap3A_484, %swap3A_485] {strides = array<i32>} : memref<128x64xf32, #tpu.memory_space<vmem>>, vector<16xf32>,
          tpu.vector_store %arg14[%swap3A_484, %swap3A_485], %mul3A_483 {strides = array<i32>} : memref<128x64xf32, #tpu.memory_space<vmem>>, vector<16xf32>,
          %get3A_487 = arith.index_cast %add3A_460 : i32 to index
          %get3A_488 = arith.constant 48 : index
          %get3A_489 = tpu.vector_load %arg14[%get3A_487, %get3A_488] {strides = array<i32>} : memref<128x64xf32, #tpu.memory_space<vmem>>, vector<16xf32>,
          %mul3A_490 = arith.mulf %get3A_489, %bitcast3A_465 : vector<16xf32>
          %swap3A_491 = arith.index_cast %add3A_460 : i32 to index
          %swap3A_492 = arith.constant 48 : index
          %swap3A_493 = tpu.vector_load %arg14[%swap3A_491, %swap3A_492] {strides = array<i32>} : memref<128x64xf32, #tpu.memory_space<vmem>>, vector<16xf32>,
          tpu.vector_store %arg14[%swap3A_491, %swap3A_492], %mul3A_490 {strides = array<i32>} : memref<128x64xf32, #tpu.memory_space<vmem>>, vector<16xf32>,
          %scan3A_494 = arith.constant 2 : i32
          %scan3A_495 = arith.addi %scan3A_420, %scan3A_494 : i32
          %mul3A_496 = arith.constant 1 : i32
          %mul3A_497 = arith.muli %scan3A_495, %mul3A_496 : i32
          %add3A_498 = arith.constant 0 : i32
          %add3A_499 = arith.addi %add3A_498, %mul3A_497 : i32
          %broadcast_in_dim3A_500 = arith.constant 2 : i32
          %broadcast_in_dim3A_501 = vector.broadcast %broadcast_in_dim3A_500 : i32 to vector<16xi32>
          %broadcast_in_dim3A_502 = vector.broadcast %add3A_499 : i32 to vector<16xi32>
          %gather3A_503 = tpu.vector_load_idx %arg10[%broadcast_in_dim3A_501, %broadcast_in_dim3A_502] : memref<3x128xi32, #tpu.memory_space<vmem>>[vector<16xi32>, vector<16xi32>], vector<16xi32>,
          %bitcast3A_504 = vector.bitcast %gather3A_503 : vector<16xi32> to vector<16xf32>
          %get3A_505 = arith.index_cast %add3A_499 : i32 to index
          %get3A_506 = arith.constant 0 : index
          %get3A_507 = tpu.vector_load %arg14[%get3A_505, %get3A_506] {strides = array<i32>} : memref<128x64xf32, #tpu.memory_space<vmem>>, vector<16xf32>,
          %mul3A_508 = arith.mulf %get3A_507, %bitcast3A_504 : vector<16xf32>
          %swap3A_509 = arith.index_cast %add3A_499 : i32 to index
          %swap3A_510 = arith.constant 0 : index
          %swap3A_511 = tpu.vector_load %arg14[%swap3A_509, %swap3A_510] {strides = array<i32>} : memref<128x64xf32, #tpu.memory_space<vmem>>, vector<16xf32>,
          tpu.vector_store %arg14[%swap3A_509, %swap3A_510], %mul3A_508 {strides = array<i32>} : memref<128x64xf32, #tpu.memory_space<vmem>>, vector<16xf32>,
          %get3A_512 = arith.index_cast %add3A_499 : i32 to index
          %get3A_513 = arith.constant 16 : index
          %get3A_514 = tpu.vector_load %arg14[%get3A_512, %get3A_513] {strides = array<i32>} : memref<128x64xf32, #tpu.memory_space<vmem>>, vector<16xf32>,
          %mul3A_515 = arith.mulf %get3A_514, %bitcast3A_504 : vector<16xf32>
          %swap3A_516 = arith.index_cast %add3A_499 : i32 to index
          %swap3A_517 = arith.constant 16 : index
          %swap3A_518 = tpu.vector_load %arg14[%swap3A_516, %swap3A_517] {strides = array<i32>} : memref<128x64xf32, #tpu.memory_space<vmem>>, vector<16xf32>,
          tpu.vector_store %arg14[%swap3A_516, %swap3A_517], %mul3A_515 {strides = array<i32>} : memref<128x64xf32, #tpu.memory_space<vmem>>, vector<16xf32>,
          %get3A_519 = arith.index_cast %add3A_499 : i32 to index
          %get3A_520 = arith.constant 32 : index
          %get3A_521 = tpu.vector_load %arg14[%get3A_519, %get3A_520] {strides = array<i32>} : memref<128x64xf32, #tpu.memory_space<vmem>>, vector<16xf32>,
          %mul3A_522 = arith.mulf %get3A_521, %bitcast3A_504 : vector<16xf32>
          %swap3A_523 = arith.index_cast %add3A_499 : i32 to index
          %swap3A_524 = arith.constant 32 : index
          %swap3A_525 = tpu.vector_load %arg14[%swap3A_523, %swap3A_524] {strides = array<i32>} : memref<128x64xf32, #tpu.memory_space<vmem>>, vector<16xf32>,
          tpu.vector_store %arg14[%swap3A_523, %swap3A_524], %mul3A_522 {strides = array<i32>} : memref<128x64xf32, #tpu.memory_space<vmem>>, vector<16xf32>,
          %get3A_526 = arith.index_cast %add3A_499 : i32 to index
          %get3A_527 = arith.constant 48 : index
          %get3A_528 = tpu.vector_load %arg14[%get3A_526, %get3A_527] {strides = array<i32>} : memref<128x64xf32, #tpu.memory_space<vmem>>, vector<16xf32>,
          %mul3A_529 = arith.mulf %get3A_528, %bitcast3A_504 : vector<16xf32>
          %swap3A_530 = arith.index_cast %add3A_499 : i32 to index
          %swap3A_531 = arith.constant 48 : index
          %swap3A_532 = tpu.vector_load %arg14[%swap3A_530, %swap3A_531] {strides = array<i32>} : memref<128x64xf32, #tpu.memory_space<vmem>>, vector<16xf32>,
          tpu.vector_store %arg14[%swap3A_530, %swap3A_531], %mul3A_529 {strides = array<i32>} : memref<128x64xf32, #tpu.memory_space<vmem>>, vector<16xf32>,
          %scan3A_533 = arith.constant 3 : i32
          %scan3A_534 = arith.addi %scan3A_420, %scan3A_533 : i32
          %mul3A_535 = arith.constant 1 : i32
          %mul3A_536 = arith.muli %scan3A_534, %mul3A_535 : i32
          %add3A_537 = arith.constant 0 : i32
          %add3A_538 = arith.addi %add3A_537, %mul3A_536 : i32
          %broadcast_in_dim3A_539 = arith.constant 2 : i32
          %broadcast_in_dim3A_540 = vector.broadcast %broadcast_in_dim3A_539 : i32 to vector<16xi32>
          %broadcast_in_dim3A_541 = vector.broadcast %add3A_538 : i32 to vector<16xi32>
          %gather3A_542 = tpu.vector_load_idx %arg10[%broadcast_in_dim3A_540, %broadcast_in_dim3A_541] : memref<3x128xi32, #tpu.memory_space<vmem>>[vector<16xi32>, vector<16xi32>], vector<16xi32>,
          %bitcast3A_543 = vector.bitcast %gather3A_542 : vector<16xi32> to vector<16xf32>
          %get3A_544 = arith.index_cast %add3A_538 : i32 to index
          %get3A_545 = arith.constant 0 : index
          %get3A_546 = tpu.vector_load %arg14[%get3A_544, %get3A_545] {strides = array<i32>} : memref<128x64xf32, #tpu.memory_space<vmem>>, vector<16xf32>,
          %mul3A_547 = arith.mulf %get3A_546, %bitcast3A_543 : vector<16xf32>
          %swap3A_548 = arith.index_cast %add3A_538 : i32 to index
          %swap3A_549 = arith.constant 0 : index
          %swap3A_550 = tpu.vector_load %arg14[%swap3A_548, %swap3A_549] {strides = array<i32>} : memref<128x64xf32, #tpu.memory_space<vmem>>, vector<16xf32>,
          tpu.vector_store %arg14[%swap3A_548, %swap3A_549], %mul3A_547 {strides = array<i32>} : memref<128x64xf32, #tpu.memory_space<vmem>>, vector<16xf32>,
          %get3A_551 = arith.index_cast %add3A_538 : i32 to index
          %get3A_552 = arith.constant 16 : index
          %get3A_553 = tpu.vector_load %arg14[%get3A_551, %get3A_552] {strides = array<i32>} : memref<128x64xf32, #tpu.memory_space<vmem>>, vector<16xf32>,
          %mul3A_554 = arith.mulf %get3A_553, %bitcast3A_543 : vector<16xf32>
          %swap3A_555 = arith.index_cast %add3A_538 : i32 to index
          %swap3A_556 = arith.constant 16 : index
          %swap3A_557 = tpu.vector_load %arg14[%swap3A_555, %swap3A_556] {strides = array<i32>} : memref<128x64xf32, #tpu.memory_space<vmem>>, vector<16xf32>,
          tpu.vector_store %arg14[%swap3A_555, %swap3A_556], %mul3A_554 {strides = array<i32>} : memref<128x64xf32, #tpu.memory_space<vmem>>, vector<16xf32>,
          %get3A_558 = arith.index_cast %add3A_538 : i32 to index
          %get3A_559 = arith.constant 32 : index
          %get3A_560 = tpu.vector_load %arg14[%get3A_558, %get3A_559] {strides = array<i32>} : memref<128x64xf32, #tpu.memory_space<vmem>>, vector<16xf32>,
          %mul3A_561 = arith.mulf %get3A_560, %bitcast3A_543 : vector<16xf32>
          %swap3A_562 = arith.index_cast %add3A_538 : i32 to index
          %swap3A_563 = arith.constant 32 : index
          %swap3A_564 = tpu.vector_load %arg14[%swap3A_562, %swap3A_563] {strides = array<i32>} : memref<128x64xf32, #tpu.memory_space<vmem>>, vector<16xf32>,
          tpu.vector_store %arg14[%swap3A_562, %swap3A_563], %mul3A_561 {strides = array<i32>} : memref<128x64xf32, #tpu.memory_space<vmem>>, vector<16xf32>,
          %get3A_565 = arith.index_cast %add3A_538 : i32 to index
          %get3A_566 = arith.constant 48 : index
          %get3A_567 = tpu.vector_load %arg14[%get3A_565, %get3A_566] {strides = array<i32>} : memref<128x64xf32, #tpu.memory_space<vmem>>, vector<16xf32>,
          %mul3A_568 = arith.mulf %get3A_567, %bitcast3A_543 : vector<16xf32>
          %swap3A_569 = arith.index_cast %add3A_538 : i32 to index
          %swap3A_570 = arith.constant 48 : index
          %swap3A_571 = tpu.vector_load %arg14[%swap3A_569, %swap3A_570] {strides = array<i32>} : memref<128x64xf32, #tpu.memory_space<vmem>>, vector<16xf32>,
          tpu.vector_store %arg14[%swap3A_569, %swap3A_570], %mul3A_568 {strides = array<i32>} : memref<128x64xf32, #tpu.memory_space<vmem>>, vector<16xf32>,
        }
        %scan3A_344 = arith.constant 128 : i32
        %dma_start3A_345 = arith.constant 0 : i32
        %dma_start3A_346 = arith.constant 0 : i32
        %dma_start3A_347 = tpu.memref_slice %arg7[%dma_start3A_345, %dma_start3A_346] : memref<10000x64xf32, #tpu.memory_space<vmem_shared>> -> memref<10000x64xf32, #tpu.memory_space<vmem_shared>>
        tpu.enqueue_indirect_dma source(%arg14 : memref<128x64xf32, #tpu.memory_space<vmem>>) target(%dma_start3A_347 : memref<10000x64xf32, #tpu.memory_space<vmem_shared>>) offsets(%arg18 : memref<128xi32, #tpu.memory_space<vmem>>) semaphore(%arg30 : memref<!tpu.dma_semaphore, #tpu.memory_space<semaphore_mem>>) {add = true}
        %add3A_348 = arith.constant 3 : i32
        %add3A_349 = arith.addi %mul3A_136, %add3A_348 : i32
        %add3A_350 = arith.constant 1 : i32
        %add3A_351 = arith.addi %add3A_349, %add3A_350 : i32
        %lt3A_352 = arith.constant 160 : i32
        %lt3A_353 = arith.cmpi slt, %add3A_351, %lt3A_352 : i32
        %convert_element_type3A_354 = arith.extui %lt3A_353 : i1 to i32
        %cond3A_355 = arith.constant 0 : i32
        %cond3A_356 = arith.cmpi ne, %convert_element_type3A_354, %cond3A_355 : i32
        scf.if %cond3A_356 {
          %dma_wait3A_420 = arith.constant 0 : i32
          %dma_wait3A_421 = arith.constant 0 : i32
          %dma_wait3A_422 = arith.constant 0 : i32
          %dma_wait3A_423 = tpu.memref_slice %arg4[%arg1, %dma_wait3A_420, %dma_wait3A_421, %dma_wait3A_422] : memref<16x160x3x128xi32, #tpu.memory_space<hbm>> -> memref<1x1x3x128xi32, #tpu.memory_space<hbm>>
          %dma_wait3A_424 = tpu.memref_squeeze %dma_wait3A_423 : memref<1x1x3x128xi32, #tpu.memory_space<hbm>> -> memref<3x128xi32, #tpu.memory_space<hbm>>
          %dma_wait3A_425 = arith.constant 0 : i32
          %dma_wait3A_426 = arith.constant 0 : i32
          %dma_wait3A_427 = tpu.memref_slice %arg4[%arg1, %dma_wait3A_420, %dma_wait3A_425, %dma_wait3A_426] : memref<16x160x3x128xi32, #tpu.memory_space<hbm>> -> memref<1x1x3x128xi32, #tpu.memory_space<hbm>>
          %dma_wait3A_428 = tpu.memref_squeeze %dma_wait3A_427 : memref<1x1x3x128xi32, #tpu.memory_space<hbm>> -> memref<3x128xi32, #tpu.memory_space<hbm>>
          tpu.wait_dma2 semaphore(%arg20 : memref<!tpu.dma_semaphore, #tpu.memory_space<semaphore_mem>>) src(%dma_wait3A_428 : memref<3x128xi32, #tpu.memory_space<hbm>>) dst(%arg8 : memref<3x128xi32, #tpu.memory_space<vmem>>)
          %ge3A = arith.constant 3 : i32
          %ge3A_429 = arith.cmpi sge, %add3A_349, %ge3A : i32
          %convert_element_type3A_430 = arith.extui %ge3A_429 : i1 to i32
          %cond3A_431 = arith.constant 0 : i32
          %cond3A_432 = arith.cmpi ne, %convert_element_type3A_430, %cond3A_431 : i32
          scf.if %cond3A_432 {
            %dma_wait3A_447 = arith.constant 0 : i32
            %dma_wait3A_448 = arith.constant 0 : i32
            %dma_wait3A_449 = tpu.memref_slice %arg7[%dma_wait3A_447, %dma_wait3A_448] : memref<10000x64xf32, #tpu.memory_space<vmem_shared>> -> memref<10000x64xf32, #tpu.memory_space<vmem_shared>>
            tpu.wait_indirect_dma semaphore(%arg28 : memref<!tpu.dma_semaphore, #tpu.memory_space<semaphore_mem>>) src(%arg12 : memref<128x64xf32, #tpu.memory_space<vmem>>) dst(%dma_wait3A_449 : memref<10000x64xf32, #tpu.memory_space<vmem_shared>>)
          } else {
          }
          %dma_start3A_433 = arith.constant 0 : i32
          %dma_start3A_434 = arith.constant 0 : i32
          %dma_start3A_435 = tpu.memref_slice %arg8[%dma_start3A_433, %dma_start3A_434] : memref<3x128xi32, #tpu.memory_space<vmem>> -> memref<1x128xi32, #tpu.memory_space<vmem>>
          %dma_start3A_436 = tpu.memref_squeeze %dma_start3A_435 : memref<1x128xi32, #tpu.memory_space<vmem>> -> memref<128xi32, #tpu.memory_space<vmem>>
          %dma_start3A_437 = arith.constant 0 : i32
          %dma_start3A_438 = arith.constant 0 : i32
          %dma_start3A_439 = tpu.memref_slice %arg6[%dma_start3A_437, %dma_start3A_438] : memref<10000x64xf32, #tpu.memory_space<vmem_shared>> -> memref<10000x64xf32, #tpu.memory_space<vmem_shared>>
          tpu.enqueue_indirect_dma source(%dma_start3A_439 : memref<10000x64xf32, #tpu.memory_space<vmem_shared>>) target(%arg12 : memref<128x64xf32, #tpu.memory_space<vmem>>) offsets(%dma_start3A_436 : memref<128xi32, #tpu.memory_space<vmem>>) semaphore(%arg24 : memref<!tpu.dma_semaphore, #tpu.memory_space<semaphore_mem>>)
          %add3A_440 = arith.constant 3 : i32
          %add3A_441 = arith.addi %add3A_349, %add3A_440 : i32
          %lt3A_442 = arith.constant 160 : i32
          %lt3A_443 = arith.cmpi slt, %add3A_441, %lt3A_442 : i32
          %convert_element_type3A_444 = arith.extui %lt3A_443 : i1 to i32
          %cond3A_445 = arith.constant 0 : i32
          %cond3A_446 = arith.cmpi ne, %convert_element_type3A_444, %cond3A_445 : i32
          scf.if %cond3A_446 {
            %add3A_447 = arith.constant 3 : i32
            %add3A_448 = arith.addi %add3A_349, %add3A_447 : i32
            %dma_start3A_449 = arith.constant 0 : i32
            %dma_start3A_450 = arith.constant 0 : i32
            %dma_start3A_451 = tpu.memref_slice %arg4[%arg1, %add3A_448, %dma_start3A_449, %dma_start3A_450] : memref<16x160x3x128xi32, #tpu.memory_space<hbm>> -> memref<1x1x3x128xi32, #tpu.memory_space<hbm>>
            %dma_start3A_452 = tpu.memref_squeeze %dma_start3A_451 : memref<1x1x3x128xi32, #tpu.memory_space<hbm>> -> memref<3x128xi32, #tpu.memory_space<hbm>>
            %dma_start3A_453 = arith.constant 0 : i32
            %dma_start3A_454 = arith.constant 0 : i32
            %dma_start3A_455 = tpu.memref_slice %arg4[%arg1, %add3A_448, %dma_start3A_453, %dma_start3A_454] : memref<16x160x3x128xi32, #tpu.memory_space<hbm>> -> memref<1x1x3x128xi32, #tpu.memory_space<hbm>>
            %dma_start3A_456 = tpu.memref_squeeze %dma_start3A_455 : memref<1x1x3x128xi32, #tpu.memory_space<hbm>> -> memref<3x128xi32, #tpu.memory_space<hbm>>
            tpu.enqueue_dma source(%dma_start3A_456 : memref<3x128xi32, #tpu.memory_space<hbm>>) target(%arg10 : memref<3x128xi32, #tpu.memory_space<vmem>>) target_semaphore(%arg22 : memref<!tpu.dma_semaphore, #tpu.memory_space<semaphore_mem>>)
          } else {
          }
        } else {
        }
        %dma_wait3A_357 = arith.constant 0 : i32
        %dma_wait3A_358 = arith.constant 0 : i32
        %dma_wait3A_359 = tpu.memref_slice %arg11[%dma_wait3A_357, %dma_wait3A_358] : memref<3x128xi32, #tpu.memory_space<vmem>> -> memref<1x128xi32, #tpu.memory_space<vmem>>
        %dma_wait3A_360 = tpu.memref_squeeze %dma_wait3A_359 : memref<1x128xi32, #tpu.memory_space<vmem>> -> memref<128xi32, #tpu.memory_space<vmem>>
        %dma_wait3A_361 = arith.constant 0 : i32
        %dma_wait3A_362 = arith.constant 0 : i32
        %dma_wait3A_363 = tpu.memref_slice %arg6[%dma_wait3A_361, %dma_wait3A_362] : memref<10000x64xf32, #tpu.memory_space<vmem_shared>> -> memref<10000x64xf32, #tpu.memory_space<vmem_shared>>
        tpu.wait_indirect_dma semaphore(%arg27 : memref<!tpu.dma_semaphore, #tpu.memory_space<semaphore_mem>>) src(%dma_wait3A_363 : memref<10000x64xf32, #tpu.memory_space<vmem_shared>>) dst(%arg15 : memref<128x64xf32, #tpu.memory_space<vmem>>)
        %get3A_364 = arith.constant 1 : i32
        %get3A_365 = arith.index_cast %get3A_364 : i32 to index
        %get3A_366 = arith.constant 0 : index
        %get3A_367 = tpu.vector_load %arg11[%get3A_365, %get3A_366] {strides = array<i32>} : memref<3x128xi32, #tpu.memory_space<vmem>>, vector<16xi32>,
        %swap3A_368 = arith.constant 0 : index
        %swap3A_369 = tpu.vector_load %arg19[%swap3A_368] {strides = array<i32>} : memref<128xi32, #tpu.memory_space<vmem>>, vector<16xi32>,
        tpu.vector_store %arg19[%swap3A_368], %get3A_367 {strides = array<i32>} : memref<128xi32, #tpu.memory_space<vmem>>, vector<16xi32>,
        %get3A_370 = arith.constant 1 : i32
        %get3A_371 = arith.index_cast %get3A_370 : i32 to index
        %get3A_372 = arith.constant 16 : index
        %get3A_373 = tpu.vector_load %arg11[%get3A_371, %get3A_372] {strides = array<i32>} : memref<3x128xi32, #tpu.memory_space<vmem>>, vector<16xi32>,
        %swap3A_374 = arith.constant 16 : index
        %swap3A_375 = tpu.vector_load %arg19[%swap3A_374] {strides = array<i32>} : memref<128xi32, #tpu.memory_space<vmem>>, vector<16xi32>,
        tpu.vector_store %arg19[%swap3A_374], %get3A_373 {strides = array<i32>} : memref<128xi32, #tpu.memory_space<vmem>>, vector<16xi32>,
        %get3A_376 = arith.constant 1 : i32
        %get3A_377 = arith.index_cast %get3A_376 : i32 to index
        %get3A_378 = arith.constant 32 : index
        %get3A_379 = tpu.vector_load %arg11[%get3A_377, %get3A_378] {strides = array<i32>} : memref<3x128xi32, #tpu.memory_space<vmem>>, vector<16xi32>,
        %swap3A_380 = arith.constant 32 : index
        %swap3A_381 = tpu.vector_load %arg19[%swap3A_380] {strides = array<i32>} : memref<128xi32, #tpu.memory_space<vmem>>, vector<16xi32>,
        tpu.vector_store %arg19[%swap3A_380], %get3A_379 {strides = array<i32>} : memref<128xi32, #tpu.memory_space<vmem>>, vector<16xi32>,
        %get3A_382 = arith.constant 1 : i32
        %get3A_383 = arith.index_cast %get3A_382 : i32 to index
        %get3A_384 = arith.constant 48 : index
        %get3A_385 = tpu.vector_load %arg11[%get3A_383, %get3A_384] {strides = array<i32>} : memref<3x128xi32, #tpu.memory_space<vmem>>, vector<16xi32>,
        %swap3A_386 = arith.constant 48 : index
        %swap3A_387 = tpu.vector_load %arg19[%swap3A_386] {strides = array<i32>} : memref<128xi32, #tpu.memory_space<vmem>>, vector<16xi32>,
        tpu.vector_store %arg19[%swap3A_386], %get3A_385 {strides = array<i32>} : memref<128xi32, #tpu.memory_space<vmem>>, vector<16xi32>,
        %get3A_388 = arith.constant 1 : i32
        %get3A_389 = arith.index_cast %get3A_388 : i32 to index
        %get3A_390 = arith.constant 64 : index
        %get3A_391 = tpu.vector_load %arg11[%get3A_389, %get3A_390] {strides = array<i32>} : memref<3x128xi32, #tpu.memory_space<vmem>>, vector<16xi32>,
        %swap3A_392 = arith.constant 64 : index
        %swap3A_393 = tpu.vector_load %arg19[%swap3A_392] {strides = array<i32>} : memref<128xi32, #tpu.memory_space<vmem>>, vector<16xi32>,
        tpu.vector_store %arg19[%swap3A_392], %get3A_391 {strides = array<i32>} : memref<128xi32, #tpu.memory_space<vmem>>, vector<16xi32>,
        %get3A_394 = arith.constant 1 : i32
        %get3A_395 = arith.index_cast %get3A_394 : i32 to index
        %get3A_396 = arith.constant 80 : index
        %get3A_397 = tpu.vector_load %arg11[%get3A_395, %get3A_396] {strides = array<i32>} : memref<3x128xi32, #tpu.memory_space<vmem>>, vector<16xi32>,
        %swap3A_398 = arith.constant 80 : index
        %swap3A_399 = tpu.vector_load %arg19[%swap3A_398] {strides = array<i32>} : memref<128xi32, #tpu.memory_space<vmem>>, vector<16xi32>,
        tpu.vector_store %arg19[%swap3A_398], %get3A_397 {strides = array<i32>} : memref<128xi32, #tpu.memory_space<vmem>>, vector<16xi32>,
        %get3A_400 = arith.constant 1 : i32
        %get3A_401 = arith.index_cast %get3A_400 : i32 to index
        %get3A_402 = arith.constant 96 : index
        %get3A_403 = tpu.vector_load %arg11[%get3A_401, %get3A_402] {strides = array<i32>} : memref<3x128xi32, #tpu.memory_space<vmem>>, vector<16xi32>,
        %swap3A_404 = arith.constant 96 : index
        %swap3A_405 = tpu.vector_load %arg19[%swap3A_404] {strides = array<i32>} : memref<128xi32, #tpu.memory_space<vmem>>, vector<16xi32>,
        tpu.vector_store %arg19[%swap3A_404], %get3A_403 {strides = array<i32>} : memref<128xi32, #tpu.memory_space<vmem>>, vector<16xi32>,
        %get3A_406 = arith.constant 1 : i32
        %get3A_407 = arith.index_cast %get3A_406 : i32 to index
        %get3A_408 = arith.constant 112 : index
        %get3A_409 = tpu.vector_load %arg11[%get3A_407, %get3A_408] {strides = array<i32>} : memref<3x128xi32, #tpu.memory_space<vmem>>, vector<16xi32>,
        %swap3A_410 = arith.constant 112 : index
        %swap3A_411 = tpu.vector_load %arg19[%swap3A_410] {strides = array<i32>} : memref<128xi32, #tpu.memory_space<vmem>>, vector<16xi32>,
        tpu.vector_store %arg19[%swap3A_410], %get3A_409 {strides = array<i32>} : memref<128xi32, #tpu.memory_space<vmem>>, vector<16xi32>,
        %scan3A_412 = arith.constant 0 : i32
        %scan3A_413 = arith.constant 128 : i32
        %scan3A_414 = arith.addi %scan3A_412, %scan3A_413 : i32
        %scan3A_415 = arith.constant 4 : i32
        scf.for %scan3A_420 = %scan3A_412 to %scan3A_414 step %scan3A_415  : i32 {
          %mul3A_421 = arith.constant 1 : i32
          %mul3A_422 = arith.muli %scan3A_420, %mul3A_421 : i32
          %add3A_423 = arith.constant 0 : i32
          %add3A_424 = arith.addi %add3A_423, %mul3A_422 : i32
          %broadcast_in_dim3A = arith.constant 2 : i32
          %broadcast_in_dim3A_425 = vector.broadcast %broadcast_in_dim3A : i32 to vector<16xi32>
          %broadcast_in_dim3A_426 = vector.broadcast %add3A_424 : i32 to vector<16xi32>
          %gather3A = tpu.vector_load_idx %arg11[%broadcast_in_dim3A_425, %broadcast_in_dim3A_426] : memref<3x128xi32, #tpu.memory_space<vmem>>[vector<16xi32>, vector<16xi32>], vector<16xi32>,
          %bitcast3A = vector.bitcast %gather3A : vector<16xi32> to vector<16xf32>
          %get3A_427 = arith.index_cast %add3A_424 : i32 to index
          %get3A_428 = arith.constant 0 : index
          %get3A_429 = tpu.vector_load %arg15[%get3A_427, %get3A_428] {strides = array<i32>} : memref<128x64xf32, #tpu.memory_space<vmem>>, vector<16xf32>,
          %mul3A_430 = arith.mulf %get3A_429, %bitcast3A : vector<16xf32>
          %swap3A_431 = arith.index_cast %add3A_424 : i32 to index
          %swap3A_432 = arith.constant 0 : index
          %swap3A_433 = tpu.vector_load %arg15[%swap3A_431, %swap3A_432] {strides = array<i32>} : memref<128x64xf32, #tpu.memory_space<vmem>>, vector<16xf32>,
          tpu.vector_store %arg15[%swap3A_431, %swap3A_432], %mul3A_430 {strides = array<i32>} : memref<128x64xf32, #tpu.memory_space<vmem>>, vector<16xf32>,
          %get3A_434 = arith.index_cast %add3A_424 : i32 to index
          %get3A_435 = arith.constant 16 : index
          %get3A_436 = tpu.vector_load %arg15[%get3A_434, %get3A_435] {strides = array<i32>} : memref<128x64xf32, #tpu.memory_space<vmem>>, vector<16xf32>,
          %mul3A_437 = arith.mulf %get3A_436, %bitcast3A : vector<16xf32>
          %swap3A_438 = arith.index_cast %add3A_424 : i32 to index
          %swap3A_439 = arith.constant 16 : index
          %swap3A_440 = tpu.vector_load %arg15[%swap3A_438, %swap3A_439] {strides = array<i32>} : memref<128x64xf32, #tpu.memory_space<vmem>>, vector<16xf32>,
          tpu.vector_store %arg15[%swap3A_438, %swap3A_439], %mul3A_437 {strides = array<i32>} : memref<128x64xf32, #tpu.memory_space<vmem>>, vector<16xf32>,
          %get3A_441 = arith.index_cast %add3A_424 : i32 to index
          %get3A_442 = arith.constant 32 : index
          %get3A_443 = tpu.vector_load %arg15[%get3A_441, %get3A_442] {strides = array<i32>} : memref<128x64xf32, #tpu.memory_space<vmem>>, vector<16xf32>,
          %mul3A_444 = arith.mulf %get3A_443, %bitcast3A : vector<16xf32>
          %swap3A_445 = arith.index_cast %add3A_424 : i32 to index
          %swap3A_446 = arith.constant 32 : index
          %swap3A_447 = tpu.vector_load %arg15[%swap3A_445, %swap3A_446] {strides = array<i32>} : memref<128x64xf32, #tpu.memory_space<vmem>>, vector<16xf32>,
          tpu.vector_store %arg15[%swap3A_445, %swap3A_446], %mul3A_444 {strides = array<i32>} : memref<128x64xf32, #tpu.memory_space<vmem>>, vector<16xf32>,
          %get3A_448 = arith.index_cast %add3A_424 : i32 to index
          %get3A_449 = arith.constant 48 : index
          %get3A_450 = tpu.vector_load %arg15[%get3A_448, %get3A_449] {strides = array<i32>} : memref<128x64xf32, #tpu.memory_space<vmem>>, vector<16xf32>,
          %mul3A_451 = arith.mulf %get3A_450, %bitcast3A : vector<16xf32>
          %swap3A_452 = arith.index_cast %add3A_424 : i32 to index
          %swap3A_453 = arith.constant 48 : index
          %swap3A_454 = tpu.vector_load %arg15[%swap3A_452, %swap3A_453] {strides = array<i32>} : memref<128x64xf32, #tpu.memory_space<vmem>>, vector<16xf32>,
          tpu.vector_store %arg15[%swap3A_452, %swap3A_453], %mul3A_451 {strides = array<i32>} : memref<128x64xf32, #tpu.memory_space<vmem>>, vector<16xf32>,
          %scan3A_455 = arith.constant 1 : i32
          %scan3A_456 = arith.addi %scan3A_420, %scan3A_455 : i32
          %mul3A_457 = arith.constant 1 : i32
          %mul3A_458 = arith.muli %scan3A_456, %mul3A_457 : i32
          %add3A_459 = arith.constant 0 : i32
          %add3A_460 = arith.addi %add3A_459, %mul3A_458 : i32
          %broadcast_in_dim3A_461 = arith.constant 2 : i32
          %broadcast_in_dim3A_462 = vector.broadcast %broadcast_in_dim3A_461 : i32 to vector<16xi32>
          %broadcast_in_dim3A_463 = vector.broadcast %add3A_460 : i32 to vector<16xi32>
          %gather3A_464 = tpu.vector_load_idx %arg11[%broadcast_in_dim3A_462, %broadcast_in_dim3A_463] : memref<3x128xi32, #tpu.memory_space<vmem>>[vector<16xi32>, vector<16xi32>], vector<16xi32>,
          %bitcast3A_465 = vector.bitcast %gather3A_464 : vector<16xi32> to vector<16xf32>
          %get3A_466 = arith.index_cast %add3A_460 : i32 to index
          %get3A_467 = arith.constant 0 : index
          %get3A_468 = tpu.vector_load %arg15[%get3A_466, %get3A_467] {strides = array<i32>} : memref<128x64xf32, #tpu.memory_space<vmem>>, vector<16xf32>,
          %mul3A_469 = arith.mulf %get3A_468, %bitcast3A_465 : vector<16xf32>
          %swap3A_470 = arith.index_cast %add3A_460 : i32 to index
          %swap3A_471 = arith.constant 0 : index
          %swap3A_472 = tpu.vector_load %arg15[%swap3A_470, %swap3A_471] {strides = array<i32>} : memref<128x64xf32, #tpu.memory_space<vmem>>, vector<16xf32>,
          tpu.vector_store %arg15[%swap3A_470, %swap3A_471], %mul3A_469 {strides = array<i32>} : memref<128x64xf32, #tpu.memory_space<vmem>>, vector<16xf32>,
          %get3A_473 = arith.index_cast %add3A_460 : i32 to index
          %get3A_474 = arith.constant 16 : index
          %get3A_475 = tpu.vector_load %arg15[%get3A_473, %get3A_474] {strides = array<i32>} : memref<128x64xf32, #tpu.memory_space<vmem>>, vector<16xf32>,
          %mul3A_476 = arith.mulf %get3A_475, %bitcast3A_465 : vector<16xf32>
          %swap3A_477 = arith.index_cast %add3A_460 : i32 to index
          %swap3A_478 = arith.constant 16 : index
          %swap3A_479 = tpu.vector_load %arg15[%swap3A_477, %swap3A_478] {strides = array<i32>} : memref<128x64xf32, #tpu.memory_space<vmem>>, vector<16xf32>,
          tpu.vector_store %arg15[%swap3A_477, %swap3A_478], %mul3A_476 {strides = array<i32>} : memref<128x64xf32, #tpu.memory_space<vmem>>, vector<16xf32>,
          %get3A_480 = arith.index_cast %add3A_460 : i32 to index
          %get3A_481 = arith.constant 32 : index
          %get3A_482 = tpu.vector_load %arg15[%get3A_480, %get3A_481] {strides = array<i32>} : memref<128x64xf32, #tpu.memory_space<vmem>>, vector<16xf32>,
          %mul3A_483 = arith.mulf %get3A_482, %bitcast3A_465 : vector<16xf32>
          %swap3A_484 = arith.index_cast %add3A_460 : i32 to index
          %swap3A_485 = arith.constant 32 : index
          %swap3A_486 = tpu.vector_load %arg15[%swap3A_484, %swap3A_485] {strides = array<i32>} : memref<128x64xf32, #tpu.memory_space<vmem>>, vector<16xf32>,
          tpu.vector_store %arg15[%swap3A_484, %swap3A_485], %mul3A_483 {strides = array<i32>} : memref<128x64xf32, #tpu.memory_space<vmem>>, vector<16xf32>,
          %get3A_487 = arith.index_cast %add3A_460 : i32 to index
          %get3A_488 = arith.constant 48 : index
          %get3A_489 = tpu.vector_load %arg15[%get3A_487, %get3A_488] {strides = array<i32>} : memref<128x64xf32, #tpu.memory_space<vmem>>, vector<16xf32>,
          %mul3A_490 = arith.mulf %get3A_489, %bitcast3A_465 : vector<16xf32>
          %swap3A_491 = arith.index_cast %add3A_460 : i32 to index
          %swap3A_492 = arith.constant 48 : index
          %swap3A_493 = tpu.vector_load %arg15[%swap3A_491, %swap3A_492] {strides = array<i32>} : memref<128x64xf32, #tpu.memory_space<vmem>>, vector<16xf32>,
          tpu.vector_store %arg15[%swap3A_491, %swap3A_492], %mul3A_490 {strides = array<i32>} : memref<128x64xf32, #tpu.memory_space<vmem>>, vector<16xf32>,
          %scan3A_494 = arith.constant 2 : i32
          %scan3A_495 = arith.addi %scan3A_420, %scan3A_494 : i32
          %mul3A_496 = arith.constant 1 : i32
          %mul3A_497 = arith.muli %scan3A_495, %mul3A_496 : i32
          %add3A_498 = arith.constant 0 : i32
          %add3A_499 = arith.addi %add3A_498, %mul3A_497 : i32
          %broadcast_in_dim3A_500 = arith.constant 2 : i32
          %broadcast_in_dim3A_501 = vector.broadcast %broadcast_in_dim3A_500 : i32 to vector<16xi32>
          %broadcast_in_dim3A_502 = vector.broadcast %add3A_499 : i32 to vector<16xi32>
          %gather3A_503 = tpu.vector_load_idx %arg11[%broadcast_in_dim3A_501, %broadcast_in_dim3A_502] : memref<3x128xi32, #tpu.memory_space<vmem>>[vector<16xi32>, vector<16xi32>], vector<16xi32>,
          %bitcast3A_504 = vector.bitcast %gather3A_503 : vector<16xi32> to vector<16xf32>
          %get3A_505 = arith.index_cast %add3A_499 : i32 to index
          %get3A_506 = arith.constant 0 : index
          %get3A_507 = tpu.vector_load %arg15[%get3A_505, %get3A_506] {strides = array<i32>} : memref<128x64xf32, #tpu.memory_space<vmem>>, vector<16xf32>,
          %mul3A_508 = arith.mulf %get3A_507, %bitcast3A_504 : vector<16xf32>
          %swap3A_509 = arith.index_cast %add3A_499 : i32 to index
          %swap3A_510 = arith.constant 0 : index
          %swap3A_511 = tpu.vector_load %arg15[%swap3A_509, %swap3A_510] {strides = array<i32>} : memref<128x64xf32, #tpu.memory_space<vmem>>, vector<16xf32>,
          tpu.vector_store %arg15[%swap3A_509, %swap3A_510], %mul3A_508 {strides = array<i32>} : memref<128x64xf32, #tpu.memory_space<vmem>>, vector<16xf32>,
          %get3A_512 = arith.index_cast %add3A_499 : i32 to index
          %get3A_513 = arith.constant 16 : index
          %get3A_514 = tpu.vector_load %arg15[%get3A_512, %get3A_513] {strides = array<i32>} : memref<128x64xf32, #tpu.memory_space<vmem>>, vector<16xf32>,
          %mul3A_515 = arith.mulf %get3A_514, %bitcast3A_504 : vector<16xf32>
          %swap3A_516 = arith.index_cast %add3A_499 : i32 to index
          %swap3A_517 = arith.constant 16 : index
          %swap3A_518 = tpu.vector_load %arg15[%swap3A_516, %swap3A_517] {strides = array<i32>} : memref<128x64xf32, #tpu.memory_space<vmem>>, vector<16xf32>,
          tpu.vector_store %arg15[%swap3A_516, %swap3A_517], %mul3A_515 {strides = array<i32>} : memref<128x64xf32, #tpu.memory_space<vmem>>, vector<16xf32>,
          %get3A_519 = arith.index_cast %add3A_499 : i32 to index
          %get3A_520 = arith.constant 32 : index
          %get3A_521 = tpu.vector_load %arg15[%get3A_519, %get3A_520] {strides = array<i32>} : memref<128x64xf32, #tpu.memory_space<vmem>>, vector<16xf32>,
          %mul3A_522 = arith.mulf %get3A_521, %bitcast3A_504 : vector<16xf32>
          %swap3A_523 = arith.index_cast %add3A_499 : i32 to index
          %swap3A_524 = arith.constant 32 : index
          %swap3A_525 = tpu.vector_load %arg15[%swap3A_523, %swap3A_524] {strides = array<i32>} : memref<128x64xf32, #tpu.memory_space<vmem>>, vector<16xf32>,
          tpu.vector_store %arg15[%swap3A_523, %swap3A_524], %mul3A_522 {strides = array<i32>} : memref<128x64xf32, #tpu.memory_space<vmem>>, vector<16xf32>,
          %get3A_526 = arith.index_cast %add3A_499 : i32 to index
          %get3A_527 = arith.constant 48 : index
          %get3A_528 = tpu.vector_load %arg15[%get3A_526, %get3A_527] {strides = array<i32>} : memref<128x64xf32, #tpu.memory_space<vmem>>, vector<16xf32>,
          %mul3A_529 = arith.mulf %get3A_528, %bitcast3A_504 : vector<16xf32>
          %swap3A_530 = arith.index_cast %add3A_499 : i32 to index
          %swap3A_531 = arith.constant 48 : index
          %swap3A_532 = tpu.vector_load %arg15[%swap3A_530, %swap3A_531] {strides = array<i32>} : memref<128x64xf32, #tpu.memory_space<vmem>>, vector<16xf32>,
          tpu.vector_store %arg15[%swap3A_530, %swap3A_531], %mul3A_529 {strides = array<i32>} : memref<128x64xf32, #tpu.memory_space<vmem>>, vector<16xf32>,
          %scan3A_533 = arith.constant 3 : i32
          %scan3A_534 = arith.addi %scan3A_420, %scan3A_533 : i32
          %mul3A_535 = arith.constant 1 : i32
          %mul3A_536 = arith.muli %scan3A_534, %mul3A_535 : i32
          %add3A_537 = arith.constant 0 : i32
          %add3A_538 = arith.addi %add3A_537, %mul3A_536 : i32
          %broadcast_in_dim3A_539 = arith.constant 2 : i32
          %broadcast_in_dim3A_540 = vector.broadcast %broadcast_in_dim3A_539 : i32 to vector<16xi32>
          %broadcast_in_dim3A_541 = vector.broadcast %add3A_538 : i32 to vector<16xi32>
          %gather3A_542 = tpu.vector_load_idx %arg11[%broadcast_in_dim3A_540, %broadcast_in_dim3A_541] : memref<3x128xi32, #tpu.memory_space<vmem>>[vector<16xi32>, vector<16xi32>], vector<16xi32>,
          %bitcast3A_543 = vector.bitcast %gather3A_542 : vector<16xi32> to vector<16xf32>
          %get3A_544 = arith.index_cast %add3A_538 : i32 to index
          %get3A_545 = arith.constant 0 : index
          %get3A_546 = tpu.vector_load %arg15[%get3A_544, %get3A_545] {strides = array<i32>} : memref<128x64xf32, #tpu.memory_space<vmem>>, vector<16xf32>,
          %mul3A_547 = arith.mulf %get3A_546, %bitcast3A_543 : vector<16xf32>
          %swap3A_548 = arith.index_cast %add3A_538 : i32 to index
          %swap3A_549 = arith.constant 0 : index
          %swap3A_550 = tpu.vector_load %arg15[%swap3A_548, %swap3A_549] {strides = array<i32>} : memref<128x64xf32, #tpu.memory_space<vmem>>, vector<16xf32>,
          tpu.vector_store %arg15[%swap3A_548, %swap3A_549], %mul3A_547 {strides = array<i32>} : memref<128x64xf32, #tpu.memory_space<vmem>>, vector<16xf32>,
          %get3A_551 = arith.index_cast %add3A_538 : i32 to index
          %get3A_552 = arith.constant 16 : index
          %get3A_553 = tpu.vector_load %arg15[%get3A_551, %get3A_552] {strides = array<i32>} : memref<128x64xf32, #tpu.memory_space<vmem>>, vector<16xf32>,
          %mul3A_554 = arith.mulf %get3A_553, %bitcast3A_543 : vector<16xf32>
          %swap3A_555 = arith.index_cast %add3A_538 : i32 to index
          %swap3A_556 = arith.constant 16 : index
          %swap3A_557 = tpu.vector_load %arg15[%swap3A_555, %swap3A_556] {strides = array<i32>} : memref<128x64xf32, #tpu.memory_space<vmem>>, vector<16xf32>,
          tpu.vector_store %arg15[%swap3A_555, %swap3A_556], %mul3A_554 {strides = array<i32>} : memref<128x64xf32, #tpu.memory_space<vmem>>, vector<16xf32>,
          %get3A_558 = arith.index_cast %add3A_538 : i32 to index
          %get3A_559 = arith.constant 32 : index
          %get3A_560 = tpu.vector_load %arg15[%get3A_558, %get3A_559] {strides = array<i32>} : memref<128x64xf32, #tpu.memory_space<vmem>>, vector<16xf32>,
          %mul3A_561 = arith.mulf %get3A_560, %bitcast3A_543 : vector<16xf32>
          %swap3A_562 = arith.index_cast %add3A_538 : i32 to index
          %swap3A_563 = arith.constant 32 : index
          %swap3A_564 = tpu.vector_load %arg15[%swap3A_562, %swap3A_563] {strides = array<i32>} : memref<128x64xf32, #tpu.memory_space<vmem>>, vector<16xf32>,
          tpu.vector_store %arg15[%swap3A_562, %swap3A_563], %mul3A_561 {strides = array<i32>} : memref<128x64xf32, #tpu.memory_space<vmem>>, vector<16xf32>,
          %get3A_565 = arith.index_cast %add3A_538 : i32 to index
          %get3A_566 = arith.constant 48 : index
          %get3A_567 = tpu.vector_load %arg15[%get3A_565, %get3A_566] {strides = array<i32>} : memref<128x64xf32, #tpu.memory_space<vmem>>, vector<16xf32>,
          %mul3A_568 = arith.mulf %get3A_567, %bitcast3A_543 : vector<16xf32>
          %swap3A_569 = arith.index_cast %add3A_538 : i32 to index
          %swap3A_570 = arith.constant 48 : index
          %swap3A_571 = tpu.vector_load %arg15[%swap3A_569, %swap3A_570] {strides = array<i32>} : memref<128x64xf32, #tpu.memory_space<vmem>>, vector<16xf32>,
          tpu.vector_store %arg15[%swap3A_569, %swap3A_570], %mul3A_568 {strides = array<i32>} : memref<128x64xf32, #tpu.memory_space<vmem>>, vector<16xf32>,
        }
        %scan3A_416 = arith.constant 128 : i32
        %dma_start3A_417 = arith.constant 0 : i32
        %dma_start3A_418 = arith.constant 0 : i32
        %dma_start3A_419 = tpu.memref_slice %arg7[%dma_start3A_417, %dma_start3A_418] : memref<10000x64xf32, #tpu.memory_space<vmem_shared>> -> memref<10000x64xf32, #tpu.memory_space<vmem_shared>>
        tpu.enqueue_indirect_dma source(%arg15 : memref<128x64xf32, #tpu.memory_space<vmem>>) target(%dma_start3A_419 : memref<10000x64xf32, #tpu.memory_space<vmem_shared>>) offsets(%arg19 : memref<128xi32, #tpu.memory_space<vmem>>) semaphore(%arg31 : memref<!tpu.dma_semaphore, #tpu.memory_space<semaphore_mem>>) {add = true}
      }
      %scan3A_54 = arith.constant 40 : i32
      %dma_wait3A_55 = arith.constant 0 : i32
      %dma_wait3A_56 = arith.constant 0 : i32
      %dma_wait3A_57 = tpu.memref_slice %arg7[%dma_wait3A_55, %dma_wait3A_56] : memref<10000x64xf32, #tpu.memory_space<vmem_shared>> -> memref<10000x64xf32, #tpu.memory_space<vmem_shared>>
      tpu.wait_indirect_dma semaphore(%arg28 : memref<!tpu.dma_semaphore, #tpu.memory_space<semaphore_mem>>) src(%arg12 : memref<128x64xf32, #tpu.memory_space<vmem>>) dst(%dma_wait3A_57 : memref<10000x64xf32, #tpu.memory_space<vmem_shared>>)
      %dma_wait3A_58 = arith.constant 0 : i32
      %dma_wait3A_59 = arith.constant 0 : i32
      %dma_wait3A_60 = tpu.memref_slice %arg7[%dma_wait3A_58, %dma_wait3A_59] : memref<10000x64xf32, #tpu.memory_space<vmem_shared>> -> memref<10000x64xf32, #tpu.memory_space<vmem_shared>>
      tpu.wait_indirect_dma semaphore(%arg29 : memref<!tpu.dma_semaphore, #tpu.memory_space<semaphore_mem>>) src(%arg13 : memref<128x64xf32, #tpu.memory_space<vmem>>) dst(%dma_wait3A_60 : memref<10000x64xf32, #tpu.memory_space<vmem_shared>>)
      %dma_wait3A_61 = arith.constant 0 : i32
      %dma_wait3A_62 = arith.constant 0 : i32
      %dma_wait3A_63 = tpu.memref_slice %arg7[%dma_wait3A_61, %dma_wait3A_62] : memref<10000x64xf32, #tpu.memory_space<vmem_shared>> -> memref<10000x64xf32, #tpu.memory_space<vmem_shared>>
      tpu.wait_indirect_dma semaphore(%arg30 : memref<!tpu.dma_semaphore, #tpu.memory_space<semaphore_mem>>) src(%arg14 : memref<128x64xf32, #tpu.memory_space<vmem>>) dst(%dma_wait3A_63 : memref<10000x64xf32, #tpu.memory_space<vmem_shared>>)
      %dma_wait3A_64 = arith.constant 0 : i32
      %dma_wait3A_65 = arith.constant 0 : i32
      %dma_wait3A_66 = tpu.memref_slice %arg7[%dma_wait3A_64, %dma_wait3A_65] : memref<10000x64xf32, #tpu.memory_space<vmem_shared>> -> memref<10000x64xf32, #tpu.memory_space<vmem_shared>>
      tpu.wait_indirect_dma semaphore(%arg31 : memref<!tpu.dma_semaphore, #tpu.memory_space<semaphore_mem>>) src(%arg15 : memref<128x64xf32, #tpu.memory_space<vmem>>) dst(%dma_wait3A_66 : memref<10000x64xf32, #tpu.memory_space<vmem_shared>>)
      %barrier3A_67 = arith.constant 0 : index
      tpu.barrier barrier_id(%barrier3A_67)
      "tpu.region"() ({
        %run_scoped3A = tpu.sem_alloc : memref<!tpu.dma_semaphore, #tpu.memory_space<semaphore_mem>>
        %dma_start3A_130 = arith.constant 0 : i32
        %dma_start3A_131 = tpu.memref_slice %arg6[%mul3A_0, %dma_start3A_130] : memref<10000x64xf32, #tpu.memory_space<vmem_shared>> -> memref<625x64xf32, #tpu.memory_space<vmem_shared>>
        %dma_start3A_132 = arith.constant 0 : i32
        %dma_start3A_133 = tpu.memref_slice %arg3[%arg0, %mul3A_0, %dma_start3A_132] : memref<2x10000x64xf32, #tpu.memory_space<hbm>> -> memref<1x625x64xf32, #tpu.memory_space<hbm>>
        %dma_start3A_134 = tpu.memref_squeeze %dma_start3A_133 : memref<1x625x64xf32, #tpu.memory_space<hbm>> -> memref<625x64xf32, #tpu.memory_space<hbm>>
        tpu.enqueue_dma source(%dma_start3A_134 : memref<625x64xf32, #tpu.memory_space<hbm>>) target(%dma_start3A_131 : memref<625x64xf32, #tpu.memory_space<vmem_shared>>) target_semaphore(%run_scoped3A : memref<!tpu.dma_semaphore, #tpu.memory_space<semaphore_mem>>)
        %dma_wait3A_135 = arith.constant 0 : i32
        %dma_wait3A_136 = tpu.memref_slice %arg6[%mul3A_0, %dma_wait3A_135] : memref<10000x64xf32, #tpu.memory_space<vmem_shared>> -> memref<625x64xf32, #tpu.memory_space<vmem_shared>>
        %dma_wait3A_137 = arith.constant 0 : i32
        %dma_wait3A_138 = tpu.memref_slice %arg3[%arg0, %mul3A_0, %dma_wait3A_137] : memref<2x10000x64xf32, #tpu.memory_space<hbm>> -> memref<1x625x64xf32, #tpu.memory_space<hbm>>
        %dma_wait3A_139 = tpu.memref_squeeze %dma_wait3A_138 : memref<1x625x64xf32, #tpu.memory_space<hbm>> -> memref<625x64xf32, #tpu.memory_space<hbm>>
        tpu.wait_dma2 semaphore(%run_scoped3A : memref<!tpu.dma_semaphore, #tpu.memory_space<semaphore_mem>>) src(%dma_wait3A_139 : memref<625x64xf32, #tpu.memory_space<hbm>>) dst(%dma_wait3A_136 : memref<625x64xf32, #tpu.memory_space<vmem_shared>>)
        tpu.yield
      }) : () -> ()
      %barrier3A_68 = arith.constant 0 : index
      tpu.barrier barrier_id(%barrier3A_68)
      %dma_start3A_69 = arith.constant 0 : i32
      %dma_start3A_70 = arith.constant 0 : i32
      %dma_start3A_71 = arith.constant 0 : i32
      %dma_start3A_72 = tpu.memref_slice %arg4[%arg1, %dma_start3A_69, %dma_start3A_70, %dma_start3A_71] : memref<16x160x3x128xi32, #tpu.memory_space<hbm>> -> memref<1x1x3x128xi32, #tpu.memory_space<hbm>>
      %dma_start3A_73 = tpu.memref_squeeze %dma_start3A_72 : memref<1x1x3x128xi32, #tpu.memory_space<hbm>> -> memref<3x128xi32, #tpu.memory_space<hbm>>
      %dma_start3A_74 = arith.constant 0 : i32
      %dma_start3A_75 = arith.constant 0 : i32
      %dma_start3A_76 = tpu.memref_slice %arg4[%arg1, %dma_start3A_69, %dma_start3A_74, %dma_start3A_75] : memref<16x160x3x128xi32, #tpu.memory_space<hbm>> -> memref<1x1x3x128xi32, #tpu.memory_space<hbm>>
      %dma_start3A_77 = tpu.memref_squeeze %dma_start3A_76 : memref<1x1x3x128xi32, #tpu.memory_space<hbm>> -> memref<3x128xi32, #tpu.memory_space<hbm>>
      tpu.enqueue_dma source(%dma_start3A_77 : memref<3x128xi32, #tpu.memory_space<hbm>>) target(%arg8 : memref<3x128xi32, #tpu.memory_space<vmem>>) target_semaphore(%arg20 : memref<!tpu.dma_semaphore, #tpu.memory_space<semaphore_mem>>)
      %dma_start3A_78 = arith.constant 1 : i32
      %dma_start3A_79 = arith.constant 0 : i32
      %dma_start3A_80 = arith.constant 0 : i32
      %dma_start3A_81 = tpu.memref_slice %arg4[%arg1, %dma_start3A_78, %dma_start3A_79, %dma_start3A_80] : memref<16x160x3x128xi32, #tpu.memory_space<hbm>> -> memref<1x1x3x128xi32, #tpu.memory_space<hbm>>
      %dma_start3A_82 = tpu.memref_squeeze %dma_start3A_81 : memref<1x1x3x128xi32, #tpu.memory_space<hbm>> -> memref<3x128xi32, #tpu.memory_space<hbm>>
      %dma_start3A_83 = arith.constant 0 : i32
      %dma_start3A_84 = arith.constant 0 : i32
      %dma_start3A_85 = tpu.memref_slice %arg4[%arg1, %dma_start3A_78, %dma_start3A_83, %dma_start3A_84] : memref<16x160x3x128xi32, #tpu.memory_space<hbm>> -> memref<1x1x3x128xi32, #tpu.memory_space<hbm>>
      %dma_start3A_86 = tpu.memref_squeeze %dma_start3A_85 : memref<1x1x3x128xi32, #tpu.memory_space<hbm>> -> memref<3x128xi32, #tpu.memory_space<hbm>>
      tpu.enqueue_dma source(%dma_start3A_86 : memref<3x128xi32, #tpu.memory_space<hbm>>) target(%arg9 : memref<3x128xi32, #tpu.memory_space<vmem>>) target_semaphore(%arg21 : memref<!tpu.dma_semaphore, #tpu.memory_space<semaphore_mem>>)
      %dma_start3A_87 = arith.constant 2 : i32
      %dma_start3A_88 = arith.constant 0 : i32
      %dma_start3A_89 = arith.constant 0 : i32
      %dma_start3A_90 = tpu.memref_slice %arg4[%arg1, %dma_start3A_87, %dma_start3A_88, %dma_start3A_89] : memref<16x160x3x128xi32, #tpu.memory_space<hbm>> -> memref<1x1x3x128xi32, #tpu.memory_space<hbm>>
      %dma_start3A_91 = tpu.memref_squeeze %dma_start3A_90 : memref<1x1x3x128xi32, #tpu.memory_space<hbm>> -> memref<3x128xi32, #tpu.memory_space<hbm>>
      %dma_start3A_92 = arith.constant 0 : i32
      %dma_start3A_93 = arith.constant 0 : i32
      %dma_start3A_94 = tpu.memref_slice %arg4[%arg1, %dma_start3A_87, %dma_start3A_92, %dma_start3A_93] : memref<16x160x3x128xi32, #tpu.memory_space<hbm>> -> memref<1x1x3x128xi32, #tpu.memory_space<hbm>>
      %dma_start3A_95 = tpu.memref_squeeze %dma_start3A_94 : memref<1x1x3x128xi32, #tpu.memory_space<hbm>> -> memref<3x128xi32, #tpu.memory_space<hbm>>
      tpu.enqueue_dma source(%dma_start3A_95 : memref<3x128xi32, #tpu.memory_space<hbm>>) target(%arg10 : memref<3x128xi32, #tpu.memory_space<vmem>>) target_semaphore(%arg22 : memref<!tpu.dma_semaphore, #tpu.memory_space<semaphore_mem>>)
      %dma_wait3A_96 = arith.constant 0 : i32
      %dma_wait3A_97 = arith.constant 0 : i32
      %dma_wait3A_98 = arith.constant 0 : i32
      %dma_wait3A_99 = tpu.memref_slice %arg4[%arg1, %dma_wait3A_96, %dma_wait3A_97, %dma_wait3A_98] : memref<16x160x3x128xi32, #tpu.memory_space<hbm>> -> memref<1x1x3x128xi32, #tpu.memory_space<hbm>>
      %dma_wait3A_100 = tpu.memref_squeeze %dma_wait3A_99 : memref<1x1x3x128xi32, #tpu.memory_space<hbm>> -> memref<3x128xi32, #tpu.memory_space<hbm>>
      %dma_wait3A_101 = arith.constant 0 : i32
      %dma_wait3A_102 = arith.constant 0 : i32
      %dma_wait3A_103 = tpu.memref_slice %arg4[%arg1, %dma_wait3A_96, %dma_wait3A_101, %dma_wait3A_102] : memref<16x160x3x128xi32, #tpu.memory_space<hbm>> -> memref<1x1x3x128xi32, #tpu.memory_space<hbm>>
      %dma_wait3A_104 = tpu.memref_squeeze %dma_wait3A_103 : memref<1x1x3x128xi32, #tpu.memory_space<hbm>> -> memref<3x128xi32, #tpu.memory_space<hbm>>
      tpu.wait_dma2 semaphore(%arg20 : memref<!tpu.dma_semaphore, #tpu.memory_space<semaphore_mem>>) src(%dma_wait3A_104 : memref<3x128xi32, #tpu.memory_space<hbm>>) dst(%arg8 : memref<3x128xi32, #tpu.memory_space<vmem>>)
      %dma_start3A_105 = arith.constant 0 : i32
      %dma_start3A_106 = arith.constant 0 : i32
      %dma_start3A_107 = tpu.memref_slice %arg8[%dma_start3A_105, %dma_start3A_106] : memref<3x128xi32, #tpu.memory_space<vmem>> -> memref<1x128xi32, #tpu.memory_space<vmem>>
      %dma_start3A_108 = tpu.memref_squeeze %dma_start3A_107 : memref<1x128xi32, #tpu.memory_space<vmem>> -> memref<128xi32, #tpu.memory_space<vmem>>
      %dma_start3A_109 = arith.constant 0 : i32
      %dma_start3A_110 = arith.constant 0 : i32
      %dma_start3A_111 = tpu.memref_slice %arg7[%dma_start3A_109, %dma_start3A_110] : memref<10000x64xf32, #tpu.memory_space<vmem_shared>> -> memref<10000x64xf32, #tpu.memory_space<vmem_shared>>
      tpu.enqueue_indirect_dma source(%dma_start3A_111 : memref<10000x64xf32, #tpu.memory_space<vmem_shared>>) target(%arg12 : memref<128x64xf32, #tpu.memory_space<vmem>>) offsets(%dma_start3A_108 : memref<128xi32, #tpu.memory_space<vmem>>) semaphore(%arg24 : memref<!tpu.dma_semaphore, #tpu.memory_space<semaphore_mem>>)
      %scan3A_112 = arith.constant 0 : i32
      %scan3A_113 = arith.constant 40 : i32
      %scan3A_114 = arith.addi %scan3A_112, %scan3A_113 : i32
      %scan3A_115 = arith.constant 1 : i32
      scf.for %scan3A_130 = %scan3A_112 to %scan3A_114 step %scan3A_115  : i32 {
        %mul3A_131 = arith.constant 1 : i32
        %mul3A_132 = arith.muli %scan3A_130, %mul3A_131 : i32
        %add3A_133 = arith.constant 0 : i32
        %add3A_134 = arith.addi %add3A_133, %mul3A_132 : i32
        %mul3A_135 = arith.constant 4 : i32
        %mul3A_136 = arith.muli %mul3A_135, %add3A_134 : i32
        %add3A_137 = arith.constant 0 : i32
        %add3A_138 = arith.addi %mul3A_136, %add3A_137 : i32
        %add3A_139 = arith.constant 1 : i32
        %add3A_140 = arith.addi %add3A_138, %add3A_139 : i32
        %lt3A = arith.constant 160 : i32
        %lt3A_141 = arith.cmpi slt, %add3A_140, %lt3A : i32
        %convert_element_type3A = arith.extui %lt3A_141 : i1 to i32
        %cond3A = arith.constant 0 : i32
        %cond3A_142 = arith.cmpi ne, %convert_element_type3A, %cond3A : i32
        scf.if %cond3A_142 {
          %dma_wait3A_420 = arith.constant 0 : i32
          %dma_wait3A_421 = arith.constant 0 : i32
          %dma_wait3A_422 = arith.constant 0 : i32
          %dma_wait3A_423 = tpu.memref_slice %arg4[%arg1, %dma_wait3A_420, %dma_wait3A_421, %dma_wait3A_422] : memref<16x160x3x128xi32, #tpu.memory_space<hbm>> -> memref<1x1x3x128xi32, #tpu.memory_space<hbm>>
          %dma_wait3A_424 = tpu.memref_squeeze %dma_wait3A_423 : memref<1x1x3x128xi32, #tpu.memory_space<hbm>> -> memref<3x128xi32, #tpu.memory_space<hbm>>
          %dma_wait3A_425 = arith.constant 0 : i32
          %dma_wait3A_426 = arith.constant 0 : i32
          %dma_wait3A_427 = tpu.memref_slice %arg4[%arg1, %dma_wait3A_420, %dma_wait3A_425, %dma_wait3A_426] : memref<16x160x3x128xi32, #tpu.memory_space<hbm>> -> memref<1x1x3x128xi32, #tpu.memory_space<hbm>>
          %dma_wait3A_428 = tpu.memref_squeeze %dma_wait3A_427 : memref<1x1x3x128xi32, #tpu.memory_space<hbm>> -> memref<3x128xi32, #tpu.memory_space<hbm>>
          tpu.wait_dma2 semaphore(%arg21 : memref<!tpu.dma_semaphore, #tpu.memory_space<semaphore_mem>>) src(%dma_wait3A_428 : memref<3x128xi32, #tpu.memory_space<hbm>>) dst(%arg9 : memref<3x128xi32, #tpu.memory_space<vmem>>)
          %ge3A = arith.constant 3 : i32
          %ge3A_429 = arith.cmpi sge, %add3A_138, %ge3A : i32
          %convert_element_type3A_430 = arith.extui %ge3A_429 : i1 to i32
          %cond3A_431 = arith.constant 0 : i32
          %cond3A_432 = arith.cmpi ne, %convert_element_type3A_430, %cond3A_431 : i32
          scf.if %cond3A_432 {
            %dma_wait3A_447 = arith.constant 0 : i32
            %dma_wait3A_448 = arith.constant 0 : i32
            %dma_wait3A_449 = tpu.memref_slice %arg6[%dma_wait3A_447, %dma_wait3A_448] : memref<10000x64xf32, #tpu.memory_space<vmem_shared>> -> memref<10000x64xf32, #tpu.memory_space<vmem_shared>>
            tpu.wait_indirect_dma semaphore(%arg29 : memref<!tpu.dma_semaphore, #tpu.memory_space<semaphore_mem>>) src(%arg13 : memref<128x64xf32, #tpu.memory_space<vmem>>) dst(%dma_wait3A_449 : memref<10000x64xf32, #tpu.memory_space<vmem_shared>>)
          } else {
          }
          %dma_start3A_433 = arith.constant 0 : i32
          %dma_start3A_434 = arith.constant 0 : i32
          %dma_start3A_435 = tpu.memref_slice %arg9[%dma_start3A_433, %dma_start3A_434] : memref<3x128xi32, #tpu.memory_space<vmem>> -> memref<1x128xi32, #tpu.memory_space<vmem>>
          %dma_start3A_436 = tpu.memref_squeeze %dma_start3A_435 : memref<1x128xi32, #tpu.memory_space<vmem>> -> memref<128xi32, #tpu.memory_space<vmem>>
          %dma_start3A_437 = arith.constant 0 : i32
          %dma_start3A_438 = arith.constant 0 : i32
          %dma_start3A_439 = tpu.memref_slice %arg7[%dma_start3A_437, %dma_start3A_438] : memref<10000x64xf32, #tpu.memory_space<vmem_shared>> -> memref<10000x64xf32, #tpu.memory_space<vmem_shared>>
          tpu.enqueue_indirect_dma source(%dma_start3A_439 : memref<10000x64xf32, #tpu.memory_space<vmem_shared>>) target(%arg13 : memref<128x64xf32, #tpu.memory_space<vmem>>) offsets(%dma_start3A_436 : memref<128xi32, #tpu.memory_space<vmem>>) semaphore(%arg25 : memref<!tpu.dma_semaphore, #tpu.memory_space<semaphore_mem>>)
          %add3A_440 = arith.constant 3 : i32
          %add3A_441 = arith.addi %add3A_138, %add3A_440 : i32
          %lt3A_442 = arith.constant 160 : i32
          %lt3A_443 = arith.cmpi slt, %add3A_441, %lt3A_442 : i32
          %convert_element_type3A_444 = arith.extui %lt3A_443 : i1 to i32
          %cond3A_445 = arith.constant 0 : i32
          %cond3A_446 = arith.cmpi ne, %convert_element_type3A_444, %cond3A_445 : i32
          scf.if %cond3A_446 {
            %add3A_447 = arith.constant 3 : i32
            %add3A_448 = arith.addi %add3A_138, %add3A_447 : i32
            %dma_start3A_449 = arith.constant 0 : i32
            %dma_start3A_450 = arith.constant 0 : i32
            %dma_start3A_451 = tpu.memref_slice %arg4[%arg1, %add3A_448, %dma_start3A_449, %dma_start3A_450] : memref<16x160x3x128xi32, #tpu.memory_space<hbm>> -> memref<1x1x3x128xi32, #tpu.memory_space<hbm>>
            %dma_start3A_452 = tpu.memref_squeeze %dma_start3A_451 : memref<1x1x3x128xi32, #tpu.memory_space<hbm>> -> memref<3x128xi32, #tpu.memory_space<hbm>>
            %dma_start3A_453 = arith.constant 0 : i32
            %dma_start3A_454 = arith.constant 0 : i32
            %dma_start3A_455 = tpu.memref_slice %arg4[%arg1, %add3A_448, %dma_start3A_453, %dma_start3A_454] : memref<16x160x3x128xi32, #tpu.memory_space<hbm>> -> memref<1x1x3x128xi32, #tpu.memory_space<hbm>>
            %dma_start3A_456 = tpu.memref_squeeze %dma_start3A_455 : memref<1x1x3x128xi32, #tpu.memory_space<hbm>> -> memref<3x128xi32, #tpu.memory_space<hbm>>
            tpu.enqueue_dma source(%dma_start3A_456 : memref<3x128xi32, #tpu.memory_space<hbm>>) target(%arg11 : memref<3x128xi32, #tpu.memory_space<vmem>>) target_semaphore(%arg23 : memref<!tpu.dma_semaphore, #tpu.memory_space<semaphore_mem>>)
          } else {
          }
        } else {
        }
        %dma_wait3A_143 = arith.constant 0 : i32
        %dma_wait3A_144 = arith.constant 0 : i32
        %dma_wait3A_145 = tpu.memref_slice %arg8[%dma_wait3A_143, %dma_wait3A_144] : memref<3x128xi32, #tpu.memory_space<vmem>> -> memref<1x128xi32, #tpu.memory_space<vmem>>
        %dma_wait3A_146 = tpu.memref_squeeze %dma_wait3A_145 : memref<1x128xi32, #tpu.memory_space<vmem>> -> memref<128xi32, #tpu.memory_space<vmem>>
        %dma_wait3A_147 = arith.constant 0 : i32
        %dma_wait3A_148 = arith.constant 0 : i32
        %dma_wait3A_149 = tpu.memref_slice %arg7[%dma_wait3A_147, %dma_wait3A_148] : memref<10000x64xf32, #tpu.memory_space<vmem_shared>> -> memref<10000x64xf32, #tpu.memory_space<vmem_shared>>
        tpu.wait_indirect_dma semaphore(%arg24 : memref<!tpu.dma_semaphore, #tpu.memory_space<semaphore_mem>>) src(%dma_wait3A_149 : memref<10000x64xf32, #tpu.memory_space<vmem_shared>>) dst(%arg12 : memref<128x64xf32, #tpu.memory_space<vmem>>)
        %get3A = arith.constant 1 : i32
        %get3A_150 = arith.index_cast %get3A : i32 to index
        %get3A_151 = arith.constant 0 : index
        %get3A_152 = tpu.vector_load %arg8[%get3A_150, %get3A_151] {strides = array<i32>} : memref<3x128xi32, #tpu.memory_space<vmem>>, vector<16xi32>,
        %swap3A = arith.constant 0 : index
        %swap3A_153 = tpu.vector_load %arg16[%swap3A] {strides = array<i32>} : memref<128xi32, #tpu.memory_space<vmem>>, vector<16xi32>,
        tpu.vector_store %arg16[%swap3A], %get3A_152 {strides = array<i32>} : memref<128xi32, #tpu.memory_space<vmem>>, vector<16xi32>,
        %get3A_154 = arith.constant 1 : i32
        %get3A_155 = arith.index_cast %get3A_154 : i32 to index
        %get3A_156 = arith.constant 16 : index
        %get3A_157 = tpu.vector_load %arg8[%get3A_155, %get3A_156] {strides = array<i32>} : memref<3x128xi32, #tpu.memory_space<vmem>>, vector<16xi32>,
        %swap3A_158 = arith.constant 16 : index
        %swap3A_159 = tpu.vector_load %arg16[%swap3A_158] {strides = array<i32>} : memref<128xi32, #tpu.memory_space<vmem>>, vector<16xi32>,
        tpu.vector_store %arg16[%swap3A_158], %get3A_157 {strides = array<i32>} : memref<128xi32, #tpu.memory_space<vmem>>, vector<16xi32>,
        %get3A_160 = arith.constant 1 : i32
        %get3A_161 = arith.index_cast %get3A_160 : i32 to index
        %get3A_162 = arith.constant 32 : index
        %get3A_163 = tpu.vector_load %arg8[%get3A_161, %get3A_162] {strides = array<i32>} : memref<3x128xi32, #tpu.memory_space<vmem>>, vector<16xi32>,
        %swap3A_164 = arith.constant 32 : index
        %swap3A_165 = tpu.vector_load %arg16[%swap3A_164] {strides = array<i32>} : memref<128xi32, #tpu.memory_space<vmem>>, vector<16xi32>,
        tpu.vector_store %arg16[%swap3A_164], %get3A_163 {strides = array<i32>} : memref<128xi32, #tpu.memory_space<vmem>>, vector<16xi32>,
        %get3A_166 = arith.constant 1 : i32
        %get3A_167 = arith.index_cast %get3A_166 : i32 to index
        %get3A_168 = arith.constant 48 : index
        %get3A_169 = tpu.vector_load %arg8[%get3A_167, %get3A_168] {strides = array<i32>} : memref<3x128xi32, #tpu.memory_space<vmem>>, vector<16xi32>,
        %swap3A_170 = arith.constant 48 : index
        %swap3A_171 = tpu.vector_load %arg16[%swap3A_170] {strides = array<i32>} : memref<128xi32, #tpu.memory_space<vmem>>, vector<16xi32>,
        tpu.vector_store %arg16[%swap3A_170], %get3A_169 {strides = array<i32>} : memref<128xi32, #tpu.memory_space<vmem>>, vector<16xi32>,
        %get3A_172 = arith.constant 1 : i32
        %get3A_173 = arith.index_cast %get3A_172 : i32 to index
        %get3A_174 = arith.constant 64 : index
        %get3A_175 = tpu.vector_load %arg8[%get3A_173, %get3A_174] {strides = array<i32>} : memref<3x128xi32, #tpu.memory_space<vmem>>, vector<16xi32>,
        %swap3A_176 = arith.constant 64 : index
        %swap3A_177 = tpu.vector_load %arg16[%swap3A_176] {strides = array<i32>} : memref<128xi32, #tpu.memory_space<vmem>>, vector<16xi32>,
        tpu.vector_store %arg16[%swap3A_176], %get3A_175 {strides = array<i32>} : memref<128xi32, #tpu.memory_space<vmem>>, vector<16xi32>,
        %get3A_178 = arith.constant 1 : i32
        %get3A_179 = arith.index_cast %get3A_178 : i32 to index
        %get3A_180 = arith.constant 80 : index
        %get3A_181 = tpu.vector_load %arg8[%get3A_179, %get3A_180] {strides = array<i32>} : memref<3x128xi32, #tpu.memory_space<vmem>>, vector<16xi32>,
        %swap3A_182 = arith.constant 80 : index
        %swap3A_183 = tpu.vector_load %arg16[%swap3A_182] {strides = array<i32>} : memref<128xi32, #tpu.memory_space<vmem>>, vector<16xi32>,
        tpu.vector_store %arg16[%swap3A_182], %get3A_181 {strides = array<i32>} : memref<128xi32, #tpu.memory_space<vmem>>, vector<16xi32>,
        %get3A_184 = arith.constant 1 : i32
        %get3A_185 = arith.index_cast %get3A_184 : i32 to index
        %get3A_186 = arith.constant 96 : index
        %get3A_187 = tpu.vector_load %arg8[%get3A_185, %get3A_186] {strides = array<i32>} : memref<3x128xi32, #tpu.memory_space<vmem>>, vector<16xi32>,
        %swap3A_188 = arith.constant 96 : index
        %swap3A_189 = tpu.vector_load %arg16[%swap3A_188] {strides = array<i32>} : memref<128xi32, #tpu.memory_space<vmem>>, vector<16xi32>,
        tpu.vector_store %arg16[%swap3A_188], %get3A_187 {strides = array<i32>} : memref<128xi32, #tpu.memory_space<vmem>>, vector<16xi32>,
        %get3A_190 = arith.constant 1 : i32
        %get3A_191 = arith.index_cast %get3A_190 : i32 to index
        %get3A_192 = arith.constant 112 : index
        %get3A_193 = tpu.vector_load %arg8[%get3A_191, %get3A_192] {strides = array<i32>} : memref<3x128xi32, #tpu.memory_space<vmem>>, vector<16xi32>,
        %swap3A_194 = arith.constant 112 : index
        %swap3A_195 = tpu.vector_load %arg16[%swap3A_194] {strides = array<i32>} : memref<128xi32, #tpu.memory_space<vmem>>, vector<16xi32>,
        tpu.vector_store %arg16[%swap3A_194], %get3A_193 {strides = array<i32>} : memref<128xi32, #tpu.memory_space<vmem>>, vector<16xi32>,
        %scan3A_196 = arith.constant 0 : i32
        %scan3A_197 = arith.constant 128 : i32
        %scan3A_198 = arith.addi %scan3A_196, %scan3A_197 : i32
        %scan3A_199 = arith.constant 4 : i32
        scf.for %scan3A_420 = %scan3A_196 to %scan3A_198 step %scan3A_199  : i32 {
          %mul3A_421 = arith.constant 1 : i32
          %mul3A_422 = arith.muli %scan3A_420, %mul3A_421 : i32
          %add3A_423 = arith.constant 0 : i32
          %add3A_424 = arith.addi %add3A_423, %mul3A_422 : i32
          %broadcast_in_dim3A = arith.constant 2 : i32
          %broadcast_in_dim3A_425 = vector.broadcast %broadcast_in_dim3A : i32 to vector<16xi32>
          %broadcast_in_dim3A_426 = vector.broadcast %add3A_424 : i32 to vector<16xi32>
          %gather3A = tpu.vector_load_idx %arg8[%broadcast_in_dim3A_425, %broadcast_in_dim3A_426] : memref<3x128xi32, #tpu.memory_space<vmem>>[vector<16xi32>, vector<16xi32>], vector<16xi32>,
          %bitcast3A = vector.bitcast %gather3A : vector<16xi32> to vector<16xf32>
          %get3A_427 = arith.index_cast %add3A_424 : i32 to index
          %get3A_428 = arith.constant 0 : index
          %get3A_429 = tpu.vector_load %arg12[%get3A_427, %get3A_428] {strides = array<i32>} : memref<128x64xf32, #tpu.memory_space<vmem>>, vector<16xf32>,
          %mul3A_430 = arith.mulf %get3A_429, %bitcast3A : vector<16xf32>
          %swap3A_431 = arith.index_cast %add3A_424 : i32 to index
          %swap3A_432 = arith.constant 0 : index
          %swap3A_433 = tpu.vector_load %arg12[%swap3A_431, %swap3A_432] {strides = array<i32>} : memref<128x64xf32, #tpu.memory_space<vmem>>, vector<16xf32>,
          tpu.vector_store %arg12[%swap3A_431, %swap3A_432], %mul3A_430 {strides = array<i32>} : memref<128x64xf32, #tpu.memory_space<vmem>>, vector<16xf32>,
          %get3A_434 = arith.index_cast %add3A_424 : i32 to index
          %get3A_435 = arith.constant 16 : index
          %get3A_436 = tpu.vector_load %arg12[%get3A_434, %get3A_435] {strides = array<i32>} : memref<128x64xf32, #tpu.memory_space<vmem>>, vector<16xf32>,
          %mul3A_437 = arith.mulf %get3A_436, %bitcast3A : vector<16xf32>
          %swap3A_438 = arith.index_cast %add3A_424 : i32 to index
          %swap3A_439 = arith.constant 16 : index
          %swap3A_440 = tpu.vector_load %arg12[%swap3A_438, %swap3A_439] {strides = array<i32>} : memref<128x64xf32, #tpu.memory_space<vmem>>, vector<16xf32>,
          tpu.vector_store %arg12[%swap3A_438, %swap3A_439], %mul3A_437 {strides = array<i32>} : memref<128x64xf32, #tpu.memory_space<vmem>>, vector<16xf32>,
          %get3A_441 = arith.index_cast %add3A_424 : i32 to index
          %get3A_442 = arith.constant 32 : index
          %get3A_443 = tpu.vector_load %arg12[%get3A_441, %get3A_442] {strides = array<i32>} : memref<128x64xf32, #tpu.memory_space<vmem>>, vector<16xf32>,
          %mul3A_444 = arith.mulf %get3A_443, %bitcast3A : vector<16xf32>
          %swap3A_445 = arith.index_cast %add3A_424 : i32 to index
          %swap3A_446 = arith.constant 32 : index
          %swap3A_447 = tpu.vector_load %arg12[%swap3A_445, %swap3A_446] {strides = array<i32>} : memref<128x64xf32, #tpu.memory_space<vmem>>, vector<16xf32>,
          tpu.vector_store %arg12[%swap3A_445, %swap3A_446], %mul3A_444 {strides = array<i32>} : memref<128x64xf32, #tpu.memory_space<vmem>>, vector<16xf32>,
          %get3A_448 = arith.index_cast %add3A_424 : i32 to index
          %get3A_449 = arith.constant 48 : index
          %get3A_450 = tpu.vector_load %arg12[%get3A_448, %get3A_449] {strides = array<i32>} : memref<128x64xf32, #tpu.memory_space<vmem>>, vector<16xf32>,
          %mul3A_451 = arith.mulf %get3A_450, %bitcast3A : vector<16xf32>
          %swap3A_452 = arith.index_cast %add3A_424 : i32 to index
          %swap3A_453 = arith.constant 48 : index
          %swap3A_454 = tpu.vector_load %arg12[%swap3A_452, %swap3A_453] {strides = array<i32>} : memref<128x64xf32, #tpu.memory_space<vmem>>, vector<16xf32>,
          tpu.vector_store %arg12[%swap3A_452, %swap3A_453], %mul3A_451 {strides = array<i32>} : memref<128x64xf32, #tpu.memory_space<vmem>>, vector<16xf32>,
          %scan3A_455 = arith.constant 1 : i32
          %scan3A_456 = arith.addi %scan3A_420, %scan3A_455 : i32
          %mul3A_457 = arith.constant 1 : i32
          %mul3A_458 = arith.muli %scan3A_456, %mul3A_457 : i32
          %add3A_459 = arith.constant 0 : i32
          %add3A_460 = arith.addi %add3A_459, %mul3A_458 : i32
          %broadcast_in_dim3A_461 = arith.constant 2 : i32
          %broadcast_in_dim3A_462 = vector.broadcast %broadcast_in_dim3A_461 : i32 to vector<16xi32>
          %broadcast_in_dim3A_463 = vector.broadcast %add3A_460 : i32 to vector<16xi32>
          %gather3A_464 = tpu.vector_load_idx %arg8[%broadcast_in_dim3A_462, %broadcast_in_dim3A_463] : memref<3x128xi32, #tpu.memory_space<vmem>>[vector<16xi32>, vector<16xi32>], vector<16xi32>,
          %bitcast3A_465 = vector.bitcast %gather3A_464 : vector<16xi32> to vector<16xf32>
          %get3A_466 = arith.index_cast %add3A_460 : i32 to index
          %get3A_467 = arith.constant 0 : index
          %get3A_468 = tpu.vector_load %arg12[%get3A_466, %get3A_467] {strides = array<i32>} : memref<128x64xf32, #tpu.memory_space<vmem>>, vector<16xf32>,
          %mul3A_469 = arith.mulf %get3A_468, %bitcast3A_465 : vector<16xf32>
          %swap3A_470 = arith.index_cast %add3A_460 : i32 to index
          %swap3A_471 = arith.constant 0 : index
          %swap3A_472 = tpu.vector_load %arg12[%swap3A_470, %swap3A_471] {strides = array<i32>} : memref<128x64xf32, #tpu.memory_space<vmem>>, vector<16xf32>,
          tpu.vector_store %arg12[%swap3A_470, %swap3A_471], %mul3A_469 {strides = array<i32>} : memref<128x64xf32, #tpu.memory_space<vmem>>, vector<16xf32>,
          %get3A_473 = arith.index_cast %add3A_460 : i32 to index
          %get3A_474 = arith.constant 16 : index
          %get3A_475 = tpu.vector_load %arg12[%get3A_473, %get3A_474] {strides = array<i32>} : memref<128x64xf32, #tpu.memory_space<vmem>>, vector<16xf32>,
          %mul3A_476 = arith.mulf %get3A_475, %bitcast3A_465 : vector<16xf32>
          %swap3A_477 = arith.index_cast %add3A_460 : i32 to index
          %swap3A_478 = arith.constant 16 : index
          %swap3A_479 = tpu.vector_load %arg12[%swap3A_477, %swap3A_478] {strides = array<i32>} : memref<128x64xf32, #tpu.memory_space<vmem>>, vector<16xf32>,
          tpu.vector_store %arg12[%swap3A_477, %swap3A_478], %mul3A_476 {strides = array<i32>} : memref<128x64xf32, #tpu.memory_space<vmem>>, vector<16xf32>,
          %get3A_480 = arith.index_cast %add3A_460 : i32 to index
          %get3A_481 = arith.constant 32 : index
          %get3A_482 = tpu.vector_load %arg12[%get3A_480, %get3A_481] {strides = array<i32>} : memref<128x64xf32, #tpu.memory_space<vmem>>, vector<16xf32>,
          %mul3A_483 = arith.mulf %get3A_482, %bitcast3A_465 : vector<16xf32>
          %swap3A_484 = arith.index_cast %add3A_460 : i32 to index
          %swap3A_485 = arith.constant 32 : index
          %swap3A_486 = tpu.vector_load %arg12[%swap3A_484, %swap3A_485] {strides = array<i32>} : memref<128x64xf32, #tpu.memory_space<vmem>>, vector<16xf32>,
          tpu.vector_store %arg12[%swap3A_484, %swap3A_485], %mul3A_483 {strides = array<i32>} : memref<128x64xf32, #tpu.memory_space<vmem>>, vector<16xf32>,
          %get3A_487 = arith.index_cast %add3A_460 : i32 to index
          %get3A_488 = arith.constant 48 : index
          %get3A_489 = tpu.vector_load %arg12[%get3A_487, %get3A_488] {strides = array<i32>} : memref<128x64xf32, #tpu.memory_space<vmem>>, vector<16xf32>,
          %mul3A_490 = arith.mulf %get3A_489, %bitcast3A_465 : vector<16xf32>
          %swap3A_491 = arith.index_cast %add3A_460 : i32 to index
          %swap3A_492 = arith.constant 48 : index
          %swap3A_493 = tpu.vector_load %arg12[%swap3A_491, %swap3A_492] {strides = array<i32>} : memref<128x64xf32, #tpu.memory_space<vmem>>, vector<16xf32>,
          tpu.vector_store %arg12[%swap3A_491, %swap3A_492], %mul3A_490 {strides = array<i32>} : memref<128x64xf32, #tpu.memory_space<vmem>>, vector<16xf32>,
          %scan3A_494 = arith.constant 2 : i32
          %scan3A_495 = arith.addi %scan3A_420, %scan3A_494 : i32
          %mul3A_496 = arith.constant 1 : i32
          %mul3A_497 = arith.muli %scan3A_495, %mul3A_496 : i32
          %add3A_498 = arith.constant 0 : i32
          %add3A_499 = arith.addi %add3A_498, %mul3A_497 : i32
          %broadcast_in_dim3A_500 = arith.constant 2 : i32
          %broadcast_in_dim3A_501 = vector.broadcast %broadcast_in_dim3A_500 : i32 to vector<16xi32>
          %broadcast_in_dim3A_502 = vector.broadcast %add3A_499 : i32 to vector<16xi32>
          %gather3A_503 = tpu.vector_load_idx %arg8[%broadcast_in_dim3A_501, %broadcast_in_dim3A_502] : memref<3x128xi32, #tpu.memory_space<vmem>>[vector<16xi32>, vector<16xi32>], vector<16xi32>,
          %bitcast3A_504 = vector.bitcast %gather3A_503 : vector<16xi32> to vector<16xf32>
          %get3A_505 = arith.index_cast %add3A_499 : i32 to index
          %get3A_506 = arith.constant 0 : index
          %get3A_507 = tpu.vector_load %arg12[%get3A_505, %get3A_506] {strides = array<i32>} : memref<128x64xf32, #tpu.memory_space<vmem>>, vector<16xf32>,
          %mul3A_508 = arith.mulf %get3A_507, %bitcast3A_504 : vector<16xf32>
          %swap3A_509 = arith.index_cast %add3A_499 : i32 to index
          %swap3A_510 = arith.constant 0 : index
          %swap3A_511 = tpu.vector_load %arg12[%swap3A_509, %swap3A_510] {strides = array<i32>} : memref<128x64xf32, #tpu.memory_space<vmem>>, vector<16xf32>,
          tpu.vector_store %arg12[%swap3A_509, %swap3A_510], %mul3A_508 {strides = array<i32>} : memref<128x64xf32, #tpu.memory_space<vmem>>, vector<16xf32>,
          %get3A_512 = arith.index_cast %add3A_499 : i32 to index
          %get3A_513 = arith.constant 16 : index
          %get3A_514 = tpu.vector_load %arg12[%get3A_512, %get3A_513] {strides = array<i32>} : memref<128x64xf32, #tpu.memory_space<vmem>>, vector<16xf32>,
          %mul3A_515 = arith.mulf %get3A_514, %bitcast3A_504 : vector<16xf32>
          %swap3A_516 = arith.index_cast %add3A_499 : i32 to index
          %swap3A_517 = arith.constant 16 : index
          %swap3A_518 = tpu.vector_load %arg12[%swap3A_516, %swap3A_517] {strides = array<i32>} : memref<128x64xf32, #tpu.memory_space<vmem>>, vector<16xf32>,
          tpu.vector_store %arg12[%swap3A_516, %swap3A_517], %mul3A_515 {strides = array<i32>} : memref<128x64xf32, #tpu.memory_space<vmem>>, vector<16xf32>,
          %get3A_519 = arith.index_cast %add3A_499 : i32 to index
          %get3A_520 = arith.constant 32 : index
          %get3A_521 = tpu.vector_load %arg12[%get3A_519, %get3A_520] {strides = array<i32>} : memref<128x64xf32, #tpu.memory_space<vmem>>, vector<16xf32>,
          %mul3A_522 = arith.mulf %get3A_521, %bitcast3A_504 : vector<16xf32>
          %swap3A_523 = arith.index_cast %add3A_499 : i32 to index
          %swap3A_524 = arith.constant 32 : index
          %swap3A_525 = tpu.vector_load %arg12[%swap3A_523, %swap3A_524] {strides = array<i32>} : memref<128x64xf32, #tpu.memory_space<vmem>>, vector<16xf32>,
          tpu.vector_store %arg12[%swap3A_523, %swap3A_524], %mul3A_522 {strides = array<i32>} : memref<128x64xf32, #tpu.memory_space<vmem>>, vector<16xf32>,
          %get3A_526 = arith.index_cast %add3A_499 : i32 to index
          %get3A_527 = arith.constant 48 : index
          %get3A_528 = tpu.vector_load %arg12[%get3A_526, %get3A_527] {strides = array<i32>} : memref<128x64xf32, #tpu.memory_space<vmem>>, vector<16xf32>,
          %mul3A_529 = arith.mulf %get3A_528, %bitcast3A_504 : vector<16xf32>
          %swap3A_530 = arith.index_cast %add3A_499 : i32 to index
          %swap3A_531 = arith.constant 48 : index
          %swap3A_532 = tpu.vector_load %arg12[%swap3A_530, %swap3A_531] {strides = array<i32>} : memref<128x64xf32, #tpu.memory_space<vmem>>, vector<16xf32>,
          tpu.vector_store %arg12[%swap3A_530, %swap3A_531], %mul3A_529 {strides = array<i32>} : memref<128x64xf32, #tpu.memory_space<vmem>>, vector<16xf32>,
          %scan3A_533 = arith.constant 3 : i32
          %scan3A_534 = arith.addi %scan3A_420, %scan3A_533 : i32
          %mul3A_535 = arith.constant 1 : i32
          %mul3A_536 = arith.muli %scan3A_534, %mul3A_535 : i32
          %add3A_537 = arith.constant 0 : i32
          %add3A_538 = arith.addi %add3A_537, %mul3A_536 : i32
          %broadcast_in_dim3A_539 = arith.constant 2 : i32
          %broadcast_in_dim3A_540 = vector.broadcast %broadcast_in_dim3A_539 : i32 to vector<16xi32>
          %broadcast_in_dim3A_541 = vector.broadcast %add3A_538 : i32 to vector<16xi32>
          %gather3A_542 = tpu.vector_load_idx %arg8[%broadcast_in_dim3A_540, %broadcast_in_dim3A_541] : memref<3x128xi32, #tpu.memory_space<vmem>>[vector<16xi32>, vector<16xi32>], vector<16xi32>,
          %bitcast3A_543 = vector.bitcast %gather3A_542 : vector<16xi32> to vector<16xf32>
          %get3A_544 = arith.index_cast %add3A_538 : i32 to index
          %get3A_545 = arith.constant 0 : index
          %get3A_546 = tpu.vector_load %arg12[%get3A_544, %get3A_545] {strides = array<i32>} : memref<128x64xf32, #tpu.memory_space<vmem>>, vector<16xf32>,
          %mul3A_547 = arith.mulf %get3A_546, %bitcast3A_543 : vector<16xf32>
          %swap3A_548 = arith.index_cast %add3A_538 : i32 to index
          %swap3A_549 = arith.constant 0 : index
          %swap3A_550 = tpu.vector_load %arg12[%swap3A_548, %swap3A_549] {strides = array<i32>} : memref<128x64xf32, #tpu.memory_space<vmem>>, vector<16xf32>,
          tpu.vector_store %arg12[%swap3A_548, %swap3A_549], %mul3A_547 {strides = array<i32>} : memref<128x64xf32, #tpu.memory_space<vmem>>, vector<16xf32>,
          %get3A_551 = arith.index_cast %add3A_538 : i32 to index
          %get3A_552 = arith.constant 16 : index
          %get3A_553 = tpu.vector_load %arg12[%get3A_551, %get3A_552] {strides = array<i32>} : memref<128x64xf32, #tpu.memory_space<vmem>>, vector<16xf32>,
          %mul3A_554 = arith.mulf %get3A_553, %bitcast3A_543 : vector<16xf32>
          %swap3A_555 = arith.index_cast %add3A_538 : i32 to index
          %swap3A_556 = arith.constant 16 : index
          %swap3A_557 = tpu.vector_load %arg12[%swap3A_555, %swap3A_556] {strides = array<i32>} : memref<128x64xf32, #tpu.memory_space<vmem>>, vector<16xf32>,
          tpu.vector_store %arg12[%swap3A_555, %swap3A_556], %mul3A_554 {strides = array<i32>} : memref<128x64xf32, #tpu.memory_space<vmem>>, vector<16xf32>,
          %get3A_558 = arith.index_cast %add3A_538 : i32 to index
          %get3A_559 = arith.constant 32 : index
          %get3A_560 = tpu.vector_load %arg12[%get3A_558, %get3A_559] {strides = array<i32>} : memref<128x64xf32, #tpu.memory_space<vmem>>, vector<16xf32>,
          %mul3A_561 = arith.mulf %get3A_560, %bitcast3A_543 : vector<16xf32>
          %swap3A_562 = arith.index_cast %add3A_538 : i32 to index
          %swap3A_563 = arith.constant 32 : index
          %swap3A_564 = tpu.vector_load %arg12[%swap3A_562, %swap3A_563] {strides = array<i32>} : memref<128x64xf32, #tpu.memory_space<vmem>>, vector<16xf32>,
          tpu.vector_store %arg12[%swap3A_562, %swap3A_563], %mul3A_561 {strides = array<i32>} : memref<128x64xf32, #tpu.memory_space<vmem>>, vector<16xf32>,
          %get3A_565 = arith.index_cast %add3A_538 : i32 to index
          %get3A_566 = arith.constant 48 : index
          %get3A_567 = tpu.vector_load %arg12[%get3A_565, %get3A_566] {strides = array<i32>} : memref<128x64xf32, #tpu.memory_space<vmem>>, vector<16xf32>,
          %mul3A_568 = arith.mulf %get3A_567, %bitcast3A_543 : vector<16xf32>
          %swap3A_569 = arith.index_cast %add3A_538 : i32 to index
          %swap3A_570 = arith.constant 48 : index
          %swap3A_571 = tpu.vector_load %arg12[%swap3A_569, %swap3A_570] {strides = array<i32>} : memref<128x64xf32, #tpu.memory_space<vmem>>, vector<16xf32>,
          tpu.vector_store %arg12[%swap3A_569, %swap3A_570], %mul3A_568 {strides = array<i32>} : memref<128x64xf32, #tpu.memory_space<vmem>>, vector<16xf32>,
        }
        %scan3A_200 = arith.constant 128 : i32
        %dma_start3A_201 = arith.constant 0 : i32
        %dma_start3A_202 = arith.constant 0 : i32
        %dma_start3A_203 = tpu.memref_slice %arg6[%dma_start3A_201, %dma_start3A_202] : memref<10000x64xf32, #tpu.memory_space<vmem_shared>> -> memref<10000x64xf32, #tpu.memory_space<vmem_shared>>
        tpu.enqueue_indirect_dma source(%arg12 : memref<128x64xf32, #tpu.memory_space<vmem>>) target(%dma_start3A_203 : memref<10000x64xf32, #tpu.memory_space<vmem_shared>>) offsets(%arg16 : memref<128xi32, #tpu.memory_space<vmem>>) semaphore(%arg28 : memref<!tpu.dma_semaphore, #tpu.memory_space<semaphore_mem>>) {add = true}
        %add3A_204 = arith.constant 1 : i32
        %add3A_205 = arith.addi %mul3A_136, %add3A_204 : i32
        %add3A_206 = arith.constant 1 : i32
        %add3A_207 = arith.addi %add3A_205, %add3A_206 : i32
        %lt3A_208 = arith.constant 160 : i32
        %lt3A_209 = arith.cmpi slt, %add3A_207, %lt3A_208 : i32
        %convert_element_type3A_210 = arith.extui %lt3A_209 : i1 to i32
        %cond3A_211 = arith.constant 0 : i32
        %cond3A_212 = arith.cmpi ne, %convert_element_type3A_210, %cond3A_211 : i32
        scf.if %cond3A_212 {
          %dma_wait3A_420 = arith.constant 0 : i32
          %dma_wait3A_421 = arith.constant 0 : i32
          %dma_wait3A_422 = arith.constant 0 : i32
          %dma_wait3A_423 = tpu.memref_slice %arg4[%arg1, %dma_wait3A_420, %dma_wait3A_421, %dma_wait3A_422] : memref<16x160x3x128xi32, #tpu.memory_space<hbm>> -> memref<1x1x3x128xi32, #tpu.memory_space<hbm>>
          %dma_wait3A_424 = tpu.memref_squeeze %dma_wait3A_423 : memref<1x1x3x128xi32, #tpu.memory_space<hbm>> -> memref<3x128xi32, #tpu.memory_space<hbm>>
          %dma_wait3A_425 = arith.constant 0 : i32
          %dma_wait3A_426 = arith.constant 0 : i32
          %dma_wait3A_427 = tpu.memref_slice %arg4[%arg1, %dma_wait3A_420, %dma_wait3A_425, %dma_wait3A_426] : memref<16x160x3x128xi32, #tpu.memory_space<hbm>> -> memref<1x1x3x128xi32, #tpu.memory_space<hbm>>
          %dma_wait3A_428 = tpu.memref_squeeze %dma_wait3A_427 : memref<1x1x3x128xi32, #tpu.memory_space<hbm>> -> memref<3x128xi32, #tpu.memory_space<hbm>>
          tpu.wait_dma2 semaphore(%arg22 : memref<!tpu.dma_semaphore, #tpu.memory_space<semaphore_mem>>) src(%dma_wait3A_428 : memref<3x128xi32, #tpu.memory_space<hbm>>) dst(%arg10 : memref<3x128xi32, #tpu.memory_space<vmem>>)
          %ge3A = arith.constant 3 : i32
          %ge3A_429 = arith.cmpi sge, %add3A_205, %ge3A : i32
          %convert_element_type3A_430 = arith.extui %ge3A_429 : i1 to i32
          %cond3A_431 = arith.constant 0 : i32
          %cond3A_432 = arith.cmpi ne, %convert_element_type3A_430, %cond3A_431 : i32
          scf.if %cond3A_432 {
            %dma_wait3A_447 = arith.constant 0 : i32
            %dma_wait3A_448 = arith.constant 0 : i32
            %dma_wait3A_449 = tpu.memref_slice %arg6[%dma_wait3A_447, %dma_wait3A_448] : memref<10000x64xf32, #tpu.memory_space<vmem_shared>> -> memref<10000x64xf32, #tpu.memory_space<vmem_shared>>
            tpu.wait_indirect_dma semaphore(%arg30 : memref<!tpu.dma_semaphore, #tpu.memory_space<semaphore_mem>>) src(%arg14 : memref<128x64xf32, #tpu.memory_space<vmem>>) dst(%dma_wait3A_449 : memref<10000x64xf32, #tpu.memory_space<vmem_shared>>)
          } else {
          }
          %dma_start3A_433 = arith.constant 0 : i32
          %dma_start3A_434 = arith.constant 0 : i32
          %dma_start3A_435 = tpu.memref_slice %arg10[%dma_start3A_433, %dma_start3A_434] : memref<3x128xi32, #tpu.memory_space<vmem>> -> memref<1x128xi32, #tpu.memory_space<vmem>>
          %dma_start3A_436 = tpu.memref_squeeze %dma_start3A_435 : memref<1x128xi32, #tpu.memory_space<vmem>> -> memref<128xi32, #tpu.memory_space<vmem>>
          %dma_start3A_437 = arith.constant 0 : i32
          %dma_start3A_438 = arith.constant 0 : i32
          %dma_start3A_439 = tpu.memref_slice %arg7[%dma_start3A_437, %dma_start3A_438] : memref<10000x64xf32, #tpu.memory_space<vmem_shared>> -> memref<10000x64xf32, #tpu.memory_space<vmem_shared>>
          tpu.enqueue_indirect_dma source(%dma_start3A_439 : memref<10000x64xf32, #tpu.memory_space<vmem_shared>>) target(%arg14 : memref<128x64xf32, #tpu.memory_space<vmem>>) offsets(%dma_start3A_436 : memref<128xi32, #tpu.memory_space<vmem>>) semaphore(%arg26 : memref<!tpu.dma_semaphore, #tpu.memory_space<semaphore_mem>>)
          %add3A_440 = arith.constant 3 : i32
          %add3A_441 = arith.addi %add3A_205, %add3A_440 : i32
          %lt3A_442 = arith.constant 160 : i32
          %lt3A_443 = arith.cmpi slt, %add3A_441, %lt3A_442 : i32
          %convert_element_type3A_444 = arith.extui %lt3A_443 : i1 to i32
          %cond3A_445 = arith.constant 0 : i32
          %cond3A_446 = arith.cmpi ne, %convert_element_type3A_444, %cond3A_445 : i32
          scf.if %cond3A_446 {
            %add3A_447 = arith.constant 3 : i32
            %add3A_448 = arith.addi %add3A_205, %add3A_447 : i32
            %dma_start3A_449 = arith.constant 0 : i32
            %dma_start3A_450 = arith.constant 0 : i32
            %dma_start3A_451 = tpu.memref_slice %arg4[%arg1, %add3A_448, %dma_start3A_449, %dma_start3A_450] : memref<16x160x3x128xi32, #tpu.memory_space<hbm>> -> memref<1x1x3x128xi32, #tpu.memory_space<hbm>>
            %dma_start3A_452 = tpu.memref_squeeze %dma_start3A_451 : memref<1x1x3x128xi32, #tpu.memory_space<hbm>> -> memref<3x128xi32, #tpu.memory_space<hbm>>
            %dma_start3A_453 = arith.constant 0 : i32
            %dma_start3A_454 = arith.constant 0 : i32
            %dma_start3A_455 = tpu.memref_slice %arg4[%arg1, %add3A_448, %dma_start3A_453, %dma_start3A_454] : memref<16x160x3x128xi32, #tpu.memory_space<hbm>> -> memref<1x1x3x128xi32, #tpu.memory_space<hbm>>
            %dma_start3A_456 = tpu.memref_squeeze %dma_start3A_455 : memref<1x1x3x128xi32, #tpu.memory_space<hbm>> -> memref<3x128xi32, #tpu.memory_space<hbm>>
            tpu.enqueue_dma source(%dma_start3A_456 : memref<3x128xi32, #tpu.memory_space<hbm>>) target(%arg8 : memref<3x128xi32, #tpu.memory_space<vmem>>) target_semaphore(%arg20 : memref<!tpu.dma_semaphore, #tpu.memory_space<semaphore_mem>>)
          } else {
          }
        } else {
        }
        %dma_wait3A_213 = arith.constant 0 : i32
        %dma_wait3A_214 = arith.constant 0 : i32
        %dma_wait3A_215 = tpu.memref_slice %arg9[%dma_wait3A_213, %dma_wait3A_214] : memref<3x128xi32, #tpu.memory_space<vmem>> -> memref<1x128xi32, #tpu.memory_space<vmem>>
        %dma_wait3A_216 = tpu.memref_squeeze %dma_wait3A_215 : memref<1x128xi32, #tpu.memory_space<vmem>> -> memref<128xi32, #tpu.memory_space<vmem>>
        %dma_wait3A_217 = arith.constant 0 : i32
        %dma_wait3A_218 = arith.constant 0 : i32
        %dma_wait3A_219 = tpu.memref_slice %arg7[%dma_wait3A_217, %dma_wait3A_218] : memref<10000x64xf32, #tpu.memory_space<vmem_shared>> -> memref<10000x64xf32, #tpu.memory_space<vmem_shared>>
        tpu.wait_indirect_dma semaphore(%arg25 : memref<!tpu.dma_semaphore, #tpu.memory_space<semaphore_mem>>) src(%dma_wait3A_219 : memref<10000x64xf32, #tpu.memory_space<vmem_shared>>) dst(%arg13 : memref<128x64xf32, #tpu.memory_space<vmem>>)
        %get3A_220 = arith.constant 1 : i32
        %get3A_221 = arith.index_cast %get3A_220 : i32 to index
        %get3A_222 = arith.constant 0 : index
        %get3A_223 = tpu.vector_load %arg9[%get3A_221, %get3A_222] {strides = array<i32>} : memref<3x128xi32, #tpu.memory_space<vmem>>, vector<16xi32>,
        %swap3A_224 = arith.constant 0 : index
        %swap3A_225 = tpu.vector_load %arg17[%swap3A_224] {strides = array<i32>} : memref<128xi32, #tpu.memory_space<vmem>>, vector<16xi32>,
        tpu.vector_store %arg17[%swap3A_224], %get3A_223 {strides = array<i32>} : memref<128xi32, #tpu.memory_space<vmem>>, vector<16xi32>,
        %get3A_226 = arith.constant 1 : i32
        %get3A_227 = arith.index_cast %get3A_226 : i32 to index
        %get3A_228 = arith.constant 16 : index
        %get3A_229 = tpu.vector_load %arg9[%get3A_227, %get3A_228] {strides = array<i32>} : memref<3x128xi32, #tpu.memory_space<vmem>>, vector<16xi32>,
        %swap3A_230 = arith.constant 16 : index
        %swap3A_231 = tpu.vector_load %arg17[%swap3A_230] {strides = array<i32>} : memref<128xi32, #tpu.memory_space<vmem>>, vector<16xi32>,
        tpu.vector_store %arg17[%swap3A_230], %get3A_229 {strides = array<i32>} : memref<128xi32, #tpu.memory_space<vmem>>, vector<16xi32>,
        %get3A_232 = arith.constant 1 : i32
        %get3A_233 = arith.index_cast %get3A_232 : i32 to index
        %get3A_234 = arith.constant 32 : index
        %get3A_235 = tpu.vector_load %arg9[%get3A_233, %get3A_234] {strides = array<i32>} : memref<3x128xi32, #tpu.memory_space<vmem>>, vector<16xi32>,
        %swap3A_236 = arith.constant 32 : index
        %swap3A_237 = tpu.vector_load %arg17[%swap3A_236] {strides = array<i32>} : memref<128xi32, #tpu.memory_space<vmem>>, vector<16xi32>,
        tpu.vector_store %arg17[%swap3A_236], %get3A_235 {strides = array<i32>} : memref<128xi32, #tpu.memory_space<vmem>>, vector<16xi32>,
        %get3A_238 = arith.constant 1 : i32
        %get3A_239 = arith.index_cast %get3A_238 : i32 to index
        %get3A_240 = arith.constant 48 : index
        %get3A_241 = tpu.vector_load %arg9[%get3A_239, %get3A_240] {strides = array<i32>} : memref<3x128xi32, #tpu.memory_space<vmem>>, vector<16xi32>,
        %swap3A_242 = arith.constant 48 : index
        %swap3A_243 = tpu.vector_load %arg17[%swap3A_242] {strides = array<i32>} : memref<128xi32, #tpu.memory_space<vmem>>, vector<16xi32>,
        tpu.vector_store %arg17[%swap3A_242], %get3A_241 {strides = array<i32>} : memref<128xi32, #tpu.memory_space<vmem>>, vector<16xi32>,
        %get3A_244 = arith.constant 1 : i32
        %get3A_245 = arith.index_cast %get3A_244 : i32 to index
        %get3A_246 = arith.constant 64 : index
        %get3A_247 = tpu.vector_load %arg9[%get3A_245, %get3A_246] {strides = array<i32>} : memref<3x128xi32, #tpu.memory_space<vmem>>, vector<16xi32>,
        %swap3A_248 = arith.constant 64 : index
        %swap3A_249 = tpu.vector_load %arg17[%swap3A_248] {strides = array<i32>} : memref<128xi32, #tpu.memory_space<vmem>>, vector<16xi32>,
        tpu.vector_store %arg17[%swap3A_248], %get3A_247 {strides = array<i32>} : memref<128xi32, #tpu.memory_space<vmem>>, vector<16xi32>,
        %get3A_250 = arith.constant 1 : i32
        %get3A_251 = arith.index_cast %get3A_250 : i32 to index
        %get3A_252 = arith.constant 80 : index
        %get3A_253 = tpu.vector_load %arg9[%get3A_251, %get3A_252] {strides = array<i32>} : memref<3x128xi32, #tpu.memory_space<vmem>>, vector<16xi32>,
        %swap3A_254 = arith.constant 80 : index
        %swap3A_255 = tpu.vector_load %arg17[%swap3A_254] {strides = array<i32>} : memref<128xi32, #tpu.memory_space<vmem>>, vector<16xi32>,
        tpu.vector_store %arg17[%swap3A_254], %get3A_253 {strides = array<i32>} : memref<128xi32, #tpu.memory_space<vmem>>, vector<16xi32>,
        %get3A_256 = arith.constant 1 : i32
        %get3A_257 = arith.index_cast %get3A_256 : i32 to index
        %get3A_258 = arith.constant 96 : index
        %get3A_259 = tpu.vector_load %arg9[%get3A_257, %get3A_258] {strides = array<i32>} : memref<3x128xi32, #tpu.memory_space<vmem>>, vector<16xi32>,
        %swap3A_260 = arith.constant 96 : index
        %swap3A_261 = tpu.vector_load %arg17[%swap3A_260] {strides = array<i32>} : memref<128xi32, #tpu.memory_space<vmem>>, vector<16xi32>,
        tpu.vector_store %arg17[%swap3A_260], %get3A_259 {strides = array<i32>} : memref<128xi32, #tpu.memory_space<vmem>>, vector<16xi32>,
        %get3A_262 = arith.constant 1 : i32
        %get3A_263 = arith.index_cast %get3A_262 : i32 to index
        %get3A_264 = arith.constant 112 : index
        %get3A_265 = tpu.vector_load %arg9[%get3A_263, %get3A_264] {strides = array<i32>} : memref<3x128xi32, #tpu.memory_space<vmem>>, vector<16xi32>,
        %swap3A_266 = arith.constant 112 : index
        %swap3A_267 = tpu.vector_load %arg17[%swap3A_266] {strides = array<i32>} : memref<128xi32, #tpu.memory_space<vmem>>, vector<16xi32>,
        tpu.vector_store %arg17[%swap3A_266], %get3A_265 {strides = array<i32>} : memref<128xi32, #tpu.memory_space<vmem>>, vector<16xi32>,
        %scan3A_268 = arith.constant 0 : i32
        %scan3A_269 = arith.constant 128 : i32
        %scan3A_270 = arith.addi %scan3A_268, %scan3A_269 : i32
        %scan3A_271 = arith.constant 4 : i32
        scf.for %scan3A_420 = %scan3A_268 to %scan3A_270 step %scan3A_271  : i32 {
          %mul3A_421 = arith.constant 1 : i32
          %mul3A_422 = arith.muli %scan3A_420, %mul3A_421 : i32
          %add3A_423 = arith.constant 0 : i32
          %add3A_424 = arith.addi %add3A_423, %mul3A_422 : i32
          %broadcast_in_dim3A = arith.constant 2 : i32
          %broadcast_in_dim3A_425 = vector.broadcast %broadcast_in_dim3A : i32 to vector<16xi32>
          %broadcast_in_dim3A_426 = vector.broadcast %add3A_424 : i32 to vector<16xi32>
          %gather3A = tpu.vector_load_idx %arg9[%broadcast_in_dim3A_425, %broadcast_in_dim3A_426] : memref<3x128xi32, #tpu.memory_space<vmem>>[vector<16xi32>, vector<16xi32>], vector<16xi32>,
          %bitcast3A = vector.bitcast %gather3A : vector<16xi32> to vector<16xf32>
          %get3A_427 = arith.index_cast %add3A_424 : i32 to index
          %get3A_428 = arith.constant 0 : index
          %get3A_429 = tpu.vector_load %arg13[%get3A_427, %get3A_428] {strides = array<i32>} : memref<128x64xf32, #tpu.memory_space<vmem>>, vector<16xf32>,
          %mul3A_430 = arith.mulf %get3A_429, %bitcast3A : vector<16xf32>
          %swap3A_431 = arith.index_cast %add3A_424 : i32 to index
          %swap3A_432 = arith.constant 0 : index
          %swap3A_433 = tpu.vector_load %arg13[%swap3A_431, %swap3A_432] {strides = array<i32>} : memref<128x64xf32, #tpu.memory_space<vmem>>, vector<16xf32>,
          tpu.vector_store %arg13[%swap3A_431, %swap3A_432], %mul3A_430 {strides = array<i32>} : memref<128x64xf32, #tpu.memory_space<vmem>>, vector<16xf32>,
          %get3A_434 = arith.index_cast %add3A_424 : i32 to index
          %get3A_435 = arith.constant 16 : index
          %get3A_436 = tpu.vector_load %arg13[%get3A_434, %get3A_435] {strides = array<i32>} : memref<128x64xf32, #tpu.memory_space<vmem>>, vector<16xf32>,
          %mul3A_437 = arith.mulf %get3A_436, %bitcast3A : vector<16xf32>
          %swap3A_438 = arith.index_cast %add3A_424 : i32 to index
          %swap3A_439 = arith.constant 16 : index
          %swap3A_440 = tpu.vector_load %arg13[%swap3A_438, %swap3A_439] {strides = array<i32>} : memref<128x64xf32, #tpu.memory_space<vmem>>, vector<16xf32>,
          tpu.vector_store %arg13[%swap3A_438, %swap3A_439], %mul3A_437 {strides = array<i32>} : memref<128x64xf32, #tpu.memory_space<vmem>>, vector<16xf32>,
          %get3A_441 = arith.index_cast %add3A_424 : i32 to index
          %get3A_442 = arith.constant 32 : index
          %get3A_443 = tpu.vector_load %arg13[%get3A_441, %get3A_442] {strides = array<i32>} : memref<128x64xf32, #tpu.memory_space<vmem>>, vector<16xf32>,
          %mul3A_444 = arith.mulf %get3A_443, %bitcast3A : vector<16xf32>
          %swap3A_445 = arith.index_cast %add3A_424 : i32 to index
          %swap3A_446 = arith.constant 32 : index
          %swap3A_447 = tpu.vector_load %arg13[%swap3A_445, %swap3A_446] {strides = array<i32>} : memref<128x64xf32, #tpu.memory_space<vmem>>, vector<16xf32>,
          tpu.vector_store %arg13[%swap3A_445, %swap3A_446], %mul3A_444 {strides = array<i32>} : memref<128x64xf32, #tpu.memory_space<vmem>>, vector<16xf32>,
          %get3A_448 = arith.index_cast %add3A_424 : i32 to index
          %get3A_449 = arith.constant 48 : index
          %get3A_450 = tpu.vector_load %arg13[%get3A_448, %get3A_449] {strides = array<i32>} : memref<128x64xf32, #tpu.memory_space<vmem>>, vector<16xf32>,
          %mul3A_451 = arith.mulf %get3A_450, %bitcast3A : vector<16xf32>
          %swap3A_452 = arith.index_cast %add3A_424 : i32 to index
          %swap3A_453 = arith.constant 48 : index
          %swap3A_454 = tpu.vector_load %arg13[%swap3A_452, %swap3A_453] {strides = array<i32>} : memref<128x64xf32, #tpu.memory_space<vmem>>, vector<16xf32>,
          tpu.vector_store %arg13[%swap3A_452, %swap3A_453], %mul3A_451 {strides = array<i32>} : memref<128x64xf32, #tpu.memory_space<vmem>>, vector<16xf32>,
          %scan3A_455 = arith.constant 1 : i32
          %scan3A_456 = arith.addi %scan3A_420, %scan3A_455 : i32
          %mul3A_457 = arith.constant 1 : i32
          %mul3A_458 = arith.muli %scan3A_456, %mul3A_457 : i32
          %add3A_459 = arith.constant 0 : i32
          %add3A_460 = arith.addi %add3A_459, %mul3A_458 : i32
          %broadcast_in_dim3A_461 = arith.constant 2 : i32
          %broadcast_in_dim3A_462 = vector.broadcast %broadcast_in_dim3A_461 : i32 to vector<16xi32>
          %broadcast_in_dim3A_463 = vector.broadcast %add3A_460 : i32 to vector<16xi32>
          %gather3A_464 = tpu.vector_load_idx %arg9[%broadcast_in_dim3A_462, %broadcast_in_dim3A_463] : memref<3x128xi32, #tpu.memory_space<vmem>>[vector<16xi32>, vector<16xi32>], vector<16xi32>,
          %bitcast3A_465 = vector.bitcast %gather3A_464 : vector<16xi32> to vector<16xf32>
          %get3A_466 = arith.index_cast %add3A_460 : i32 to index
          %get3A_467 = arith.constant 0 : index
          %get3A_468 = tpu.vector_load %arg13[%get3A_466, %get3A_467] {strides = array<i32>} : memref<128x64xf32, #tpu.memory_space<vmem>>, vector<16xf32>,
          %mul3A_469 = arith.mulf %get3A_468, %bitcast3A_465 : vector<16xf32>
          %swap3A_470 = arith.index_cast %add3A_460 : i32 to index
          %swap3A_471 = arith.constant 0 : index
          %swap3A_472 = tpu.vector_load %arg13[%swap3A_470, %swap3A_471] {strides = array<i32>} : memref<128x64xf32, #tpu.memory_space<vmem>>, vector<16xf32>,
          tpu.vector_store %arg13[%swap3A_470, %swap3A_471], %mul3A_469 {strides = array<i32>} : memref<128x64xf32, #tpu.memory_space<vmem>>, vector<16xf32>,
          %get3A_473 = arith.index_cast %add3A_460 : i32 to index
          %get3A_474 = arith.constant 16 : index
          %get3A_475 = tpu.vector_load %arg13[%get3A_473, %get3A_474] {strides = array<i32>} : memref<128x64xf32, #tpu.memory_space<vmem>>, vector<16xf32>,
          %mul3A_476 = arith.mulf %get3A_475, %bitcast3A_465 : vector<16xf32>
          %swap3A_477 = arith.index_cast %add3A_460 : i32 to index
          %swap3A_478 = arith.constant 16 : index
          %swap3A_479 = tpu.vector_load %arg13[%swap3A_477, %swap3A_478] {strides = array<i32>} : memref<128x64xf32, #tpu.memory_space<vmem>>, vector<16xf32>,
          tpu.vector_store %arg13[%swap3A_477, %swap3A_478], %mul3A_476 {strides = array<i32>} : memref<128x64xf32, #tpu.memory_space<vmem>>, vector<16xf32>,
          %get3A_480 = arith.index_cast %add3A_460 : i32 to index
          %get3A_481 = arith.constant 32 : index
          %get3A_482 = tpu.vector_load %arg13[%get3A_480, %get3A_481] {strides = array<i32>} : memref<128x64xf32, #tpu.memory_space<vmem>>, vector<16xf32>,
          %mul3A_483 = arith.mulf %get3A_482, %bitcast3A_465 : vector<16xf32>
          %swap3A_484 = arith.index_cast %add3A_460 : i32 to index
          %swap3A_485 = arith.constant 32 : index
          %swap3A_486 = tpu.vector_load %arg13[%swap3A_484, %swap3A_485] {strides = array<i32>} : memref<128x64xf32, #tpu.memory_space<vmem>>, vector<16xf32>,
          tpu.vector_store %arg13[%swap3A_484, %swap3A_485], %mul3A_483 {strides = array<i32>} : memref<128x64xf32, #tpu.memory_space<vmem>>, vector<16xf32>,
          %get3A_487 = arith.index_cast %add3A_460 : i32 to index
          %get3A_488 = arith.constant 48 : index
          %get3A_489 = tpu.vector_load %arg13[%get3A_487, %get3A_488] {strides = array<i32>} : memref<128x64xf32, #tpu.memory_space<vmem>>, vector<16xf32>,
          %mul3A_490 = arith.mulf %get3A_489, %bitcast3A_465 : vector<16xf32>
          %swap3A_491 = arith.index_cast %add3A_460 : i32 to index
          %swap3A_492 = arith.constant 48 : index
          %swap3A_493 = tpu.vector_load %arg13[%swap3A_491, %swap3A_492] {strides = array<i32>} : memref<128x64xf32, #tpu.memory_space<vmem>>, vector<16xf32>,
          tpu.vector_store %arg13[%swap3A_491, %swap3A_492], %mul3A_490 {strides = array<i32>} : memref<128x64xf32, #tpu.memory_space<vmem>>, vector<16xf32>,
          %scan3A_494 = arith.constant 2 : i32
          %scan3A_495 = arith.addi %scan3A_420, %scan3A_494 : i32
          %mul3A_496 = arith.constant 1 : i32
          %mul3A_497 = arith.muli %scan3A_495, %mul3A_496 : i32
          %add3A_498 = arith.constant 0 : i32
          %add3A_499 = arith.addi %add3A_498, %mul3A_497 : i32
          %broadcast_in_dim3A_500 = arith.constant 2 : i32
          %broadcast_in_dim3A_501 = vector.broadcast %broadcast_in_dim3A_500 : i32 to vector<16xi32>
          %broadcast_in_dim3A_502 = vector.broadcast %add3A_499 : i32 to vector<16xi32>
          %gather3A_503 = tpu.vector_load_idx %arg9[%broadcast_in_dim3A_501, %broadcast_in_dim3A_502] : memref<3x128xi32, #tpu.memory_space<vmem>>[vector<16xi32>, vector<16xi32>], vector<16xi32>,
          %bitcast3A_504 = vector.bitcast %gather3A_503 : vector<16xi32> to vector<16xf32>
          %get3A_505 = arith.index_cast %add3A_499 : i32 to index
          %get3A_506 = arith.constant 0 : index
          %get3A_507 = tpu.vector_load %arg13[%get3A_505, %get3A_506] {strides = array<i32>} : memref<128x64xf32, #tpu.memory_space<vmem>>, vector<16xf32>,
          %mul3A_508 = arith.mulf %get3A_507, %bitcast3A_504 : vector<16xf32>
          %swap3A_509 = arith.index_cast %add3A_499 : i32 to index
          %swap3A_510 = arith.constant 0 : index
          %swap3A_511 = tpu.vector_load %arg13[%swap3A_509, %swap3A_510] {strides = array<i32>} : memref<128x64xf32, #tpu.memory_space<vmem>>, vector<16xf32>,
          tpu.vector_store %arg13[%swap3A_509, %swap3A_510], %mul3A_508 {strides = array<i32>} : memref<128x64xf32, #tpu.memory_space<vmem>>, vector<16xf32>,
          %get3A_512 = arith.index_cast %add3A_499 : i32 to index
          %get3A_513 = arith.constant 16 : index
          %get3A_514 = tpu.vector_load %arg13[%get3A_512, %get3A_513] {strides = array<i32>} : memref<128x64xf32, #tpu.memory_space<vmem>>, vector<16xf32>,
          %mul3A_515 = arith.mulf %get3A_514, %bitcast3A_504 : vector<16xf32>
          %swap3A_516 = arith.index_cast %add3A_499 : i32 to index
          %swap3A_517 = arith.constant 16 : index
          %swap3A_518 = tpu.vector_load %arg13[%swap3A_516, %swap3A_517] {strides = array<i32>} : memref<128x64xf32, #tpu.memory_space<vmem>>, vector<16xf32>,
          tpu.vector_store %arg13[%swap3A_516, %swap3A_517], %mul3A_515 {strides = array<i32>} : memref<128x64xf32, #tpu.memory_space<vmem>>, vector<16xf32>,
          %get3A_519 = arith.index_cast %add3A_499 : i32 to index
          %get3A_520 = arith.constant 32 : index
          %get3A_521 = tpu.vector_load %arg13[%get3A_519, %get3A_520] {strides = array<i32>} : memref<128x64xf32, #tpu.memory_space<vmem>>, vector<16xf32>,
          %mul3A_522 = arith.mulf %get3A_521, %bitcast3A_504 : vector<16xf32>
          %swap3A_523 = arith.index_cast %add3A_499 : i32 to index
          %swap3A_524 = arith.constant 32 : index
          %swap3A_525 = tpu.vector_load %arg13[%swap3A_523, %swap3A_524] {strides = array<i32>} : memref<128x64xf32, #tpu.memory_space<vmem>>, vector<16xf32>,
          tpu.vector_store %arg13[%swap3A_523, %swap3A_524], %mul3A_522 {strides = array<i32>} : memref<128x64xf32, #tpu.memory_space<vmem>>, vector<16xf32>,
          %get3A_526 = arith.index_cast %add3A_499 : i32 to index
          %get3A_527 = arith.constant 48 : index
          %get3A_528 = tpu.vector_load %arg13[%get3A_526, %get3A_527] {strides = array<i32>} : memref<128x64xf32, #tpu.memory_space<vmem>>, vector<16xf32>,
          %mul3A_529 = arith.mulf %get3A_528, %bitcast3A_504 : vector<16xf32>
          %swap3A_530 = arith.index_cast %add3A_499 : i32 to index
          %swap3A_531 = arith.constant 48 : index
          %swap3A_532 = tpu.vector_load %arg13[%swap3A_530, %swap3A_531] {strides = array<i32>} : memref<128x64xf32, #tpu.memory_space<vmem>>, vector<16xf32>,
          tpu.vector_store %arg13[%swap3A_530, %swap3A_531], %mul3A_529 {strides = array<i32>} : memref<128x64xf32, #tpu.memory_space<vmem>>, vector<16xf32>,
          %scan3A_533 = arith.constant 3 : i32
          %scan3A_534 = arith.addi %scan3A_420, %scan3A_533 : i32
          %mul3A_535 = arith.constant 1 : i32
          %mul3A_536 = arith.muli %scan3A_534, %mul3A_535 : i32
          %add3A_537 = arith.constant 0 : i32
          %add3A_538 = arith.addi %add3A_537, %mul3A_536 : i32
          %broadcast_in_dim3A_539 = arith.constant 2 : i32
          %broadcast_in_dim3A_540 = vector.broadcast %broadcast_in_dim3A_539 : i32 to vector<16xi32>
          %broadcast_in_dim3A_541 = vector.broadcast %add3A_538 : i32 to vector<16xi32>
          %gather3A_542 = tpu.vector_load_idx %arg9[%broadcast_in_dim3A_540, %broadcast_in_dim3A_541] : memref<3x128xi32, #tpu.memory_space<vmem>>[vector<16xi32>, vector<16xi32>], vector<16xi32>,
          %bitcast3A_543 = vector.bitcast %gather3A_542 : vector<16xi32> to vector<16xf32>
          %get3A_544 = arith.index_cast %add3A_538 : i32 to index
          %get3A_545 = arith.constant 0 : index
          %get3A_546 = tpu.vector_load %arg13[%get3A_544, %get3A_545] {strides = array<i32>} : memref<128x64xf32, #tpu.memory_space<vmem>>, vector<16xf32>,
          %mul3A_547 = arith.mulf %get3A_546, %bitcast3A_543 : vector<16xf32>
          %swap3A_548 = arith.index_cast %add3A_538 : i32 to index
          %swap3A_549 = arith.constant 0 : index
          %swap3A_550 = tpu.vector_load %arg13[%swap3A_548, %swap3A_549] {strides = array<i32>} : memref<128x64xf32, #tpu.memory_space<vmem>>, vector<16xf32>,
          tpu.vector_store %arg13[%swap3A_548, %swap3A_549], %mul3A_547 {strides = array<i32>} : memref<128x64xf32, #tpu.memory_space<vmem>>, vector<16xf32>,
          %get3A_551 = arith.index_cast %add3A_538 : i32 to index
          %get3A_552 = arith.constant 16 : index
          %get3A_553 = tpu.vector_load %arg13[%get3A_551, %get3A_552] {strides = array<i32>} : memref<128x64xf32, #tpu.memory_space<vmem>>, vector<16xf32>,
          %mul3A_554 = arith.mulf %get3A_553, %bitcast3A_543 : vector<16xf32>
          %swap3A_555 = arith.index_cast %add3A_538 : i32 to index
          %swap3A_556 = arith.constant 16 : index
          %swap3A_557 = tpu.vector_load %arg13[%swap3A_555, %swap3A_556] {strides = array<i32>} : memref<128x64xf32, #tpu.memory_space<vmem>>, vector<16xf32>,
          tpu.vector_store %arg13[%swap3A_555, %swap3A_556], %mul3A_554 {strides = array<i32>} : memref<128x64xf32, #tpu.memory_space<vmem>>, vector<16xf32>,
          %get3A_558 = arith.index_cast %add3A_538 : i32 to index
          %get3A_559 = arith.constant 32 : index
          %get3A_560 = tpu.vector_load %arg13[%get3A_558, %get3A_559] {strides = array<i32>} : memref<128x64xf32, #tpu.memory_space<vmem>>, vector<16xf32>,
          %mul3A_561 = arith.mulf %get3A_560, %bitcast3A_543 : vector<16xf32>
          %swap3A_562 = arith.index_cast %add3A_538 : i32 to index
          %swap3A_563 = arith.constant 32 : index
          %swap3A_564 = tpu.vector_load %arg13[%swap3A_562, %swap3A_563] {strides = array<i32>} : memref<128x64xf32, #tpu.memory_space<vmem>>, vector<16xf32>,
          tpu.vector_store %arg13[%swap3A_562, %swap3A_563], %mul3A_561 {strides = array<i32>} : memref<128x64xf32, #tpu.memory_space<vmem>>, vector<16xf32>,
          %get3A_565 = arith.index_cast %add3A_538 : i32 to index
          %get3A_566 = arith.constant 48 : index
          %get3A_567 = tpu.vector_load %arg13[%get3A_565, %get3A_566] {strides = array<i32>} : memref<128x64xf32, #tpu.memory_space<vmem>>, vector<16xf32>,
          %mul3A_568 = arith.mulf %get3A_567, %bitcast3A_543 : vector<16xf32>
          %swap3A_569 = arith.index_cast %add3A_538 : i32 to index
          %swap3A_570 = arith.constant 48 : index
          %swap3A_571 = tpu.vector_load %arg13[%swap3A_569, %swap3A_570] {strides = array<i32>} : memref<128x64xf32, #tpu.memory_space<vmem>>, vector<16xf32>,
          tpu.vector_store %arg13[%swap3A_569, %swap3A_570], %mul3A_568 {strides = array<i32>} : memref<128x64xf32, #tpu.memory_space<vmem>>, vector<16xf32>,
        }
        %scan3A_272 = arith.constant 128 : i32
        %dma_start3A_273 = arith.constant 0 : i32
        %dma_start3A_274 = arith.constant 0 : i32
        %dma_start3A_275 = tpu.memref_slice %arg6[%dma_start3A_273, %dma_start3A_274] : memref<10000x64xf32, #tpu.memory_space<vmem_shared>> -> memref<10000x64xf32, #tpu.memory_space<vmem_shared>>
        tpu.enqueue_indirect_dma source(%arg13 : memref<128x64xf32, #tpu.memory_space<vmem>>) target(%dma_start3A_275 : memref<10000x64xf32, #tpu.memory_space<vmem_shared>>) offsets(%arg17 : memref<128xi32, #tpu.memory_space<vmem>>) semaphore(%arg29 : memref<!tpu.dma_semaphore, #tpu.memory_space<semaphore_mem>>) {add = true}
        %add3A_276 = arith.constant 2 : i32
        %add3A_277 = arith.addi %mul3A_136, %add3A_276 : i32
        %add3A_278 = arith.constant 1 : i32
        %add3A_279 = arith.addi %add3A_277, %add3A_278 : i32
        %lt3A_280 = arith.constant 160 : i32
        %lt3A_281 = arith.cmpi slt, %add3A_279, %lt3A_280 : i32
        %convert_element_type3A_282 = arith.extui %lt3A_281 : i1 to i32
        %cond3A_283 = arith.constant 0 : i32
        %cond3A_284 = arith.cmpi ne, %convert_element_type3A_282, %cond3A_283 : i32
        scf.if %cond3A_284 {
          %dma_wait3A_420 = arith.constant 0 : i32
          %dma_wait3A_421 = arith.constant 0 : i32
          %dma_wait3A_422 = arith.constant 0 : i32
          %dma_wait3A_423 = tpu.memref_slice %arg4[%arg1, %dma_wait3A_420, %dma_wait3A_421, %dma_wait3A_422] : memref<16x160x3x128xi32, #tpu.memory_space<hbm>> -> memref<1x1x3x128xi32, #tpu.memory_space<hbm>>
          %dma_wait3A_424 = tpu.memref_squeeze %dma_wait3A_423 : memref<1x1x3x128xi32, #tpu.memory_space<hbm>> -> memref<3x128xi32, #tpu.memory_space<hbm>>
          %dma_wait3A_425 = arith.constant 0 : i32
          %dma_wait3A_426 = arith.constant 0 : i32
          %dma_wait3A_427 = tpu.memref_slice %arg4[%arg1, %dma_wait3A_420, %dma_wait3A_425, %dma_wait3A_426] : memref<16x160x3x128xi32, #tpu.memory_space<hbm>> -> memref<1x1x3x128xi32, #tpu.memory_space<hbm>>
          %dma_wait3A_428 = tpu.memref_squeeze %dma_wait3A_427 : memref<1x1x3x128xi32, #tpu.memory_space<hbm>> -> memref<3x128xi32, #tpu.memory_space<hbm>>
          tpu.wait_dma2 semaphore(%arg23 : memref<!tpu.dma_semaphore, #tpu.memory_space<semaphore_mem>>) src(%dma_wait3A_428 : memref<3x128xi32, #tpu.memory_space<hbm>>) dst(%arg11 : memref<3x128xi32, #tpu.memory_space<vmem>>)
          %ge3A = arith.constant 3 : i32
          %ge3A_429 = arith.cmpi sge, %add3A_277, %ge3A : i32
          %convert_element_type3A_430 = arith.extui %ge3A_429 : i1 to i32
          %cond3A_431 = arith.constant 0 : i32
          %cond3A_432 = arith.cmpi ne, %convert_element_type3A_430, %cond3A_431 : i32
          scf.if %cond3A_432 {
            %dma_wait3A_447 = arith.constant 0 : i32
            %dma_wait3A_448 = arith.constant 0 : i32
            %dma_wait3A_449 = tpu.memref_slice %arg6[%dma_wait3A_447, %dma_wait3A_448] : memref<10000x64xf32, #tpu.memory_space<vmem_shared>> -> memref<10000x64xf32, #tpu.memory_space<vmem_shared>>
            tpu.wait_indirect_dma semaphore(%arg31 : memref<!tpu.dma_semaphore, #tpu.memory_space<semaphore_mem>>) src(%arg15 : memref<128x64xf32, #tpu.memory_space<vmem>>) dst(%dma_wait3A_449 : memref<10000x64xf32, #tpu.memory_space<vmem_shared>>)
          } else {
          }
          %dma_start3A_433 = arith.constant 0 : i32
          %dma_start3A_434 = arith.constant 0 : i32
          %dma_start3A_435 = tpu.memref_slice %arg11[%dma_start3A_433, %dma_start3A_434] : memref<3x128xi32, #tpu.memory_space<vmem>> -> memref<1x128xi32, #tpu.memory_space<vmem>>
          %dma_start3A_436 = tpu.memref_squeeze %dma_start3A_435 : memref<1x128xi32, #tpu.memory_space<vmem>> -> memref<128xi32, #tpu.memory_space<vmem>>
          %dma_start3A_437 = arith.constant 0 : i32
          %dma_start3A_438 = arith.constant 0 : i32
          %dma_start3A_439 = tpu.memref_slice %arg7[%dma_start3A_437, %dma_start3A_438] : memref<10000x64xf32, #tpu.memory_space<vmem_shared>> -> memref<10000x64xf32, #tpu.memory_space<vmem_shared>>
          tpu.enqueue_indirect_dma source(%dma_start3A_439 : memref<10000x64xf32, #tpu.memory_space<vmem_shared>>) target(%arg15 : memref<128x64xf32, #tpu.memory_space<vmem>>) offsets(%dma_start3A_436 : memref<128xi32, #tpu.memory_space<vmem>>) semaphore(%arg27 : memref<!tpu.dma_semaphore, #tpu.memory_space<semaphore_mem>>)
          %add3A_440 = arith.constant 3 : i32
          %add3A_441 = arith.addi %add3A_277, %add3A_440 : i32
          %lt3A_442 = arith.constant 160 : i32
          %lt3A_443 = arith.cmpi slt, %add3A_441, %lt3A_442 : i32
          %convert_element_type3A_444 = arith.extui %lt3A_443 : i1 to i32
          %cond3A_445 = arith.constant 0 : i32
          %cond3A_446 = arith.cmpi ne, %convert_element_type3A_444, %cond3A_445 : i32
          scf.if %cond3A_446 {
            %add3A_447 = arith.constant 3 : i32
            %add3A_448 = arith.addi %add3A_277, %add3A_447 : i32
            %dma_start3A_449 = arith.constant 0 : i32
            %dma_start3A_450 = arith.constant 0 : i32
            %dma_start3A_451 = tpu.memref_slice %arg4[%arg1, %add3A_448, %dma_start3A_449, %dma_start3A_450] : memref<16x160x3x128xi32, #tpu.memory_space<hbm>> -> memref<1x1x3x128xi32, #tpu.memory_space<hbm>>
            %dma_start3A_452 = tpu.memref_squeeze %dma_start3A_451 : memref<1x1x3x128xi32, #tpu.memory_space<hbm>> -> memref<3x128xi32, #tpu.memory_space<hbm>>
            %dma_start3A_453 = arith.constant 0 : i32
            %dma_start3A_454 = arith.constant 0 : i32
            %dma_start3A_455 = tpu.memref_slice %arg4[%arg1, %add3A_448, %dma_start3A_453, %dma_start3A_454] : memref<16x160x3x128xi32, #tpu.memory_space<hbm>> -> memref<1x1x3x128xi32, #tpu.memory_space<hbm>>
            %dma_start3A_456 = tpu.memref_squeeze %dma_start3A_455 : memref<1x1x3x128xi32, #tpu.memory_space<hbm>> -> memref<3x128xi32, #tpu.memory_space<hbm>>
            tpu.enqueue_dma source(%dma_start3A_456 : memref<3x128xi32, #tpu.memory_space<hbm>>) target(%arg9 : memref<3x128xi32, #tpu.memory_space<vmem>>) target_semaphore(%arg21 : memref<!tpu.dma_semaphore, #tpu.memory_space<semaphore_mem>>)
          } else {
          }
        } else {
        }
        %dma_wait3A_285 = arith.constant 0 : i32
        %dma_wait3A_286 = arith.constant 0 : i32
        %dma_wait3A_287 = tpu.memref_slice %arg10[%dma_wait3A_285, %dma_wait3A_286] : memref<3x128xi32, #tpu.memory_space<vmem>> -> memref<1x128xi32, #tpu.memory_space<vmem>>
        %dma_wait3A_288 = tpu.memref_squeeze %dma_wait3A_287 : memref<1x128xi32, #tpu.memory_space<vmem>> -> memref<128xi32, #tpu.memory_space<vmem>>
        %dma_wait3A_289 = arith.constant 0 : i32
        %dma_wait3A_290 = arith.constant 0 : i32
        %dma_wait3A_291 = tpu.memref_slice %arg7[%dma_wait3A_289, %dma_wait3A_290] : memref<10000x64xf32, #tpu.memory_space<vmem_shared>> -> memref<10000x64xf32, #tpu.memory_space<vmem_shared>>
        tpu.wait_indirect_dma semaphore(%arg26 : memref<!tpu.dma_semaphore, #tpu.memory_space<semaphore_mem>>) src(%dma_wait3A_291 : memref<10000x64xf32, #tpu.memory_space<vmem_shared>>) dst(%arg14 : memref<128x64xf32, #tpu.memory_space<vmem>>)
        %get3A_292 = arith.constant 1 : i32
        %get3A_293 = arith.index_cast %get3A_292 : i32 to index
        %get3A_294 = arith.constant 0 : index
        %get3A_295 = tpu.vector_load %arg10[%get3A_293, %get3A_294] {strides = array<i32>} : memref<3x128xi32, #tpu.memory_space<vmem>>, vector<16xi32>,
        %swap3A_296 = arith.constant 0 : index
        %swap3A_297 = tpu.vector_load %arg18[%swap3A_296] {strides = array<i32>} : memref<128xi32, #tpu.memory_space<vmem>>, vector<16xi32>,
        tpu.vector_store %arg18[%swap3A_296], %get3A_295 {strides = array<i32>} : memref<128xi32, #tpu.memory_space<vmem>>, vector<16xi32>,
        %get3A_298 = arith.constant 1 : i32
        %get3A_299 = arith.index_cast %get3A_298 : i32 to index
        %get3A_300 = arith.constant 16 : index
        %get3A_301 = tpu.vector_load %arg10[%get3A_299, %get3A_300] {strides = array<i32>} : memref<3x128xi32, #tpu.memory_space<vmem>>, vector<16xi32>,
        %swap3A_302 = arith.constant 16 : index
        %swap3A_303 = tpu.vector_load %arg18[%swap3A_302] {strides = array<i32>} : memref<128xi32, #tpu.memory_space<vmem>>, vector<16xi32>,
        tpu.vector_store %arg18[%swap3A_302], %get3A_301 {strides = array<i32>} : memref<128xi32, #tpu.memory_space<vmem>>, vector<16xi32>,
        %get3A_304 = arith.constant 1 : i32
        %get3A_305 = arith.index_cast %get3A_304 : i32 to index
        %get3A_306 = arith.constant 32 : index
        %get3A_307 = tpu.vector_load %arg10[%get3A_305, %get3A_306] {strides = array<i32>} : memref<3x128xi32, #tpu.memory_space<vmem>>, vector<16xi32>,
        %swap3A_308 = arith.constant 32 : index
        %swap3A_309 = tpu.vector_load %arg18[%swap3A_308] {strides = array<i32>} : memref<128xi32, #tpu.memory_space<vmem>>, vector<16xi32>,
        tpu.vector_store %arg18[%swap3A_308], %get3A_307 {strides = array<i32>} : memref<128xi32, #tpu.memory_space<vmem>>, vector<16xi32>,
        %get3A_310 = arith.constant 1 : i32
        %get3A_311 = arith.index_cast %get3A_310 : i32 to index
        %get3A_312 = arith.constant 48 : index
        %get3A_313 = tpu.vector_load %arg10[%get3A_311, %get3A_312] {strides = array<i32>} : memref<3x128xi32, #tpu.memory_space<vmem>>, vector<16xi32>,
        %swap3A_314 = arith.constant 48 : index
        %swap3A_315 = tpu.vector_load %arg18[%swap3A_314] {strides = array<i32>} : memref<128xi32, #tpu.memory_space<vmem>>, vector<16xi32>,
        tpu.vector_store %arg18[%swap3A_314], %get3A_313 {strides = array<i32>} : memref<128xi32, #tpu.memory_space<vmem>>, vector<16xi32>,
        %get3A_316 = arith.constant 1 : i32
        %get3A_317 = arith.index_cast %get3A_316 : i32 to index
        %get3A_318 = arith.constant 64 : index
        %get3A_319 = tpu.vector_load %arg10[%get3A_317, %get3A_318] {strides = array<i32>} : memref<3x128xi32, #tpu.memory_space<vmem>>, vector<16xi32>,
        %swap3A_320 = arith.constant 64 : index
        %swap3A_321 = tpu.vector_load %arg18[%swap3A_320] {strides = array<i32>} : memref<128xi32, #tpu.memory_space<vmem>>, vector<16xi32>,
        tpu.vector_store %arg18[%swap3A_320], %get3A_319 {strides = array<i32>} : memref<128xi32, #tpu.memory_space<vmem>>, vector<16xi32>,
        %get3A_322 = arith.constant 1 : i32
        %get3A_323 = arith.index_cast %get3A_322 : i32 to index
        %get3A_324 = arith.constant 80 : index
        %get3A_325 = tpu.vector_load %arg10[%get3A_323, %get3A_324] {strides = array<i32>} : memref<3x128xi32, #tpu.memory_space<vmem>>, vector<16xi32>,
        %swap3A_326 = arith.constant 80 : index
        %swap3A_327 = tpu.vector_load %arg18[%swap3A_326] {strides = array<i32>} : memref<128xi32, #tpu.memory_space<vmem>>, vector<16xi32>,
        tpu.vector_store %arg18[%swap3A_326], %get3A_325 {strides = array<i32>} : memref<128xi32, #tpu.memory_space<vmem>>, vector<16xi32>,
        %get3A_328 = arith.constant 1 : i32
        %get3A_329 = arith.index_cast %get3A_328 : i32 to index
        %get3A_330 = arith.constant 96 : index
        %get3A_331 = tpu.vector_load %arg10[%get3A_329, %get3A_330] {strides = array<i32>} : memref<3x128xi32, #tpu.memory_space<vmem>>, vector<16xi32>,
        %swap3A_332 = arith.constant 96 : index
        %swap3A_333 = tpu.vector_load %arg18[%swap3A_332] {strides = array<i32>} : memref<128xi32, #tpu.memory_space<vmem>>, vector<16xi32>,
        tpu.vector_store %arg18[%swap3A_332], %get3A_331 {strides = array<i32>} : memref<128xi32, #tpu.memory_space<vmem>>, vector<16xi32>,
        %get3A_334 = arith.constant 1 : i32
        %get3A_335 = arith.index_cast %get3A_334 : i32 to index
        %get3A_336 = arith.constant 112 : index
        %get3A_337 = tpu.vector_load %arg10[%get3A_335, %get3A_336] {strides = array<i32>} : memref<3x128xi32, #tpu.memory_space<vmem>>, vector<16xi32>,
        %swap3A_338 = arith.constant 112 : index
        %swap3A_339 = tpu.vector_load %arg18[%swap3A_338] {strides = array<i32>} : memref<128xi32, #tpu.memory_space<vmem>>, vector<16xi32>,
        tpu.vector_store %arg18[%swap3A_338], %get3A_337 {strides = array<i32>} : memref<128xi32, #tpu.memory_space<vmem>>, vector<16xi32>,
        %scan3A_340 = arith.constant 0 : i32
        %scan3A_341 = arith.constant 128 : i32
        %scan3A_342 = arith.addi %scan3A_340, %scan3A_341 : i32
        %scan3A_343 = arith.constant 4 : i32
        scf.for %scan3A_420 = %scan3A_340 to %scan3A_342 step %scan3A_343  : i32 {
          %mul3A_421 = arith.constant 1 : i32
          %mul3A_422 = arith.muli %scan3A_420, %mul3A_421 : i32
          %add3A_423 = arith.constant 0 : i32
          %add3A_424 = arith.addi %add3A_423, %mul3A_422 : i32
          %broadcast_in_dim3A = arith.constant 2 : i32
          %broadcast_in_dim3A_425 = vector.broadcast %broadcast_in_dim3A : i32 to vector<16xi32>
          %broadcast_in_dim3A_426 = vector.broadcast %add3A_424 : i32 to vector<16xi32>
          %gather3A = tpu.vector_load_idx %arg10[%broadcast_in_dim3A_425, %broadcast_in_dim3A_426] : memref<3x128xi32, #tpu.memory_space<vmem>>[vector<16xi32>, vector<16xi32>], vector<16xi32>,
          %bitcast3A = vector.bitcast %gather3A : vector<16xi32> to vector<16xf32>
          %get3A_427 = arith.index_cast %add3A_424 : i32 to index
          %get3A_428 = arith.constant 0 : index
          %get3A_429 = tpu.vector_load %arg14[%get3A_427, %get3A_428] {strides = array<i32>} : memref<128x64xf32, #tpu.memory_space<vmem>>, vector<16xf32>,
          %mul3A_430 = arith.mulf %get3A_429, %bitcast3A : vector<16xf32>
          %swap3A_431 = arith.index_cast %add3A_424 : i32 to index
          %swap3A_432 = arith.constant 0 : index
          %swap3A_433 = tpu.vector_load %arg14[%swap3A_431, %swap3A_432] {strides = array<i32>} : memref<128x64xf32, #tpu.memory_space<vmem>>, vector<16xf32>,
          tpu.vector_store %arg14[%swap3A_431, %swap3A_432], %mul3A_430 {strides = array<i32>} : memref<128x64xf32, #tpu.memory_space<vmem>>, vector<16xf32>,
          %get3A_434 = arith.index_cast %add3A_424 : i32 to index
          %get3A_435 = arith.constant 16 : index
          %get3A_436 = tpu.vector_load %arg14[%get3A_434, %get3A_435] {strides = array<i32>} : memref<128x64xf32, #tpu.memory_space<vmem>>, vector<16xf32>,
          %mul3A_437 = arith.mulf %get3A_436, %bitcast3A : vector<16xf32>
          %swap3A_438 = arith.index_cast %add3A_424 : i32 to index
          %swap3A_439 = arith.constant 16 : index
          %swap3A_440 = tpu.vector_load %arg14[%swap3A_438, %swap3A_439] {strides = array<i32>} : memref<128x64xf32, #tpu.memory_space<vmem>>, vector<16xf32>,
          tpu.vector_store %arg14[%swap3A_438, %swap3A_439], %mul3A_437 {strides = array<i32>} : memref<128x64xf32, #tpu.memory_space<vmem>>, vector<16xf32>,
          %get3A_441 = arith.index_cast %add3A_424 : i32 to index
          %get3A_442 = arith.constant 32 : index
          %get3A_443 = tpu.vector_load %arg14[%get3A_441, %get3A_442] {strides = array<i32>} : memref<128x64xf32, #tpu.memory_space<vmem>>, vector<16xf32>,
          %mul3A_444 = arith.mulf %get3A_443, %bitcast3A : vector<16xf32>
          %swap3A_445 = arith.index_cast %add3A_424 : i32 to index
          %swap3A_446 = arith.constant 32 : index
          %swap3A_447 = tpu.vector_load %arg14[%swap3A_445, %swap3A_446] {strides = array<i32>} : memref<128x64xf32, #tpu.memory_space<vmem>>, vector<16xf32>,
          tpu.vector_store %arg14[%swap3A_445, %swap3A_446], %mul3A_444 {strides = array<i32>} : memref<128x64xf32, #tpu.memory_space<vmem>>, vector<16xf32>,
          %get3A_448 = arith.index_cast %add3A_424 : i32 to index
          %get3A_449 = arith.constant 48 : index
          %get3A_450 = tpu.vector_load %arg14[%get3A_448, %get3A_449] {strides = array<i32>} : memref<128x64xf32, #tpu.memory_space<vmem>>, vector<16xf32>,
          %mul3A_451 = arith.mulf %get3A_450, %bitcast3A : vector<16xf32>
          %swap3A_452 = arith.index_cast %add3A_424 : i32 to index
          %swap3A_453 = arith.constant 48 : index
          %swap3A_454 = tpu.vector_load %arg14[%swap3A_452, %swap3A_453] {strides = array<i32>} : memref<128x64xf32, #tpu.memory_space<vmem>>, vector<16xf32>,
          tpu.vector_store %arg14[%swap3A_452, %swap3A_453], %mul3A_451 {strides = array<i32>} : memref<128x64xf32, #tpu.memory_space<vmem>>, vector<16xf32>,
          %scan3A_455 = arith.constant 1 : i32
          %scan3A_456 = arith.addi %scan3A_420, %scan3A_455 : i32
          %mul3A_457 = arith.constant 1 : i32
          %mul3A_458 = arith.muli %scan3A_456, %mul3A_457 : i32
          %add3A_459 = arith.constant 0 : i32
          %add3A_460 = arith.addi %add3A_459, %mul3A_458 : i32
          %broadcast_in_dim3A_461 = arith.constant 2 : i32
          %broadcast_in_dim3A_462 = vector.broadcast %broadcast_in_dim3A_461 : i32 to vector<16xi32>
          %broadcast_in_dim3A_463 = vector.broadcast %add3A_460 : i32 to vector<16xi32>
          %gather3A_464 = tpu.vector_load_idx %arg10[%broadcast_in_dim3A_462, %broadcast_in_dim3A_463] : memref<3x128xi32, #tpu.memory_space<vmem>>[vector<16xi32>, vector<16xi32>], vector<16xi32>,
          %bitcast3A_465 = vector.bitcast %gather3A_464 : vector<16xi32> to vector<16xf32>
          %get3A_466 = arith.index_cast %add3A_460 : i32 to index
          %get3A_467 = arith.constant 0 : index
          %get3A_468 = tpu.vector_load %arg14[%get3A_466, %get3A_467] {strides = array<i32>} : memref<128x64xf32, #tpu.memory_space<vmem>>, vector<16xf32>,
          %mul3A_469 = arith.mulf %get3A_468, %bitcast3A_465 : vector<16xf32>
          %swap3A_470 = arith.index_cast %add3A_460 : i32 to index
          %swap3A_471 = arith.constant 0 : index
          %swap3A_472 = tpu.vector_load %arg14[%swap3A_470, %swap3A_471] {strides = array<i32>} : memref<128x64xf32, #tpu.memory_space<vmem>>, vector<16xf32>,
          tpu.vector_store %arg14[%swap3A_470, %swap3A_471], %mul3A_469 {strides = array<i32>} : memref<128x64xf32, #tpu.memory_space<vmem>>, vector<16xf32>,
          %get3A_473 = arith.index_cast %add3A_460 : i32 to index
          %get3A_474 = arith.constant 16 : index
          %get3A_475 = tpu.vector_load %arg14[%get3A_473, %get3A_474] {strides = array<i32>} : memref<128x64xf32, #tpu.memory_space<vmem>>, vector<16xf32>,
          %mul3A_476 = arith.mulf %get3A_475, %bitcast3A_465 : vector<16xf32>
          %swap3A_477 = arith.index_cast %add3A_460 : i32 to index
          %swap3A_478 = arith.constant 16 : index
          %swap3A_479 = tpu.vector_load %arg14[%swap3A_477, %swap3A_478] {strides = array<i32>} : memref<128x64xf32, #tpu.memory_space<vmem>>, vector<16xf32>,
          tpu.vector_store %arg14[%swap3A_477, %swap3A_478], %mul3A_476 {strides = array<i32>} : memref<128x64xf32, #tpu.memory_space<vmem>>, vector<16xf32>,
          %get3A_480 = arith.index_cast %add3A_460 : i32 to index
          %get3A_481 = arith.constant 32 : index
          %get3A_482 = tpu.vector_load %arg14[%get3A_480, %get3A_481] {strides = array<i32>} : memref<128x64xf32, #tpu.memory_space<vmem>>, vector<16xf32>,
          %mul3A_483 = arith.mulf %get3A_482, %bitcast3A_465 : vector<16xf32>
          %swap3A_484 = arith.index_cast %add3A_460 : i32 to index
          %swap3A_485 = arith.constant 32 : index
          %swap3A_486 = tpu.vector_load %arg14[%swap3A_484, %swap3A_485] {strides = array<i32>} : memref<128x64xf32, #tpu.memory_space<vmem>>, vector<16xf32>,
          tpu.vector_store %arg14[%swap3A_484, %swap3A_485], %mul3A_483 {strides = array<i32>} : memref<128x64xf32, #tpu.memory_space<vmem>>, vector<16xf32>,
          %get3A_487 = arith.index_cast %add3A_460 : i32 to index
          %get3A_488 = arith.constant 48 : index
          %get3A_489 = tpu.vector_load %arg14[%get3A_487, %get3A_488] {strides = array<i32>} : memref<128x64xf32, #tpu.memory_space<vmem>>, vector<16xf32>,
          %mul3A_490 = arith.mulf %get3A_489, %bitcast3A_465 : vector<16xf32>
          %swap3A_491 = arith.index_cast %add3A_460 : i32 to index
          %swap3A_492 = arith.constant 48 : index
          %swap3A_493 = tpu.vector_load %arg14[%swap3A_491, %swap3A_492] {strides = array<i32>} : memref<128x64xf32, #tpu.memory_space<vmem>>, vector<16xf32>,
          tpu.vector_store %arg14[%swap3A_491, %swap3A_492], %mul3A_490 {strides = array<i32>} : memref<128x64xf32, #tpu.memory_space<vmem>>, vector<16xf32>,
          %scan3A_494 = arith.constant 2 : i32
          %scan3A_495 = arith.addi %scan3A_420, %scan3A_494 : i32
          %mul3A_496 = arith.constant 1 : i32
          %mul3A_497 = arith.muli %scan3A_495, %mul3A_496 : i32
          %add3A_498 = arith.constant 0 : i32
          %add3A_499 = arith.addi %add3A_498, %mul3A_497 : i32
          %broadcast_in_dim3A_500 = arith.constant 2 : i32
          %broadcast_in_dim3A_501 = vector.broadcast %broadcast_in_dim3A_500 : i32 to vector<16xi32>
          %broadcast_in_dim3A_502 = vector.broadcast %add3A_499 : i32 to vector<16xi32>
          %gather3A_503 = tpu.vector_load_idx %arg10[%broadcast_in_dim3A_501, %broadcast_in_dim3A_502] : memref<3x128xi32, #tpu.memory_space<vmem>>[vector<16xi32>, vector<16xi32>], vector<16xi32>,
          %bitcast3A_504 = vector.bitcast %gather3A_503 : vector<16xi32> to vector<16xf32>
          %get3A_505 = arith.index_cast %add3A_499 : i32 to index
          %get3A_506 = arith.constant 0 : index
          %get3A_507 = tpu.vector_load %arg14[%get3A_505, %get3A_506] {strides = array<i32>} : memref<128x64xf32, #tpu.memory_space<vmem>>, vector<16xf32>,
          %mul3A_508 = arith.mulf %get3A_507, %bitcast3A_504 : vector<16xf32>
          %swap3A_509 = arith.index_cast %add3A_499 : i32 to index
          %swap3A_510 = arith.constant 0 : index
          %swap3A_511 = tpu.vector_load %arg14[%swap3A_509, %swap3A_510] {strides = array<i32>} : memref<128x64xf32, #tpu.memory_space<vmem>>, vector<16xf32>,
          tpu.vector_store %arg14[%swap3A_509, %swap3A_510], %mul3A_508 {strides = array<i32>} : memref<128x64xf32, #tpu.memory_space<vmem>>, vector<16xf32>,
          %get3A_512 = arith.index_cast %add3A_499 : i32 to index
          %get3A_513 = arith.constant 16 : index
          %get3A_514 = tpu.vector_load %arg14[%get3A_512, %get3A_513] {strides = array<i32>} : memref<128x64xf32, #tpu.memory_space<vmem>>, vector<16xf32>,
          %mul3A_515 = arith.mulf %get3A_514, %bitcast3A_504 : vector<16xf32>
          %swap3A_516 = arith.index_cast %add3A_499 : i32 to index
          %swap3A_517 = arith.constant 16 : index
          %swap3A_518 = tpu.vector_load %arg14[%swap3A_516, %swap3A_517] {strides = array<i32>} : memref<128x64xf32, #tpu.memory_space<vmem>>, vector<16xf32>,
          tpu.vector_store %arg14[%swap3A_516, %swap3A_517], %mul3A_515 {strides = array<i32>} : memref<128x64xf32, #tpu.memory_space<vmem>>, vector<16xf32>,
          %get3A_519 = arith.index_cast %add3A_499 : i32 to index
          %get3A_520 = arith.constant 32 : index
          %get3A_521 = tpu.vector_load %arg14[%get3A_519, %get3A_520] {strides = array<i32>} : memref<128x64xf32, #tpu.memory_space<vmem>>, vector<16xf32>,
          %mul3A_522 = arith.mulf %get3A_521, %bitcast3A_504 : vector<16xf32>
          %swap3A_523 = arith.index_cast %add3A_499 : i32 to index
          %swap3A_524 = arith.constant 32 : index
          %swap3A_525 = tpu.vector_load %arg14[%swap3A_523, %swap3A_524] {strides = array<i32>} : memref<128x64xf32, #tpu.memory_space<vmem>>, vector<16xf32>,
          tpu.vector_store %arg14[%swap3A_523, %swap3A_524], %mul3A_522 {strides = array<i32>} : memref<128x64xf32, #tpu.memory_space<vmem>>, vector<16xf32>,
          %get3A_526 = arith.index_cast %add3A_499 : i32 to index
          %get3A_527 = arith.constant 48 : index
          %get3A_528 = tpu.vector_load %arg14[%get3A_526, %get3A_527] {strides = array<i32>} : memref<128x64xf32, #tpu.memory_space<vmem>>, vector<16xf32>,
          %mul3A_529 = arith.mulf %get3A_528, %bitcast3A_504 : vector<16xf32>
          %swap3A_530 = arith.index_cast %add3A_499 : i32 to index
          %swap3A_531 = arith.constant 48 : index
          %swap3A_532 = tpu.vector_load %arg14[%swap3A_530, %swap3A_531] {strides = array<i32>} : memref<128x64xf32, #tpu.memory_space<vmem>>, vector<16xf32>,
          tpu.vector_store %arg14[%swap3A_530, %swap3A_531], %mul3A_529 {strides = array<i32>} : memref<128x64xf32, #tpu.memory_space<vmem>>, vector<16xf32>,
          %scan3A_533 = arith.constant 3 : i32
          %scan3A_534 = arith.addi %scan3A_420, %scan3A_533 : i32
          %mul3A_535 = arith.constant 1 : i32
          %mul3A_536 = arith.muli %scan3A_534, %mul3A_535 : i32
          %add3A_537 = arith.constant 0 : i32
          %add3A_538 = arith.addi %add3A_537, %mul3A_536 : i32
          %broadcast_in_dim3A_539 = arith.constant 2 : i32
          %broadcast_in_dim3A_540 = vector.broadcast %broadcast_in_dim3A_539 : i32 to vector<16xi32>
          %broadcast_in_dim3A_541 = vector.broadcast %add3A_538 : i32 to vector<16xi32>
          %gather3A_542 = tpu.vector_load_idx %arg10[%broadcast_in_dim3A_540, %broadcast_in_dim3A_541] : memref<3x128xi32, #tpu.memory_space<vmem>>[vector<16xi32>, vector<16xi32>], vector<16xi32>,
          %bitcast3A_543 = vector.bitcast %gather3A_542 : vector<16xi32> to vector<16xf32>
          %get3A_544 = arith.index_cast %add3A_538 : i32 to index
          %get3A_545 = arith.constant 0 : index
          %get3A_546 = tpu.vector_load %arg14[%get3A_544, %get3A_545] {strides = array<i32>} : memref<128x64xf32, #tpu.memory_space<vmem>>, vector<16xf32>,
          %mul3A_547 = arith.mulf %get3A_546, %bitcast3A_543 : vector<16xf32>
          %swap3A_548 = arith.index_cast %add3A_538 : i32 to index
          %swap3A_549 = arith.constant 0 : index
          %swap3A_550 = tpu.vector_load %arg14[%swap3A_548, %swap3A_549] {strides = array<i32>} : memref<128x64xf32, #tpu.memory_space<vmem>>, vector<16xf32>,
          tpu.vector_store %arg14[%swap3A_548, %swap3A_549], %mul3A_547 {strides = array<i32>} : memref<128x64xf32, #tpu.memory_space<vmem>>, vector<16xf32>,
          %get3A_551 = arith.index_cast %add3A_538 : i32 to index
          %get3A_552 = arith.constant 16 : index
          %get3A_553 = tpu.vector_load %arg14[%get3A_551, %get3A_552] {strides = array<i32>} : memref<128x64xf32, #tpu.memory_space<vmem>>, vector<16xf32>,
          %mul3A_554 = arith.mulf %get3A_553, %bitcast3A_543 : vector<16xf32>
          %swap3A_555 = arith.index_cast %add3A_538 : i32 to index
          %swap3A_556 = arith.constant 16 : index
          %swap3A_557 = tpu.vector_load %arg14[%swap3A_555, %swap3A_556] {strides = array<i32>} : memref<128x64xf32, #tpu.memory_space<vmem>>, vector<16xf32>,
          tpu.vector_store %arg14[%swap3A_555, %swap3A_556], %mul3A_554 {strides = array<i32>} : memref<128x64xf32, #tpu.memory_space<vmem>>, vector<16xf32>,
          %get3A_558 = arith.index_cast %add3A_538 : i32 to index
          %get3A_559 = arith.constant 32 : index
          %get3A_560 = tpu.vector_load %arg14[%get3A_558, %get3A_559] {strides = array<i32>} : memref<128x64xf32, #tpu.memory_space<vmem>>, vector<16xf32>,
          %mul3A_561 = arith.mulf %get3A_560, %bitcast3A_543 : vector<16xf32>
          %swap3A_562 = arith.index_cast %add3A_538 : i32 to index
          %swap3A_563 = arith.constant 32 : index
          %swap3A_564 = tpu.vector_load %arg14[%swap3A_562, %swap3A_563] {strides = array<i32>} : memref<128x64xf32, #tpu.memory_space<vmem>>, vector<16xf32>,
          tpu.vector_store %arg14[%swap3A_562, %swap3A_563], %mul3A_561 {strides = array<i32>} : memref<128x64xf32, #tpu.memory_space<vmem>>, vector<16xf32>,
          %get3A_565 = arith.index_cast %add3A_538 : i32 to index
          %get3A_566 = arith.constant 48 : index
          %get3A_567 = tpu.vector_load %arg14[%get3A_565, %get3A_566] {strides = array<i32>} : memref<128x64xf32, #tpu.memory_space<vmem>>, vector<16xf32>,
          %mul3A_568 = arith.mulf %get3A_567, %bitcast3A_543 : vector<16xf32>
          %swap3A_569 = arith.index_cast %add3A_538 : i32 to index
          %swap3A_570 = arith.constant 48 : index
          %swap3A_571 = tpu.vector_load %arg14[%swap3A_569, %swap3A_570] {strides = array<i32>} : memref<128x64xf32, #tpu.memory_space<vmem>>, vector<16xf32>,
          tpu.vector_store %arg14[%swap3A_569, %swap3A_570], %mul3A_568 {strides = array<i32>} : memref<128x64xf32, #tpu.memory_space<vmem>>, vector<16xf32>,
        }
        %scan3A_344 = arith.constant 128 : i32
        %dma_start3A_345 = arith.constant 0 : i32
        %dma_start3A_346 = arith.constant 0 : i32
        %dma_start3A_347 = tpu.memref_slice %arg6[%dma_start3A_345, %dma_start3A_346] : memref<10000x64xf32, #tpu.memory_space<vmem_shared>> -> memref<10000x64xf32, #tpu.memory_space<vmem_shared>>
        tpu.enqueue_indirect_dma source(%arg14 : memref<128x64xf32, #tpu.memory_space<vmem>>) target(%dma_start3A_347 : memref<10000x64xf32, #tpu.memory_space<vmem_shared>>) offsets(%arg18 : memref<128xi32, #tpu.memory_space<vmem>>) semaphore(%arg30 : memref<!tpu.dma_semaphore, #tpu.memory_space<semaphore_mem>>) {add = true}
        %add3A_348 = arith.constant 3 : i32
        %add3A_349 = arith.addi %mul3A_136, %add3A_348 : i32
        %add3A_350 = arith.constant 1 : i32
        %add3A_351 = arith.addi %add3A_349, %add3A_350 : i32
        %lt3A_352 = arith.constant 160 : i32
        %lt3A_353 = arith.cmpi slt, %add3A_351, %lt3A_352 : i32
        %convert_element_type3A_354 = arith.extui %lt3A_353 : i1 to i32
        %cond3A_355 = arith.constant 0 : i32
        %cond3A_356 = arith.cmpi ne, %convert_element_type3A_354, %cond3A_355 : i32
        scf.if %cond3A_356 {
          %dma_wait3A_420 = arith.constant 0 : i32
          %dma_wait3A_421 = arith.constant 0 : i32
          %dma_wait3A_422 = arith.constant 0 : i32
          %dma_wait3A_423 = tpu.memref_slice %arg4[%arg1, %dma_wait3A_420, %dma_wait3A_421, %dma_wait3A_422] : memref<16x160x3x128xi32, #tpu.memory_space<hbm>> -> memref<1x1x3x128xi32, #tpu.memory_space<hbm>>
          %dma_wait3A_424 = tpu.memref_squeeze %dma_wait3A_423 : memref<1x1x3x128xi32, #tpu.memory_space<hbm>> -> memref<3x128xi32, #tpu.memory_space<hbm>>
          %dma_wait3A_425 = arith.constant 0 : i32
          %dma_wait3A_426 = arith.constant 0 : i32
          %dma_wait3A_427 = tpu.memref_slice %arg4[%arg1, %dma_wait3A_420, %dma_wait3A_425, %dma_wait3A_426] : memref<16x160x3x128xi32, #tpu.memory_space<hbm>> -> memref<1x1x3x128xi32, #tpu.memory_space<hbm>>
          %dma_wait3A_428 = tpu.memref_squeeze %dma_wait3A_427 : memref<1x1x3x128xi32, #tpu.memory_space<hbm>> -> memref<3x128xi32, #tpu.memory_space<hbm>>
          tpu.wait_dma2 semaphore(%arg20 : memref<!tpu.dma_semaphore, #tpu.memory_space<semaphore_mem>>) src(%dma_wait3A_428 : memref<3x128xi32, #tpu.memory_space<hbm>>) dst(%arg8 : memref<3x128xi32, #tpu.memory_space<vmem>>)
          %ge3A = arith.constant 3 : i32
          %ge3A_429 = arith.cmpi sge, %add3A_349, %ge3A : i32
          %convert_element_type3A_430 = arith.extui %ge3A_429 : i1 to i32
          %cond3A_431 = arith.constant 0 : i32
          %cond3A_432 = arith.cmpi ne, %convert_element_type3A_430, %cond3A_431 : i32
          scf.if %cond3A_432 {
            %dma_wait3A_447 = arith.constant 0 : i32
            %dma_wait3A_448 = arith.constant 0 : i32
            %dma_wait3A_449 = tpu.memref_slice %arg6[%dma_wait3A_447, %dma_wait3A_448] : memref<10000x64xf32, #tpu.memory_space<vmem_shared>> -> memref<10000x64xf32, #tpu.memory_space<vmem_shared>>
            tpu.wait_indirect_dma semaphore(%arg28 : memref<!tpu.dma_semaphore, #tpu.memory_space<semaphore_mem>>) src(%arg12 : memref<128x64xf32, #tpu.memory_space<vmem>>) dst(%dma_wait3A_449 : memref<10000x64xf32, #tpu.memory_space<vmem_shared>>)
          } else {
          }
          %dma_start3A_433 = arith.constant 0 : i32
          %dma_start3A_434 = arith.constant 0 : i32
          %dma_start3A_435 = tpu.memref_slice %arg8[%dma_start3A_433, %dma_start3A_434] : memref<3x128xi32, #tpu.memory_space<vmem>> -> memref<1x128xi32, #tpu.memory_space<vmem>>
          %dma_start3A_436 = tpu.memref_squeeze %dma_start3A_435 : memref<1x128xi32, #tpu.memory_space<vmem>> -> memref<128xi32, #tpu.memory_space<vmem>>
          %dma_start3A_437 = arith.constant 0 : i32
          %dma_start3A_438 = arith.constant 0 : i32
          %dma_start3A_439 = tpu.memref_slice %arg7[%dma_start3A_437, %dma_start3A_438] : memref<10000x64xf32, #tpu.memory_space<vmem_shared>> -> memref<10000x64xf32, #tpu.memory_space<vmem_shared>>
          tpu.enqueue_indirect_dma source(%dma_start3A_439 : memref<10000x64xf32, #tpu.memory_space<vmem_shared>>) target(%arg12 : memref<128x64xf32, #tpu.memory_space<vmem>>) offsets(%dma_start3A_436 : memref<128xi32, #tpu.memory_space<vmem>>) semaphore(%arg24 : memref<!tpu.dma_semaphore, #tpu.memory_space<semaphore_mem>>)
          %add3A_440 = arith.constant 3 : i32
          %add3A_441 = arith.addi %add3A_349, %add3A_440 : i32
          %lt3A_442 = arith.constant 160 : i32
          %lt3A_443 = arith.cmpi slt, %add3A_441, %lt3A_442 : i32
          %convert_element_type3A_444 = arith.extui %lt3A_443 : i1 to i32
          %cond3A_445 = arith.constant 0 : i32
          %cond3A_446 = arith.cmpi ne, %convert_element_type3A_444, %cond3A_445 : i32
          scf.if %cond3A_446 {
            %add3A_447 = arith.constant 3 : i32
            %add3A_448 = arith.addi %add3A_349, %add3A_447 : i32
            %dma_start3A_449 = arith.constant 0 : i32
            %dma_start3A_450 = arith.constant 0 : i32
            %dma_start3A_451 = tpu.memref_slice %arg4[%arg1, %add3A_448, %dma_start3A_449, %dma_start3A_450] : memref<16x160x3x128xi32, #tpu.memory_space<hbm>> -> memref<1x1x3x128xi32, #tpu.memory_space<hbm>>
            %dma_start3A_452 = tpu.memref_squeeze %dma_start3A_451 : memref<1x1x3x128xi32, #tpu.memory_space<hbm>> -> memref<3x128xi32, #tpu.memory_space<hbm>>
            %dma_start3A_453 = arith.constant 0 : i32
            %dma_start3A_454 = arith.constant 0 : i32
            %dma_start3A_455 = tpu.memref_slice %arg4[%arg1, %add3A_448, %dma_start3A_453, %dma_start3A_454] : memref<16x160x3x128xi32, #tpu.memory_space<hbm>> -> memref<1x1x3x128xi32, #tpu.memory_space<hbm>>
            %dma_start3A_456 = tpu.memref_squeeze %dma_start3A_455 : memref<1x1x3x128xi32, #tpu.memory_space<hbm>> -> memref<3x128xi32, #tpu.memory_space<hbm>>
            tpu.enqueue_dma source(%dma_start3A_456 : memref<3x128xi32, #tpu.memory_space<hbm>>) target(%arg10 : memref<3x128xi32, #tpu.memory_space<vmem>>) target_semaphore(%arg22 : memref<!tpu.dma_semaphore, #tpu.memory_space<semaphore_mem>>)
          } else {
          }
        } else {
        }
        %dma_wait3A_357 = arith.constant 0 : i32
        %dma_wait3A_358 = arith.constant 0 : i32
        %dma_wait3A_359 = tpu.memref_slice %arg11[%dma_wait3A_357, %dma_wait3A_358] : memref<3x128xi32, #tpu.memory_space<vmem>> -> memref<1x128xi32, #tpu.memory_space<vmem>>
        %dma_wait3A_360 = tpu.memref_squeeze %dma_wait3A_359 : memref<1x128xi32, #tpu.memory_space<vmem>> -> memref<128xi32, #tpu.memory_space<vmem>>
        %dma_wait3A_361 = arith.constant 0 : i32
        %dma_wait3A_362 = arith.constant 0 : i32
        %dma_wait3A_363 = tpu.memref_slice %arg7[%dma_wait3A_361, %dma_wait3A_362] : memref<10000x64xf32, #tpu.memory_space<vmem_shared>> -> memref<10000x64xf32, #tpu.memory_space<vmem_shared>>
        tpu.wait_indirect_dma semaphore(%arg27 : memref<!tpu.dma_semaphore, #tpu.memory_space<semaphore_mem>>) src(%dma_wait3A_363 : memref<10000x64xf32, #tpu.memory_space<vmem_shared>>) dst(%arg15 : memref<128x64xf32, #tpu.memory_space<vmem>>)
        %get3A_364 = arith.constant 1 : i32
        %get3A_365 = arith.index_cast %get3A_364 : i32 to index
        %get3A_366 = arith.constant 0 : index
        %get3A_367 = tpu.vector_load %arg11[%get3A_365, %get3A_366] {strides = array<i32>} : memref<3x128xi32, #tpu.memory_space<vmem>>, vector<16xi32>,
        %swap3A_368 = arith.constant 0 : index
        %swap3A_369 = tpu.vector_load %arg19[%swap3A_368] {strides = array<i32>} : memref<128xi32, #tpu.memory_space<vmem>>, vector<16xi32>,
        tpu.vector_store %arg19[%swap3A_368], %get3A_367 {strides = array<i32>} : memref<128xi32, #tpu.memory_space<vmem>>, vector<16xi32>,
        %get3A_370 = arith.constant 1 : i32
        %get3A_371 = arith.index_cast %get3A_370 : i32 to index
        %get3A_372 = arith.constant 16 : index
        %get3A_373 = tpu.vector_load %arg11[%get3A_371, %get3A_372] {strides = array<i32>} : memref<3x128xi32, #tpu.memory_space<vmem>>, vector<16xi32>,
        %swap3A_374 = arith.constant 16 : index
        %swap3A_375 = tpu.vector_load %arg19[%swap3A_374] {strides = array<i32>} : memref<128xi32, #tpu.memory_space<vmem>>, vector<16xi32>,
        tpu.vector_store %arg19[%swap3A_374], %get3A_373 {strides = array<i32>} : memref<128xi32, #tpu.memory_space<vmem>>, vector<16xi32>,
        %get3A_376 = arith.constant 1 : i32
        %get3A_377 = arith.index_cast %get3A_376 : i32 to index
        %get3A_378 = arith.constant 32 : index
        %get3A_379 = tpu.vector_load %arg11[%get3A_377, %get3A_378] {strides = array<i32>} : memref<3x128xi32, #tpu.memory_space<vmem>>, vector<16xi32>,
        %swap3A_380 = arith.constant 32 : index
        %swap3A_381 = tpu.vector_load %arg19[%swap3A_380] {strides = array<i32>} : memref<128xi32, #tpu.memory_space<vmem>>, vector<16xi32>,
        tpu.vector_store %arg19[%swap3A_380], %get3A_379 {strides = array<i32>} : memref<128xi32, #tpu.memory_space<vmem>>, vector<16xi32>,
        %get3A_382 = arith.constant 1 : i32
        %get3A_383 = arith.index_cast %get3A_382 : i32 to index
        %get3A_384 = arith.constant 48 : index
        %get3A_385 = tpu.vector_load %arg11[%get3A_383, %get3A_384] {strides = array<i32>} : memref<3x128xi32, #tpu.memory_space<vmem>>, vector<16xi32>,
        %swap3A_386 = arith.constant 48 : index
        %swap3A_387 = tpu.vector_load %arg19[%swap3A_386] {strides = array<i32>} : memref<128xi32, #tpu.memory_space<vmem>>, vector<16xi32>,
        tpu.vector_store %arg19[%swap3A_386], %get3A_385 {strides = array<i32>} : memref<128xi32, #tpu.memory_space<vmem>>, vector<16xi32>,
        %get3A_388 = arith.constant 1 : i32
        %get3A_389 = arith.index_cast %get3A_388 : i32 to index
        %get3A_390 = arith.constant 64 : index
        %get3A_391 = tpu.vector_load %arg11[%get3A_389, %get3A_390] {strides = array<i32>} : memref<3x128xi32, #tpu.memory_space<vmem>>, vector<16xi32>,
        %swap3A_392 = arith.constant 64 : index
        %swap3A_393 = tpu.vector_load %arg19[%swap3A_392] {strides = array<i32>} : memref<128xi32, #tpu.memory_space<vmem>>, vector<16xi32>,
        tpu.vector_store %arg19[%swap3A_392], %get3A_391 {strides = array<i32>} : memref<128xi32, #tpu.memory_space<vmem>>, vector<16xi32>,
        %get3A_394 = arith.constant 1 : i32
        %get3A_395 = arith.index_cast %get3A_394 : i32 to index
        %get3A_396 = arith.constant 80 : index
        %get3A_397 = tpu.vector_load %arg11[%get3A_395, %get3A_396] {strides = array<i32>} : memref<3x128xi32, #tpu.memory_space<vmem>>, vector<16xi32>,
        %swap3A_398 = arith.constant 80 : index
        %swap3A_399 = tpu.vector_load %arg19[%swap3A_398] {strides = array<i32>} : memref<128xi32, #tpu.memory_space<vmem>>, vector<16xi32>,
        tpu.vector_store %arg19[%swap3A_398], %get3A_397 {strides = array<i32>} : memref<128xi32, #tpu.memory_space<vmem>>, vector<16xi32>,
        %get3A_400 = arith.constant 1 : i32
        %get3A_401 = arith.index_cast %get3A_400 : i32 to index
        %get3A_402 = arith.constant 96 : index
        %get3A_403 = tpu.vector_load %arg11[%get3A_401, %get3A_402] {strides = array<i32>} : memref<3x128xi32, #tpu.memory_space<vmem>>, vector<16xi32>,
        %swap3A_404 = arith.constant 96 : index
        %swap3A_405 = tpu.vector_load %arg19[%swap3A_404] {strides = array<i32>} : memref<128xi32, #tpu.memory_space<vmem>>, vector<16xi32>,
        tpu.vector_store %arg19[%swap3A_404], %get3A_403 {strides = array<i32>} : memref<128xi32, #tpu.memory_space<vmem>>, vector<16xi32>,
        %get3A_406 = arith.constant 1 : i32
        %get3A_407 = arith.index_cast %get3A_406 : i32 to index
        %get3A_408 = arith.constant 112 : index
        %get3A_409 = tpu.vector_load %arg11[%get3A_407, %get3A_408] {strides = array<i32>} : memref<3x128xi32, #tpu.memory_space<vmem>>, vector<16xi32>,
        %swap3A_410 = arith.constant 112 : index
        %swap3A_411 = tpu.vector_load %arg19[%swap3A_410] {strides = array<i32>} : memref<128xi32, #tpu.memory_space<vmem>>, vector<16xi32>,
        tpu.vector_store %arg19[%swap3A_410], %get3A_409 {strides = array<i32>} : memref<128xi32, #tpu.memory_space<vmem>>, vector<16xi32>,
        %scan3A_412 = arith.constant 0 : i32
        %scan3A_413 = arith.constant 128 : i32
        %scan3A_414 = arith.addi %scan3A_412, %scan3A_413 : i32
        %scan3A_415 = arith.constant 4 : i32
        scf.for %scan3A_420 = %scan3A_412 to %scan3A_414 step %scan3A_415  : i32 {
          %mul3A_421 = arith.constant 1 : i32
          %mul3A_422 = arith.muli %scan3A_420, %mul3A_421 : i32
          %add3A_423 = arith.constant 0 : i32
          %add3A_424 = arith.addi %add3A_423, %mul3A_422 : i32
          %broadcast_in_dim3A = arith.constant 2 : i32
          %broadcast_in_dim3A_425 = vector.broadcast %broadcast_in_dim3A : i32 to vector<16xi32>
          %broadcast_in_dim3A_426 = vector.broadcast %add3A_424 : i32 to vector<16xi32>
          %gather3A = tpu.vector_load_idx %arg11[%broadcast_in_dim3A_425, %broadcast_in_dim3A_426] : memref<3x128xi32, #tpu.memory_space<vmem>>[vector<16xi32>, vector<16xi32>], vector<16xi32>,
          %bitcast3A = vector.bitcast %gather3A : vector<16xi32> to vector<16xf32>
          %get3A_427 = arith.index_cast %add3A_424 : i32 to index
          %get3A_428 = arith.constant 0 : index
          %get3A_429 = tpu.vector_load %arg15[%get3A_427, %get3A_428] {strides = array<i32>} : memref<128x64xf32, #tpu.memory_space<vmem>>, vector<16xf32>,
          %mul3A_430 = arith.mulf %get3A_429, %bitcast3A : vector<16xf32>
          %swap3A_431 = arith.index_cast %add3A_424 : i32 to index
          %swap3A_432 = arith.constant 0 : index
          %swap3A_433 = tpu.vector_load %arg15[%swap3A_431, %swap3A_432] {strides = array<i32>} : memref<128x64xf32, #tpu.memory_space<vmem>>, vector<16xf32>,
          tpu.vector_store %arg15[%swap3A_431, %swap3A_432], %mul3A_430 {strides = array<i32>} : memref<128x64xf32, #tpu.memory_space<vmem>>, vector<16xf32>,
          %get3A_434 = arith.index_cast %add3A_424 : i32 to index
          %get3A_435 = arith.constant 16 : index
          %get3A_436 = tpu.vector_load %arg15[%get3A_434, %get3A_435] {strides = array<i32>} : memref<128x64xf32, #tpu.memory_space<vmem>>, vector<16xf32>,
          %mul3A_437 = arith.mulf %get3A_436, %bitcast3A : vector<16xf32>
          %swap3A_438 = arith.index_cast %add3A_424 : i32 to index
          %swap3A_439 = arith.constant 16 : index
          %swap3A_440 = tpu.vector_load %arg15[%swap3A_438, %swap3A_439] {strides = array<i32>} : memref<128x64xf32, #tpu.memory_space<vmem>>, vector<16xf32>,
          tpu.vector_store %arg15[%swap3A_438, %swap3A_439], %mul3A_437 {strides = array<i32>} : memref<128x64xf32, #tpu.memory_space<vmem>>, vector<16xf32>,
          %get3A_441 = arith.index_cast %add3A_424 : i32 to index
          %get3A_442 = arith.constant 32 : index
          %get3A_443 = tpu.vector_load %arg15[%get3A_441, %get3A_442] {strides = array<i32>} : memref<128x64xf32, #tpu.memory_space<vmem>>, vector<16xf32>,
          %mul3A_444 = arith.mulf %get3A_443, %bitcast3A : vector<16xf32>
          %swap3A_445 = arith.index_cast %add3A_424 : i32 to index
          %swap3A_446 = arith.constant 32 : index
          %swap3A_447 = tpu.vector_load %arg15[%swap3A_445, %swap3A_446] {strides = array<i32>} : memref<128x64xf32, #tpu.memory_space<vmem>>, vector<16xf32>,
          tpu.vector_store %arg15[%swap3A_445, %swap3A_446], %mul3A_444 {strides = array<i32>} : memref<128x64xf32, #tpu.memory_space<vmem>>, vector<16xf32>,
          %get3A_448 = arith.index_cast %add3A_424 : i32 to index
          %get3A_449 = arith.constant 48 : index
          %get3A_450 = tpu.vector_load %arg15[%get3A_448, %get3A_449] {strides = array<i32>} : memref<128x64xf32, #tpu.memory_space<vmem>>, vector<16xf32>,
          %mul3A_451 = arith.mulf %get3A_450, %bitcast3A : vector<16xf32>
          %swap3A_452 = arith.index_cast %add3A_424 : i32 to index
          %swap3A_453 = arith.constant 48 : index
          %swap3A_454 = tpu.vector_load %arg15[%swap3A_452, %swap3A_453] {strides = array<i32>} : memref<128x64xf32, #tpu.memory_space<vmem>>, vector<16xf32>,
          tpu.vector_store %arg15[%swap3A_452, %swap3A_453], %mul3A_451 {strides = array<i32>} : memref<128x64xf32, #tpu.memory_space<vmem>>, vector<16xf32>,
          %scan3A_455 = arith.constant 1 : i32
          %scan3A_456 = arith.addi %scan3A_420, %scan3A_455 : i32
          %mul3A_457 = arith.constant 1 : i32
          %mul3A_458 = arith.muli %scan3A_456, %mul3A_457 : i32
          %add3A_459 = arith.constant 0 : i32
          %add3A_460 = arith.addi %add3A_459, %mul3A_458 : i32
          %broadcast_in_dim3A_461 = arith.constant 2 : i32
          %broadcast_in_dim3A_462 = vector.broadcast %broadcast_in_dim3A_461 : i32 to vector<16xi32>
          %broadcast_in_dim3A_463 = vector.broadcast %add3A_460 : i32 to vector<16xi32>
          %gather3A_464 = tpu.vector_load_idx %arg11[%broadcast_in_dim3A_462, %broadcast_in_dim3A_463] : memref<3x128xi32, #tpu.memory_space<vmem>>[vector<16xi32>, vector<16xi32>], vector<16xi32>,
          %bitcast3A_465 = vector.bitcast %gather3A_464 : vector<16xi32> to vector<16xf32>
          %get3A_466 = arith.index_cast %add3A_460 : i32 to index
          %get3A_467 = arith.constant 0 : index
          %get3A_468 = tpu.vector_load %arg15[%get3A_466, %get3A_467] {strides = array<i32>} : memref<128x64xf32, #tpu.memory_space<vmem>>, vector<16xf32>,
          %mul3A_469 = arith.mulf %get3A_468, %bitcast3A_465 : vector<16xf32>
          %swap3A_470 = arith.index_cast %add3A_460 : i32 to index
          %swap3A_471 = arith.constant 0 : index
          %swap3A_472 = tpu.vector_load %arg15[%swap3A_470, %swap3A_471] {strides = array<i32>} : memref<128x64xf32, #tpu.memory_space<vmem>>, vector<16xf32>,
          tpu.vector_store %arg15[%swap3A_470, %swap3A_471], %mul3A_469 {strides = array<i32>} : memref<128x64xf32, #tpu.memory_space<vmem>>, vector<16xf32>,
          %get3A_473 = arith.index_cast %add3A_460 : i32 to index
          %get3A_474 = arith.constant 16 : index
          %get3A_475 = tpu.vector_load %arg15[%get3A_473, %get3A_474] {strides = array<i32>} : memref<128x64xf32, #tpu.memory_space<vmem>>, vector<16xf32>,
          %mul3A_476 = arith.mulf %get3A_475, %bitcast3A_465 : vector<16xf32>
          %swap3A_477 = arith.index_cast %add3A_460 : i32 to index
          %swap3A_478 = arith.constant 16 : index
          %swap3A_479 = tpu.vector_load %arg15[%swap3A_477, %swap3A_478] {strides = array<i32>} : memref<128x64xf32, #tpu.memory_space<vmem>>, vector<16xf32>,
          tpu.vector_store %arg15[%swap3A_477, %swap3A_478], %mul3A_476 {strides = array<i32>} : memref<128x64xf32, #tpu.memory_space<vmem>>, vector<16xf32>,
          %get3A_480 = arith.index_cast %add3A_460 : i32 to index
          %get3A_481 = arith.constant 32 : index
          %get3A_482 = tpu.vector_load %arg15[%get3A_480, %get3A_481] {strides = array<i32>} : memref<128x64xf32, #tpu.memory_space<vmem>>, vector<16xf32>,
          %mul3A_483 = arith.mulf %get3A_482, %bitcast3A_465 : vector<16xf32>
          %swap3A_484 = arith.index_cast %add3A_460 : i32 to index
          %swap3A_485 = arith.constant 32 : index
          %swap3A_486 = tpu.vector_load %arg15[%swap3A_484, %swap3A_485] {strides = array<i32>} : memref<128x64xf32, #tpu.memory_space<vmem>>, vector<16xf32>,
          tpu.vector_store %arg15[%swap3A_484, %swap3A_485], %mul3A_483 {strides = array<i32>} : memref<128x64xf32, #tpu.memory_space<vmem>>, vector<16xf32>,
          %get3A_487 = arith.index_cast %add3A_460 : i32 to index
          %get3A_488 = arith.constant 48 : index
          %get3A_489 = tpu.vector_load %arg15[%get3A_487, %get3A_488] {strides = array<i32>} : memref<128x64xf32, #tpu.memory_space<vmem>>, vector<16xf32>,
          %mul3A_490 = arith.mulf %get3A_489, %bitcast3A_465 : vector<16xf32>
          %swap3A_491 = arith.index_cast %add3A_460 : i32 to index
          %swap3A_492 = arith.constant 48 : index
          %swap3A_493 = tpu.vector_load %arg15[%swap3A_491, %swap3A_492] {strides = array<i32>} : memref<128x64xf32, #tpu.memory_space<vmem>>, vector<16xf32>,
          tpu.vector_store %arg15[%swap3A_491, %swap3A_492], %mul3A_490 {strides = array<i32>} : memref<128x64xf32, #tpu.memory_space<vmem>>, vector<16xf32>,
          %scan3A_494 = arith.constant 2 : i32
          %scan3A_495 = arith.addi %scan3A_420, %scan3A_494 : i32
          %mul3A_496 = arith.constant 1 : i32
          %mul3A_497 = arith.muli %scan3A_495, %mul3A_496 : i32
          %add3A_498 = arith.constant 0 : i32
          %add3A_499 = arith.addi %add3A_498, %mul3A_497 : i32
          %broadcast_in_dim3A_500 = arith.constant 2 : i32
          %broadcast_in_dim3A_501 = vector.broadcast %broadcast_in_dim3A_500 : i32 to vector<16xi32>
          %broadcast_in_dim3A_502 = vector.broadcast %add3A_499 : i32 to vector<16xi32>
          %gather3A_503 = tpu.vector_load_idx %arg11[%broadcast_in_dim3A_501, %broadcast_in_dim3A_502] : memref<3x128xi32, #tpu.memory_space<vmem>>[vector<16xi32>, vector<16xi32>], vector<16xi32>,
          %bitcast3A_504 = vector.bitcast %gather3A_503 : vector<16xi32> to vector<16xf32>
          %get3A_505 = arith.index_cast %add3A_499 : i32 to index
          %get3A_506 = arith.constant 0 : index
          %get3A_507 = tpu.vector_load %arg15[%get3A_505, %get3A_506] {strides = array<i32>} : memref<128x64xf32, #tpu.memory_space<vmem>>, vector<16xf32>,
          %mul3A_508 = arith.mulf %get3A_507, %bitcast3A_504 : vector<16xf32>
          %swap3A_509 = arith.index_cast %add3A_499 : i32 to index
          %swap3A_510 = arith.constant 0 : index
          %swap3A_511 = tpu.vector_load %arg15[%swap3A_509, %swap3A_510] {strides = array<i32>} : memref<128x64xf32, #tpu.memory_space<vmem>>, vector<16xf32>,
          tpu.vector_store %arg15[%swap3A_509, %swap3A_510], %mul3A_508 {strides = array<i32>} : memref<128x64xf32, #tpu.memory_space<vmem>>, vector<16xf32>,
          %get3A_512 = arith.index_cast %add3A_499 : i32 to index
          %get3A_513 = arith.constant 16 : index
          %get3A_514 = tpu.vector_load %arg15[%get3A_512, %get3A_513] {strides = array<i32>} : memref<128x64xf32, #tpu.memory_space<vmem>>, vector<16xf32>,
          %mul3A_515 = arith.mulf %get3A_514, %bitcast3A_504 : vector<16xf32>
          %swap3A_516 = arith.index_cast %add3A_499 : i32 to index
          %swap3A_517 = arith.constant 16 : index
          %swap3A_518 = tpu.vector_load %arg15[%swap3A_516, %swap3A_517] {strides = array<i32>} : memref<128x64xf32, #tpu.memory_space<vmem>>, vector<16xf32>,
          tpu.vector_store %arg15[%swap3A_516, %swap3A_517], %mul3A_515 {strides = array<i32>} : memref<128x64xf32, #tpu.memory_space<vmem>>, vector<16xf32>,
          %get3A_519 = arith.index_cast %add3A_499 : i32 to index
          %get3A_520 = arith.constant 32 : index
          %get3A_521 = tpu.vector_load %arg15[%get3A_519, %get3A_520] {strides = array<i32>} : memref<128x64xf32, #tpu.memory_space<vmem>>, vector<16xf32>,
          %mul3A_522 = arith.mulf %get3A_521, %bitcast3A_504 : vector<16xf32>
          %swap3A_523 = arith.index_cast %add3A_499 : i32 to index
          %swap3A_524 = arith.constant 32 : index
          %swap3A_525 = tpu.vector_load %arg15[%swap3A_523, %swap3A_524] {strides = array<i32>} : memref<128x64xf32, #tpu.memory_space<vmem>>, vector<16xf32>,
          tpu.vector_store %arg15[%swap3A_523, %swap3A_524], %mul3A_522 {strides = array<i32>} : memref<128x64xf32, #tpu.memory_space<vmem>>, vector<16xf32>,
          %get3A_526 = arith.index_cast %add3A_499 : i32 to index
          %get3A_527 = arith.constant 48 : index
          %get3A_528 = tpu.vector_load %arg15[%get3A_526, %get3A_527] {strides = array<i32>} : memref<128x64xf32, #tpu.memory_space<vmem>>, vector<16xf32>,
          %mul3A_529 = arith.mulf %get3A_528, %bitcast3A_504 : vector<16xf32>
          %swap3A_530 = arith.index_cast %add3A_499 : i32 to index
          %swap3A_531 = arith.constant 48 : index
          %swap3A_532 = tpu.vector_load %arg15[%swap3A_530, %swap3A_531] {strides = array<i32>} : memref<128x64xf32, #tpu.memory_space<vmem>>, vector<16xf32>,
          tpu.vector_store %arg15[%swap3A_530, %swap3A_531], %mul3A_529 {strides = array<i32>} : memref<128x64xf32, #tpu.memory_space<vmem>>, vector<16xf32>,
          %scan3A_533 = arith.constant 3 : i32
          %scan3A_534 = arith.addi %scan3A_420, %scan3A_533 : i32
          %mul3A_535 = arith.constant 1 : i32
          %mul3A_536 = arith.muli %scan3A_534, %mul3A_535 : i32
          %add3A_537 = arith.constant 0 : i32
          %add3A_538 = arith.addi %add3A_537, %mul3A_536 : i32
          %broadcast_in_dim3A_539 = arith.constant 2 : i32
          %broadcast_in_dim3A_540 = vector.broadcast %broadcast_in_dim3A_539 : i32 to vector<16xi32>
          %broadcast_in_dim3A_541 = vector.broadcast %add3A_538 : i32 to vector<16xi32>
          %gather3A_542 = tpu.vector_load_idx %arg11[%broadcast_in_dim3A_540, %broadcast_in_dim3A_541] : memref<3x128xi32, #tpu.memory_space<vmem>>[vector<16xi32>, vector<16xi32>], vector<16xi32>,
          %bitcast3A_543 = vector.bitcast %gather3A_542 : vector<16xi32> to vector<16xf32>
          %get3A_544 = arith.index_cast %add3A_538 : i32 to index
          %get3A_545 = arith.constant 0 : index
          %get3A_546 = tpu.vector_load %arg15[%get3A_544, %get3A_545] {strides = array<i32>} : memref<128x64xf32, #tpu.memory_space<vmem>>, vector<16xf32>,
          %mul3A_547 = arith.mulf %get3A_546, %bitcast3A_543 : vector<16xf32>
          %swap3A_548 = arith.index_cast %add3A_538 : i32 to index
          %swap3A_549 = arith.constant 0 : index
          %swap3A_550 = tpu.vector_load %arg15[%swap3A_548, %swap3A_549] {strides = array<i32>} : memref<128x64xf32, #tpu.memory_space<vmem>>, vector<16xf32>,
          tpu.vector_store %arg15[%swap3A_548, %swap3A_549], %mul3A_547 {strides = array<i32>} : memref<128x64xf32, #tpu.memory_space<vmem>>, vector<16xf32>,
          %get3A_551 = arith.index_cast %add3A_538 : i32 to index
          %get3A_552 = arith.constant 16 : index
          %get3A_553 = tpu.vector_load %arg15[%get3A_551, %get3A_552] {strides = array<i32>} : memref<128x64xf32, #tpu.memory_space<vmem>>, vector<16xf32>,
          %mul3A_554 = arith.mulf %get3A_553, %bitcast3A_543 : vector<16xf32>
          %swap3A_555 = arith.index_cast %add3A_538 : i32 to index
          %swap3A_556 = arith.constant 16 : index
          %swap3A_557 = tpu.vector_load %arg15[%swap3A_555, %swap3A_556] {strides = array<i32>} : memref<128x64xf32, #tpu.memory_space<vmem>>, vector<16xf32>,
          tpu.vector_store %arg15[%swap3A_555, %swap3A_556], %mul3A_554 {strides = array<i32>} : memref<128x64xf32, #tpu.memory_space<vmem>>, vector<16xf32>,
          %get3A_558 = arith.index_cast %add3A_538 : i32 to index
          %get3A_559 = arith.constant 32 : index
          %get3A_560 = tpu.vector_load %arg15[%get3A_558, %get3A_559] {strides = array<i32>} : memref<128x64xf32, #tpu.memory_space<vmem>>, vector<16xf32>,
          %mul3A_561 = arith.mulf %get3A_560, %bitcast3A_543 : vector<16xf32>
          %swap3A_562 = arith.index_cast %add3A_538 : i32 to index
          %swap3A_563 = arith.constant 32 : index
          %swap3A_564 = tpu.vector_load %arg15[%swap3A_562, %swap3A_563] {strides = array<i32>} : memref<128x64xf32, #tpu.memory_space<vmem>>, vector<16xf32>,
          tpu.vector_store %arg15[%swap3A_562, %swap3A_563], %mul3A_561 {strides = array<i32>} : memref<128x64xf32, #tpu.memory_space<vmem>>, vector<16xf32>,
          %get3A_565 = arith.index_cast %add3A_538 : i32 to index
          %get3A_566 = arith.constant 48 : index
          %get3A_567 = tpu.vector_load %arg15[%get3A_565, %get3A_566] {strides = array<i32>} : memref<128x64xf32, #tpu.memory_space<vmem>>, vector<16xf32>,
          %mul3A_568 = arith.mulf %get3A_567, %bitcast3A_543 : vector<16xf32>
          %swap3A_569 = arith.index_cast %add3A_538 : i32 to index
          %swap3A_570 = arith.constant 48 : index
          %swap3A_571 = tpu.vector_load %arg15[%swap3A_569, %swap3A_570] {strides = array<i32>} : memref<128x64xf32, #tpu.memory_space<vmem>>, vector<16xf32>,
          tpu.vector_store %arg15[%swap3A_569, %swap3A_570], %mul3A_568 {strides = array<i32>} : memref<128x64xf32, #tpu.memory_space<vmem>>, vector<16xf32>,
        }
        %scan3A_416 = arith.constant 128 : i32
        %dma_start3A_417 = arith.constant 0 : i32
        %dma_start3A_418 = arith.constant 0 : i32
        %dma_start3A_419 = tpu.memref_slice %arg6[%dma_start3A_417, %dma_start3A_418] : memref<10000x64xf32, #tpu.memory_space<vmem_shared>> -> memref<10000x64xf32, #tpu.memory_space<vmem_shared>>
        tpu.enqueue_indirect_dma source(%arg15 : memref<128x64xf32, #tpu.memory_space<vmem>>) target(%dma_start3A_419 : memref<10000x64xf32, #tpu.memory_space<vmem_shared>>) offsets(%arg19 : memref<128xi32, #tpu.memory_space<vmem>>) semaphore(%arg31 : memref<!tpu.dma_semaphore, #tpu.memory_space<semaphore_mem>>) {add = true}
      }
      %scan3A_116 = arith.constant 40 : i32
      %dma_wait3A_117 = arith.constant 0 : i32
      %dma_wait3A_118 = arith.constant 0 : i32
      %dma_wait3A_119 = tpu.memref_slice %arg6[%dma_wait3A_117, %dma_wait3A_118] : memref<10000x64xf32, #tpu.memory_space<vmem_shared>> -> memref<10000x64xf32, #tpu.memory_space<vmem_shared>>
      tpu.wait_indirect_dma semaphore(%arg28 : memref<!tpu.dma_semaphore, #tpu.memory_space<semaphore_mem>>) src(%arg12 : memref<128x64xf32, #tpu.memory_space<vmem>>) dst(%dma_wait3A_119 : memref<10000x64xf32, #tpu.memory_space<vmem_shared>>)
      %dma_wait3A_120 = arith.constant 0 : i32
      %dma_wait3A_121 = arith.constant 0 : i32
      %dma_wait3A_122 = tpu.memref_slice %arg6[%dma_wait3A_120, %dma_wait3A_121] : memref<10000x64xf32, #tpu.memory_space<vmem_shared>> -> memref<10000x64xf32, #tpu.memory_space<vmem_shared>>
      tpu.wait_indirect_dma semaphore(%arg29 : memref<!tpu.dma_semaphore, #tpu.memory_space<semaphore_mem>>) src(%arg13 : memref<128x64xf32, #tpu.memory_space<vmem>>) dst(%dma_wait3A_122 : memref<10000x64xf32, #tpu.memory_space<vmem_shared>>)
      %dma_wait3A_123 = arith.constant 0 : i32
      %dma_wait3A_124 = arith.constant 0 : i32
      %dma_wait3A_125 = tpu.memref_slice %arg6[%dma_wait3A_123, %dma_wait3A_124] : memref<10000x64xf32, #tpu.memory_space<vmem_shared>> -> memref<10000x64xf32, #tpu.memory_space<vmem_shared>>
      tpu.wait_indirect_dma semaphore(%arg30 : memref<!tpu.dma_semaphore, #tpu.memory_space<semaphore_mem>>) src(%arg14 : memref<128x64xf32, #tpu.memory_space<vmem>>) dst(%dma_wait3A_125 : memref<10000x64xf32, #tpu.memory_space<vmem_shared>>)
      %dma_wait3A_126 = arith.constant 0 : i32
      %dma_wait3A_127 = arith.constant 0 : i32
      %dma_wait3A_128 = tpu.memref_slice %arg6[%dma_wait3A_126, %dma_wait3A_127] : memref<10000x64xf32, #tpu.memory_space<vmem_shared>> -> memref<10000x64xf32, #tpu.memory_space<vmem_shared>>
      tpu.wait_indirect_dma semaphore(%arg31 : memref<!tpu.dma_semaphore, #tpu.memory_space<semaphore_mem>>) src(%arg15 : memref<128x64xf32, #tpu.memory_space<vmem>>) dst(%dma_wait3A_128 : memref<10000x64xf32, #tpu.memory_space<vmem_shared>>)
      %barrier3A_129 = arith.constant 0 : index
      tpu.barrier barrier_id(%barrier3A_129)
    }
    %scan3A_4 = arith.constant 5 : i32
    "tpu.region"() ({
      %run_scoped3A = tpu.sem_alloc : memref<!tpu.dma_semaphore, #tpu.memory_space<semaphore_mem>>
      %dma_start3A = arith.constant 0 : i32
      %dma_start3A_5 = tpu.memref_slice %arg5[%arg0, %mul3A_0, %dma_start3A] : memref<2x10000x64xf32, #tpu.memory_space<hbm>> -> memref<1x625x64xf32, #tpu.memory_space<hbm>>
      %dma_start3A_6 = tpu.memref_squeeze %dma_start3A_5 : memref<1x625x64xf32, #tpu.memory_space<hbm>> -> memref<625x64xf32, #tpu.memory_space<hbm>>
      %dma_start3A_7 = arith.constant 0 : i32
      %dma_start3A_8 = tpu.memref_slice %arg6[%mul3A_0, %dma_start3A_7] : memref<10000x64xf32, #tpu.memory_space<vmem_shared>> -> memref<625x64xf32, #tpu.memory_space<vmem_shared>>
      tpu.enqueue_dma source(%dma_start3A_8 : memref<625x64xf32, #tpu.memory_space<vmem_shared>>) target(%dma_start3A_6 : memref<625x64xf32, #tpu.memory_space<hbm>>) target_semaphore(%run_scoped3A : memref<!tpu.dma_semaphore, #tpu.memory_space<semaphore_mem>>)
      %dma_wait3A = arith.constant 0 : i32
      %dma_wait3A_9 = tpu.memref_slice %arg5[%arg0, %mul3A_0, %dma_wait3A] : memref<2x10000x64xf32, #tpu.memory_space<hbm>> -> memref<1x625x64xf32, #tpu.memory_space<hbm>>
      %dma_wait3A_10 = tpu.memref_squeeze %dma_wait3A_9 : memref<1x625x64xf32, #tpu.memory_space<hbm>> -> memref<625x64xf32, #tpu.memory_space<hbm>>
      %dma_wait3A_11 = arith.constant 0 : i32
      %dma_wait3A_12 = tpu.memref_slice %arg6[%mul3A_0, %dma_wait3A_11] : memref<10000x64xf32, #tpu.memory_space<vmem_shared>> -> memref<625x64xf32, #tpu.memory_space<vmem_shared>>
      tpu.wait_dma2 semaphore(%run_scoped3A : memref<!tpu.dma_semaphore, #tpu.memory_space<semaphore_mem>>) src(%dma_wait3A_12 : memref<625x64xf32, #tpu.memory_space<vmem_shared>>) dst(%dma_wait3A_10 : memref<625x64xf32, #tpu.memory_space<hbm>>)
      tpu.yield
    }) : () -> ()
    return
  }
}

module attributes {stable_mosaic.version = 14 : i64} {
  func.func @_mlp1_body(%arg0: memref<10000x128xf32, #tpu.memory_space<vmem>>, %arg1: memref<128x128xf32, #tpu.memory_space<vmem>>, %arg2: memref<1x128xf32, #tpu.memory_space<vmem>>, %arg3: memref<128x128xf32, #tpu.memory_space<vmem>>, %arg4: memref<1x128xf32, #tpu.memory_space<vmem>>, %arg5: memref<10000x1xf32, #tpu.memory_space<vmem>>, %arg6: memref<2x10000x64xf32, #tpu.memory_space<vmem>>, %arg7: memref<2x10000x64xf32, #tpu.memory_space<vmem>>) attributes {dimension_semantics = [], scalar_prefetch = 0 : i64, scratch_operands = 0 : i64, tpu.core_type = #tpu.core_type<tc>} {
    %get3A = arith.constant 0 : index
    %get3A_0 = arith.constant 0 : index
    %get3A_1 = vector.load %arg0[%get3A, %get3A_0] : memref<10000x128xf32, #tpu.memory_space<vmem>>, vector<10000x128xf32>
    %get3A_2 = arith.constant 0 : index
    %get3A_3 = arith.constant 0 : index
    %get3A_4 = vector.load %arg1[%get3A_2, %get3A_3] : memref<128x128xf32, #tpu.memory_space<vmem>>, vector<128x128xf32>
    %dot_general3A = arith.constant dense<0.000000e+00> : vector<10000x128xf32>
    %dot_general3A_5 = tpu.matmul %get3A_1, %get3A_4, %dot_general3A {dimension_numbers = #tpu.dot_dimension_numbers<[1], [0], [0], [1], [0, 0, 1, 1], [], []>, transpose_lhs_hint = false} : vector<10000x128xf32>, vector<128x128xf32>, vector<10000x128xf32> -> vector<10000x128xf32>
    %get3A_6 = arith.constant 0 : index
    %get3A_7 = arith.constant 0 : index
    %get3A_8 = vector.load %arg2[%get3A_6, %get3A_7] : memref<1x128xf32, #tpu.memory_space<vmem>>, vector<1x128xf32>
    %add3A = vector.broadcast %get3A_8 : vector<1x128xf32> to vector<10000x128xf32>
    %add3A_9 = arith.addf %dot_general3A_5, %add3A : vector<10000x128xf32>
    %max3A = arith.constant 0.000000e+00 : f32
    %max3A_10 = vector.broadcast %max3A : f32 to vector<10000x128xf32>
    %max3A_11 = arith.maximumf %add3A_9, %max3A_10 : vector<10000x128xf32>
    %get3A_12 = arith.constant 0 : index
    %get3A_13 = arith.constant 0 : index
    %get3A_14 = vector.load %arg3[%get3A_12, %get3A_13] : memref<128x128xf32, #tpu.memory_space<vmem>>, vector<128x128xf32>
    %dot_general3A_15 = arith.constant dense<0.000000e+00> : vector<10000x128xf32>
    %dot_general3A_16 = tpu.matmul %max3A_11, %get3A_14, %dot_general3A_15 {dimension_numbers = #tpu.dot_dimension_numbers<[1], [0], [0], [1], [0, 0, 1, 1], [], []>, transpose_lhs_hint = false} : vector<10000x128xf32>, vector<128x128xf32>, vector<10000x128xf32> -> vector<10000x128xf32>
    %get3A_17 = arith.constant 0 : index
    %get3A_18 = arith.constant 0 : index
    %get3A_19 = vector.load %arg4[%get3A_17, %get3A_18] : memref<1x128xf32, #tpu.memory_space<vmem>>, vector<1x128xf32>
    %add3A_20 = vector.broadcast %get3A_19 : vector<1x128xf32> to vector<10000x128xf32>
    %add3A_21 = arith.addf %dot_general3A_16, %add3A_20 : vector<10000x128xf32>
    %get3A_22 = arith.constant 0 : index
    %get3A_23 = arith.constant 0 : index
    %get3A_24 = vector.load %arg5[%get3A_22, %get3A_23] : memref<10000x1xf32, #tpu.memory_space<vmem>>, vector<10000x1xf32>
    %mul3A = vector.broadcast %get3A_24 : vector<10000x1xf32> to vector<10000x128xf32>
    %mul3A_25 = arith.mulf %mul3A, %add3A_21 : vector<10000x128xf32>
    %slice3A = vector.extract_strided_slice %add3A_21 {offsets = [0, 0], sizes = [10000, 64], strides = [1, 1]} : vector<10000x128xf32> to vector<10000x64xf32>
    %swap3A = arith.constant 0 : index
    %swap3A_26 = arith.constant 0 : index
    %swap3A_27 = arith.constant 0 : index
    %swap3A_28 = vector.load %arg6[%swap3A, %swap3A_26, %swap3A_27] : memref<2x10000x64xf32, #tpu.memory_space<vmem>>, vector<1x10000x64xf32>
    %swap3A_29 = vector.shape_cast %swap3A_28 : vector<1x10000x64xf32> to vector<10000x64xf32>
    %swap3A_30 = vector.shape_cast %slice3A : vector<10000x64xf32> to vector<1x10000x64xf32>
    tpu.vector_store %arg6[%swap3A, %swap3A_26, %swap3A_27], %swap3A_30 {strides = array<i32>} : memref<2x10000x64xf32, #tpu.memory_space<vmem>>, vector<1x10000x64xf32>,
    %slice3A_31 = vector.extract_strided_slice %add3A_21 {offsets = [0, 64], sizes = [10000, 64], strides = [1, 1]} : vector<10000x128xf32> to vector<10000x64xf32>
    %swap3A_32 = arith.constant 1 : index
    %swap3A_33 = arith.constant 0 : index
    %swap3A_34 = arith.constant 0 : index
    %swap3A_35 = vector.load %arg6[%swap3A_32, %swap3A_33, %swap3A_34] : memref<2x10000x64xf32, #tpu.memory_space<vmem>>, vector<1x10000x64xf32>
    %swap3A_36 = vector.shape_cast %swap3A_35 : vector<1x10000x64xf32> to vector<10000x64xf32>
    %swap3A_37 = vector.shape_cast %slice3A_31 : vector<10000x64xf32> to vector<1x10000x64xf32>
    tpu.vector_store %arg6[%swap3A_32, %swap3A_33, %swap3A_34], %swap3A_37 {strides = array<i32>} : memref<2x10000x64xf32, #tpu.memory_space<vmem>>, vector<1x10000x64xf32>,
    %slice3A_38 = vector.extract_strided_slice %mul3A_25 {offsets = [0, 0], sizes = [10000, 64], strides = [1, 1]} : vector<10000x128xf32> to vector<10000x64xf32>
    %swap3A_39 = arith.constant 0 : index
    %swap3A_40 = arith.constant 0 : index
    %swap3A_41 = arith.constant 0 : index
    %swap3A_42 = vector.load %arg7[%swap3A_39, %swap3A_40, %swap3A_41] : memref<2x10000x64xf32, #tpu.memory_space<vmem>>, vector<1x10000x64xf32>
    %swap3A_43 = vector.shape_cast %swap3A_42 : vector<1x10000x64xf32> to vector<10000x64xf32>
    %swap3A_44 = vector.shape_cast %slice3A_38 : vector<10000x64xf32> to vector<1x10000x64xf32>
    tpu.vector_store %arg7[%swap3A_39, %swap3A_40, %swap3A_41], %swap3A_44 {strides = array<i32>} : memref<2x10000x64xf32, #tpu.memory_space<vmem>>, vector<1x10000x64xf32>,
    %slice3A_45 = vector.extract_strided_slice %mul3A_25 {offsets = [0, 64], sizes = [10000, 64], strides = [1, 1]} : vector<10000x128xf32> to vector<10000x64xf32>
    %swap3A_46 = arith.constant 1 : index
    %swap3A_47 = arith.constant 0 : index
    %swap3A_48 = arith.constant 0 : index
    %swap3A_49 = vector.load %arg7[%swap3A_46, %swap3A_47, %swap3A_48] : memref<2x10000x64xf32, #tpu.memory_space<vmem>>, vector<1x10000x64xf32>
    %swap3A_50 = vector.shape_cast %swap3A_49 : vector<1x10000x64xf32> to vector<10000x64xf32>
    %swap3A_51 = vector.shape_cast %slice3A_45 : vector<10000x64xf32> to vector<1x10000x64xf32>
    tpu.vector_store %arg7[%swap3A_46, %swap3A_47, %swap3A_48], %swap3A_51 {strides = array<i32>} : memref<2x10000x64xf32, #tpu.memory_space<vmem>>, vector<1x10000x64xf32>,
    return
  }
}

module attributes {stable_mosaic.version = 14 : i64} {
  func.func @_mlp2_body(%arg0: memref<2x10000x64xf32, #tpu.memory_space<vmem>>, %arg1: memref<128x128xf32, #tpu.memory_space<vmem>>, %arg2: memref<1x128xf32, #tpu.memory_space<vmem>>, %arg3: memref<10000x128xf32, #tpu.memory_space<vmem>>) attributes {dimension_semantics = [], scalar_prefetch = 0 : i64, scratch_operands = 0 : i64, tpu.core_type = #tpu.core_type<tc>} {
    %get3A = arith.constant 0 : index
    %get3A_0 = arith.constant 0 : index
    %get3A_1 = arith.constant 0 : index
    %get3A_2 = vector.load %arg0[%get3A, %get3A_0, %get3A_1] : memref<2x10000x64xf32, #tpu.memory_space<vmem>>, vector<1x10000x64xf32>
    %get3A_3 = vector.shape_cast %get3A_2 : vector<1x10000x64xf32> to vector<10000x64xf32>
    %get3A_4 = arith.constant 1 : index
    %get3A_5 = arith.constant 0 : index
    %get3A_6 = arith.constant 0 : index
    %get3A_7 = vector.load %arg0[%get3A_4, %get3A_5, %get3A_6] : memref<2x10000x64xf32, #tpu.memory_space<vmem>>, vector<1x10000x64xf32>
    %get3A_8 = vector.shape_cast %get3A_7 : vector<1x10000x64xf32> to vector<10000x64xf32>
    %concatenate3A = tpu.concatenate %get3A_3, %get3A_8 in 1 : vector<10000x64xf32>, vector<10000x64xf32> -> vector<10000x128xf32>
    %max3A = arith.constant 0.000000e+00 : f32
    %max3A_9 = vector.broadcast %max3A : f32 to vector<10000x128xf32>
    %max3A_10 = arith.maximumf %concatenate3A, %max3A_9 : vector<10000x128xf32>
    %get3A_11 = arith.constant 0 : index
    %get3A_12 = arith.constant 0 : index
    %get3A_13 = vector.load %arg1[%get3A_11, %get3A_12] : memref<128x128xf32, #tpu.memory_space<vmem>>, vector<128x128xf32>
    %dot_general3A = arith.constant dense<0.000000e+00> : vector<10000x128xf32>
    %dot_general3A_14 = tpu.matmul %max3A_10, %get3A_13, %dot_general3A {dimension_numbers = #tpu.dot_dimension_numbers<[1], [0], [0], [1], [0, 0, 1, 1], [], []>, transpose_lhs_hint = false} : vector<10000x128xf32>, vector<128x128xf32>, vector<10000x128xf32> -> vector<10000x128xf32>
    %get3A_15 = arith.constant 0 : index
    %get3A_16 = arith.constant 0 : index
    %get3A_17 = vector.load %arg2[%get3A_15, %get3A_16] : memref<1x128xf32, #tpu.memory_space<vmem>>, vector<1x128xf32>
    %add3A = vector.broadcast %get3A_17 : vector<1x128xf32> to vector<10000x128xf32>
    %add3A_18 = arith.addf %dot_general3A_14, %add3A : vector<10000x128xf32>
    %swap3A = arith.constant 0 : index
    %swap3A_19 = arith.constant 0 : index
    %swap3A_20 = vector.load %arg3[%swap3A, %swap3A_19] : memref<10000x128xf32, #tpu.memory_space<vmem>>, vector<10000x128xf32>
    tpu.vector_store %arg3[%swap3A, %swap3A_19], %add3A_18 {strides = array<i32>} : memref<10000x128xf32, #tpu.memory_space<vmem>>, vector<10000x128xf32>,
    return
  }
}

</mosaic_0001>

<sc_bundles>
// kernel: kernel.5.cloned.1.call-start
scs
__scs_entry_jumppad:
0x0: {  	(pc) =	sbr.rel $0x88, $3  }
0x1: {  	(tag) =	ssettag $0x0;
	lr =	simm.s32 $0x1  }
0x2: {  	[smem:$0x3F97] =	sst lr;
	_ =	strace $0xD0000000  }
0x3: {  	_ = 	snop  }
0x4: {  	_ = 	snop  }
0x5: {  	_ = 	snop  }
0x6: {  	_ = 	snop  }
0x7: {  	_ = 	snop  }
__scs_overlays_trampoline_lowered:
0x8: {  	[smem:$0x3FA6] =	sst s0  }
0x9: {  	[smem:$0x3FA7] =	sst s1  }
0xa: {  	[smem:$0x3FA8] =	sst s2  }
0xb: {  	[smem:$0x3FA9] =	sst s3  }
0xc: {  	[smem:$0x3FAA] =	sst s4  }
0xd: {  	[smem:$0x3FAB] =	sst s5  }
0xe: {  	[smem:$0x3FAC] =	sst s6  }
0xf: {  	[smem:$0x3FAD] =	sst s7  }
0x10: {  	[smem:$0x3FAE] =	sst s8  }
0x11: {  	[smem:$0x3FAF] =	sst s9;
	s0 =	simm.s32 @!p0 $0x0  }
0x12: {  	s1 =	sld [smem:$0x3F95];
	s0 =	simm.s32 @p0 $0x1  }
0x13: {  	[smem:$0x3FB0] =	sst s0;
	s0 =	simm.s32 @!p1 $0x0  }
0x14: {  	s2 =	sld [smem:$0x3F94];
	s0 =	simm.s32 @p1 $0x1  }
0x15: {  	[smem:$0x3FB1] =	sst s0;
	s0 =	simm.s32 @!p2 $0x0  }
0x16: {  	s3 =	sld [smem:$0x3FDB];
	s0 =	simm.s32 @p2 $0x1  }
0x17: {  	s4 =	simm.s32 $0x1BF5;
	[smem:$0x3FB3] =	sst s0  }
0x18: {  	s0 =	sld [smem:$0x3F96];
	_ =	swait.ge [sflag:s4], $0x0  }
0x19: {  	s7 =	sld [smem:$0x3F97]  }
0x1a: {  	s8 =	sadd.s32 $0xFFFFE003, lr  }
0x1b: {  	s9 =	sadd.s32 $0xFFFFFEF7, lr;
	s5 =	simm.s32 $0xFFFFFFFF;
	p2 =	slt.u32 s8, $0xFFFFF086  }
0x1c: {  	p1 =	slt.u32 s9, $0xF7A;
	s5 =	simm.s32 @!p2 $0x0  }
0x1d: {  	s5 =	simm.s32 @p1 $0x1;
	p0 =	seq.s32 s7, s2  }
0x1e: {  	s7 =	smul.u32 @!p0 $0xF7A, s2;
	p2 =	seq.s32 @!p0 s5, $0x0  }
0x1f: {  	s9 =	smul.u32 $0xF7A, s1;
	s8 =	simm.s32 @!p0 $0x1BF5;
	p2 =	por !p2, p0  }
0x20: {  	[sflag:s8] =	ssyncset.s32 @!p0 $0xFFFFF086;
	s6 =	sadd.s32 @!p0 s3, s7;
	s7 =	simm.s32 @!p0 $0x108  }
0x21: {  	s3 =	sadd.s32 s3, s9;
	s6 =	sadd.s32 @!p0 $0x88, s6;
	s7 =	simm.s32 @p2 $0x1082  }
0x22: {  	[simem:s7], [sflag:s8] =	dma.local @!p0 [hbm:s6], $0xF7A  }
0x23: {  	s9 =	sor.u32 $0xD0000000, s2;
	s6 =	simm.s32 $0x108;
	_ =	swait.ge @!p0 [sflag:s8], $0x0  }
0x24: {  	s3 =	sadd.s32 $0x88, s3;
	s6 =	simm.s32 @!p1 $0x1082;
	[sflag:s4] =	ssyncset.s32 $0xFFFFF086  }
0x25: {  	[simem:s6], [sflag:s4] =	dma.local [hbm:s3], $0xF7A  }
0x26: {  	[smem:$0x3F97] =	sst s1;
	(tag) =	ssettag s2;
	_ =	strace s9  }
0x27: {  	s1 =	sld [smem:$0x3FA7]  }
0x28: {  	s2 =	sld [smem:$0x3FA8]  }
0x29: {  	s4 =	sld [smem:$0x3FAA]  }
0x2a: {  	p0 =	seq.s32 s5, $0x0;
	s5 =	sld [smem:$0x3FAB]  }
0x2b: {  	s6 =	sld [smem:$0x3FAC]  }
0x2c: {  	s7 =	sld [smem:$0x3FAD]  }
0x2d: {  	s3 =	simm.s32 $0x108;
	s8 =	sld [smem:$0x3FAE]  }
0x2e: {  	s3 =	simm.s32 @!p0 $0x1082;
	s9 =	sld [smem:$0x3FAF]  }
0x2f: {  	lr =	sadd.s32 s0, s3;
	s0 =	sld [smem:$0x3FA6]  }
0x30: {  	s3 =	sld [smem:$0x3FA9]  }
0x31: {  	[smem:$0x3FB2] =	sst s10  }
0x32: {  	s10 =	sld [smem:$0x3FB0];
	_ =	sdelay $0x3  }
0x33: {  	p0 =	seq.s32 s10, $0x1;
	s10 =	sld [smem:$0x3FB2];
	_ =	sdelay $0x3  }
0x34: {  	[smem:$0x3FB2] =	sst s10  }
0x35: {  	s10 =	sld [smem:$0x3FB1];
	_ =	sdelay $0x3  }
0x36: {  	p1 =	seq.s32 s10, $0x1;
	s10 =	sld [smem:$0x3FB2];
	_ =	sdelay $0x3  }
0x37: {  	[smem:$0x3FB2] =	sst s10  }
0x38: {  	s10 =	sld [smem:$0x3FB3]  }
0x39: {  	_ = 	snop;
	(pc) =	sbr.ind lr, $3  }
0x3a: {  	_ = 	snop  }
0x3b: {  	_ = 	snop  }
0x3c: {  	p2 =	seq.s32 s10, $0x1;
	s10 =	sld [smem:$0x3FB2]  }
0x3d: {  	_ =	shalt  }
0x3e: {  	_ =	shalt  }
0x3f: {  	_ =	shalt  }
0x40: {  	_ =	shalt  }
0x41: {  	_ =	shalt  }
0x42: {  	_ =	shalt  }
0x43: {  	_ =	shalt  }
0x44: {  	_ =	shalt  }
0x45: {  	_ =	shalt  }
0x46: {  	_ =	shalt  }
0x47: {  	_ =	shalt  }
0x48: {  	_ =	shalt  }
0x49: {  	_ =	shalt  }
0x4a: {  	_ =	shalt  }
0x4b: {  	_ =	shalt  }
0x4c: {  	_ =	shalt  }
0x4d: {  	_ =	shalt  }
0x4e: {  	_ =	shalt  }
0x4f: {  	_ =	shalt  }
0x50: {  	_ =	shalt  }
0x51: {  	_ =	shalt  }
0x52: {  	_ =	shalt  }
0x53: {  	_ =	shalt  }
0x54: {  	_ =	shalt  }
0x55: {  	_ =	shalt  }
0x56: {  	_ =	shalt  }
0x57: {  	_ =	shalt  }
0x58: {  	_ =	shalt  }
0x59: {  	_ =	shalt  }
0x5a: {  	_ =	shalt  }
0x5b: {  	_ =	shalt  }
0x5c: {  	_ =	shalt  }
0x5d: {  	_ =	shalt  }
0x5e: {  	_ =	shalt  }
0x5f: {  	_ =	shalt  }
0x60: {  	_ =	shalt  }
0x61: {  	_ =	shalt  }
0x62: {  	_ =	shalt  }
0x63: {  	_ =	shalt  }
0x64: {  	_ =	shalt  }
0x65: {  	_ =	shalt  }
0x66: {  	_ =	shalt  }
0x67: {  	_ =	shalt  }
0x68: {  	_ =	shalt  }
0x69: {  	_ =	shalt  }
0x6a: {  	_ =	shalt  }
0x6b: {  	_ =	shalt  }
0x6c: {  	_ =	shalt  }
0x6d: {  	_ =	shalt  }
0x6e: {  	_ =	shalt  }
0x6f: {  	_ =	shalt  }
0x70: {  	_ =	shalt  }
0x71: {  	_ =	shalt  }
0x72: {  	_ =	shalt  }
0x73: {  	_ =	shalt  }
0x74: {  	_ =	shalt  }
0x75: {  	_ =	shalt  }
0x76: {  	_ =	shalt  }
0x77: {  	_ =	shalt  }
0x78: {  	_ =	shalt  }
0x79: {  	_ =	shalt  }
0x7a: {  	_ =	shalt  }
0x7b: {  	_ =	shalt  }
0x7c: {  	_ =	shalt  }
0x7d: {  	_ =	shalt  }
0x7e: {  	_ =	shalt  }
0x7f: {  	_ =	shalt  }
0x80: {  	_ =	shalt  }
0x81: {  	_ =	shalt  }
0x82: {  	_ =	shalt  }
0x83: {  	_ =	shalt  }
0x84: {  	_ =	shalt  }
0x85: {  	_ =	shalt  }
0x86: {  	_ =	shalt  }
0x87: {  	_ =	shalt  }
.Lfunc_end0:
.L_simem_size_0:
called_computation_lowered:
.L_overlay_start_0:
0x88: {  	s2 =	sld [smem:$0x3FD9]  }
0x89: {  	s3 =	sld [smem:$0x3FFE];
	_ =	sdelay $0x1  }
0x8a: {  	s1 =	srdreg.scid  }
0x8b: {  	s0 =	sand.u32 $0x1, s1  }
0x8c: {  	s17 =	sshll.u32 s0, $0xA;
	s2 =	sadd.s32 s3, s2  }
0x8d: {  	s2 =	sadd.s32 s2, s17  }
0x8e: {  	[smem:$0x3FBE] =	sst s2  }
0x8f: {  	_ = 	snop  }
0x90: {  	s2 =	sld [smem:$0x3FD0];
	(tm) =	ssettm $0x1  }
0x91: {  	s18 =	sld [smem:$0x3FFB];
	_ =	sdelay $0x3  }
0x92: {  	_ =	strace s18  }
0x93: {  	s3 =	sld [smem:$0x3FFC];
	_ =	sdelay $0x3  }
0x94: {  	_ =	strace s3  }
0x95: {  	s3 =	sld [smem:$0x3FFD];
	_ =	sdelay $0x3  }
0x96: {  	_ =	strace s3  }
0x97: {  	_ =	strace $0x8FFFFFFF  }
0x98: {  	s19 =	sld [smem:$0x3FDB];
	_ =	sdelay $0x1  }
0x99: {  	s4 =	simm.s32 $_scs_section_size  }
0x9a: {  	s5 =	simm.s32 $_size__tile_overlayer_lowered;
	s6 =	simm.s32 $_tile_overlayer_lowered  }
0x9b: {  	s22 =	simm.s32 $0x1BFF;
	s21 =	sshll.u32 s6, $0x1;
	s3 =	sadd.s32 s4, s19  }
0x9c: {  	s7 =	simm.s32 $0x0;
	s20 =	sshll.u32 s5, $0x1;
	s5 =	sadd.s32 s21, s3  }
0x9d: {  	[timem:s7], [sflag:s22] =	dma.local [hbm:s5], s20  }
0x9e: {  	_ =	swait.ge [sflag:s22], s20  }
0x9f: {  	s4 =	ssub.s32 $0x0, s20;
	[sflag:s22] =	ssyncset.done $0x0  }
0xa0: {  	[sflag:s22] =	ssyncadd.s32 s4;
	_ =	sdelay $0x1  }
0xa1: {  	s23 =	simm.s32 $0x1B8B  }
0xa2: {  	_ =	swait.ge [sflag:s23], $0x1  }
0xa3: {  	[sflag:s23] =	ssyncset.done $0x0  }
0xa4: {  	s25 =	simm.s32 $0x1B8E;
	s24 =	sld [smem:$0x3FFE];
	[sflag:s23] =	ssyncadd.s32 $0xFFFFFFFF  }
0xa5: {  	s26 =	simm.s32 $execute0_lowered;
	[smem:$0x3FD2] =	sst s25  }
0xa6: {  	s5 =	sshll.u32 s26, $0x1;
	_ =	strace $0x80000046;
	[dreg:$0x1] =	wrdreg $0xFFFFFFFF  }
0xa7: {  	s28 =	simm.s32 $_size_execute0_lowered;
	s3 =	sadd.s32 s3, s5;
	[dreg:$0x0] =	wrdreg $0x0  }
0xa8: {  	s5 =	sshll.u32 s28, $0x1;
	[dreg:$0x2] =	wrdreg s3  }
0xa9: {  	[dreg:$0x3] =	wrdreg s5  }
0xaa: {  	[dreg:$0x4] =	wrdreg $0xC0  }
0xab: {  	_ =	task [dreg:s7], $0x5FFFF  }
0xac: {  	[dreg:$0x1] =	wrdreg $0xFFFFFFFF  }
0xad: {  	[dreg:$0x0] =	wrdreg $0x60  }
0xae: {  	[dreg:$0x2] =	wrdreg s2  }
0xaf: {  	[dreg:$0x3] =	wrdreg s24  }
0xb0: {  	[dreg:$0x4] =	wrdreg $0x0  }
0xb1: {  	[dreg:$0x5] =	wrdreg $0x9C400  }
0xb2: {  	[dreg:$0x6] =	wrdreg $0x9  }
0xb3: {  	_ =	task.clear_ibuf [dreg:s7], $0x7FFFF;
	_ =	strace $0x90000046  }
0xb4: {  	s29 =	simm.s32 $0x9;
	_ =	strace $0x80000048  }
0xb5: {  	_ =	swait.ge [sflag:s29], $0x1  }
0xb6: {  	[sflag:s29] =	ssyncadd.s32 $0xFFFFFFFF  }
0xb7: {  	_ =	strace $0x90000048  }
0xb8: {  	_ =	sfence  }
0xb9: {  	s30 =	sld [smem:$0x0];
	_ =	sdelay $0x2  }
0xba: {  	s31 =	sshll.u32 s1, $0xD;
	s1 =	sshrl.u32 s1, $0x2  }
0xbb: {  	s3 =	sand.u32 $0x4000, s31;
	s1 =	sadd.s32 s1, s30  }
0xbc: {  	s0 =	sor.u32 s3, s0;
	s1 =	sshll.u32 s1, $0x11  }
0xbd: {  	s0 =	sor.u32 s1, s0  }
0xbe: {  	s0 =	sadd.s32 $0x8F2B, s0  }
0xbf: {  	[sflag:s0] =	ssyncadd.remote.s32 $0x1  }
0xc0: {  	_ =	sfence.sel $0xFFFF  }
0xc1: {  	[dreg:$0x0] =	wrdreg $0xFFFFFFFF;
	(pc) =	sbr.abs _section_cstart, $3  }
0xc2: {  	[dreg:$0x1] =	wrdreg $0xFFFFFFFF  }
0xc3: {  	_ =	task.clear_ibuf [dreg:s7], $0x2FFFF;
	_ =	strace $0x9FFFFFFF  }
0xc4: {  	(tm) =	ssettm $0x7FFFFFFF  }
0xc5: {  	_ =	shalt  }
tec
execute0_lowered:
.L_overlay_start_1:
0x0: {  	(tag) =	ssettag $0x1  }
0x1: {  	s0 =	rddreg [dreg:$0x0]  }
0x2: {  	s1 =	rddreg [dreg:$0x1]  }
0x3: {  	s2 =	rddreg [dreg:$0x2];
	s4 =	srdreg.scid  }
0x4: {  	s10 =	stileid.u32;
	s3 =	rddreg [dreg:$0x3]  }
0x5: {  	s7 =	simm.s32 $0x0;
	s28 =	simm.s32 $0x2;
	s29 =	simm.s32 $0x15E80  }
0x6: {  	s30 =	simm.s32 $0x13D00;
	s31 =	simm.s32 $0x5;
	s16 =	simm.s32 $0x6  }
0x7: {  	s18 =	simm.s32 $0x19E80;
	s4 =	sand.u32 $0x1, s4;
	s6 =	smul.u32 $0x9C40, s10  }
0x8: {  	[smem:$0x7FF] =	sst s7;
	s9 =	smul.u32 $0xF000, s10;
	s10 =	sshll.u32 s10, $0x6  }
0x9: {  	s7 =	simm.s32 $0xB;
	s5 =	smul.u32 $0x9C400, s4;
	_ =	strace $0x80000047  }
0xa: {  	s4 =	ssub.s32 $0x2, s4;
	s17 =	sor.u32 $0x1C0D, s10;
	s10 =	simm.s32 $0x8  }
0xb: {  	s8 =	sshrl.u32 s4, $0x1;
	s20 =	sadd.s32 s6, s2;
	s11 =	sshrl.u32 s9, $0x3  }
0xc: {  	s22 =	sadd.s32 s6, s3;
	s12 =	sor.u32 $0x480, s9;
	s13 =	sor.u32 $0x600, s9  }
0xd: {  	s14 =	sor.u32 $0x780, s9;
	s15 =	sor.u32 $0x900, s9;
	s4 =	ssub.s32 s4, s8  }
0xe: {  	[dreg:$0x6] =	wrdreg s17;
	s5 =	sadd.s32 s6, s5;
	s26 =	smax.u32 s4, $0x1  }
0xf: {  	s19 =	sshrl.u32 s5, $0x3;
	s4 =	sshrl.u32 s20, $0x3;
	[dreg:$0xc] =	wrdreg s26  }
0x10: {  	s5 =	sadd.s32 $0x28000, s1;
	s0 =	sadd.s32 s0, s19;
	[dreg:$0xd] =	wrdreg s4  }
0x11: {  	s1 =	sadd.s32 s19, s1;
	s21 =	sadd.s32 s5, s11;
	[dreg:$0x5] =	wrdreg s0  }
0x12: {  	s9 =	simm.s32 $0x7;
	s23 =	sadd.s32 $0xE00, s1;
	[dreg:$0x7] =	wrdreg s21  }
0x13: {  	s8 =	simm.s32 $0xD;
	s24 =	sadd.s32 $0x30, s21;
	[dreg:$0x8] =	wrdreg s23  }
0x14: {  	s6 =	simm.s32 $0x17E80;
	s25 =	sadd.s32 $0x60, s21;
	[dreg:$0x9] =	wrdreg s24  }
0x15: {  	s20 =	simm.s32 $0x4;
	s1 =	sadd.s32 $0x46000, s1;
	[dreg:$0xa] =	wrdreg s25  }
0x16: {  	s11 =	simm.s32 $0x0;
	s0 =	sshrl.u32 s22, $0x3;
	[dreg:$0xb] =	wrdreg s1  }
0x17: {  	s21 =	simm.s32 $0x13880;
	s22 =	simm.s32 $0x13A00;
	[dreg:$0xe] =	wrdreg s0  }
0x18: {  	s23 =	simm.s32 $0x13B80;
	s25 =	simm.s32 $0x80;
	s0 =	simm.s32 $0x3  }
.LBB2_1:
0x19: {  	[dreg:$0xf] =	wrdreg s11  }
0x1a: {  	s1 =	rddreg [dreg:$0x5]  }
0x1b: {  	[spmem:s4], [sflag:s17] =	dma.local [hbm:s1], $0x1388  }
0x1c: {  	_ =	swait.ge [sflag:s8], $0x1388  }
0x1d: {  	[sflag:s8] =	ssyncset.done $0x0  }
0x1e: {  	s4 =	simm.s32 $0x0;
	[sflag:s8] =	ssyncadd.s32 $0xFFFFEC78  }
.LBB2_2:
0x1f: {  	[dreg:$0x10] =	wrdreg s4  }
0x20: {  	s1 =	rddreg [dreg:$0x8]  }
0x21: {  	s26 =	rddreg [dreg:$0xe]  }
0x22: {  	[spmem:s26], [sflag:s17] =	dma.local [hbm:s1], $0x1388  }
0x23: {  	_ =	swait.ge [sflag:s8], $0x1388  }
0x24: {  	[sflag:s8] =	ssyncset.done $0x0  }
0x25: {  	[sflag:s8] =	ssyncadd.s32 $0xFFFFEC78  }
0x26: {  	[bflag:$0x0] =	sbarrier.arrive $0xFFFF  }
0x27: {  	s19 =	simm.s32 $0x0;
	s8 =	rddreg [dreg:$0x7]  }
0x28: {  	[tilespmem:s21], [sflag:$0x1] =	stream.linear.gather [hbm4b:s8+s19], $0x180, $0x38;
	[tilespmem:$0x1C080] =	vst v63  }
0x29: {  	s11 =	rddreg [dreg:$0x9]  }
0x2a: {  	[tilespmem:s22], [sflag:$0x2] =	stream.linear.gather [hbm4b:s11+s19], $0x180, $0x38;
	[tilespmem:$0x1C080] =	vst v63  }
0x2b: {  	s24 =	simm.s32 $0x1;
	s17 =	rddreg [dreg:$0xa]  }
0x2c: {  	[tilespmem:s23], [sflag:$0x3] =	stream.linear.gather [hbm4b:s17+s19], $0x180, $0x38;
	[tilespmem:$0x1C080] =	vst v63  }
0x2d: {  	_ =	swait.ge [sflag:s24], $0x180  }
0x2e: {  	[sflag:s24] =	ssyncset.done $0x0  }
0x2f: {  	s26 =	simm.s32 $0x13E80;
	[sflag:s24] =	ssyncadd.s32 $0xFFFFFE80;
	s24 =	simm.s32 $0x0  }
0x30: {  	[tilespmem:s26], [sflag:$0x5] =	stream.indirect.gather [spmem:s2], $0x40, s21, s25, $0xb8;
	[tilespmem:$0x1C080] =	vst v63  }
.LBB2_3:
0x31: {  	_ =	swait.ge [sflag:s28], $0x180  }
0x32: {  	p0 =	seq.s32 s24, $0x0;
	[sflag:s28] =	ssyncset.done $0x0  }
0x33: {  	s4 =	smul.u32 $0x600, s24;
	s1 =	simm.s32 @!p0 $0xA;
	[sflag:s28] =	ssyncadd.s32 $0xFFFFFE80  }
0x34: {  	_ =	swait.ge @!p0 [sflag:s1], $0x2000  }
0x35: {  	s11 =	sadd.s32 s4, s12;
	[sflag:s1] =	ssyncset.done @!p0 $0x0  }
0x36: {  	[sflag:s1] =	ssyncadd.s32 @!p0 $0xFFFFE000;
	s1 =	sshrl.u32 s11, $0x3  }
0x37: {  	[tilespmem:s29], [sflag:$0x6] =	stream.indirect.gather [spmem:s2], $0x40, s22, s25, $0xb8;
	[tilespmem:$0x1C080] =	vst v63  }
0x38: {  	s1 =	sadd.s32 s5, s1  }
0x39: {  	[tilespmem:s30], [sflag:$0x4] =	stream.linear.gather [hbm4b:s1+s19], $0x180, $0x38;
	[tilespmem:$0x1C080] =	vst v63  }
0x3a: {  	_ =	swait.ge [sflag:s31], $0x2000  }
0x3b: {  	[sflag:s31] =	ssyncset.done $0x0  }
0x3c: {  	[sflag:s31] =	ssyncadd.s32 $0xFFFFE000  }
0x3d: {  	v0 =	vld [tilespmem:$0x13900]  }
0x3e: {  	v1 =	vld [tilespmem:$0x13910]  }
0x3f: {  	v2 =	vld [tilespmem:$0x13920]  }
0x40: {  	v3 =	vld [tilespmem:$0x13930]  }
0x41: {  	v5 =	vmov s19;
	v4 =	vld [tilespmem:$0x13940]  }
0x42: {  	v5 =	vand.u32 $0x7C, v5;
	[tilespmem:$0x1BE80] =	vst v0;
	v0 =	vld [tilespmem:$0x13950]  }
0x43: {  	v5 =	vor.u32 $0x100, v5;
	[tilespmem:$0x1BE90] =	vst v1;
	v1 =	vld [tilespmem:$0x13960]  }
0x44: {  	v5 =	vbroadcast v5, $0x0;
	[tilespmem:$0x1BEA0] =	vst v2;
	v2 =	vld [tilespmem:$0x13970]  }
0x45: {  	[tilespmem:$0x1BEB0] =	vst v3  }
0x46: {  	[tilespmem:$0x1BEC0] =	vst v4  }
0x47: {  	[tilespmem:$0x1BED0] =	vst v0  }
0x48: {  	[tilespmem:$0x1BEE0] =	vst v1  }
0x49: {  	[tilespmem:$0x1BEF0] =	vst v2  }
0x4a: {  	s1 =	simm.s32 $0x13F00;
	v0 =	vld.idx.msk [tilespmem:v5+s21+$0x0], $0xffff  }
0x4b: {  	v1 =	vld [tilespmem:s1+$0xFFFFFF80]  }
0x4c: {  	s8 =	simm.s32 $0x1;
	v2 =	vld [tilespmem:s1+$0xFFFFFF90]  }
0x4d: {  	v4 =	vmov s8;
	v3 =	vld [tilespmem:s1+$0xFFFFFFB0]  }
0x4e: {  	v4 =	vand.u32 $0x7D, v4;
	v5 =	vld [tilespmem:s1+$0xFFFFFFA0]  }
0x4f: {  	v4 =	vor.u32 $0x100, v4  }
0x50: {  	v4 =	vbroadcast v4, $0x0;
	v1 =	vmul.f32 v0, v1  }
0x51: {  	v2 =	vmul.f32 v0, v2  }
0x52: {  	v3 =	vmul.f32 v0, v3;
	[tilespmem:s1+$0xFFFFFF80] =	vst v1  }
0x53: {  	v0 =	vmul.f32 v0, v5;
	[tilespmem:s1+$0xFFFFFF90] =	vst v2  }
0x54: {  	[tilespmem:s1+$0xFFFFFFB0] =	vst v3  }
0x55: {  	[tilespmem:s1+$0xFFFFFFA0] =	vst v0;
	v1 =	vld [tilespmem:s1+$0xFFFFFFC0]  }
0x56: {  	v0 =	vld.idx.msk [tilespmem:v4+s21+$0x0], $0xffff  }
0x57: {  	s17 =	simm.s32 $0x2;
	v2 =	vld [tilespmem:s1+$0xFFFFFFD0]  }
0x58: {  	v3 =	vld [tilespmem:s1+$0xFFFFFFE0];
	v4 =	vmov s17  }
0x59: {  	v5 =	vld [tilespmem:s1+$0xFFFFFFF0];
	v4 =	vand.u32 $0x7E, v4  }
0x5a: {  	v4 =	vor.u32 $0x100, v4  }
0x5b: {  	v4 =	vbroadcast v4, $0x0;
	v1 =	vmul.f32 v0, v1  }
0x5c: {  	v2 =	vmul.f32 v0, v2  }
0x5d: {  	v3 =	vmul.f32 v0, v3;
	[tilespmem:s1+$0xFFFFFFC0] =	vst v1  }
0x5e: {  	v0 =	vmul.f32 v0, v5;
	[tilespmem:s1+$0xFFFFFFD0] =	vst v2  }
0x5f: {  	[tilespmem:s1+$0xFFFFFFE0] =	vst v3  }
0x60: {  	v1 =	vld [tilespmem:s1+$0x0];
	[tilespmem:s1+$0xFFFFFFF0] =	vst v0  }
0x61: {  	v0 =	vld.idx.msk [tilespmem:v4+s21+$0x0], $0xffff  }
0x62: {  	s26 =	simm.s32 $0x3;
	v2 =	vld [tilespmem:s1+$0x20]  }
0x63: {  	v3 =	vmov s26;
	v4 =	vld [tilespmem:s1+$0x10]  }
0x64: {  	v3 =	vand.u32 $0x7F, v3  }
0x65: {  	v6 =	vor.u32 $0x100, v3;
	v3 =	vld [tilespmem:s1+$0x30]  }
0x66: {  	s8 =	simm.s32 $0x4;
	s17 =	simm.s32 $0x13F00;
	v5 =	vmul.f32 v0, v1;
	v1 =	vbroadcast v6, $0x0  }
.LBB2_4:
0x67: {  	p1 =	slt.u32 s8, $0x7C  }
0x68: {  	v4 =	vmul.f32 v0, v4;
	v2 =	vmul.f32 v0, v2;
	s1 =	sadd.s32 $0x100, s1;
	s11 =	smov.u32 s8;
	s8 =	sadd.s32 $0x4, s8  }
0x69: {  	[tilespmem:s17+$0x0] =	vst v5  }
0x6a: {  	v0 =	vmul.f32 v0, v3;
	[tilespmem:s17+$0x10] =	vst v4  }
0x6b: {  	[tilespmem:s17+$0x20] =	vst v2;
	v2 =	vld [tilespmem:s17+$0x70]  }
0x6c: {  	v3 =	vmov s11;
	[tilespmem:s17+$0x30] =	vst v0;
	v0 =	vld [tilespmem:s17+$0x40]  }
0x6d: {  	v3 =	vand.u32 $0x7C, v3;
	v1 =	vld.idx.msk [tilespmem:v1+s21+$0x0], $0xffff  }
0x6e: {  	v3 =	vor.u32 $0x100, v3;
	v4 =	vld [tilespmem:s17+$0x50]  }
0x6f: {  	v3 =	vbroadcast v3, $0x0;
	v5 =	vld [tilespmem:s17+$0x60];
	_ =	sdelay $0x3  }
0x70: {  	v0 =	vmul.f32 v1, v0;
	v6 =	vld [tilespmem:s1+$0xFFFFFFA0];
	v4 =	vmul.f32 v1, v4  }
0x71: {  	v7 =	vld [tilespmem:s1+$0xFFFFFFB0];
	v5 =	vmul.f32 v1, v5;
	v1 =	vmul.f32 v1, v2  }
0x72: {  	[tilespmem:s17+$0x40] =	vst v0  }
0x73: {  	[tilespmem:s17+$0x70] =	vst v1  }
0x74: {  	s26 =	sadd.s32 $0x1, s11;
	[tilespmem:s17+$0x60] =	vst v5  }
0x75: {  	v0 =	vmov s26;
	[tilespmem:s17+$0x50] =	vst v4;
	s17 =	smov.u32 s1  }
0x76: {  	v0 =	vand.u32 $0x7D, v0;
	v1 =	vld.idx.msk [tilespmem:v3+s21+$0x0], $0xffff  }
0x77: {  	v0 =	vor.u32 $0x100, v0;
	v2 =	vld [tilespmem:s1+$0xFFFFFF80]  }
0x78: {  	v0 =	vbroadcast v0, $0x0;
	v3 =	vld [tilespmem:s1+$0xFFFFFF90];
	_ =	sdelay $0x3  }
0x79: {  	v4 =	vmul.f32 v1, v7;
	v2 =	vmul.f32 v1, v2  }
0x7a: {  	v3 =	vmul.f32 v1, v3;
	v1 =	vmul.f32 v1, v6  }
0x7b: {  	[tilespmem:s1+$0xFFFFFF80] =	vst v2  }
0x7c: {  	[tilespmem:s1+$0xFFFFFF90] =	vst v3  }
0x7d: {  	[tilespmem:s1+$0xFFFFFFB0] =	vst v4  }
0x7e: {  	[tilespmem:s1+$0xFFFFFFA0] =	vst v1;
	v1 =	vld [tilespmem:s1+$0xFFFFFFE0]  }
0x7f: {  	v0 =	vld.idx.msk [tilespmem:v0+s21+$0x0], $0xffff  }
0x80: {  	v2 =	vld [tilespmem:s1+$0xFFFFFFC0]  }
0x81: {  	s26 =	sadd.s32 $0x2, s11;
	v3 =	vld [tilespmem:s1+$0xFFFFFFD0]  }
0x82: {  	v4 =	vmov s26  }
0x83: {  	v4 =	vand.u32 $0x7E, v4;
	v5 =	vld [tilespmem:s1+$0xFFFFFFF0]  }
0x84: {  	v4 =	vor.u32 $0x100, v4  }
0x85: {  	v4 =	vbroadcast v4, $0x0;
	v2 =	vmul.f32 v0, v2  }
0x86: {  	v1 =	vmul.f32 v0, v1;
	v3 =	vmul.f32 v0, v3  }
0x87: {  	[tilespmem:s1+$0xFFFFFFC0] =	vst v2  }
0x88: {  	[tilespmem:s1+$0xFFFFFFD0] =	vst v3;
	v0 =	vmul.f32 v0, v5  }
0x89: {  	[tilespmem:s1+$0xFFFFFFE0] =	vst v1;
	v1 =	vld [tilespmem:s1+$0x0]  }
0x8a: {  	[tilespmem:s1+$0xFFFFFFF0] =	vst v0;
	v2 =	vld [tilespmem:s1+$0x20]  }
0x8b: {  	v0 =	vld.idx.msk [tilespmem:v4+s21+$0x0], $0xffff  }
0x8c: {  	v4 =	vld [tilespmem:s1+$0x10]  }
.Ltmp0:
0x8d: {  	s11 =	sadd.s32 $0x3, s11;
	v3 =	vld [tilespmem:s1+$0x30];
	(pc) =	sbr.rel @p1 .LBB2_4-.Ltmp0, $4  }
0x8e: {  	v5 =	vmov s11  }
0x8f: {  	v5 =	vand.u32 $0x7F, v5  }
0x90: {  	v6 =	vor.u32 $0x100, v5  }
0x91: {  	v5 =	vmul.f32 v0, v1;
	v1 =	vbroadcast v6, $0x0  }
0x92: {  	v4 =	vmul.f32 v0, v4  }
0x93: {  	v2 =	vmul.f32 v0, v2;
	[tilespmem:s17+$0x0] =	vst v5  }
0x94: {  	v58 =	vmul.f32 v0, v3;
	[tilespmem:s17+$0x10] =	vst v4  }
0x95: {  	[tilespmem:s17+$0x20] =	vst v2  }
0x96: {  	v59 =	vld [tilespmem:s17+$0x40];
	[tilespmem:s17+$0x30] =	vst v58  }
0x97: {  	v1 =	vld.idx.msk [tilespmem:v1+s21+$0x0], $0xffff  }
0x98: {  	v60 =	vld [tilespmem:s17+$0x70]  }
0x99: {  	v61 =	vld [tilespmem:s17+$0x60]  }
0x9a: {  	v62 =	vld [tilespmem:s17+$0x50];
	_ =	sdelay $0x1  }
0x9b: {  	v0 =	vmul.f32 v1, v59  }
0x9c: {  	v2 =	vmul.f32 v1, v60  }
0x9d: {  	v3 =	vmul.f32 v1, v61;
	[tilespmem:s17+$0x40] =	vst v0  }
0x9e: {  	v63 =	vmul.f32 v1, v62;
	[tilespmem:s17+$0x70] =	vst v2  }
0x9f: {  	p1 =	sne.s32 s24, $0x0;
	[tilespmem:s17+$0x60] =	vst v3  }
.Ltmp1:
0xa0: {  	s1 =	simm.s32 $0x13E80;
	s8 =	simm.s32 $0x1BE80;
	[tilespmem:s17+$0x50] =	vst v63;
	(pc) =	sbr.rel @!p1 .LBB2_6-.Ltmp1, $4  }
0xa1: {  	[spmem:s3] =	stream.indirect.scatter.add.f32 [tilespmem:s1], [sflag:$0x9], $0x40, s8, s25, $0xb8;
	[tilespmem:$0x1C080] =	vst v63  }
0xa2: {  	_ =	swait.ge [sflag:s0], $0x180  }
0xa3: {  	[sflag:s0] =	ssyncset.done $0x0  }
0xa4: {  	[sflag:s0] =	ssyncadd.s32 $0xFFFFFE80  }
0xa5: {  	p2 =	seq.s32 s24, $0x27  }
.Ltmp2:
0xa6: {  	_ = 	snop;
	(pc) =	sbr.rel @p2 .LBB2_9-.Ltmp2, $4  }
.Ltmp3:
0xa7: {  	_ =	swait.ge [sflag:s7], $0x2000;
	(pc) =	sbr.rel @!p2 .LBB2_8-.Ltmp3, $4  }
0xa8: {  	[sflag:s7] =	ssyncset.done $0x0  }
0xa9: {  	p1 =	por $0x1, $0x1;
	[sflag:s7] =	ssyncadd.s32 $0xFFFFE000  }
0xaa: {  	[tilespmem:s6], [sflag:$0x7] =	stream.indirect.gather [spmem:s2], $0x40, s23, s25, $0xb8;
	[tilespmem:$0x1C080] =	vst v63  }
0xab: {  	_ = 	snop  }
.LBB2_6:
0xac: {  	[tilespmem:s6], [sflag:$0x7] =	stream.indirect.gather [spmem:s2], $0x40, s23, s25, $0xb8;
	[tilespmem:$0x1C080] =	vst v63  }
.LBB2_8:
0xad: {  	s1 =	sadd.s32 s4, s13  }
0xae: {  	s1 =	sshrl.u32 s1, $0x3  }
0xaf: {  	s8 =	simm.s32 $0x0;
	p1 =	por $0x0, $0x0;
	s1 =	sadd.s32 s5, s1  }
0xb0: {  	[tilespmem:s21], [sflag:$0x1] =	stream.linear.gather [hbm4b:s1+s8], $0x180, $0x38;
	[tilespmem:$0x1C080] =	vst v63  }
.LBB2_9:
0xb1: {  	_ =	swait.ge [sflag:s16], $0x2000  }
0xb2: {  	[sflag:s16] =	ssyncset.done $0x0  }
0xb3: {  	[sflag:s16] =	ssyncadd.s32 $0xFFFFE000  }
0xb4: {  	v0 =	vld [tilespmem:$0x13A80]  }
0xb5: {  	v1 =	vld [tilespmem:$0x13A90]  }
0xb6: {  	v2 =	vld [tilespmem:$0x13AA0]  }
0xb7: {  	s1 =	simm.s32 $0x0;
	v3 =	vld [tilespmem:$0x13AB0]  }
0xb8: {  	v5 =	vmov s1;
	v4 =	vld [tilespmem:$0x13AC0]  }
0xb9: {  	v5 =	vand.u32 $0x7C, v5;
	[tilespmem:$0x1BF00] =	vst v0;
	v0 =	vld [tilespmem:$0x13AD0]  }
0xba: {  	v5 =	vor.u32 $0x100, v5;
	[tilespmem:$0x1BF10] =	vst v1;
	v1 =	vld [tilespmem:$0x13AE0]  }
0xbb: {  	v5 =	vbroadcast v5, $0x0;
	[tilespmem:$0x1BF20] =	vst v2;
	v2 =	vld [tilespmem:$0x13AF0]  }
0xbc: {  	[tilespmem:$0x1BF30] =	vst v3  }
0xbd: {  	[tilespmem:$0x1BF40] =	vst v4  }
0xbe: {  	[tilespmem:$0x1BF50] =	vst v0  }
0xbf: {  	[tilespmem:$0x1BF60] =	vst v1  }
0xc0: {  	[tilespmem:$0x1BF70] =	vst v2  }
0xc1: {  	s1 =	simm.s32 $0x15F00;
	v0 =	vld.idx.msk [tilespmem:v5+s22+$0x0], $0xffff  }
0xc2: {  	v1 =	vld [tilespmem:s1+$0xFFFFFF80]  }
0xc3: {  	s8 =	simm.s32 $0x1;
	v2 =	vld [tilespmem:s1+$0xFFFFFF90]  }
0xc4: {  	v4 =	vmov s8;
	v3 =	vld [tilespmem:s1+$0xFFFFFFB0]  }
0xc5: {  	v4 =	vand.u32 $0x7D, v4;
	v5 =	vld [tilespmem:s1+$0xFFFFFFA0]  }
0xc6: {  	v4 =	vor.u32 $0x100, v4  }
0xc7: {  	v4 =	vbroadcast v4, $0x0;
	v1 =	vmul.f32 v0, v1  }
0xc8: {  	v2 =	vmul.f32 v0, v2  }
0xc9: {  	v3 =	vmul.f32 v0, v3;
	[tilespmem:s1+$0xFFFFFF80] =	vst v1  }
0xca: {  	v0 =	vmul.f32 v0, v5;
	[tilespmem:s1+$0xFFFFFF90] =	vst v2  }
0xcb: {  	[tilespmem:s1+$0xFFFFFFB0] =	vst v3  }
0xcc: {  	[tilespmem:s1+$0xFFFFFFA0] =	vst v0;
	v1 =	vld [tilespmem:s1+$0xFFFFFFC0]  }
0xcd: {  	v0 =	vld.idx.msk [tilespmem:v4+s22+$0x0], $0xffff  }
0xce: {  	s17 =	simm.s32 $0x2;
	v2 =	vld [tilespmem:s1+$0xFFFFFFD0]  }
0xcf: {  	v3 =	vld [tilespmem:s1+$0xFFFFFFE0];
	v4 =	vmov s17  }
0xd0: {  	v5 =	vld [tilespmem:s1+$0xFFFFFFF0];
	v4 =	vand.u32 $0x7E, v4  }
0xd1: {  	v4 =	vor.u32 $0x100, v4  }
0xd2: {  	v4 =	vbroadcast v4, $0x0;
	v1 =	vmul.f32 v0, v1  }
0xd3: {  	v2 =	vmul.f32 v0, v2  }
0xd4: {  	v3 =	vmul.f32 v0, v3;
	[tilespmem:s1+$0xFFFFFFC0] =	vst v1  }
0xd5: {  	v0 =	vmul.f32 v0, v5;
	[tilespmem:s1+$0xFFFFFFD0] =	vst v2  }
0xd6: {  	[tilespmem:s1+$0xFFFFFFE0] =	vst v3  }
0xd7: {  	v1 =	vld [tilespmem:s1+$0x0];
	[tilespmem:s1+$0xFFFFFFF0] =	vst v0  }
0xd8: {  	v0 =	vld.idx.msk [tilespmem:v4+s22+$0x0], $0xffff  }
0xd9: {  	s26 =	simm.s32 $0x3;
	v2 =	vld [tilespmem:s1+$0x20]  }
0xda: {  	v3 =	vmov s26;
	v4 =	vld [tilespmem:s1+$0x10]  }
0xdb: {  	v3 =	vand.u32 $0x7F, v3  }
0xdc: {  	v6 =	vor.u32 $0x100, v3;
	v3 =	vld [tilespmem:s1+$0x30]  }
0xdd: {  	s8 =	simm.s32 $0x4;
	s17 =	simm.s32 $0x15F00;
	v5 =	vmul.f32 v0, v1;
	v1 =	vbroadcast v6, $0x0  }
.LBB2_10:
0xde: {  	p2 =	slt.u32 s8, $0x7C  }
0xdf: {  	v4 =	vmul.f32 v0, v4;
	v2 =	vmul.f32 v0, v2;
	s1 =	sadd.s32 $0x100, s1;
	s11 =	smov.u32 s8;
	s8 =	sadd.s32 $0x4, s8  }
0xe0: {  	[tilespmem:s17+$0x0] =	vst v5  }
0xe1: {  	v0 =	vmul.f32 v0, v3;
	[tilespmem:s17+$0x10] =	vst v4  }
0xe2: {  	[tilespmem:s17+$0x20] =	vst v2;
	v2 =	vld [tilespmem:s17+$0x70]  }
0xe3: {  	v3 =	vmov s11;
	[tilespmem:s17+$0x30] =	vst v0;
	v0 =	vld [tilespmem:s17+$0x40]  }
0xe4: {  	v3 =	vand.u32 $0x7C, v3;
	v1 =	vld.idx.msk [tilespmem:v1+s22+$0x0], $0xffff  }
0xe5: {  	v3 =	vor.u32 $0x100, v3;
	v4 =	vld [tilespmem:s17+$0x50]  }
0xe6: {  	v3 =	vbroadcast v3, $0x0;
	v5 =	vld [tilespmem:s17+$0x60];
	_ =	sdelay $0x3  }
0xe7: {  	v0 =	vmul.f32 v1, v0;
	v6 =	vld [tilespmem:s1+$0xFFFFFFA0];
	v4 =	vmul.f32 v1, v4  }
0xe8: {  	v7 =	vld [tilespmem:s1+$0xFFFFFFB0];
	v5 =	vmul.f32 v1, v5;
	v1 =	vmul.f32 v1, v2  }
0xe9: {  	[tilespmem:s17+$0x40] =	vst v0  }
0xea: {  	[tilespmem:s17+$0x70] =	vst v1  }
0xeb: {  	s26 =	sadd.s32 $0x1, s11;
	[tilespmem:s17+$0x60] =	vst v5  }
0xec: {  	v0 =	vmov s26;
	[tilespmem:s17+$0x50] =	vst v4;
	s17 =	smov.u32 s1  }
0xed: {  	v0 =	vand.u32 $0x7D, v0;
	v1 =	vld.idx.msk [tilespmem:v3+s22+$0x0], $0xffff  }
0xee: {  	v0 =	vor.u32 $0x100, v0;
	v2 =	vld [tilespmem:s1+$0xFFFFFF80]  }
0xef: {  	v0 =	vbroadcast v0, $0x0;
	v3 =	vld [tilespmem:s1+$0xFFFFFF90];
	_ =	sdelay $0x3  }
0xf0: {  	v4 =	vmul.f32 v1, v7;
	v2 =	vmul.f32 v1, v2  }
0xf1: {  	v3 =	vmul.f32 v1, v3;
	v1 =	vmul.f32 v1, v6  }
0xf2: {  	[tilespmem:s1+$0xFFFFFF80] =	vst v2  }
0xf3: {  	[tilespmem:s1+$0xFFFFFF90] =	vst v3  }
0xf4: {  	[tilespmem:s1+$0xFFFFFFB0] =	vst v4  }
0xf5: {  	[tilespmem:s1+$0xFFFFFFA0] =	vst v1;
	v1 =	vld [tilespmem:s1+$0xFFFFFFE0]  }
0xf6: {  	v0 =	vld.idx.msk [tilespmem:v0+s22+$0x0], $0xffff  }
0xf7: {  	v2 =	vld [tilespmem:s1+$0xFFFFFFC0]  }
0xf8: {  	s26 =	sadd.s32 $0x2, s11;
	v3 =	vld [tilespmem:s1+$0xFFFFFFD0]  }
0xf9: {  	v4 =	vmov s26  }
0xfa: {  	v4 =	vand.u32 $0x7E, v4;
	v5 =	vld [tilespmem:s1+$0xFFFFFFF0]  }
0xfb: {  	v4 =	vor.u32 $0x100, v4  }
0xfc: {  	v4 =	vbroadcast v4, $0x0;
	v2 =	vmul.f32 v0, v2  }
0xfd: {  	v1 =	vmul.f32 v0, v1;
	v3 =	vmul.f32 v0, v3  }
0xfe: {  	[tilespmem:s1+$0xFFFFFFC0] =	vst v2  }
0xff: {  	[tilespmem:s1+$0xFFFFFFD0] =	vst v3;
	v0 =	vmul.f32 v0, v5  }
0x100: {  	[tilespmem:s1+$0xFFFFFFE0] =	vst v1;
	v1 =	vld [tilespmem:s1+$0x0]  }
0x101: {  	[tilespmem:s1+$0xFFFFFFF0] =	vst v0;
	v2 =	vld [tilespmem:s1+$0x20]  }
0x102: {  	v0 =	vld.idx.msk [tilespmem:v4+s22+$0x0], $0xffff  }
0x103: {  	v4 =	vld [tilespmem:s1+$0x10]  }
.Ltmp4:
0x104: {  	s11 =	sadd.s32 $0x3, s11;
	v3 =	vld [tilespmem:s1+$0x30];
	(pc) =	sbr.rel @p2 .LBB2_10-.Ltmp4, $4  }
0x105: {  	v5 =	vmov s11  }
0x106: {  	v5 =	vand.u32 $0x7F, v5  }
0x107: {  	v6 =	vor.u32 $0x100, v5  }
0x108: {  	v5 =	vmul.f32 v0, v1;
	v1 =	vbroadcast v6, $0x0  }
0x109: {  	v4 =	vmul.f32 v0, v4  }
0x10a: {  	v2 =	vmul.f32 v0, v2;
	[tilespmem:s17+$0x0] =	vst v5  }
0x10b: {  	v0 =	vmul.f32 v0, v3;
	[tilespmem:s17+$0x10] =	vst v4  }
0x10c: {  	[tilespmem:s17+$0x20] =	vst v2  }
0x10d: {  	[tilespmem:s17+$0x30] =	vst v0;
	v0 =	vld [tilespmem:s17+$0x40]  }
0x10e: {  	v1 =	vld.idx.msk [tilespmem:v1+s22+$0x0], $0xffff  }
0x10f: {  	v2 =	vld [tilespmem:s17+$0x70]  }
0x110: {  	v3 =	vld [tilespmem:s17+$0x60]  }
0x111: {  	v4 =	vld [tilespmem:s17+$0x50];
	_ =	sdelay $0x1  }
0x112: {  	v0 =	vmul.f32 v1, v0  }
0x113: {  	v2 =	vmul.f32 v1, v2  }
0x114: {  	v3 =	vmul.f32 v1, v3;
	[tilespmem:s17+$0x40] =	vst v0  }
0x115: {  	v0 =	vmul.f32 v1, v4;
	[tilespmem:s17+$0x70] =	vst v2  }
0x116: {  	[tilespmem:s17+$0x60] =	vst v3  }
0x117: {  	s1 =	simm.s32 $0x1BF00;
	[tilespmem:s17+$0x50] =	vst v0  }
0x118: {  	[spmem:s3] =	stream.indirect.scatter.add.f32 [tilespmem:s29], [sflag:$0xA], $0x40, s1, s25, $0xb8;
	[tilespmem:$0x1C080] =	vst v63  }
0x119: {  	_ =	swait.ge [sflag:s20], $0x180  }
0x11a: {  	[sflag:s20] =	ssyncset.done $0x0  }
0x11b: {  	s1 =	simm.s32 @!p0 $0xC;
	[sflag:s20] =	ssyncadd.s32 $0xFFFFFE80  }
0x11c: {  	_ =	swait.ge @!p0 [sflag:s1], $0x2000  }
0x11d: {  	[sflag:s1] =	ssyncset.done @!p0 $0x0  }
0x11e: {  	[sflag:s1] =	ssyncadd.s32 @!p0 $0xFFFFE000;
	s1 =	sadd.s32 @!p1 s4, s14  }
0x11f: {  	[tilespmem:s18], [sflag:$0x8] =	stream.indirect.gather [spmem:s2], $0x40, s30, s25, $0xb8;
	[tilespmem:$0x1C080] =	vst v63  }
0x120: {  	s1 =	sshrl.u32 @!p1 s1, $0x3  }
0x121: {  	s8 =	simm.s32 @!p1 $0x0;
	s11 =	simm.s32 @!p1 $0x13A00;
	s1 =	sadd.s32 @!p1 s5, s1  }
0x122: {  	[tilespmem:s11], [sflag:$0x2] =	stream.linear.gather @!p1 [hbm4b:s1+s8], $0x180, $0x38;
	[tilespmem:$0x1C080] =	vst v63  }
0x123: {  	_ =	swait.ge [sflag:s9], $0x2000  }
0x124: {  	[sflag:s9] =	ssyncset.done $0x0  }
0x125: {  	[sflag:s9] =	ssyncadd.s32 $0xFFFFE000  }
0x126: {  	v0 =	vld [tilespmem:$0x13C00]  }
0x127: {  	v1 =	vld [tilespmem:$0x13C10]  }
0x128: {  	v2 =	vld [tilespmem:$0x13C20]  }
0x129: {  	s8 =	simm.s32 $0x0;
	v3 =	vld [tilespmem:$0x13C30]  }
0x12a: {  	v5 =	vmov s8;
	v4 =	vld [tilespmem:$0x13C40]  }
0x12b: {  	v5 =	vand.u32 $0x7C, v5;
	[tilespmem:$0x1BF80] =	vst v0;
	v0 =	vld [tilespmem:$0x13C50]  }
0x12c: {  	v5 =	vor.u32 $0x100, v5;
	[tilespmem:$0x1BF90] =	vst v1;
	v1 =	vld [tilespmem:$0x13C60]  }
0x12d: {  	v5 =	vbroadcast v5, $0x0;
	[tilespmem:$0x1BFA0] =	vst v2;
	v2 =	vld [tilespmem:$0x13C70]  }
0x12e: {  	[tilespmem:$0x1BFB0] =	vst v3  }
0x12f: {  	[tilespmem:$0x1BFC0] =	vst v4  }
0x130: {  	[tilespmem:$0x1BFD0] =	vst v0  }
0x131: {  	[tilespmem:$0x1BFE0] =	vst v1  }
0x132: {  	[tilespmem:$0x1BFF0] =	vst v2  }
0x133: {  	s1 =	simm.s32 $0x17F00;
	v0 =	vld.idx.msk [tilespmem:v5+s23+$0x0], $0xffff  }
0x134: {  	v1 =	vld [tilespmem:s1+$0xFFFFFF80]  }
0x135: {  	s11 =	simm.s32 $0x1;
	v2 =	vld [tilespmem:s1+$0xFFFFFF90]  }
0x136: {  	v4 =	vmov s11;
	v3 =	vld [tilespmem:s1+$0xFFFFFFB0]  }
0x137: {  	v4 =	vand.u32 $0x7D, v4;
	v5 =	vld [tilespmem:s1+$0xFFFFFFA0]  }
0x138: {  	v4 =	vor.u32 $0x100, v4  }
0x139: {  	v4 =	vbroadcast v4, $0x0;
	v1 =	vmul.f32 v0, v1  }
0x13a: {  	v2 =	vmul.f32 v0, v2  }
0x13b: {  	v3 =	vmul.f32 v0, v3;
	[tilespmem:s1+$0xFFFFFF80] =	vst v1  }
0x13c: {  	v0 =	vmul.f32 v0, v5;
	[tilespmem:s1+$0xFFFFFF90] =	vst v2  }
0x13d: {  	[tilespmem:s1+$0xFFFFFFB0] =	vst v3  }
0x13e: {  	[tilespmem:s1+$0xFFFFFFA0] =	vst v0;
	v1 =	vld [tilespmem:s1+$0xFFFFFFC0]  }
0x13f: {  	v0 =	vld.idx.msk [tilespmem:v4+s23+$0x0], $0xffff  }
0x140: {  	s17 =	simm.s32 $0x2;
	v2 =	vld [tilespmem:s1+$0xFFFFFFD0]  }
0x141: {  	v3 =	vld [tilespmem:s1+$0xFFFFFFE0];
	v4 =	vmov s17  }
0x142: {  	v5 =	vld [tilespmem:s1+$0xFFFFFFF0];
	v4 =	vand.u32 $0x7E, v4  }
0x143: {  	v4 =	vor.u32 $0x100, v4  }
0x144: {  	v4 =	vbroadcast v4, $0x0;
	v1 =	vmul.f32 v0, v1  }
0x145: {  	v2 =	vmul.f32 v0, v2  }
0x146: {  	v3 =	vmul.f32 v0, v3;
	[tilespmem:s1+$0xFFFFFFC0] =	vst v1  }
0x147: {  	v0 =	vmul.f32 v0, v5;
	[tilespmem:s1+$0xFFFFFFD0] =	vst v2  }
0x148: {  	[tilespmem:s1+$0xFFFFFFE0] =	vst v3  }
0x149: {  	v1 =	vld [tilespmem:s1+$0x0];
	[tilespmem:s1+$0xFFFFFFF0] =	vst v0  }
0x14a: {  	v0 =	vld.idx.msk [tilespmem:v4+s23+$0x0], $0xffff  }
0x14b: {  	s26 =	simm.s32 $0x3;
	v2 =	vld [tilespmem:s1+$0x20]  }
0x14c: {  	v3 =	vmov s26;
	v4 =	vld [tilespmem:s1+$0x10]  }
0x14d: {  	v3 =	vand.u32 $0x7F, v3  }
0x14e: {  	v6 =	vor.u32 $0x100, v3;
	v3 =	vld [tilespmem:s1+$0x30]  }
0x14f: {  	s8 =	simm.s32 $0x4;
	s17 =	simm.s32 $0x17F00;
	v5 =	vmul.f32 v0, v1;
	v1 =	vbroadcast v6, $0x0  }
.LBB2_12:
0x150: {  	p0 =	slt.u32 s8, $0x7C  }
0x151: {  	v4 =	vmul.f32 v0, v4;
	v2 =	vmul.f32 v0, v2;
	s1 =	sadd.s32 $0x100, s1;
	s11 =	smov.u32 s8;
	s8 =	sadd.s32 $0x4, s8  }
0x152: {  	[tilespmem:s17+$0x0] =	vst v5  }
0x153: {  	v0 =	vmul.f32 v0, v3;
	[tilespmem:s17+$0x10] =	vst v4  }
0x154: {  	[tilespmem:s17+$0x20] =	vst v2;
	v2 =	vld [tilespmem:s17+$0x70]  }
0x155: {  	v3 =	vmov s11;
	[tilespmem:s17+$0x30] =	vst v0;
	v0 =	vld [tilespmem:s17+$0x40]  }
0x156: {  	v3 =	vand.u32 $0x7C, v3;
	v1 =	vld.idx.msk [tilespmem:v1+s23+$0x0], $0xffff  }
0x157: {  	v3 =	vor.u32 $0x100, v3;
	v4 =	vld [tilespmem:s17+$0x50]  }
0x158: {  	v3 =	vbroadcast v3, $0x0;
	v5 =	vld [tilespmem:s17+$0x60];
	_ =	sdelay $0x3  }
0x159: {  	v0 =	vmul.f32 v1, v0;
	v6 =	vld [tilespmem:s1+$0xFFFFFFA0];
	v4 =	vmul.f32 v1, v4  }
0x15a: {  	v7 =	vld [tilespmem:s1+$0xFFFFFFB0];
	v5 =	vmul.f32 v1, v5;
	v1 =	vmul.f32 v1, v2  }
0x15b: {  	[tilespmem:s17+$0x40] =	vst v0  }
0x15c: {  	[tilespmem:s17+$0x70] =	vst v1  }
0x15d: {  	s26 =	sadd.s32 $0x1, s11;
	[tilespmem:s17+$0x60] =	vst v5  }
0x15e: {  	v0 =	vmov s26;
	[tilespmem:s17+$0x50] =	vst v4;
	s17 =	smov.u32 s1  }
0x15f: {  	v0 =	vand.u32 $0x7D, v0;
	v1 =	vld.idx.msk [tilespmem:v3+s23+$0x0], $0xffff  }
0x160: {  	v0 =	vor.u32 $0x100, v0;
	v2 =	vld [tilespmem:s1+$0xFFFFFF80]  }
0x161: {  	v0 =	vbroadcast v0, $0x0;
	v3 =	vld [tilespmem:s1+$0xFFFFFF90];
	_ =	sdelay $0x3  }
0x162: {  	v4 =	vmul.f32 v1, v7;
	v2 =	vmul.f32 v1, v2  }
0x163: {  	v3 =	vmul.f32 v1, v3;
	v1 =	vmul.f32 v1, v6  }
0x164: {  	[tilespmem:s1+$0xFFFFFF80] =	vst v2  }
0x165: {  	[tilespmem:s1+$0xFFFFFF90] =	vst v3  }
0x166: {  	[tilespmem:s1+$0xFFFFFFB0] =	vst v4  }
0x167: {  	[tilespmem:s1+$0xFFFFFFA0] =	vst v1;
	v1 =	vld [tilespmem:s1+$0xFFFFFFE0]  }
0x168: {  	v0 =	vld.idx.msk [tilespmem:v0+s23+$0x0], $0xffff  }
0x169: {  	v2 =	vld [tilespmem:s1+$0xFFFFFFC0]  }
0x16a: {  	s26 =	sadd.s32 $0x2, s11;
	v3 =	vld [tilespmem:s1+$0xFFFFFFD0]  }
0x16b: {  	v4 =	vmov s26  }
0x16c: {  	v4 =	vand.u32 $0x7E, v4;
	v5 =	vld [tilespmem:s1+$0xFFFFFFF0]  }
0x16d: {  	v4 =	vor.u32 $0x100, v4  }
0x16e: {  	v4 =	vbroadcast v4, $0x0;
	v2 =	vmul.f32 v0, v2  }
0x16f: {  	v1 =	vmul.f32 v0, v1;
	v3 =	vmul.f32 v0, v3  }
0x170: {  	[tilespmem:s1+$0xFFFFFFC0] =	vst v2  }
0x171: {  	[tilespmem:s1+$0xFFFFFFD0] =	vst v3;
	v0 =	vmul.f32 v0, v5  }
0x172: {  	[tilespmem:s1+$0xFFFFFFE0] =	vst v1;
	v1 =	vld [tilespmem:s1+$0x0]  }
0x173: {  	[tilespmem:s1+$0xFFFFFFF0] =	vst v0;
	v2 =	vld [tilespmem:s1+$0x20]  }
0x174: {  	v0 =	vld.idx.msk [tilespmem:v4+s23+$0x0], $0xffff  }
0x175: {  	v4 =	vld [tilespmem:s1+$0x10]  }
.Ltmp5:
0x176: {  	s11 =	sadd.s32 $0x3, s11;
	v3 =	vld [tilespmem:s1+$0x30];
	(pc) =	sbr.rel @p0 .LBB2_12-.Ltmp5, $4  }
0x177: {  	v5 =	vmov s11  }
0x178: {  	v5 =	vand.u32 $0x7F, v5  }
0x179: {  	v6 =	vor.u32 $0x100, v5  }
0x17a: {  	v5 =	vmul.f32 v0, v1;
	v1 =	vbroadcast v6, $0x0  }
0x17b: {  	v4 =	vmul.f32 v0, v4  }
0x17c: {  	v2 =	vmul.f32 v0, v2;
	[tilespmem:s17+$0x0] =	vst v5  }
0x17d: {  	v0 =	vmul.f32 v0, v3;
	[tilespmem:s17+$0x10] =	vst v4  }
0x17e: {  	[tilespmem:s17+$0x20] =	vst v2  }
0x17f: {  	[tilespmem:s17+$0x30] =	vst v0;
	v0 =	vld [tilespmem:s17+$0x40]  }
0x180: {  	v1 =	vld.idx.msk [tilespmem:v1+s23+$0x0], $0xffff  }
0x181: {  	v2 =	vld [tilespmem:s17+$0x70]  }
0x182: {  	v3 =	vld [tilespmem:s17+$0x60]  }
0x183: {  	v4 =	vld [tilespmem:s17+$0x50];
	_ =	sdelay $0x1  }
0x184: {  	v0 =	vmul.f32 v1, v0  }
0x185: {  	v2 =	vmul.f32 v1, v2  }
0x186: {  	v3 =	vmul.f32 v1, v3;
	[tilespmem:s17+$0x40] =	vst v0  }
0x187: {  	v0 =	vmul.f32 v1, v4;
	[tilespmem:s17+$0x70] =	vst v2  }
0x188: {  	[tilespmem:s17+$0x60] =	vst v3  }
0x189: {  	s1 =	simm.s32 $0x1BF80;
	[tilespmem:s17+$0x50] =	vst v0  }
0x18a: {  	[spmem:s3] =	stream.indirect.scatter.add.f32 [tilespmem:s6], [sflag:$0xB], $0x40, s1, s25, $0xb8;
	[tilespmem:$0x1C080] =	vst v63  }
0x18b: {  	s1 =	simm.s32 @!p1 $0x1  }
0x18c: {  	_ =	swait.ge @!p1 [sflag:s1], $0x180  }
0x18d: {  	[sflag:s1] =	ssyncset.done @!p1 $0x0  }
0x18e: {  	[sflag:s1] =	ssyncadd.s32 @!p1 $0xFFFFFE80;
	s1 =	simm.s32 @!p1 $0x9  }
0x18f: {  	_ =	swait.ge @!p1 [sflag:s1], $0x2000  }
0x190: {  	s8 =	simm.s32 @!p1 $0x13880;
	[sflag:s1] =	ssyncset.done @!p1 $0x0  }
0x191: {  	s11 =	simm.s32 @!p1 $0x13E80;
	[sflag:s1] =	ssyncadd.s32 @!p1 $0xFFFFE000;
	s1 =	simm.s32 @!p1 $0x80  }
0x192: {  	[tilespmem:s11], [sflag:$0x5] =	stream.indirect.gather @!p1 [spmem:s2], $0x40, s8, s1, $0xb8;
	[tilespmem:$0x1C080] =	vst v63  }
0x193: {  	s1 =	sadd.s32 @!p1 s4, s15  }
0x194: {  	s1 =	sshrl.u32 @!p1 s1, $0x3  }
0x195: {  	s4 =	simm.s32 @!p1 $0x0;
	s8 =	simm.s32 @!p1 $0x13B80;
	s1 =	sadd.s32 @!p1 s5, s1  }
0x196: {  	[tilespmem:s8], [sflag:$0x3] =	stream.linear.gather @!p1 [hbm4b:s1+s4], $0x180, $0x38;
	[tilespmem:$0x1C080] =	vst v63  }
0x197: {  	_ =	swait.ge [sflag:s10], $0x2000  }
0x198: {  	[sflag:s10] =	ssyncset.done $0x0  }
0x199: {  	[sflag:s10] =	ssyncadd.s32 $0xFFFFE000  }
0x19a: {  	v0 =	vld [tilespmem:$0x13D80]  }
0x19b: {  	v1 =	vld [tilespmem:$0x13D90]  }
0x19c: {  	v2 =	vld [tilespmem:$0x13DA0]  }
0x19d: {  	s8 =	simm.s32 $0x0;
	v3 =	vld [tilespmem:$0x13DB0]  }
0x19e: {  	v5 =	vmov s8;
	v4 =	vld [tilespmem:$0x13DC0]  }
0x19f: {  	v5 =	vand.u32 $0x7C, v5;
	[tilespmem:$0x1C000] =	vst v0;
	v0 =	vld [tilespmem:$0x13DD0]  }
0x1a0: {  	v5 =	vor.u32 $0x100, v5;
	[tilespmem:$0x1C010] =	vst v1;
	v1 =	vld [tilespmem:$0x13DE0]  }
0x1a1: {  	v5 =	vbroadcast v5, $0x0;
	[tilespmem:$0x1C020] =	vst v2;
	v2 =	vld [tilespmem:$0x13DF0]  }
0x1a2: {  	[tilespmem:$0x1C030] =	vst v3  }
0x1a3: {  	[tilespmem:$0x1C040] =	vst v4  }
0x1a4: {  	[tilespmem:$0x1C050] =	vst v0  }
0x1a5: {  	[tilespmem:$0x1C060] =	vst v1  }
0x1a6: {  	[tilespmem:$0x1C070] =	vst v2  }
0x1a7: {  	s1 =	simm.s32 $0x19F00;
	v0 =	vld.idx.msk [tilespmem:v5+s30+$0x0], $0xffff  }
0x1a8: {  	v1 =	vld [tilespmem:s1+$0xFFFFFF80]  }
0x1a9: {  	s11 =	simm.s32 $0x1;
	v2 =	vld [tilespmem:s1+$0xFFFFFF90]  }
0x1aa: {  	v4 =	vmov s11;
	v3 =	vld [tilespmem:s1+$0xFFFFFFB0]  }
0x1ab: {  	v4 =	vand.u32 $0x7D, v4;
	v5 =	vld [tilespmem:s1+$0xFFFFFFA0]  }
0x1ac: {  	v4 =	vor.u32 $0x100, v4  }
0x1ad: {  	v4 =	vbroadcast v4, $0x0;
	v1 =	vmul.f32 v0, v1  }
0x1ae: {  	v2 =	vmul.f32 v0, v2  }
0x1af: {  	v3 =	vmul.f32 v0, v3;
	[tilespmem:s1+$0xFFFFFF80] =	vst v1  }
0x1b0: {  	v0 =	vmul.f32 v0, v5;
	[tilespmem:s1+$0xFFFFFF90] =	vst v2  }
0x1b1: {  	[tilespmem:s1+$0xFFFFFFB0] =	vst v3  }
0x1b2: {  	[tilespmem:s1+$0xFFFFFFA0] =	vst v0;
	v1 =	vld [tilespmem:s1+$0xFFFFFFC0]  }
0x1b3: {  	v0 =	vld.idx.msk [tilespmem:v4+s30+$0x0], $0xffff  }
0x1b4: {  	s17 =	simm.s32 $0x2;
	v2 =	vld [tilespmem:s1+$0xFFFFFFD0]  }
0x1b5: {  	v3 =	vld [tilespmem:s1+$0xFFFFFFE0];
	v4 =	vmov s17  }
0x1b6: {  	v5 =	vld [tilespmem:s1+$0xFFFFFFF0];
	v4 =	vand.u32 $0x7E, v4  }
0x1b7: {  	v4 =	vor.u32 $0x100, v4  }
0x1b8: {  	v4 =	vbroadcast v4, $0x0;
	v1 =	vmul.f32 v0, v1  }
0x1b9: {  	v2 =	vmul.f32 v0, v2  }
0x1ba: {  	v3 =	vmul.f32 v0, v3;
	[tilespmem:s1+$0xFFFFFFC0] =	vst v1  }
0x1bb: {  	v0 =	vmul.f32 v0, v5;
	[tilespmem:s1+$0xFFFFFFD0] =	vst v2  }
0x1bc: {  	[tilespmem:s1+$0xFFFFFFE0] =	vst v3  }
0x1bd: {  	v1 =	vld [tilespmem:s1+$0x0];
	[tilespmem:s1+$0xFFFFFFF0] =	vst v0  }
0x1be: {  	v0 =	vld.idx.msk [tilespmem:v4+s30+$0x0], $0xffff  }
0x1bf: {  	s26 =	simm.s32 $0x3;
	v2 =	vld [tilespmem:s1+$0x20]  }
0x1c0: {  	v3 =	vmov s26;
	v4 =	vld [tilespmem:s1+$0x10]  }
0x1c1: {  	v3 =	vand.u32 $0x7F, v3  }
0x1c2: {  	v6 =	vor.u32 $0x100, v3;
	v3 =	vld [tilespmem:s1+$0x30]  }
0x1c3: {  	s4 =	simm.s32 $0x19F00;
	s8 =	simm.s32 $0x4;
	v5 =	vmul.f32 v0, v1;
	v1 =	vbroadcast v6, $0x0  }
.LBB2_14:
0x1c4: {  	p0 =	slt.u32 s8, $0x7C  }
0x1c5: {  	v4 =	vmul.f32 v0, v4;
	v2 =	vmul.f32 v0, v2;
	s1 =	sadd.s32 $0x100, s1;
	s11 =	smov.u32 s8;
	s8 =	sadd.s32 $0x4, s8  }
0x1c6: {  	[tilespmem:s4+$0x0] =	vst v5  }
0x1c7: {  	v0 =	vmul.f32 v0, v3;
	[tilespmem:s4+$0x10] =	vst v4  }
0x1c8: {  	[tilespmem:s4+$0x20] =	vst v2;
	v2 =	vld [tilespmem:s4+$0x70]  }
0x1c9: {  	v3 =	vmov s11;
	[tilespmem:s4+$0x30] =	vst v0;
	v0 =	vld [tilespmem:s4+$0x40]  }
0x1ca: {  	v3 =	vand.u32 $0x7C, v3;
	v1 =	vld.idx.msk [tilespmem:v1+s30+$0x0], $0xffff  }
0x1cb: {  	v3 =	vor.u32 $0x100, v3;
	v4 =	vld [tilespmem:s4+$0x50]  }
0x1cc: {  	v3 =	vbroadcast v3, $0x0;
	v5 =	vld [tilespmem:s4+$0x60];
	_ =	sdelay $0x3  }
0x1cd: {  	v0 =	vmul.f32 v1, v0;
	v6 =	vld [tilespmem:s1+$0xFFFFFFA0];
	v4 =	vmul.f32 v1, v4  }
0x1ce: {  	v7 =	vld [tilespmem:s1+$0xFFFFFFB0];
	v5 =	vmul.f32 v1, v5;
	v1 =	vmul.f32 v1, v2  }
0x1cf: {  	[tilespmem:s4+$0x40] =	vst v0  }
0x1d0: {  	[tilespmem:s4+$0x70] =	vst v1  }
0x1d1: {  	s17 =	sadd.s32 $0x1, s11;
	[tilespmem:s4+$0x60] =	vst v5  }
0x1d2: {  	v0 =	vmov s17;
	[tilespmem:s4+$0x50] =	vst v4;
	s4 =	smov.u32 s1  }
0x1d3: {  	v0 =	vand.u32 $0x7D, v0;
	v1 =	vld.idx.msk [tilespmem:v3+s30+$0x0], $0xffff  }
0x1d4: {  	v0 =	vor.u32 $0x100, v0;
	v2 =	vld [tilespmem:s1+$0xFFFFFF80]  }
0x1d5: {  	v0 =	vbroadcast v0, $0x0;
	v3 =	vld [tilespmem:s1+$0xFFFFFF90];
	_ =	sdelay $0x3  }
0x1d6: {  	v4 =	vmul.f32 v1, v7;
	v2 =	vmul.f32 v1, v2  }
0x1d7: {  	v3 =	vmul.f32 v1, v3;
	v1 =	vmul.f32 v1, v6  }
0x1d8: {  	[tilespmem:s1+$0xFFFFFF80] =	vst v2  }
0x1d9: {  	[tilespmem:s1+$0xFFFFFF90] =	vst v3  }
0x1da: {  	[tilespmem:s1+$0xFFFFFFB0] =	vst v4  }
0x1db: {  	[tilespmem:s1+$0xFFFFFFA0] =	vst v1;
	v1 =	vld [tilespmem:s1+$0xFFFFFFE0]  }
0x1dc: {  	v0 =	vld.idx.msk [tilespmem:v0+s30+$0x0], $0xffff  }
0x1dd: {  	v2 =	vld [tilespmem:s1+$0xFFFFFFC0]  }
0x1de: {  	s17 =	sadd.s32 $0x2, s11;
	v3 =	vld [tilespmem:s1+$0xFFFFFFD0]  }
0x1df: {  	v4 =	vmov s17  }
0x1e0: {  	v4 =	vand.u32 $0x7E, v4;
	v5 =	vld [tilespmem:s1+$0xFFFFFFF0]  }
0x1e1: {  	v4 =	vor.u32 $0x100, v4  }
0x1e2: {  	v4 =	vbroadcast v4, $0x0;
	v2 =	vmul.f32 v0, v2  }
0x1e3: {  	v1 =	vmul.f32 v0, v1;
	v3 =	vmul.f32 v0, v3  }
0x1e4: {  	[tilespmem:s1+$0xFFFFFFC0] =	vst v2  }
0x1e5: {  	[tilespmem:s1+$0xFFFFFFD0] =	vst v3;
	v0 =	vmul.f32 v0, v5  }
0x1e6: {  	[tilespmem:s1+$0xFFFFFFE0] =	vst v1;
	v1 =	vld [tilespmem:s1+$0x0]  }
0x1e7: {  	[tilespmem:s1+$0xFFFFFFF0] =	vst v0;
	v2 =	vld [tilespmem:s1+$0x20]  }
0x1e8: {  	v0 =	vld.idx.msk [tilespmem:v4+s30+$0x0], $0xffff  }
0x1e9: {  	v4 =	vld [tilespmem:s1+$0x10]  }
.Ltmp6:
0x1ea: {  	s11 =	sadd.s32 $0x3, s11;
	v3 =	vld [tilespmem:s1+$0x30];
	(pc) =	sbr.rel @p0 .LBB2_14-.Ltmp6, $4  }
0x1eb: {  	v5 =	vmov s11  }
0x1ec: {  	v5 =	vand.u32 $0x7F, v5  }
0x1ed: {  	v6 =	vor.u32 $0x100, v5  }
0x1ee: {  	v5 =	vmul.f32 v0, v1;
	v1 =	vbroadcast v6, $0x0  }
0x1ef: {  	v4 =	vmul.f32 v0, v4  }
0x1f0: {  	v2 =	vmul.f32 v0, v2;
	[tilespmem:s4+$0x0] =	vst v5  }
0x1f1: {  	v58 =	vmul.f32 v0, v3;
	[tilespmem:s4+$0x10] =	vst v4  }
0x1f2: {  	[tilespmem:s4+$0x20] =	vst v2  }
0x1f3: {  	v59 =	vld [tilespmem:s4+$0x40];
	[tilespmem:s4+$0x30] =	vst v58  }
0x1f4: {  	v1 =	vld.idx.msk [tilespmem:v1+s30+$0x0], $0xffff  }
0x1f5: {  	v60 =	vld [tilespmem:s4+$0x70]  }
0x1f6: {  	v61 =	vld [tilespmem:s4+$0x60]  }
0x1f7: {  	v62 =	vld [tilespmem:s4+$0x50];
	_ =	sdelay $0x1  }
0x1f8: {  	s24 =	sadd.s32 $0x1, s24;
	v0 =	vmul.f32 v1, v59  }
0x1f9: {  	p0 =	sne.s32 s24, $0x28;
	v2 =	vmul.f32 v1, v60  }
.Ltmp7:
0x1fa: {  	v3 =	vmul.f32 v1, v61;
	[tilespmem:s4+$0x40] =	vst v0;
	(pc) =	sbr.rel @p0 .LBB2_3-.Ltmp7, $4  }
0x1fb: {  	v63 =	vmul.f32 v1, v62;
	[tilespmem:s4+$0x70] =	vst v2  }
0x1fc: {  	[tilespmem:s4+$0x60] =	vst v3  }
0x1fd: {  	s1 =	simm.s32 $0x1C000;
	[tilespmem:s4+$0x50] =	vst v63  }
0x1fe: {  	[spmem:s3] =	stream.indirect.scatter.add.f32 [tilespmem:s18], [sflag:$0xC], $0x40, s1, s25, $0xb8;
	[tilespmem:$0x1C080] =	vst v63  }
0x1ff: {  	s1 =	simm.s32 $0x9  }
0x200: {  	_ =	swait.ge [sflag:s1], $0x2000  }
0x201: {  	[sflag:s1] =	ssyncset.done $0x0  }
0x202: {  	s19 =	simm.s32 $0xA;
	[sflag:s1] =	ssyncadd.s32 $0xFFFFE000  }
0x203: {  	_ =	swait.ge [sflag:s19], $0x2000  }
0x204: {  	[sflag:s19] =	ssyncset.done $0x0  }
0x205: {  	[sflag:s19] =	ssyncadd.s32 $0xFFFFE000  }
0x206: {  	_ =	swait.ge [sflag:s7], $0x2000  }
0x207: {  	[sflag:s7] =	ssyncset.done $0x0  }
0x208: {  	s24 =	simm.s32 $0xC;
	[sflag:s7] =	ssyncadd.s32 $0xFFFFE000  }
0x209: {  	_ =	swait.ge [sflag:s24], $0x2000  }
0x20a: {  	[sflag:s24] =	ssyncset.done $0x0  }
0x20b: {  	[sflag:s24] =	ssyncadd.s32 $0xFFFFE000  }
0x20c: {  	[bflag:$0x0] =	sbarrier.arrive $0xFFFF  }
0x20d: {  	s26 =	rddreg [dreg:$0x6]  }
0x20e: {  	s4 =	rddreg [dreg:$0x8]  }
0x20f: {  	s8 =	rddreg [dreg:$0xd]  }
0x210: {  	[spmem:s8], [sflag:s26] =	dma.local [hbm:s4], $0x1388  }
0x211: {  	s4 =	simm.s32 $0xD  }
0x212: {  	_ =	swait.ge [sflag:s4], $0x1388  }
0x213: {  	[sflag:s4] =	ssyncset.done $0x0  }
0x214: {  	[sflag:s4] =	ssyncadd.s32 $0xFFFFEC78  }
0x215: {  	[bflag:$0x0] =	sbarrier.arrive $0xFFFF  }
0x216: {  	s19 =	simm.s32 $0x0;
	s8 =	rddreg [dreg:$0x7]  }
0x217: {  	[tilespmem:s21], [sflag:$0x1] =	stream.linear.gather [hbm4b:s8+s19], $0x180, $0x38;
	[tilespmem:$0x1C080] =	vst v63  }
0x218: {  	s11 =	rddreg [dreg:$0x9]  }
0x219: {  	[tilespmem:s22], [sflag:$0x2] =	stream.linear.gather [hbm4b:s11+s19], $0x180, $0x38;
	[tilespmem:$0x1C080] =	vst v63  }
0x21a: {  	s24 =	simm.s32 $0x1;
	s17 =	rddreg [dreg:$0xa]  }
0x21b: {  	[tilespmem:s23], [sflag:$0x3] =	stream.linear.gather [hbm4b:s17+s19], $0x180, $0x38;
	[tilespmem:$0x1C080] =	vst v63  }
0x21c: {  	_ =	swait.ge [sflag:s24], $0x180  }
0x21d: {  	[sflag:s24] =	ssyncset.done $0x0  }
0x21e: {  	s26 =	simm.s32 $0x13E80;
	[sflag:s24] =	ssyncadd.s32 $0xFFFFFE80;
	s24 =	simm.s32 $0x0  }
0x21f: {  	[tilespmem:s26], [sflag:$0x5] =	stream.indirect.gather [spmem:s3], $0x40, s21, s25, $0xb8;
	[tilespmem:$0x1C080] =	vst v63  }
.LBB2_17:
0x220: {  	_ =	swait.ge [sflag:s28], $0x180  }
0x221: {  	p0 =	seq.s32 s24, $0x0;
	[sflag:s28] =	ssyncset.done $0x0  }
0x222: {  	s4 =	smul.u32 $0x600, s24;
	s1 =	simm.s32 @!p0 $0xA;
	[sflag:s28] =	ssyncadd.s32 $0xFFFFFE80  }
0x223: {  	_ =	swait.ge @!p0 [sflag:s1], $0x2000  }
0x224: {  	s11 =	sadd.s32 s4, s12;
	[sflag:s1] =	ssyncset.done @!p0 $0x0  }
0x225: {  	[sflag:s1] =	ssyncadd.s32 @!p0 $0xFFFFE000;
	s1 =	sshrl.u32 s11, $0x3  }
0x226: {  	[tilespmem:s29], [sflag:$0x6] =	stream.indirect.gather [spmem:s3], $0x40, s22, s25, $0xb8;
	[tilespmem:$0x1C080] =	vst v63  }
0x227: {  	s1 =	sadd.s32 s5, s1  }
0x228: {  	[tilespmem:s30], [sflag:$0x4] =	stream.linear.gather [hbm4b:s1+s19], $0x180, $0x38;
	[tilespmem:$0x1C080] =	vst v63  }
0x229: {  	_ =	swait.ge [sflag:s31], $0x2000  }
0x22a: {  	[sflag:s31] =	ssyncset.done $0x0  }
0x22b: {  	[sflag:s31] =	ssyncadd.s32 $0xFFFFE000  }
0x22c: {  	v0 =	vld [tilespmem:$0x13900]  }
0x22d: {  	v1 =	vld [tilespmem:$0x13910]  }
0x22e: {  	v2 =	vld [tilespmem:$0x13920]  }
0x22f: {  	v3 =	vld [tilespmem:$0x13930]  }
0x230: {  	v5 =	vmov s19;
	v4 =	vld [tilespmem:$0x13940]  }
0x231: {  	v5 =	vand.u32 $0x7C, v5;
	[tilespmem:$0x1BE80] =	vst v0;
	v0 =	vld [tilespmem:$0x13950]  }
0x232: {  	v5 =	vor.u32 $0x100, v5;
	[tilespmem:$0x1BE90] =	vst v1;
	v1 =	vld [tilespmem:$0x13960]  }
0x233: {  	v5 =	vbroadcast v5, $0x0;
	[tilespmem:$0x1BEA0] =	vst v2;
	v2 =	vld [tilespmem:$0x13970]  }
0x234: {  	[tilespmem:$0x1BEB0] =	vst v3  }
0x235: {  	[tilespmem:$0x1BEC0] =	vst v4  }
0x236: {  	[tilespmem:$0x1BED0] =	vst v0  }
0x237: {  	[tilespmem:$0x1BEE0] =	vst v1  }
0x238: {  	[tilespmem:$0x1BEF0] =	vst v2  }
0x239: {  	s1 =	simm.s32 $0x13F00;
	v0 =	vld.idx.msk [tilespmem:v5+s21+$0x0], $0xffff  }
0x23a: {  	v1 =	vld [tilespmem:s1+$0xFFFFFF80]  }
0x23b: {  	s8 =	simm.s32 $0x1;
	v2 =	vld [tilespmem:s1+$0xFFFFFF90]  }
0x23c: {  	v4 =	vmov s8;
	v3 =	vld [tilespmem:s1+$0xFFFFFFB0]  }
0x23d: {  	v4 =	vand.u32 $0x7D, v4;
	v5 =	vld [tilespmem:s1+$0xFFFFFFA0]  }
0x23e: {  	v4 =	vor.u32 $0x100, v4  }
0x23f: {  	v4 =	vbroadcast v4, $0x0;
	v1 =	vmul.f32 v0, v1  }
0x240: {  	v2 =	vmul.f32 v0, v2  }
0x241: {  	v3 =	vmul.f32 v0, v3;
	[tilespmem:s1+$0xFFFFFF80] =	vst v1  }
0x242: {  	v0 =	vmul.f32 v0, v5;
	[tilespmem:s1+$0xFFFFFF90] =	vst v2  }
0x243: {  	[tilespmem:s1+$0xFFFFFFB0] =	vst v3  }
0x244: {  	[tilespmem:s1+$0xFFFFFFA0] =	vst v0;
	v1 =	vld [tilespmem:s1+$0xFFFFFFC0]  }
0x245: {  	v0 =	vld.idx.msk [tilespmem:v4+s21+$0x0], $0xffff  }
0x246: {  	s17 =	simm.s32 $0x2;
	v2 =	vld [tilespmem:s1+$0xFFFFFFD0]  }
0x247: {  	v3 =	vld [tilespmem:s1+$0xFFFFFFE0];
	v4 =	vmov s17  }
0x248: {  	v5 =	vld [tilespmem:s1+$0xFFFFFFF0];
	v4 =	vand.u32 $0x7E, v4  }
0x249: {  	v4 =	vor.u32 $0x100, v4  }
0x24a: {  	v4 =	vbroadcast v4, $0x0;
	v1 =	vmul.f32 v0, v1  }
0x24b: {  	v2 =	vmul.f32 v0, v2  }
0x24c: {  	v3 =	vmul.f32 v0, v3;
	[tilespmem:s1+$0xFFFFFFC0] =	vst v1  }
0x24d: {  	v0 =	vmul.f32 v0, v5;
	[tilespmem:s1+$0xFFFFFFD0] =	vst v2  }
0x24e: {  	[tilespmem:s1+$0xFFFFFFE0] =	vst v3  }
0x24f: {  	v1 =	vld [tilespmem:s1+$0x0];
	[tilespmem:s1+$0xFFFFFFF0] =	vst v0  }
0x250: {  	v0 =	vld.idx.msk [tilespmem:v4+s21+$0x0], $0xffff  }
0x251: {  	s26 =	simm.s32 $0x3;
	v2 =	vld [tilespmem:s1+$0x20]  }
0x252: {  	v3 =	vmov s26;
	v4 =	vld [tilespmem:s1+$0x10]  }
0x253: {  	v3 =	vand.u32 $0x7F, v3  }
0x254: {  	v6 =	vor.u32 $0x100, v3;
	v3 =	vld [tilespmem:s1+$0x30]  }
0x255: {  	s8 =	simm.s32 $0x4;
	s17 =	simm.s32 $0x13F00;
	v5 =	vmul.f32 v0, v1;
	v1 =	vbroadcast v6, $0x0  }
.LBB2_18:
0x256: {  	p1 =	slt.u32 s8, $0x7C  }
0x257: {  	v4 =	vmul.f32 v0, v4;
	v2 =	vmul.f32 v0, v2;
	s1 =	sadd.s32 $0x100, s1;
	s11 =	smov.u32 s8;
	s8 =	sadd.s32 $0x4, s8  }
0x258: {  	[tilespmem:s17+$0x0] =	vst v5  }
0x259: {  	v0 =	vmul.f32 v0, v3;
	[tilespmem:s17+$0x10] =	vst v4  }
0x25a: {  	[tilespmem:s17+$0x20] =	vst v2;
	v2 =	vld [tilespmem:s17+$0x70]  }
0x25b: {  	v3 =	vmov s11;
	[tilespmem:s17+$0x30] =	vst v0;
	v0 =	vld [tilespmem:s17+$0x40]  }
0x25c: {  	v3 =	vand.u32 $0x7C, v3;
	v1 =	vld.idx.msk [tilespmem:v1+s21+$0x0], $0xffff  }
0x25d: {  	v3 =	vor.u32 $0x100, v3;
	v4 =	vld [tilespmem:s17+$0x50]  }
0x25e: {  	v3 =	vbroadcast v3, $0x0;
	v5 =	vld [tilespmem:s17+$0x60];
	_ =	sdelay $0x3  }
0x25f: {  	v0 =	vmul.f32 v1, v0;
	v6 =	vld [tilespmem:s1+$0xFFFFFFA0];
	v4 =	vmul.f32 v1, v4  }
0x260: {  	v7 =	vld [tilespmem:s1+$0xFFFFFFB0];
	v5 =	vmul.f32 v1, v5;
	v1 =	vmul.f32 v1, v2  }
0x261: {  	[tilespmem:s17+$0x40] =	vst v0  }
0x262: {  	[tilespmem:s17+$0x70] =	vst v1  }
0x263: {  	s26 =	sadd.s32 $0x1, s11;
	[tilespmem:s17+$0x60] =	vst v5  }
0x264: {  	v0 =	vmov s26;
	[tilespmem:s17+$0x50] =	vst v4;
	s17 =	smov.u32 s1  }
0x265: {  	v0 =	vand.u32 $0x7D, v0;
	v1 =	vld.idx.msk [tilespmem:v3+s21+$0x0], $0xffff  }
0x266: {  	v0 =	vor.u32 $0x100, v0;
	v2 =	vld [tilespmem:s1+$0xFFFFFF80]  }
0x267: {  	v0 =	vbroadcast v0, $0x0;
	v3 =	vld [tilespmem:s1+$0xFFFFFF90];
	_ =	sdelay $0x3  }
0x268: {  	v4 =	vmul.f32 v1, v7;
	v2 =	vmul.f32 v1, v2  }
0x269: {  	v3 =	vmul.f32 v1, v3;
	v1 =	vmul.f32 v1, v6  }
0x26a: {  	[tilespmem:s1+$0xFFFFFF80] =	vst v2  }
0x26b: {  	[tilespmem:s1+$0xFFFFFF90] =	vst v3  }
0x26c: {  	[tilespmem:s1+$0xFFFFFFB0] =	vst v4  }
0x26d: {  	[tilespmem:s1+$0xFFFFFFA0] =	vst v1;
	v1 =	vld [tilespmem:s1+$0xFFFFFFE0]  }
0x26e: {  	v0 =	vld.idx.msk [tilespmem:v0+s21+$0x0], $0xffff  }
0x26f: {  	v2 =	vld [tilespmem:s1+$0xFFFFFFC0]  }
0x270: {  	s26 =	sadd.s32 $0x2, s11;
	v3 =	vld [tilespmem:s1+$0xFFFFFFD0]  }
0x271: {  	v4 =	vmov s26  }
0x272: {  	v4 =	vand.u32 $0x7E, v4;
	v5 =	vld [tilespmem:s1+$0xFFFFFFF0]  }
0x273: {  	v4 =	vor.u32 $0x100, v4  }
0x274: {  	v4 =	vbroadcast v4, $0x0;
	v2 =	vmul.f32 v0, v2  }
0x275: {  	v1 =	vmul.f32 v0, v1;
	v3 =	vmul.f32 v0, v3  }
0x276: {  	[tilespmem:s1+$0xFFFFFFC0] =	vst v2  }
0x277: {  	[tilespmem:s1+$0xFFFFFFD0] =	vst v3;
	v0 =	vmul.f32 v0, v5  }
0x278: {  	[tilespmem:s1+$0xFFFFFFE0] =	vst v1;
	v1 =	vld [tilespmem:s1+$0x0]  }
0x279: {  	[tilespmem:s1+$0xFFFFFFF0] =	vst v0;
	v2 =	vld [tilespmem:s1+$0x20]  }
0x27a: {  	v0 =	vld.idx.msk [tilespmem:v4+s21+$0x0], $0xffff  }
0x27b: {  	v4 =	vld [tilespmem:s1+$0x10]  }
.Ltmp8:
0x27c: {  	s11 =	sadd.s32 $0x3, s11;
	v3 =	vld [tilespmem:s1+$0x30];
	(pc) =	sbr.rel @p1 .LBB2_18-.Ltmp8, $4  }
0x27d: {  	v5 =	vmov s11  }
0x27e: {  	v5 =	vand.u32 $0x7F, v5  }
0x27f: {  	v6 =	vor.u32 $0x100, v5  }
0x280: {  	v5 =	vmul.f32 v0, v1;
	v1 =	vbroadcast v6, $0x0  }
0x281: {  	v4 =	vmul.f32 v0, v4  }
0x282: {  	v2 =	vmul.f32 v0, v2;
	[tilespmem:s17+$0x0] =	vst v5  }
0x283: {  	v58 =	vmul.f32 v0, v3;
	[tilespmem:s17+$0x10] =	vst v4  }
0x284: {  	[tilespmem:s17+$0x20] =	vst v2  }
0x285: {  	v59 =	vld [tilespmem:s17+$0x40];
	[tilespmem:s17+$0x30] =	vst v58  }
0x286: {  	v1 =	vld.idx.msk [tilespmem:v1+s21+$0x0], $0xffff  }
0x287: {  	v60 =	vld [tilespmem:s17+$0x70]  }
0x288: {  	v61 =	vld [tilespmem:s17+$0x60]  }
0x289: {  	v62 =	vld [tilespmem:s17+$0x50];
	_ =	sdelay $0x1  }
0x28a: {  	v0 =	vmul.f32 v1, v59  }
0x28b: {  	v2 =	vmul.f32 v1, v60  }
0x28c: {  	v3 =	vmul.f32 v1, v61;
	[tilespmem:s17+$0x40] =	vst v0  }
0x28d: {  	v63 =	vmul.f32 v1, v62;
	[tilespmem:s17+$0x70] =	vst v2  }
0x28e: {  	p1 =	sne.s32 s24, $0x0;
	[tilespmem:s17+$0x60] =	vst v3  }
.Ltmp9:
0x28f: {  	s1 =	simm.s32 $0x13E80;
	s8 =	simm.s32 $0x1BE80;
	[tilespmem:s17+$0x50] =	vst v63;
	(pc) =	sbr.rel @!p1 .LBB2_20-.Ltmp9, $4  }
0x290: {  	[spmem:s2] =	stream.indirect.scatter.add.f32 [tilespmem:s1], [sflag:$0x9], $0x40, s8, s25, $0xb8;
	[tilespmem:$0x1C080] =	vst v63  }
0x291: {  	_ =	swait.ge [sflag:s0], $0x180  }
0x292: {  	[sflag:s0] =	ssyncset.done $0x0  }
0x293: {  	[sflag:s0] =	ssyncadd.s32 $0xFFFFFE80  }
0x294: {  	p2 =	seq.s32 s24, $0x27  }
.Ltmp10:
0x295: {  	_ = 	snop;
	(pc) =	sbr.rel @p2 .LBB2_23-.Ltmp10, $4  }
.Ltmp11:
0x296: {  	_ =	swait.ge [sflag:s7], $0x2000;
	(pc) =	sbr.rel @!p2 .LBB2_22-.Ltmp11, $4  }
0x297: {  	[sflag:s7] =	ssyncset.done $0x0  }
0x298: {  	p1 =	por $0x1, $0x1;
	[sflag:s7] =	ssyncadd.s32 $0xFFFFE000  }
0x299: {  	[tilespmem:s6], [sflag:$0x7] =	stream.indirect.gather [spmem:s3], $0x40, s23, s25, $0xb8;
	[tilespmem:$0x1C080] =	vst v63  }
0x29a: {  	_ = 	snop  }
.LBB2_20:
0x29b: {  	[tilespmem:s6], [sflag:$0x7] =	stream.indirect.gather [spmem:s3], $0x40, s23, s25, $0xb8;
	[tilespmem:$0x1C080] =	vst v63  }
.LBB2_22:
0x29c: {  	s1 =	sadd.s32 s4, s13  }
0x29d: {  	s1 =	sshrl.u32 s1, $0x3  }
0x29e: {  	s8 =	simm.s32 $0x0;
	p1 =	por $0x0, $0x0;
	s1 =	sadd.s32 s5, s1  }
0x29f: {  	[tilespmem:s21], [sflag:$0x1] =	stream.linear.gather [hbm4b:s1+s8], $0x180, $0x38;
	[tilespmem:$0x1C080] =	vst v63  }
.LBB2_23:
0x2a0: {  	_ =	swait.ge [sflag:s16], $0x2000  }
0x2a1: {  	[sflag:s16] =	ssyncset.done $0x0  }
0x2a2: {  	[sflag:s16] =	ssyncadd.s32 $0xFFFFE000  }
0x2a3: {  	v0 =	vld [tilespmem:$0x13A80]  }
0x2a4: {  	v1 =	vld [tilespmem:$0x13A90]  }
0x2a5: {  	v2 =	vld [tilespmem:$0x13AA0]  }
0x2a6: {  	s1 =	simm.s32 $0x0;
	v3 =	vld [tilespmem:$0x13AB0]  }
0x2a7: {  	v5 =	vmov s1;
	v4 =	vld [tilespmem:$0x13AC0]  }
0x2a8: {  	v5 =	vand.u32 $0x7C, v5;
	[tilespmem:$0x1BF00] =	vst v0;
	v0 =	vld [tilespmem:$0x13AD0]  }
0x2a9: {  	v5 =	vor.u32 $0x100, v5;
	[tilespmem:$0x1BF10] =	vst v1;
	v1 =	vld [tilespmem:$0x13AE0]  }
0x2aa: {  	v5 =	vbroadcast v5, $0x0;
	[tilespmem:$0x1BF20] =	vst v2;
	v2 =	vld [tilespmem:$0x13AF0]  }
0x2ab: {  	[tilespmem:$0x1BF30] =	vst v3  }
0x2ac: {  	[tilespmem:$0x1BF40] =	vst v4  }
0x2ad: {  	[tilespmem:$0x1BF50] =	vst v0  }
0x2ae: {  	[tilespmem:$0x1BF60] =	vst v1  }
0x2af: {  	[tilespmem:$0x1BF70] =	vst v2  }
0x2b0: {  	s1 =	simm.s32 $0x15F00;
	v0 =	vld.idx.msk [tilespmem:v5+s22+$0x0], $0xffff  }
0x2b1: {  	v1 =	vld [tilespmem:s1+$0xFFFFFF80]  }
0x2b2: {  	s8 =	simm.s32 $0x1;
	v2 =	vld [tilespmem:s1+$0xFFFFFF90]  }
0x2b3: {  	v4 =	vmov s8;
	v3 =	vld [tilespmem:s1+$0xFFFFFFB0]  }
0x2b4: {  	v4 =	vand.u32 $0x7D, v4;
	v5 =	vld [tilespmem:s1+$0xFFFFFFA0]  }
0x2b5: {  	v4 =	vor.u32 $0x100, v4  }
0x2b6: {  	v4 =	vbroadcast v4, $0x0;
	v1 =	vmul.f32 v0, v1  }
0x2b7: {  	v2 =	vmul.f32 v0, v2  }
0x2b8: {  	v3 =	vmul.f32 v0, v3;
	[tilespmem:s1+$0xFFFFFF80] =	vst v1  }
0x2b9: {  	v0 =	vmul.f32 v0, v5;
	[tilespmem:s1+$0xFFFFFF90] =	vst v2  }
0x2ba: {  	[tilespmem:s1+$0xFFFFFFB0] =	vst v3  }
0x2bb: {  	[tilespmem:s1+$0xFFFFFFA0] =	vst v0;
	v1 =	vld [tilespmem:s1+$0xFFFFFFC0]  }
0x2bc: {  	v0 =	vld.idx.msk [tilespmem:v4+s22+$0x0], $0xffff  }
0x2bd: {  	s17 =	simm.s32 $0x2;
	v2 =	vld [tilespmem:s1+$0xFFFFFFD0]  }
0x2be: {  	v3 =	vld [tilespmem:s1+$0xFFFFFFE0];
	v4 =	vmov s17  }
0x2bf: {  	v5 =	vld [tilespmem:s1+$0xFFFFFFF0];
	v4 =	vand.u32 $0x7E, v4  }
0x2c0: {  	v4 =	vor.u32 $0x100, v4  }
0x2c1: {  	v4 =	vbroadcast v4, $0x0;
	v1 =	vmul.f32 v0, v1  }
0x2c2: {  	v2 =	vmul.f32 v0, v2  }
0x2c3: {  	v3 =	vmul.f32 v0, v3;
	[tilespmem:s1+$0xFFFFFFC0] =	vst v1  }
0x2c4: {  	v0 =	vmul.f32 v0, v5;
	[tilespmem:s1+$0xFFFFFFD0] =	vst v2  }
0x2c5: {  	[tilespmem:s1+$0xFFFFFFE0] =	vst v3  }
0x2c6: {  	v1 =	vld [tilespmem:s1+$0x0];
	[tilespmem:s1+$0xFFFFFFF0] =	vst v0  }
0x2c7: {  	v0 =	vld.idx.msk [tilespmem:v4+s22+$0x0], $0xffff  }
0x2c8: {  	s26 =	simm.s32 $0x3;
	v2 =	vld [tilespmem:s1+$0x20]  }
0x2c9: {  	v3 =	vmov s26;
	v4 =	vld [tilespmem:s1+$0x10]  }
0x2ca: {  	v3 =	vand.u32 $0x7F, v3  }
0x2cb: {  	v6 =	vor.u32 $0x100, v3;
	v3 =	vld [tilespmem:s1+$0x30]  }
0x2cc: {  	s8 =	simm.s32 $0x4;
	s17 =	simm.s32 $0x15F00;
	v5 =	vmul.f32 v0, v1;
	v1 =	vbroadcast v6, $0x0  }
.LBB2_24:
0x2cd: {  	p2 =	slt.u32 s8, $0x7C  }
0x2ce: {  	v4 =	vmul.f32 v0, v4;
	v2 =	vmul.f32 v0, v2;
	s1 =	sadd.s32 $0x100, s1;
	s11 =	smov.u32 s8;
	s8 =	sadd.s32 $0x4, s8  }
0x2cf: {  	[tilespmem:s17+$0x0] =	vst v5  }
0x2d0: {  	v0 =	vmul.f32 v0, v3;
	[tilespmem:s17+$0x10] =	vst v4  }
0x2d1: {  	[tilespmem:s17+$0x20] =	vst v2;
	v2 =	vld [tilespmem:s17+$0x70]  }
0x2d2: {  	v3 =	vmov s11;
	[tilespmem:s17+$0x30] =	vst v0;
	v0 =	vld [tilespmem:s17+$0x40]  }
0x2d3: {  	v3 =	vand.u32 $0x7C, v3;
	v1 =	vld.idx.msk [tilespmem:v1+s22+$0x0], $0xffff  }
0x2d4: {  	v3 =	vor.u32 $0x100, v3;
	v4 =	vld [tilespmem:s17+$0x50]  }
0x2d5: {  	v3 =	vbroadcast v3, $0x0;
	v5 =	vld [tilespmem:s17+$0x60];
	_ =	sdelay $0x3  }
0x2d6: {  	v0 =	vmul.f32 v1, v0;
	v6 =	vld [tilespmem:s1+$0xFFFFFFA0];
	v4 =	vmul.f32 v1, v4  }
0x2d7: {  	v7 =	vld [tilespmem:s1+$0xFFFFFFB0];
	v5 =	vmul.f32 v1, v5;
	v1 =	vmul.f32 v1, v2  }
0x2d8: {  	[tilespmem:s17+$0x40] =	vst v0  }
0x2d9: {  	[tilespmem:s17+$0x70] =	vst v1  }
0x2da: {  	s26 =	sadd.s32 $0x1, s11;
	[tilespmem:s17+$0x60] =	vst v5  }
0x2db: {  	v0 =	vmov s26;
	[tilespmem:s17+$0x50] =	vst v4;
	s17 =	smov.u32 s1  }
0x2dc: {  	v0 =	vand.u32 $0x7D, v0;
	v1 =	vld.idx.msk [tilespmem:v3+s22+$0x0], $0xffff  }
0x2dd: {  	v0 =	vor.u32 $0x100, v0;
	v2 =	vld [tilespmem:s1+$0xFFFFFF80]  }
0x2de: {  	v0 =	vbroadcast v0, $0x0;
	v3 =	vld [tilespmem:s1+$0xFFFFFF90];
	_ =	sdelay $0x3  }
0x2df: {  	v4 =	vmul.f32 v1, v7;
	v2 =	vmul.f32 v1, v2  }
0x2e0: {  	v3 =	vmul.f32 v1, v3;
	v1 =	vmul.f32 v1, v6  }
0x2e1: {  	[tilespmem:s1+$0xFFFFFF80] =	vst v2  }
0x2e2: {  	[tilespmem:s1+$0xFFFFFF90] =	vst v3  }
0x2e3: {  	[tilespmem:s1+$0xFFFFFFB0] =	vst v4  }
0x2e4: {  	[tilespmem:s1+$0xFFFFFFA0] =	vst v1;
	v1 =	vld [tilespmem:s1+$0xFFFFFFE0]  }
0x2e5: {  	v0 =	vld.idx.msk [tilespmem:v0+s22+$0x0], $0xffff  }
0x2e6: {  	v2 =	vld [tilespmem:s1+$0xFFFFFFC0]  }
0x2e7: {  	s26 =	sadd.s32 $0x2, s11;
	v3 =	vld [tilespmem:s1+$0xFFFFFFD0]  }
0x2e8: {  	v4 =	vmov s26  }
0x2e9: {  	v4 =	vand.u32 $0x7E, v4;
	v5 =	vld [tilespmem:s1+$0xFFFFFFF0]  }
0x2ea: {  	v4 =	vor.u32 $0x100, v4  }
0x2eb: {  	v4 =	vbroadcast v4, $0x0;
	v2 =	vmul.f32 v0, v2  }
0x2ec: {  	v1 =	vmul.f32 v0, v1;
	v3 =	vmul.f32 v0, v3  }
0x2ed: {  	[tilespmem:s1+$0xFFFFFFC0] =	vst v2  }
0x2ee: {  	[tilespmem:s1+$0xFFFFFFD0] =	vst v3;
	v0 =	vmul.f32 v0, v5  }
0x2ef: {  	[tilespmem:s1+$0xFFFFFFE0] =	vst v1;
	v1 =	vld [tilespmem:s1+$0x0]  }
0x2f0: {  	[tilespmem:s1+$0xFFFFFFF0] =	vst v0;
	v2 =	vld [tilespmem:s1+$0x20]  }
0x2f1: {  	v0 =	vld.idx.msk [tilespmem:v4+s22+$0x0], $0xffff  }
0x2f2: {  	v4 =	vld [tilespmem:s1+$0x10]  }
.Ltmp12:
0x2f3: {  	s11 =	sadd.s32 $0x3, s11;
	v3 =	vld [tilespmem:s1+$0x30];
	(pc) =	sbr.rel @p2 .LBB2_24-.Ltmp12, $4  }
0x2f4: {  	v5 =	vmov s11  }
0x2f5: {  	v5 =	vand.u32 $0x7F, v5  }
0x2f6: {  	v6 =	vor.u32 $0x100, v5  }
0x2f7: {  	v5 =	vmul.f32 v0, v1;
	v1 =	vbroadcast v6, $0x0  }
0x2f8: {  	v4 =	vmul.f32 v0, v4  }
0x2f9: {  	v2 =	vmul.f32 v0, v2;
	[tilespmem:s17+$0x0] =	vst v5  }
0x2fa: {  	v0 =	vmul.f32 v0, v3;
	[tilespmem:s17+$0x10] =	vst v4  }
0x2fb: {  	[tilespmem:s17+$0x20] =	vst v2  }
0x2fc: {  	[tilespmem:s17+$0x30] =	vst v0;
	v0 =	vld [tilespmem:s17+$0x40]  }
0x2fd: {  	v1 =	vld.idx.msk [tilespmem:v1+s22+$0x0], $0xffff  }
0x2fe: {  	v2 =	vld [tilespmem:s17+$0x70]  }
0x2ff: {  	v3 =	vld [tilespmem:s17+$0x60]  }
0x300: {  	v4 =	vld [tilespmem:s17+$0x50];
	_ =	sdelay $0x1  }
0x301: {  	v0 =	vmul.f32 v1, v0  }
0x302: {  	v2 =	vmul.f32 v1, v2  }
0x303: {  	v3 =	vmul.f32 v1, v3;
	[tilespmem:s17+$0x40] =	vst v0  }
0x304: {  	v0 =	vmul.f32 v1, v4;
	[tilespmem:s17+$0x70] =	vst v2  }
0x305: {  	[tilespmem:s17+$0x60] =	vst v3  }
0x306: {  	s1 =	simm.s32 $0x1BF00;
	[tilespmem:s17+$0x50] =	vst v0  }
0x307: {  	[spmem:s2] =	stream.indirect.scatter.add.f32 [tilespmem:s29], [sflag:$0xA], $0x40, s1, s25, $0xb8;
	[tilespmem:$0x1C080] =	vst v63  }
0x308: {  	_ =	swait.ge [sflag:s20], $0x180  }
0x309: {  	[sflag:s20] =	ssyncset.done $0x0  }
0x30a: {  	s1 =	simm.s32 @!p0 $0xC;
	[sflag:s20] =	ssyncadd.s32 $0xFFFFFE80  }
0x30b: {  	_ =	swait.ge @!p0 [sflag:s1], $0x2000  }
0x30c: {  	[sflag:s1] =	ssyncset.done @!p0 $0x0  }
0x30d: {  	[sflag:s1] =	ssyncadd.s32 @!p0 $0xFFFFE000;
	s1 =	sadd.s32 @!p1 s4, s14  }
0x30e: {  	[tilespmem:s18], [sflag:$0x8] =	stream.indirect.gather [spmem:s3], $0x40, s30, s25, $0xb8;
	[tilespmem:$0x1C080] =	vst v63  }
0x30f: {  	s1 =	sshrl.u32 @!p1 s1, $0x3  }
0x310: {  	s8 =	simm.s32 @!p1 $0x0;
	s11 =	simm.s32 @!p1 $0x13A00;
	s1 =	sadd.s32 @!p1 s5, s1  }
0x311: {  	[tilespmem:s11], [sflag:$0x2] =	stream.linear.gather @!p1 [hbm4b:s1+s8], $0x180, $0x38;
	[tilespmem:$0x1C080] =	vst v63  }
0x312: {  	_ =	swait.ge [sflag:s9], $0x2000  }
0x313: {  	[sflag:s9] =	ssyncset.done $0x0  }
0x314: {  	[sflag:s9] =	ssyncadd.s32 $0xFFFFE000  }
0x315: {  	v0 =	vld [tilespmem:$0x13C00]  }
0x316: {  	v1 =	vld [tilespmem:$0x13C10]  }
0x317: {  	v2 =	vld [tilespmem:$0x13C20]  }
0x318: {  	s8 =	simm.s32 $0x0;
	v3 =	vld [tilespmem:$0x13C30]  }
0x319: {  	v5 =	vmov s8;
	v4 =	vld [tilespmem:$0x13C40]  }
0x31a: {  	v5 =	vand.u32 $0x7C, v5;
	[tilespmem:$0x1BF80] =	vst v0;
	v0 =	vld [tilespmem:$0x13C50]  }
0x31b: {  	v5 =	vor.u32 $0x100, v5;
	[tilespmem:$0x1BF90] =	vst v1;
	v1 =	vld [tilespmem:$0x13C60]  }
0x31c: {  	v5 =	vbroadcast v5, $0x0;
	[tilespmem:$0x1BFA0] =	vst v2;
	v2 =	vld [tilespmem:$0x13C70]  }
0x31d: {  	[tilespmem:$0x1BFB0] =	vst v3  }
0x31e: {  	[tilespmem:$0x1BFC0] =	vst v4  }
0x31f: {  	[tilespmem:$0x1BFD0] =	vst v0  }
0x320: {  	[tilespmem:$0x1BFE0] =	vst v1  }
0x321: {  	[tilespmem:$0x1BFF0] =	vst v2  }
0x322: {  	s1 =	simm.s32 $0x17F00;
	v0 =	vld.idx.msk [tilespmem:v5+s23+$0x0], $0xffff  }
0x323: {  	v1 =	vld [tilespmem:s1+$0xFFFFFF80]  }
0x324: {  	s11 =	simm.s32 $0x1;
	v2 =	vld [tilespmem:s1+$0xFFFFFF90]  }
0x325: {  	v4 =	vmov s11;
	v3 =	vld [tilespmem:s1+$0xFFFFFFB0]  }
0x326: {  	v4 =	vand.u32 $0x7D, v4;
	v5 =	vld [tilespmem:s1+$0xFFFFFFA0]  }
0x327: {  	v4 =	vor.u32 $0x100, v4  }
0x328: {  	v4 =	vbroadcast v4, $0x0;
	v1 =	vmul.f32 v0, v1  }
0x329: {  	v2 =	vmul.f32 v0, v2  }
0x32a: {  	v3 =	vmul.f32 v0, v3;
	[tilespmem:s1+$0xFFFFFF80] =	vst v1  }
0x32b: {  	v0 =	vmul.f32 v0, v5;
	[tilespmem:s1+$0xFFFFFF90] =	vst v2  }
0x32c: {  	[tilespmem:s1+$0xFFFFFFB0] =	vst v3  }
0x32d: {  	[tilespmem:s1+$0xFFFFFFA0] =	vst v0;
	v1 =	vld [tilespmem:s1+$0xFFFFFFC0]  }
0x32e: {  	v0 =	vld.idx.msk [tilespmem:v4+s23+$0x0], $0xffff  }
0x32f: {  	s17 =	simm.s32 $0x2;
	v2 =	vld [tilespmem:s1+$0xFFFFFFD0]  }
0x330: {  	v3 =	vld [tilespmem:s1+$0xFFFFFFE0];
	v4 =	vmov s17  }
0x331: {  	v5 =	vld [tilespmem:s1+$0xFFFFFFF0];
	v4 =	vand.u32 $0x7E, v4  }
0x332: {  	v4 =	vor.u32 $0x100, v4  }
0x333: {  	v4 =	vbroadcast v4, $0x0;
	v1 =	vmul.f32 v0, v1  }
0x334: {  	v2 =	vmul.f32 v0, v2  }
0x335: {  	v3 =	vmul.f32 v0, v3;
	[tilespmem:s1+$0xFFFFFFC0] =	vst v1  }
0x336: {  	v0 =	vmul.f32 v0, v5;
	[tilespmem:s1+$0xFFFFFFD0] =	vst v2  }
0x337: {  	[tilespmem:s1+$0xFFFFFFE0] =	vst v3  }
0x338: {  	v1 =	vld [tilespmem:s1+$0x0];
	[tilespmem:s1+$0xFFFFFFF0] =	vst v0  }
0x339: {  	v0 =	vld.idx.msk [tilespmem:v4+s23+$0x0], $0xffff  }
0x33a: {  	s26 =	simm.s32 $0x3;
	v2 =	vld [tilespmem:s1+$0x20]  }
0x33b: {  	v3 =	vmov s26;
	v4 =	vld [tilespmem:s1+$0x10]  }
0x33c: {  	v3 =	vand.u32 $0x7F, v3  }
0x33d: {  	v6 =	vor.u32 $0x100, v3;
	v3 =	vld [tilespmem:s1+$0x30]  }
0x33e: {  	s8 =	simm.s32 $0x4;
	s17 =	simm.s32 $0x17F00;
	v5 =	vmul.f32 v0, v1;
	v1 =	vbroadcast v6, $0x0  }
.LBB2_26:
0x33f: {  	p0 =	slt.u32 s8, $0x7C  }
0x340: {  	v4 =	vmul.f32 v0, v4;
	v2 =	vmul.f32 v0, v2;
	s1 =	sadd.s32 $0x100, s1;
	s11 =	smov.u32 s8;
	s8 =	sadd.s32 $0x4, s8  }
0x341: {  	[tilespmem:s17+$0x0] =	vst v5  }
0x342: {  	v0 =	vmul.f32 v0, v3;
	[tilespmem:s17+$0x10] =	vst v4  }
0x343: {  	[tilespmem:s17+$0x20] =	vst v2;
	v2 =	vld [tilespmem:s17+$0x70]  }
0x344: {  	v3 =	vmov s11;
	[tilespmem:s17+$0x30] =	vst v0;
	v0 =	vld [tilespmem:s17+$0x40]  }
0x345: {  	v3 =	vand.u32 $0x7C, v3;
	v1 =	vld.idx.msk [tilespmem:v1+s23+$0x0], $0xffff  }
0x346: {  	v3 =	vor.u32 $0x100, v3;
	v4 =	vld [tilespmem:s17+$0x50]  }
0x347: {  	v3 =	vbroadcast v3, $0x0;
	v5 =	vld [tilespmem:s17+$0x60];
	_ =	sdelay $0x3  }
0x348: {  	v0 =	vmul.f32 v1, v0;
	v6 =	vld [tilespmem:s1+$0xFFFFFFA0];
	v4 =	vmul.f32 v1, v4  }
0x349: {  	v7 =	vld [tilespmem:s1+$0xFFFFFFB0];
	v5 =	vmul.f32 v1, v5;
	v1 =	vmul.f32 v1, v2  }
0x34a: {  	[tilespmem:s17+$0x40] =	vst v0  }
0x34b: {  	[tilespmem:s17+$0x70] =	vst v1  }
0x34c: {  	s26 =	sadd.s32 $0x1, s11;
	[tilespmem:s17+$0x60] =	vst v5  }
0x34d: {  	v0 =	vmov s26;
	[tilespmem:s17+$0x50] =	vst v4;
	s17 =	smov.u32 s1  }
0x34e: {  	v0 =	vand.u32 $0x7D, v0;
	v1 =	vld.idx.msk [tilespmem:v3+s23+$0x0], $0xffff  }
0x34f: {  	v0 =	vor.u32 $0x100, v0;
	v2 =	vld [tilespmem:s1+$0xFFFFFF80]  }
0x350: {  	v0 =	vbroadcast v0, $0x0;
	v3 =	vld [tilespmem:s1+$0xFFFFFF90];
	_ =	sdelay $0x3  }
0x351: {  	v4 =	vmul.f32 v1, v7;
	v2 =	vmul.f32 v1, v2  }
0x352: {  	v3 =	vmul.f32 v1, v3;
	v1 =	vmul.f32 v1, v6  }
0x353: {  	[tilespmem:s1+$0xFFFFFF80] =	vst v2  }
0x354: {  	[tilespmem:s1+$0xFFFFFF90] =	vst v3  }
0x355: {  	[tilespmem:s1+$0xFFFFFFB0] =	vst v4  }
0x356: {  	[tilespmem:s1+$0xFFFFFFA0] =	vst v1;
	v1 =	vld [tilespmem:s1+$0xFFFFFFE0]  }
0x357: {  	v0 =	vld.idx.msk [tilespmem:v0+s23+$0x0], $0xffff  }
0x358: {  	v2 =	vld [tilespmem:s1+$0xFFFFFFC0]  }
0x359: {  	s26 =	sadd.s32 $0x2, s11;
	v3 =	vld [tilespmem:s1+$0xFFFFFFD0]  }
0x35a: {  	v4 =	vmov s26  }
0x35b: {  	v4 =	vand.u32 $0x7E, v4;
	v5 =	vld [tilespmem:s1+$0xFFFFFFF0]  }
0x35c: {  	v4 =	vor.u32 $0x100, v4  }
0x35d: {  	v4 =	vbroadcast v4, $0x0;
	v2 =	vmul.f32 v0, v2  }
0x35e: {  	v1 =	vmul.f32 v0, v1;
	v3 =	vmul.f32 v0, v3  }
0x35f: {  	[tilespmem:s1+$0xFFFFFFC0] =	vst v2  }
0x360: {  	[tilespmem:s1+$0xFFFFFFD0] =	vst v3;
	v0 =	vmul.f32 v0, v5  }
0x361: {  	[tilespmem:s1+$0xFFFFFFE0] =	vst v1;
	v1 =	vld [tilespmem:s1+$0x0]  }
0x362: {  	[tilespmem:s1+$0xFFFFFFF0] =	vst v0;
	v2 =	vld [tilespmem:s1+$0x20]  }
0x363: {  	v0 =	vld.idx.msk [tilespmem:v4+s23+$0x0], $0xffff  }
0x364: {  	v4 =	vld [tilespmem:s1+$0x10]  }
.Ltmp13:
0x365: {  	s11 =	sadd.s32 $0x3, s11;
	v3 =	vld [tilespmem:s1+$0x30];
	(pc) =	sbr.rel @p0 .LBB2_26-.Ltmp13, $4  }
0x366: {  	v5 =	vmov s11  }
0x367: {  	v5 =	vand.u32 $0x7F, v5  }
0x368: {  	v6 =	vor.u32 $0x100, v5  }
0x369: {  	v5 =	vmul.f32 v0, v1;
	v1 =	vbroadcast v6, $0x0  }
0x36a: {  	v4 =	vmul.f32 v0, v4  }
0x36b: {  	v2 =	vmul.f32 v0, v2;
	[tilespmem:s17+$0x0] =	vst v5  }
0x36c: {  	v0 =	vmul.f32 v0, v3;
	[tilespmem:s17+$0x10] =	vst v4  }
0x36d: {  	[tilespmem:s17+$0x20] =	vst v2  }
0x36e: {  	[tilespmem:s17+$0x30] =	vst v0;
	v0 =	vld [tilespmem:s17+$0x40]  }
0x36f: {  	v1 =	vld.idx.msk [tilespmem:v1+s23+$0x0], $0xffff  }
0x370: {  	v2 =	vld [tilespmem:s17+$0x70]  }
0x371: {  	v3 =	vld [tilespmem:s17+$0x60]  }
0x372: {  	v4 =	vld [tilespmem:s17+$0x50];
	_ =	sdelay $0x1  }
0x373: {  	v0 =	vmul.f32 v1, v0  }
0x374: {  	v2 =	vmul.f32 v1, v2  }
0x375: {  	v3 =	vmul.f32 v1, v3;
	[tilespmem:s17+$0x40] =	vst v0  }
0x376: {  	v0 =	vmul.f32 v1, v4;
	[tilespmem:s17+$0x70] =	vst v2  }
0x377: {  	[tilespmem:s17+$0x60] =	vst v3  }
0x378: {  	s1 =	simm.s32 $0x1BF80;
	[tilespmem:s17+$0x50] =	vst v0  }
0x379: {  	[spmem:s2] =	stream.indirect.scatter.add.f32 [tilespmem:s6], [sflag:$0xB], $0x40, s1, s25, $0xb8;
	[tilespmem:$0x1C080] =	vst v63  }
0x37a: {  	s1 =	simm.s32 @!p1 $0x1  }
0x37b: {  	_ =	swait.ge @!p1 [sflag:s1], $0x180  }
0x37c: {  	[sflag:s1] =	ssyncset.done @!p1 $0x0  }
0x37d: {  	[sflag:s1] =	ssyncadd.s32 @!p1 $0xFFFFFE80;
	s1 =	simm.s32 @!p1 $0x9  }
0x37e: {  	_ =	swait.ge @!p1 [sflag:s1], $0x2000  }
0x37f: {  	s8 =	simm.s32 @!p1 $0x13880;
	[sflag:s1] =	ssyncset.done @!p1 $0x0  }
0x380: {  	s11 =	simm.s32 @!p1 $0x13E80;
	[sflag:s1] =	ssyncadd.s32 @!p1 $0xFFFFE000;
	s1 =	simm.s32 @!p1 $0x80  }
0x381: {  	[tilespmem:s11], [sflag:$0x5] =	stream.indirect.gather @!p1 [spmem:s3], $0x40, s8, s1, $0xb8;
	[tilespmem:$0x1C080] =	vst v63  }
0x382: {  	s1 =	sadd.s32 @!p1 s4, s15  }
0x383: {  	s1 =	sshrl.u32 @!p1 s1, $0x3  }
0x384: {  	s4 =	simm.s32 @!p1 $0x0;
	s8 =	simm.s32 @!p1 $0x13B80;
	s1 =	sadd.s32 @!p1 s5, s1  }
0x385: {  	[tilespmem:s8], [sflag:$0x3] =	stream.linear.gather @!p1 [hbm4b:s1+s4], $0x180, $0x38;
	[tilespmem:$0x1C080] =	vst v63  }
0x386: {  	_ =	swait.ge [sflag:s10], $0x2000  }
0x387: {  	[sflag:s10] =	ssyncset.done $0x0  }
0x388: {  	[sflag:s10] =	ssyncadd.s32 $0xFFFFE000  }
0x389: {  	v0 =	vld [tilespmem:$0x13D80]  }
0x38a: {  	v1 =	vld [tilespmem:$0x13D90]  }
0x38b: {  	v2 =	vld [tilespmem:$0x13DA0]  }
0x38c: {  	s8 =	simm.s32 $0x0;
	v3 =	vld [tilespmem:$0x13DB0]  }
0x38d: {  	v5 =	vmov s8;
	v4 =	vld [tilespmem:$0x13DC0]  }
0x38e: {  	v5 =	vand.u32 $0x7C, v5;
	[tilespmem:$0x1C000] =	vst v0;
	v0 =	vld [tilespmem:$0x13DD0]  }
0x38f: {  	v5 =	vor.u32 $0x100, v5;
	[tilespmem:$0x1C010] =	vst v1;
	v1 =	vld [tilespmem:$0x13DE0]  }
0x390: {  	v5 =	vbroadcast v5, $0x0;
	[tilespmem:$0x1C020] =	vst v2;
	v2 =	vld [tilespmem:$0x13DF0]  }
0x391: {  	[tilespmem:$0x1C030] =	vst v3  }
0x392: {  	[tilespmem:$0x1C040] =	vst v4  }
0x393: {  	[tilespmem:$0x1C050] =	vst v0  }
0x394: {  	[tilespmem:$0x1C060] =	vst v1  }
0x395: {  	[tilespmem:$0x1C070] =	vst v2  }
0x396: {  	s1 =	simm.s32 $0x19F00;
	v0 =	vld.idx.msk [tilespmem:v5+s30+$0x0], $0xffff  }
0x397: {  	v1 =	vld [tilespmem:s1+$0xFFFFFF80]  }
0x398: {  	s11 =	simm.s32 $0x1;
	v2 =	vld [tilespmem:s1+$0xFFFFFF90]  }
0x399: {  	v4 =	vmov s11;
	v3 =	vld [tilespmem:s1+$0xFFFFFFB0]  }
0x39a: {  	v4 =	vand.u32 $0x7D, v4;
	v5 =	vld [tilespmem:s1+$0xFFFFFFA0]  }
0x39b: {  	v4 =	vor.u32 $0x100, v4  }
0x39c: {  	v4 =	vbroadcast v4, $0x0;
	v1 =	vmul.f32 v0, v1  }
0x39d: {  	v2 =	vmul.f32 v0, v2  }
0x39e: {  	v3 =	vmul.f32 v0, v3;
	[tilespmem:s1+$0xFFFFFF80] =	vst v1  }
0x39f: {  	v0 =	vmul.f32 v0, v5;
	[tilespmem:s1+$0xFFFFFF90] =	vst v2  }
0x3a0: {  	[tilespmem:s1+$0xFFFFFFB0] =	vst v3  }
0x3a1: {  	[tilespmem:s1+$0xFFFFFFA0] =	vst v0;
	v1 =	vld [tilespmem:s1+$0xFFFFFFC0]  }
0x3a2: {  	v0 =	vld.idx.msk [tilespmem:v4+s30+$0x0], $0xffff  }
0x3a3: {  	s17 =	simm.s32 $0x2;
	v2 =	vld [tilespmem:s1+$0xFFFFFFD0]  }
0x3a4: {  	v3 =	vld [tilespmem:s1+$0xFFFFFFE0];
	v4 =	vmov s17  }
0x3a5: {  	v5 =	vld [tilespmem:s1+$0xFFFFFFF0];
	v4 =	vand.u32 $0x7E, v4  }
0x3a6: {  	v4 =	vor.u32 $0x100, v4  }
0x3a7: {  	v4 =	vbroadcast v4, $0x0;
	v1 =	vmul.f32 v0, v1  }
0x3a8: {  	v2 =	vmul.f32 v0, v2  }
0x3a9: {  	v3 =	vmul.f32 v0, v3;
	[tilespmem:s1+$0xFFFFFFC0] =	vst v1  }
0x3aa: {  	v0 =	vmul.f32 v0, v5;
	[tilespmem:s1+$0xFFFFFFD0] =	vst v2  }
0x3ab: {  	[tilespmem:s1+$0xFFFFFFE0] =	vst v3  }
0x3ac: {  	v1 =	vld [tilespmem:s1+$0x0];
	[tilespmem:s1+$0xFFFFFFF0] =	vst v0  }
0x3ad: {  	v0 =	vld.idx.msk [tilespmem:v4+s30+$0x0], $0xffff  }
0x3ae: {  	s26 =	simm.s32 $0x3;
	v2 =	vld [tilespmem:s1+$0x20]  }
0x3af: {  	v3 =	vmov s26;
	v4 =	vld [tilespmem:s1+$0x10]  }
0x3b0: {  	v3 =	vand.u32 $0x7F, v3  }
0x3b1: {  	v6 =	vor.u32 $0x100, v3;
	v3 =	vld [tilespmem:s1+$0x30]  }
0x3b2: {  	s4 =	simm.s32 $0x19F00;
	s8 =	simm.s32 $0x4;
	v5 =	vmul.f32 v0, v1;
	v1 =	vbroadcast v6, $0x0  }
.LBB2_28:
0x3b3: {  	p0 =	slt.u32 s8, $0x7C  }
0x3b4: {  	v4 =	vmul.f32 v0, v4;
	v2 =	vmul.f32 v0, v2;
	s1 =	sadd.s32 $0x100, s1;
	s11 =	smov.u32 s8;
	s8 =	sadd.s32 $0x4, s8  }
0x3b5: {  	[tilespmem:s4+$0x0] =	vst v5  }
0x3b6: {  	v0 =	vmul.f32 v0, v3;
	[tilespmem:s4+$0x10] =	vst v4  }
0x3b7: {  	[tilespmem:s4+$0x20] =	vst v2;
	v2 =	vld [tilespmem:s4+$0x70]  }
0x3b8: {  	v3 =	vmov s11;
	[tilespmem:s4+$0x30] =	vst v0;
	v0 =	vld [tilespmem:s4+$0x40]  }
0x3b9: {  	v3 =	vand.u32 $0x7C, v3;
	v1 =	vld.idx.msk [tilespmem:v1+s30+$0x0], $0xffff  }
0x3ba: {  	v3 =	vor.u32 $0x100, v3;
	v4 =	vld [tilespmem:s4+$0x50]  }
0x3bb: {  	v3 =	vbroadcast v3, $0x0;
	v5 =	vld [tilespmem:s4+$0x60];
	_ =	sdelay $0x3  }
0x3bc: {  	v0 =	vmul.f32 v1, v0;
	v6 =	vld [tilespmem:s1+$0xFFFFFFA0];
	v4 =	vmul.f32 v1, v4  }
0x3bd: {  	v7 =	vld [tilespmem:s1+$0xFFFFFFB0];
	v5 =	vmul.f32 v1, v5;
	v1 =	vmul.f32 v1, v2  }
0x3be: {  	[tilespmem:s4+$0x40] =	vst v0  }
0x3bf: {  	[tilespmem:s4+$0x70] =	vst v1  }
0x3c0: {  	s17 =	sadd.s32 $0x1, s11;
	[tilespmem:s4+$0x60] =	vst v5  }
0x3c1: {  	v0 =	vmov s17;
	[tilespmem:s4+$0x50] =	vst v4;
	s4 =	smov.u32 s1  }
0x3c2: {  	v0 =	vand.u32 $0x7D, v0;
	v1 =	vld.idx.msk [tilespmem:v3+s30+$0x0], $0xffff  }
0x3c3: {  	v0 =	vor.u32 $0x100, v0;
	v2 =	vld [tilespmem:s1+$0xFFFFFF80]  }
0x3c4: {  	v0 =	vbroadcast v0, $0x0;
	v3 =	vld [tilespmem:s1+$0xFFFFFF90];
	_ =	sdelay $0x3  }
0x3c5: {  	v4 =	vmul.f32 v1, v7;
	v2 =	vmul.f32 v1, v2  }
0x3c6: {  	v3 =	vmul.f32 v1, v3;
	v1 =	vmul.f32 v1, v6  }
0x3c7: {  	[tilespmem:s1+$0xFFFFFF80] =	vst v2  }
0x3c8: {  	[tilespmem:s1+$0xFFFFFF90] =	vst v3  }
0x3c9: {  	[tilespmem:s1+$0xFFFFFFB0] =	vst v4  }
0x3ca: {  	[tilespmem:s1+$0xFFFFFFA0] =	vst v1;
	v1 =	vld [tilespmem:s1+$0xFFFFFFE0]  }
0x3cb: {  	v0 =	vld.idx.msk [tilespmem:v0+s30+$0x0], $0xffff  }
0x3cc: {  	v2 =	vld [tilespmem:s1+$0xFFFFFFC0]  }
0x3cd: {  	s17 =	sadd.s32 $0x2, s11;
	v3 =	vld [tilespmem:s1+$0xFFFFFFD0]  }
0x3ce: {  	v4 =	vmov s17  }
0x3cf: {  	v4 =	vand.u32 $0x7E, v4;
	v5 =	vld [tilespmem:s1+$0xFFFFFFF0]  }
0x3d0: {  	v4 =	vor.u32 $0x100, v4  }
0x3d1: {  	v4 =	vbroadcast v4, $0x0;
	v2 =	vmul.f32 v0, v2  }
0x3d2: {  	v1 =	vmul.f32 v0, v1;
	v3 =	vmul.f32 v0, v3  }
0x3d3: {  	[tilespmem:s1+$0xFFFFFFC0] =	vst v2  }
0x3d4: {  	[tilespmem:s1+$0xFFFFFFD0] =	vst v3;
	v0 =	vmul.f32 v0, v5  }
0x3d5: {  	[tilespmem:s1+$0xFFFFFFE0] =	vst v1;
	v1 =	vld [tilespmem:s1+$0x0]  }
0x3d6: {  	[tilespmem:s1+$0xFFFFFFF0] =	vst v0;
	v2 =	vld [tilespmem:s1+$0x20]  }
0x3d7: {  	v0 =	vld.idx.msk [tilespmem:v4+s30+$0x0], $0xffff  }
0x3d8: {  	v4 =	vld [tilespmem:s1+$0x10]  }
.Ltmp14:
0x3d9: {  	s11 =	sadd.s32 $0x3, s11;
	v3 =	vld [tilespmem:s1+$0x30];
	(pc) =	sbr.rel @p0 .LBB2_28-.Ltmp14, $4  }
0x3da: {  	v5 =	vmov s11  }
0x3db: {  	v5 =	vand.u32 $0x7F, v5  }
0x3dc: {  	v6 =	vor.u32 $0x100, v5  }
0x3dd: {  	v5 =	vmul.f32 v0, v1;
	v1 =	vbroadcast v6, $0x0  }
0x3de: {  	v4 =	vmul.f32 v0, v4  }
0x3df: {  	v2 =	vmul.f32 v0, v2;
	[tilespmem:s4+$0x0] =	vst v5  }
0x3e0: {  	v58 =	vmul.f32 v0, v3;
	[tilespmem:s4+$0x10] =	vst v4  }
0x3e1: {  	[tilespmem:s4+$0x20] =	vst v2  }
0x3e2: {  	v59 =	vld [tilespmem:s4+$0x40];
	[tilespmem:s4+$0x30] =	vst v58  }
0x3e3: {  	v1 =	vld.idx.msk [tilespmem:v1+s30+$0x0], $0xffff  }
0x3e4: {  	v60 =	vld [tilespmem:s4+$0x70]  }
0x3e5: {  	v61 =	vld [tilespmem:s4+$0x60]  }
0x3e6: {  	v62 =	vld [tilespmem:s4+$0x50];
	_ =	sdelay $0x1  }
0x3e7: {  	s24 =	sadd.s32 $0x1, s24;
	v0 =	vmul.f32 v1, v59  }
0x3e8: {  	p0 =	sne.s32 s24, $0x28;
	v2 =	vmul.f32 v1, v60  }
.Ltmp15:
0x3e9: {  	v3 =	vmul.f32 v1, v61;
	[tilespmem:s4+$0x40] =	vst v0;
	(pc) =	sbr.rel @p0 .LBB2_17-.Ltmp15, $4  }
0x3ea: {  	v63 =	vmul.f32 v1, v62;
	[tilespmem:s4+$0x70] =	vst v2  }
0x3eb: {  	[tilespmem:s4+$0x60] =	vst v3  }
0x3ec: {  	s1 =	simm.s32 $0x1C000;
	[tilespmem:s4+$0x50] =	vst v63  }
0x3ed: {  	[spmem:s2] =	stream.indirect.scatter.add.f32 [tilespmem:s18], [sflag:$0xC], $0x40, s1, s25, $0xb8;
	[tilespmem:$0x1C080] =	vst v63  }
0x3ee: {  	s1 =	simm.s32 $0x9  }
0x3ef: {  	_ =	swait.ge [sflag:s1], $0x2000  }
0x3f0: {  	[sflag:s1] =	ssyncset.done $0x0  }
0x3f1: {  	s24 =	simm.s32 $0xA;
	[sflag:s1] =	ssyncadd.s32 $0xFFFFE000  }
0x3f2: {  	_ =	swait.ge [sflag:s24], $0x2000  }
0x3f3: {  	[sflag:s24] =	ssyncset.done $0x0  }
0x3f4: {  	[sflag:s24] =	ssyncadd.s32 $0xFFFFE000  }
0x3f5: {  	_ =	swait.ge [sflag:s7], $0x2000  }
0x3f6: {  	[sflag:s7] =	ssyncset.done $0x0  }
0x3f7: {  	s26 =	simm.s32 $0xC;
	[sflag:s7] =	ssyncadd.s32 $0xFFFFE000  }
0x3f8: {  	_ =	swait.ge [sflag:s26], $0x2000  }
0x3f9: {  	s4 =	rddreg [dreg:$0x10]  }
0x3fa: {  	s4 =	sadd.s32 $0x1, s4  }
0x3fb: {  	p0 =	sne.s32 s4, $0x5  }
.Ltmp16:
0x3fc: {  	_ = 	snop;
	(pc) =	sbr.rel @p0 .LBB2_2-.Ltmp16, $4  }
0x3fd: {  	[sflag:s26] =	ssyncset.done $0x0  }
0x3fe: {  	[sflag:s26] =	ssyncadd.s32 $0xFFFFE000  }
0x3ff: {  	[bflag:$0x0] =	sbarrier.arrive $0xFFFF  }
0x400: {  	s8 =	simm.s32 $0xD;
	s17 =	rddreg [dreg:$0x6]  }
0x401: {  	s1 =	rddreg [dreg:$0xb]  }
0x402: {  	s4 =	rddreg [dreg:$0xd]  }
0x403: {  	[hbm:s1], [sflag:s17] =	dma.local [spmem:s4], $0x1388  }
0x404: {  	_ =	swait.ge [sflag:s8], $0x1388  }
0x405: {  	s11 =	rddreg [dreg:$0xf]  }
0x406: {  	s26 =	rddreg [dreg:$0xc];
	s11 =	sadd.s32 $0x1, s11  }
0x407: {  	p0 =	sne.s32 s11, s26  }
.Ltmp17:
0x408: {  	_ = 	snop;
	(pc) =	sbr.rel @p0 .LBB2_1-.Ltmp17, $3  }
0x409: {  	_ =	sdelay $0x1  }
0x40a: {  	[sflag:s8] =	ssyncset.done $0x0  }
0x40b: {  	[sflag:s8] =	ssyncadd.s32 $0xFFFFEC78  }
0x40c: {  	_ =	sfence.sel $0x180000  }
0x40d: {  	[bflag:$0x0] =	sbarrier.arrive $0xFFFF  }
0x40e: {  	_ =	strace $0x90000047  }
0x40f: {  	s0 =	stileid.u32;
	[bflag:$0x2] =	sbarrier.arrive $0xFFFF  }
0x410: {  	p0 =	sne.s32 s0, $0x0;
	s0 =	rddreg [dreg:$0x4]  }
0x411: {  	s0 =	sadd.s32 @!p0 $0x100000, s0  }
0x412: {  	[sflag:s0] =	ssyncadd.tile.s32 @!p0 $0x1;
	_ =	shalt  }
.Lfunc_end2:
_tile_overlayer_lowered:
.L_overlay_start_2:
0x413: {  	(tag) =	ssettag $0x2  }
0x414: {  	s0 =	rddreg [dreg:$0x0];
	s2 =	stileid.u32  }
0x415: {  	s1 =	rddreg [dreg:$0x1];
	p0 =	sne.s32 s2, $0x0  }
0x416: {  	s3 =	rddreg [dreg:$0x2];
	[bflag:$0x3] =	sbarrier.arrive $0xFFFF;
	s2 =	simm.s32 @!p0 $0x1C0D  }
0x417: {  	[timem:s3], [sflag:s2] =	dma.local @!p0 [hbm:s0], s1  }
0x418: {  	s0 =	simm.s32 @!p0 $0xD  }
0x419: {  	_ =	swait.ge @!p0 [sflag:s0], s1  }
0x41a: {  	s1 =	ssub.s32 @!p0 $0x0, s1;
	[sflag:s0] =	ssyncset.done @!p0 $0x0  }
0x41b: {  	[sflag:s0] =	ssyncadd.s32 @!p0 s1  }
0x41c: {  	[bflag:$0x3] =	sbarrier.arrive $0xFFFF  }
0x41d: {  	_ =	shalt  }

</sc_bundles>
